<compile_context>
chip_gen: v7x
topology: tpu7x:2x2x1
jax: 0.10.2.dev20260603
libtpu: 0.0.44.dev20260713+nightly
codegen_flags: <defaults>
</compile_context>

<pallas_src>
import jax
import jax.numpy as jnp
from jax import lax
from jax.experimental import pallas as pl
from jax.experimental.pallas import tpu as pltpu
from jax.experimental.pallas import tpu_sc as plsc

NC = 2
NS = 16
NW = NC * NS
L = 16

ROWS = 320
WORDS = 384
WIN = 1280


def _build_kernel(adj0, adj1, a_out, sbig, dbig, abuf, sem0, sem1):
    E = adj0.shape[0]
    n_win = E // WIN
    cpw = WIN // L
    wid = lax.axis_index("s") * NC + lax.axis_index("c")
    lo = wid * ROWS
    hi = lo + ROWS

    def _z(i, _):
        for u in range(8):
            abuf[pl.ds((i * 8 + u) * L, L)] = jnp.zeros((L,), jnp.int32)
        return ()

    lax.fori_loop(0, ROWS * WORDS // (8 * L), _z, ())

    def _issue(g, off, sem):
        pltpu.async_copy(adj0.at[pl.ds(g * WIN, WIN)],
                         sbig.at[pl.ds(off, WIN)], sem)
        pltpu.async_copy(adj1.at[pl.ds(g * WIN, WIN)],
                         dbig.at[pl.ds(off, WIN)], sem)

    def _wait(off, sem):
        pltpu.make_async_copy(adj0.at[pl.ds(0, WIN)],
                              sbig.at[pl.ds(off, WIN)], sem).wait()
        pltpu.make_async_copy(adj1.at[pl.ds(0, WIN)],
                              dbig.at[pl.ds(off, WIN)], sem).wait()

    _issue(0, 0, sem0)

    def _chunk(c, _):
        qpw = cpw // 16
        g = c // qpw
        phase = c % (2 * qpw)

        @pl.when(phase == 0)
        def _():
            _wait(0, sem0)

            @pl.when(g + 1 < n_win)
            def _():
                _issue(g + 1, WIN, sem1)

        @pl.when(phase == qpw)
        def _():
            _wait(WIN, sem1)

            @pl.when(g + 1 < n_win)
            def _():
                _issue(g + 1, 0, sem0)

        off = phase * 16 * L
        ss = [sbig[pl.ds(off + u * L, L)] for u in range(16)]
        ms = [jnp.logical_and(sv >= lo, sv < hi) for sv in ss]
        ns = [plsc.all_reduce_population_count(mv)[0] for mv in ms]

        def _hits(o2, n_hit, m, sv):
            @pl.when(n_hit == 1)
            def _():
                dd = dbig[pl.ds(o2, L)]
                aw = (sv - lo) * WORDS + (dd >> 5)
                bitv = jnp.int32(1) << (dd & 31)
                old = plsc.load_gather(abuf.at[...], [aw], mask=m)
                plsc.store_scatter(abuf.at[...], [aw], old | bitv, mask=m)

            @pl.when(n_hit > 1)
            def _():
                def _hit(i, mv):
                    l = plsc.all_reduce_ffs(mv)[0]
                    se = sbig[pl.ds(o2 + l, L)][0]
                    de = dbig[pl.ds(o2 + l, L)][0]
                    w = de >> 5
                    wa = (w >> 4) * L
                    lane = w - wa
                    fa = (se - lo) * WORDS + wa
                    bit = jnp.int32(1) << (de & 31)
                    vec = abuf[pl.ds(fa, L)]
                    abuf[pl.ds(fa, L)] = jnp.where(
                        lax.iota(jnp.int32, L) == lane, vec | bit, vec)
                    return mv & (lax.iota(jnp.int32, L) != l)

                lax.fori_loop(0, n_hit, _hit, m)

        for u in range(16):
            _hits(off + u * L, ns[u], ms[u], ss[u])
        return ()

    lax.fori_loop(0, E // (16 * L), _chunk, ())

    pltpu.sync_copy(abuf, a_out.at[pl.ds(lo * WORDS, ROWS * WORDS)])


def _intersect_kernel(a_hbm, t0, t1, x_hbm, xf_hbm, xcn, xi, xj,
                      idx0, idx1, rows_i, rows_j, fbuf, acc, w16, anyb,
                      xrow, sem):
    D = x_hbm.shape[1]
    BH = idx0.shape[0]
    wid = lax.axis_index("s") * NC + lax.axis_index("c")

    for h in (0, 1):
        base = wid * 2 * BH + h * BH

        pltpu.sync_copy(t0.at[pl.ds(base, BH)], idx0)
        pltpu.sync_copy(t1.at[pl.ds(base, BH)], idx1)

        pltpu.async_copy(x_hbm.at[idx0], fbuf, sem).wait()
        pltpu.sync_copy(fbuf, xi.at[pl.ds(base, BH)])
        pltpu.async_copy(x_hbm.at[idx1], fbuf, sem).wait()
        pltpu.sync_copy(fbuf, xj.at[pl.ds(base, BH)])

        pltpu.async_copy(a_hbm.at[idx0], rows_i, sem).wait()
        pltpu.async_copy(a_hbm.at[idx1], rows_j, sem).wait()

        def _zr(r, _):
            def _zc(c, _):
                acc[r, pl.ds(c * L, L)] = jnp.zeros((L,), jnp.float32)
                return ()
            return lax.fori_loop(0, D // L, _zc, ())

        lax.fori_loop(0, BH, _zr, ())

        def _tgt(b, _):
            def _chunk(c, anyv):
                wi = rows_i[b, pl.ds(c * L, L)] & rows_j[b, pl.ds(c * L, L)]
                w16[pl.ds(c * L, L)] = wi
                return anyv | wi

            anyv = lax.fori_loop(0, WORDS // L, _chunk,
                                 jnp.zeros((L,), jnp.int32))
            anyb[pl.ds(0, L)] = anyv

            def _lane(lam, _):
                lane_or = anyb[pl.ds(lam, L)][0]

                @pl.when(lane_or != 0)
                def _():
                    def _wt(t, _):
                        w = t * L + lam
                        word = w16[pl.ds(w, L)][0]

                        @pl.when(word != 0)
                        def _():
                            def _bit(j, _):
                                @pl.when(((word >> j) & 1) != 0)
                                def _():
                                    k = (w << 5) | j
                                    pltpu.sync_copy(
                                        xf_hbm.at[pl.ds(k * D, D)], xrow)

                                    def _addc(cc, _):
                                        sl = pl.ds(cc * L, L)
                                        acc[b, sl] = acc[b, sl] + xrow[sl]
                                        return ()

                                    lax.fori_loop(0, D // L, _addc, ())
                                return ()

                            lax.fori_loop(0, 32, _bit, ())
                        return ()

                    lax.fori_loop(0, WORDS // L, _wt, ())
                return ()

            return lax.fori_loop(0, L, _lane, ())

        lax.fori_loop(0, BH, _tgt, ())

        pltpu.sync_copy(acc, xcn.at[pl.ds(base, BH)])


def _mlp_kernel(xcn_ref, xi_ref, xj_ref, beta_ref,
                w1_ref, b1_ref, w2_ref, b2_ref, w3_ref, b3_ref,
                u1_ref, c1_ref, u2_ref, c2_ref,
                l1_ref, d1_ref, l2_ref, d2_ref, o_ref):
    xij = jnp.maximum((xi_ref[...] * xj_ref[...]) @ u1_ref[...] + c1_ref[...],
                      0.0)
    xij = xij @ u2_ref[...] + c2_ref[...]
    h = jnp.maximum(xcn_ref[...] @ w1_ref[...] + b1_ref[...], 0.0)
    h = jnp.maximum(h @ w2_ref[...] + b2_ref[...], 0.0)
    h = h @ w3_ref[...] + b3_ref[...]
    z = jnp.maximum((h * beta_ref[...] + xij) @ l1_ref[...] + d1_ref[...], 0.0)
    o_ref[...] = (z @ l2_ref[...] + d2_ref[...]).astype(jnp.float32)


def kernel(x, adj, tar_ei, beta,
           xcn_W1, xcn_b1, xcn_W2, xcn_b2, xcn_W3, xcn_b3,
           xij_W1, xij_b1, xij_W2, xij_b2,
           lin_W1, lin_b1, lin_W2, lin_b2):
    N, D = x.shape
    B = tar_ei.shape[1]
    BT = B // NW

    adj0 = adj[0]
    adj1 = adj[1]
    t0 = tar_ei[0]
    t1 = tar_ei[1]
    x_flat = x.reshape(N * D)

    mesh = plsc.VectorSubcoreMesh(core_axis_name="c", subcore_axis_name="s")

    build = pl.kernel(
        _build_kernel,
        mesh=mesh,
        compiler_params=pltpu.CompilerParams(needs_layout_passes=False),
        out_type=jax.ShapeDtypeStruct((NW * ROWS * WORDS,), jnp.int32),
        scratch_types=[
            pltpu.VMEM((2 * WIN + L,), jnp.int32),
            pltpu.VMEM((2 * WIN + L,), jnp.int32),
            pltpu.VMEM((ROWS * WORDS,), jnp.int32),
            pltpu.SemaphoreType.DMA,
            pltpu.SemaphoreType.DMA,
        ],
    )
    a_bits = build(adj0, adj1).reshape(NW * ROWS, WORDS)

    intersect = pl.kernel(
        _intersect_kernel,
        mesh=mesh,
        compiler_params=pltpu.CompilerParams(needs_layout_passes=False),
        out_type=(
            jax.ShapeDtypeStruct((B, D), jnp.float32),
            jax.ShapeDtypeStruct((B, D), jnp.float32),
            jax.ShapeDtypeStruct((B, D), jnp.float32),
        ),
        scratch_types=[
            pltpu.VMEM((BT // 2,), jnp.int32),
            pltpu.VMEM((BT // 2,), jnp.int32),
            pltpu.VMEM((BT // 2, WORDS), jnp.int32),
            pltpu.VMEM((BT // 2, WORDS), jnp.int32),
            pltpu.VMEM((BT // 2, D), jnp.float32),
            pltpu.VMEM((BT // 2, D), jnp.float32),
            pltpu.VMEM((WORDS + L,), jnp.int32),
            pltpu.VMEM((2 * L,), jnp.int32),
            pltpu.VMEM((D,), jnp.float32),
            pltpu.SemaphoreType.DMA,
        ],
    )
    xcn, xi, xj = intersect(a_bits, t0, t1, x, x_flat)

    out = pl.pallas_call(
        _mlp_kernel,
        out_shape=jax.ShapeDtypeStruct((B, lin_W2.shape[1]), jnp.float32),
    )(xcn, xi, xj, beta.reshape(1, 1),
      xcn_W1, xcn_b1, xcn_W2, xcn_b2, xcn_W3, xcn_b3,
      xij_W1, xij_b1, xij_W2, xij_b2,
      lin_W1, lin_b1, lin_W2, lin_b2)
    return out

# --- scband reference (transcript-rebuilt; emitter-appended) ---
"""Pipeline reference for scband-cnlink-predictor-13657996001674 (READ-ONLY COPY).

The authoritative reference and input builder live on the scoring server;
editing this copy changes nothing except your own understanding.
"""

import jax, jax.numpy as jnp
import numpy as np

N = 10000
E = 320000
B = 4096
D = 256
H = 256
OUT = 1


def _glorot(key, shape):
    fan_in = shape[0]
    return jax.random.normal(key, shape, dtype=jnp.float32) / np.sqrt(fan_in)


def setup_inputs(seed: int = 0) -> dict:
    key = jax.random.key(seed)
    ks = jax.random.split(key, 16)
    x = jax.random.normal(ks[0], (N, D), dtype=jnp.float32)
    adj = jax.random.randint(ks[1], (2, E), 0, N)
    tar_ei = jax.random.randint(ks[2], (2, B), 0, N)
    beta = jnp.ones((1,), dtype=jnp.float32)
    xcn_W1 = _glorot(ks[3], (D, H)); xcn_b1 = jnp.zeros((H,), jnp.float32)
    xcn_W2 = _glorot(ks[4], (H, H)); xcn_b2 = jnp.zeros((H,), jnp.float32)
    xcn_W3 = _glorot(ks[5], (H, H)); xcn_b3 = jnp.zeros((H,), jnp.float32)
    xij_W1 = _glorot(ks[6], (D, H)); xij_b1 = jnp.zeros((H,), jnp.float32)
    xij_W2 = _glorot(ks[7], (H, H)); xij_b2 = jnp.zeros((H,), jnp.float32)
    lin_W1 = _glorot(ks[8], (H, H)); lin_b1 = jnp.zeros((H,), jnp.float32)
    lin_W2 = _glorot(ks[9], (H, OUT)); lin_b2 = jnp.zeros((OUT,), jnp.float32)
    return {"x": x, "adj": adj, "tar_ei": tar_ei, "beta": beta,
            "xcn_W1": xcn_W1, "xcn_b1": xcn_b1, "xcn_W2": xcn_W2, "xcn_b2": xcn_b2,
            "xcn_W3": xcn_W3, "xcn_b3": xcn_b3,
            "xij_W1": xij_W1, "xij_b1": xij_b1, "xij_W2": xij_W2, "xij_b2": xij_b2,
            "lin_W1": lin_W1, "lin_b1": lin_b1, "lin_W2": lin_W2, "lin_b2": lin_b2}


def reference(x, adj, tar_ei, beta,
              xcn_W1, xcn_b1, xcn_W2, xcn_b2, xcn_W3, xcn_b3,
              xij_W1, xij_b1, xij_W2, xij_b2,
              lin_W1, lin_b1, lin_W2, lin_b2):
    # eval mode: dropout/DropAdj are identity; use_xlin=False so xlin(x)=0
    n = x.shape[0]
    # binary adjacency built by scatter-overwrite (SparseTensor without values)
    A = jnp.zeros((n, n), dtype=bool).at[adj[0], adj[1]].set(True)
    # adjoverlap: common neighbors of target endpoints (row-gather + intersection)
    Ai = jnp.take(A, tar_ei[0], axis=0)
    Aj = jnp.take(A, tar_ei[1], axis=0)
    cn = jnp.logical_and(Ai, Aj).astype(jnp.float32)
    # spmm_add(cn, x): sum node features over common neighbors
    xcn = cn @ x
    xi = jnp.take(x, tar_ei[0], axis=0)
    xj = jnp.take(x, tar_ei[1], axis=0)
    xij = jax.nn.relu((xi * xj) @ xij_W1 + xij_b1) @ xij_W2 + xij_b2
    h = jax.nn.relu(xcn @ xcn_W1 + xcn_b1)
    h = jax.nn.relu(h @ xcn_W2 + xcn_b2)
    h = h @ xcn_W3 + xcn_b3
    z = jax.nn.relu((h * beta + xij) @ lin_W1 + lin_b1)
    out = z @ lin_W2 + lin_b2
    return out

if __name__ == "__main__":
    import jax
    _d = setup_inputs()
    print(jax.jit(kernel)(*tuple(_d.values())))

</pallas_src>

<mosaic_0001>
#map = affine_map<(d0, d1) -> (0, 0)>
#map1 = affine_map<(d0, d1) -> (0)>
module attributes {stable_mosaic.version = 14 : i64} {
  func.func @_intersect_kernel(%arg0: i32, %arg1: i32, %arg2: memref<10240x384xi32, #tpu.memory_space<hbm>>, %arg3: memref<4096xi32, #tpu.memory_space<hbm>>, %arg4: memref<4096xi32, #tpu.memory_space<hbm>>, %arg5: memref<10000x256xf32, #tpu.memory_space<hbm>>, %arg6: memref<2560000xf32, #tpu.memory_space<hbm>>, %arg7: memref<4096x256xf32, #tpu.memory_space<hbm>>, %arg8: memref<4096x256xf32, #tpu.memory_space<hbm>>, %arg9: memref<4096x256xf32, #tpu.memory_space<hbm>>, %arg10: memref<64xi32, #tpu.memory_space<vmem>>, %arg11: memref<64xi32, #tpu.memory_space<vmem>>, %arg12: memref<64x384xi32, #tpu.memory_space<vmem>>, %arg13: memref<64x384xi32, #tpu.memory_space<vmem>>, %arg14: memref<64x256xf32, #tpu.memory_space<vmem>>, %arg15: memref<64x256xf32, #tpu.memory_space<vmem>>, %arg16: memref<400xi32, #tpu.memory_space<vmem>>, %arg17: memref<32xi32, #tpu.memory_space<vmem>>, %arg18: memref<256xf32, #tpu.memory_space<vmem>>, %arg19: memref<!tpu.dma_semaphore, #tpu.memory_space<semaphore_mem>>) attributes {dimension_semantics = [#tpu.dimension_semantics<core_parallel>, #tpu.dimension_semantics<subcore_parallel>], iteration_bounds = array<i64: 2, 16>, scalar_prefetch = 0 : i64, scratch_operands = 10 : i64, tpu.core_type = #tpu.core_type<sc_vector_subcore>, window_params = [{transform_indices = #map}, {transform_indices = #map1}, {transform_indices = #map1}, {transform_indices = #map}, {transform_indices = #map1}, {transform_indices = #map}, {transform_indices = #map}, {transform_indices = #map}]} {
    %mul3A = arith.constant 2 : i32
    %mul3A_0 = arith.muli %arg1, %mul3A : i32
    %add3A = arith.addi %mul3A_0, %arg0 : i32
    %mul3A_1 = arith.constant 2 : i32
    %mul3A_2 = arith.muli %add3A, %mul3A_1 : i32
    %mul3A_3 = arith.constant 64 : i32
    %mul3A_4 = arith.muli %mul3A_2, %mul3A_3 : i32
    %add3A_5 = arith.constant 0 : i32
    %add3A_6 = arith.addi %mul3A_4, %add3A_5 : i32
    "tpu.region"() ({
      %run_scoped3A = tpu.sem_alloc : memref<!tpu.dma_semaphore, #tpu.memory_space<semaphore_mem>>
      %dma_start3A_78 = tpu.memref_slice %arg3[%add3A_6] : memref<4096xi32, #tpu.memory_space<hbm>> -> memref<64xi32, #tpu.memory_space<hbm>>
      %dma_start3A_79 = tpu.memref_slice %arg3[%add3A_6] : memref<4096xi32, #tpu.memory_space<hbm>> -> memref<64xi32, #tpu.memory_space<hbm>>
      tpu.enqueue_dma source(%dma_start3A_79 : memref<64xi32, #tpu.memory_space<hbm>>) target(%arg10 : memref<64xi32, #tpu.memory_space<vmem>>) target_semaphore(%run_scoped3A : memref<!tpu.dma_semaphore, #tpu.memory_space<semaphore_mem>>)
      %dma_wait3A_80 = tpu.memref_slice %arg3[%add3A_6] : memref<4096xi32, #tpu.memory_space<hbm>> -> memref<64xi32, #tpu.memory_space<hbm>>
      %dma_wait3A_81 = tpu.memref_slice %arg3[%add3A_6] : memref<4096xi32, #tpu.memory_space<hbm>> -> memref<64xi32, #tpu.memory_space<hbm>>
      tpu.wait_dma2 semaphore(%run_scoped3A : memref<!tpu.dma_semaphore, #tpu.memory_space<semaphore_mem>>) src(%dma_wait3A_81 : memref<64xi32, #tpu.memory_space<hbm>>) dst(%arg10 : memref<64xi32, #tpu.memory_space<vmem>>)
      tpu.yield
    }) : () -> ()
    "tpu.region"() ({
      %run_scoped3A = tpu.sem_alloc : memref<!tpu.dma_semaphore, #tpu.memory_space<semaphore_mem>>
      %dma_start3A_78 = tpu.memref_slice %arg4[%add3A_6] : memref<4096xi32, #tpu.memory_space<hbm>> -> memref<64xi32, #tpu.memory_space<hbm>>
      %dma_start3A_79 = tpu.memref_slice %arg4[%add3A_6] : memref<4096xi32, #tpu.memory_space<hbm>> -> memref<64xi32, #tpu.memory_space<hbm>>
      tpu.enqueue_dma source(%dma_start3A_79 : memref<64xi32, #tpu.memory_space<hbm>>) target(%arg11 : memref<64xi32, #tpu.memory_space<vmem>>) target_semaphore(%run_scoped3A : memref<!tpu.dma_semaphore, #tpu.memory_space<semaphore_mem>>)
      %dma_wait3A_80 = tpu.memref_slice %arg4[%add3A_6] : memref<4096xi32, #tpu.memory_space<hbm>> -> memref<64xi32, #tpu.memory_space<hbm>>
      %dma_wait3A_81 = tpu.memref_slice %arg4[%add3A_6] : memref<4096xi32, #tpu.memory_space<hbm>> -> memref<64xi32, #tpu.memory_space<hbm>>
      tpu.wait_dma2 semaphore(%run_scoped3A : memref<!tpu.dma_semaphore, #tpu.memory_space<semaphore_mem>>) src(%dma_wait3A_81 : memref<64xi32, #tpu.memory_space<hbm>>) dst(%arg11 : memref<64xi32, #tpu.memory_space<vmem>>)
      tpu.yield
    }) : () -> ()
    %dma_start3A = arith.constant 0 : i32
    %dma_start3A_7 = arith.constant 0 : i32
    %dma_start3A_8 = tpu.memref_slice %arg5[%dma_start3A, %dma_start3A_7] : memref<10000x256xf32, #tpu.memory_space<hbm>> -> memref<10000x256xf32, #tpu.memory_space<hbm>>
    tpu.enqueue_indirect_dma source(%dma_start3A_8 : memref<10000x256xf32, #tpu.memory_space<hbm>>) target(%arg14 : memref<64x256xf32, #tpu.memory_space<vmem>>) offsets(%arg10 : memref<64xi32, #tpu.memory_space<vmem>>) semaphore(%arg19 : memref<!tpu.dma_semaphore, #tpu.memory_space<semaphore_mem>>)
    %dma_wait3A = arith.constant 0 : i32
    %dma_wait3A_9 = arith.constant 0 : i32
    %dma_wait3A_10 = tpu.memref_slice %arg5[%dma_wait3A, %dma_wait3A_9] : memref<10000x256xf32, #tpu.memory_space<hbm>> -> memref<10000x256xf32, #tpu.memory_space<hbm>>
    tpu.wait_indirect_dma semaphore(%arg19 : memref<!tpu.dma_semaphore, #tpu.memory_space<semaphore_mem>>) src(%dma_wait3A_10 : memref<10000x256xf32, #tpu.memory_space<hbm>>) dst(%arg14 : memref<64x256xf32, #tpu.memory_space<vmem>>)
    "tpu.region"() ({
      %run_scoped3A = tpu.sem_alloc : memref<!tpu.dma_semaphore, #tpu.memory_space<semaphore_mem>>
      %dma_start3A_78 = arith.constant 0 : i32
      %dma_start3A_79 = tpu.memref_slice %arg8[%add3A_6, %dma_start3A_78] : memref<4096x256xf32, #tpu.memory_space<hbm>> -> memref<64x256xf32, #tpu.memory_space<hbm>>
      %dma_start3A_80 = arith.constant 0 : i32
      %dma_start3A_81 = tpu.memref_slice %arg8[%add3A_6, %dma_start3A_80] : memref<4096x256xf32, #tpu.memory_space<hbm>> -> memref<64x256xf32, #tpu.memory_space<hbm>>
      tpu.enqueue_dma source(%arg14 : memref<64x256xf32, #tpu.memory_space<vmem>>) target(%dma_start3A_81 : memref<64x256xf32, #tpu.memory_space<hbm>>) target_semaphore(%run_scoped3A : memref<!tpu.dma_semaphore, #tpu.memory_space<semaphore_mem>>)
      %dma_wait3A_82 = arith.constant 0 : i32
      %dma_wait3A_83 = tpu.memref_slice %arg8[%add3A_6, %dma_wait3A_82] : memref<4096x256xf32, #tpu.memory_space<hbm>> -> memref<64x256xf32, #tpu.memory_space<hbm>>
      %dma_wait3A_84 = arith.constant 0 : i32
      %dma_wait3A_85 = tpu.memref_slice %arg8[%add3A_6, %dma_wait3A_84] : memref<4096x256xf32, #tpu.memory_space<hbm>> -> memref<64x256xf32, #tpu.memory_space<hbm>>
      tpu.wait_dma2 semaphore(%run_scoped3A : memref<!tpu.dma_semaphore, #tpu.memory_space<semaphore_mem>>) src(%arg14 : memref<64x256xf32, #tpu.memory_space<vmem>>) dst(%dma_wait3A_85 : memref<64x256xf32, #tpu.memory_space<hbm>>)
      tpu.yield
    }) : () -> ()
    %dma_start3A_11 = arith.constant 0 : i32
    %dma_start3A_12 = arith.constant 0 : i32
    %dma_start3A_13 = tpu.memref_slice %arg5[%dma_start3A_11, %dma_start3A_12] : memref<10000x256xf32, #tpu.memory_space<hbm>> -> memref<10000x256xf32, #tpu.memory_space<hbm>>
    tpu.enqueue_indirect_dma source(%dma_start3A_13 : memref<10000x256xf32, #tpu.memory_space<hbm>>) target(%arg14 : memref<64x256xf32, #tpu.memory_space<vmem>>) offsets(%arg11 : memref<64xi32, #tpu.memory_space<vmem>>) semaphore(%arg19 : memref<!tpu.dma_semaphore, #tpu.memory_space<semaphore_mem>>)
    %dma_wait3A_14 = arith.constant 0 : i32
    %dma_wait3A_15 = arith.constant 0 : i32
    %dma_wait3A_16 = tpu.memref_slice %arg5[%dma_wait3A_14, %dma_wait3A_15] : memref<10000x256xf32, #tpu.memory_space<hbm>> -> memref<10000x256xf32, #tpu.memory_space<hbm>>
    tpu.wait_indirect_dma semaphore(%arg19 : memref<!tpu.dma_semaphore, #tpu.memory_space<semaphore_mem>>) src(%dma_wait3A_16 : memref<10000x256xf32, #tpu.memory_space<hbm>>) dst(%arg14 : memref<64x256xf32, #tpu.memory_space<vmem>>)
    "tpu.region"() ({
      %run_scoped3A = tpu.sem_alloc : memref<!tpu.dma_semaphore, #tpu.memory_space<semaphore_mem>>
      %dma_start3A_78 = arith.constant 0 : i32
      %dma_start3A_79 = tpu.memref_slice %arg9[%add3A_6, %dma_start3A_78] : memref<4096x256xf32, #tpu.memory_space<hbm>> -> memref<64x256xf32, #tpu.memory_space<hbm>>
      %dma_start3A_80 = arith.constant 0 : i32
      %dma_start3A_81 = tpu.memref_slice %arg9[%add3A_6, %dma_start3A_80] : memref<4096x256xf32, #tpu.memory_space<hbm>> -> memref<64x256xf32, #tpu.memory_space<hbm>>
      tpu.enqueue_dma source(%arg14 : memref<64x256xf32, #tpu.memory_space<vmem>>) target(%dma_start3A_81 : memref<64x256xf32, #tpu.memory_space<hbm>>) target_semaphore(%run_scoped3A : memref<!tpu.dma_semaphore, #tpu.memory_space<semaphore_mem>>)
      %dma_wait3A_82 = arith.constant 0 : i32
      %dma_wait3A_83 = tpu.memref_slice %arg9[%add3A_6, %dma_wait3A_82] : memref<4096x256xf32, #tpu.memory_space<hbm>> -> memref<64x256xf32, #tpu.memory_space<hbm>>
      %dma_wait3A_84 = arith.constant 0 : i32
      %dma_wait3A_85 = tpu.memref_slice %arg9[%add3A_6, %dma_wait3A_84] : memref<4096x256xf32, #tpu.memory_space<hbm>> -> memref<64x256xf32, #tpu.memory_space<hbm>>
      tpu.wait_dma2 semaphore(%run_scoped3A : memref<!tpu.dma_semaphore, #tpu.memory_space<semaphore_mem>>) src(%arg14 : memref<64x256xf32, #tpu.memory_space<vmem>>) dst(%dma_wait3A_85 : memref<64x256xf32, #tpu.memory_space<hbm>>)
      tpu.yield
    }) : () -> ()
    %dma_start3A_17 = arith.constant 0 : i32
    %dma_start3A_18 = arith.constant 0 : i32
    %dma_start3A_19 = tpu.memref_slice %arg2[%dma_start3A_17, %dma_start3A_18] : memref<10240x384xi32, #tpu.memory_space<hbm>> -> memref<10240x384xi32, #tpu.memory_space<hbm>>
    tpu.enqueue_indirect_dma source(%dma_start3A_19 : memref<10240x384xi32, #tpu.memory_space<hbm>>) target(%arg12 : memref<64x384xi32, #tpu.memory_space<vmem>>) offsets(%arg10 : memref<64xi32, #tpu.memory_space<vmem>>) semaphore(%arg19 : memref<!tpu.dma_semaphore, #tpu.memory_space<semaphore_mem>>)
    %dma_wait3A_20 = arith.constant 0 : i32
    %dma_wait3A_21 = arith.constant 0 : i32
    %dma_wait3A_22 = tpu.memref_slice %arg2[%dma_wait3A_20, %dma_wait3A_21] : memref<10240x384xi32, #tpu.memory_space<hbm>> -> memref<10240x384xi32, #tpu.memory_space<hbm>>
    tpu.wait_indirect_dma semaphore(%arg19 : memref<!tpu.dma_semaphore, #tpu.memory_space<semaphore_mem>>) src(%dma_wait3A_22 : memref<10240x384xi32, #tpu.memory_space<hbm>>) dst(%arg12 : memref<64x384xi32, #tpu.memory_space<vmem>>)
    %dma_start3A_23 = arith.constant 0 : i32
    %dma_start3A_24 = arith.constant 0 : i32
    %dma_start3A_25 = tpu.memref_slice %arg2[%dma_start3A_23, %dma_start3A_24] : memref<10240x384xi32, #tpu.memory_space<hbm>> -> memref<10240x384xi32, #tpu.memory_space<hbm>>
    tpu.enqueue_indirect_dma source(%dma_start3A_25 : memref<10240x384xi32, #tpu.memory_space<hbm>>) target(%arg13 : memref<64x384xi32, #tpu.memory_space<vmem>>) offsets(%arg11 : memref<64xi32, #tpu.memory_space<vmem>>) semaphore(%arg19 : memref<!tpu.dma_semaphore, #tpu.memory_space<semaphore_mem>>)
    %dma_wait3A_26 = arith.constant 0 : i32
    %dma_wait3A_27 = arith.constant 0 : i32
    %dma_wait3A_28 = tpu.memref_slice %arg2[%dma_wait3A_26, %dma_wait3A_27] : memref<10240x384xi32, #tpu.memory_space<hbm>> -> memref<10240x384xi32, #tpu.memory_space<hbm>>
    tpu.wait_indirect_dma semaphore(%arg19 : memref<!tpu.dma_semaphore, #tpu.memory_space<semaphore_mem>>) src(%dma_wait3A_28 : memref<10240x384xi32, #tpu.memory_space<hbm>>) dst(%arg13 : memref<64x384xi32, #tpu.memory_space<vmem>>)
    %scan3A = arith.constant 0 : i32
    %scan3A_29 = arith.constant 64 : i32
    %scan3A_30 = arith.addi %scan3A, %scan3A_29 : i32
    %scan3A_31 = arith.constant 1 : i32
    scf.for %scan3A_78 = %scan3A to %scan3A_30 step %scan3A_31  : i32 {
      %scan3A_79 = arith.constant 0 : i32
      %scan3A_80 = arith.constant 16 : i32
      %scan3A_81 = arith.addi %scan3A_79, %scan3A_80 : i32
      %scan3A_82 = arith.constant 1 : i32
      scf.for %scan3A_84 = %scan3A_79 to %scan3A_81 step %scan3A_82  : i32 {
        %broadcast_in_dim3A = arith.constant 0.000000e+00 : f32
        %broadcast_in_dim3A_85 = vector.broadcast %broadcast_in_dim3A : f32 to vector<16xf32>
        %mul3A_86 = arith.constant 16 : i32
        %mul3A_87 = arith.muli %scan3A_84, %mul3A_86 : i32
        %swap3A = arith.index_cast %scan3A_78 : i32 to index
        %swap3A_88 = arith.index_cast %mul3A_87 : i32 to index
        %swap3A_89 = tpu.vector_load %arg15[%swap3A, %swap3A_88] {strides = array<i32>} : memref<64x256xf32, #tpu.memory_space<vmem>>, vector<16xf32>,
        tpu.vector_store %arg15[%swap3A, %swap3A_88], %broadcast_in_dim3A_85 {strides = array<i32>} : memref<64x256xf32, #tpu.memory_space<vmem>>, vector<16xf32>,
      }
      %scan3A_83 = arith.constant 16 : i32
    }
    %scan3A_32 = arith.constant 64 : i32
    %scan3A_33 = arith.constant 0 : i32
    %scan3A_34 = arith.constant 64 : i32
    %scan3A_35 = arith.addi %scan3A_33, %scan3A_34 : i32
    %scan3A_36 = arith.constant 1 : i32
    scf.for %scan3A_78 = %scan3A_33 to %scan3A_35 step %scan3A_36  : i32 {
      %broadcast_in_dim3A = arith.constant 0 : i32
      %broadcast_in_dim3A_79 = vector.broadcast %broadcast_in_dim3A : i32 to vector<16xi32>
      %scan3A_80 = arith.constant 0 : i32
      %scan3A_81 = arith.constant 24 : i32
      %scan3A_82 = arith.addi %scan3A_80, %scan3A_81 : i32
      %scan3A_83 = arith.constant 1 : i32
      %scan3A_84 = scf.for %scan3A_92 = %scan3A_80 to %scan3A_82 step %scan3A_83 iter_args(%scan3A_93 = %broadcast_in_dim3A_79) -> (vector<16xi32>)  : i32 {
        %mul3A_94 = arith.constant 16 : i32
        %mul3A_95 = arith.muli %scan3A_92, %mul3A_94 : i32
        %get3A = arith.index_cast %scan3A_78 : i32 to index
        %get3A_96 = arith.index_cast %mul3A_95 : i32 to index
        %get3A_97 = tpu.vector_load %arg12[%get3A, %get3A_96] {strides = array<i32>} : memref<64x384xi32, #tpu.memory_space<vmem>>, vector<16xi32>,
        %mul3A_98 = arith.constant 16 : i32
        %mul3A_99 = arith.muli %scan3A_92, %mul3A_98 : i32
        %get3A_100 = arith.index_cast %scan3A_78 : i32 to index
        %get3A_101 = arith.index_cast %mul3A_99 : i32 to index
        %get3A_102 = tpu.vector_load %arg13[%get3A_100, %get3A_101] {strides = array<i32>} : memref<64x384xi32, #tpu.memory_space<vmem>>, vector<16xi32>,
        %and3A = arith.andi %get3A_97, %get3A_102 : vector<16xi32>
        %mul3A_103 = arith.constant 16 : i32
        %mul3A_104 = arith.muli %scan3A_92, %mul3A_103 : i32
        %swap3A_105 = arith.index_cast %mul3A_104 : i32 to index
        %swap3A_106 = tpu.vector_load %arg16[%swap3A_105] {strides = array<i32>} : memref<400xi32, #tpu.memory_space<vmem>>, vector<16xi32>,
        tpu.vector_store %arg16[%swap3A_105], %and3A {strides = array<i32>} : memref<400xi32, #tpu.memory_space<vmem>>, vector<16xi32>,
        %or3A = arith.ori %scan3A_93, %and3A : vector<16xi32>
        scf.yield %or3A : vector<16xi32>
      }
      %scan3A_85 = arith.constant 24 : i32
      %swap3A = arith.constant 0 : index
      %swap3A_86 = tpu.vector_load %arg17[%swap3A] {strides = array<i32>} : memref<32xi32, #tpu.memory_space<vmem>>, vector<16xi32>,
      tpu.vector_store %arg17[%swap3A], %scan3A_84 {strides = array<i32>} : memref<32xi32, #tpu.memory_space<vmem>>, vector<16xi32>,
      %scan3A_87 = arith.constant 0 : i32
      %scan3A_88 = arith.constant 16 : i32
      %scan3A_89 = arith.addi %scan3A_87, %scan3A_88 : i32
      %scan3A_90 = arith.constant 1 : i32
      scf.for %scan3A_92 = %scan3A_87 to %scan3A_89 step %scan3A_90  : i32 {
        %get3A = arith.index_cast %scan3A_92 : i32 to index
        %get3A_93 = tpu.vector_load %arg17[%get3A] {strides = array<i32>} : memref<32xi32, #tpu.memory_space<vmem>>, vector<16xi32>,
        %slice3A = vector.extract_strided_slice %get3A_93 {offsets = [0], sizes = [1], strides = [1]} : vector<16xi32> to vector<1xi32>
        %squeeze3A = vector.extract %slice3A[0] : i32 from vector<1xi32>
        %ne3A = arith.constant 0 : i32
        %ne3A_94 = arith.cmpi ne, %squeeze3A, %ne3A : i32
        %convert_element_type3A = arith.extui %ne3A_94 : i1 to i32
        %cond3A = arith.constant 0 : i32
        %cond3A_95 = arith.cmpi ne, %convert_element_type3A, %cond3A : i32
        scf.if %cond3A_95 {
          %scan3A_96 = arith.constant 0 : i32
          %scan3A_97 = arith.constant 24 : i32
          %scan3A_98 = arith.addi %scan3A_96, %scan3A_97 : i32
          %scan3A_99 = arith.constant 1 : i32
          scf.for %scan3A_101 = %scan3A_96 to %scan3A_98 step %scan3A_99  : i32 {
            %mul3A_102 = arith.constant 16 : i32
            %mul3A_103 = arith.muli %scan3A_101, %mul3A_102 : i32
            %add3A_104 = arith.addi %mul3A_103, %scan3A_92 : i32
            %get3A_105 = arith.index_cast %add3A_104 : i32 to index
            %get3A_106 = tpu.vector_load %arg16[%get3A_105] {strides = array<i32>} : memref<400xi32, #tpu.memory_space<vmem>>, vector<16xi32>,
            %slice3A_107 = vector.extract_strided_slice %get3A_106 {offsets = [0], sizes = [1], strides = [1]} : vector<16xi32> to vector<1xi32>
            %squeeze3A_108 = vector.extract %slice3A_107[0] : i32 from vector<1xi32>
            %ne3A_109 = arith.constant 0 : i32
            %ne3A_110 = arith.cmpi ne, %squeeze3A_108, %ne3A_109 : i32
            %convert_element_type3A_111 = arith.extui %ne3A_110 : i1 to i32
            %cond3A_112 = arith.constant 0 : i32
            %cond3A_113 = arith.cmpi ne, %convert_element_type3A_111, %cond3A_112 : i32
            scf.if %cond3A_113 {
              %scan3A_114 = arith.constant 0 : i32
              %scan3A_115 = arith.constant 32 : i32
              %scan3A_116 = arith.addi %scan3A_114, %scan3A_115 : i32
              %scan3A_117 = arith.constant 1 : i32
              scf.for %scan3A_119 = %scan3A_114 to %scan3A_116 step %scan3A_117  : i32 {
                %shift_right_arithmetic3A = arith.shrsi %squeeze3A_108, %scan3A_119 : i32
                %and3A = arith.constant 1 : i32
                %and3A_120 = arith.andi %shift_right_arithmetic3A, %and3A : i32
                %ne3A_121 = arith.constant 0 : i32
                %ne3A_122 = arith.cmpi ne, %and3A_120, %ne3A_121 : i32
                %convert_element_type3A_123 = arith.extui %ne3A_122 : i1 to i32
                %cond3A_124 = arith.constant 0 : i32
                %cond3A_125 = arith.cmpi ne, %convert_element_type3A_123, %cond3A_124 : i32
                scf.if %cond3A_125 {
                  %shift_left3A = arith.constant 5 : i32
                  %shift_left3A_126 = arith.shli %add3A_104, %shift_left3A : i32
                  %or3A = arith.ori %shift_left3A_126, %scan3A_119 : i32
                  %mul3A_127 = arith.constant 256 : i32
                  %mul3A_128 = arith.muli %or3A, %mul3A_127 : i32
                  "tpu.region"() ({
                    %run_scoped3A = tpu.sem_alloc : memref<!tpu.dma_semaphore, #tpu.memory_space<semaphore_mem>>
                    %dma_start3A_134 = tpu.memref_slice %arg6[%mul3A_128] : memref<2560000xf32, #tpu.memory_space<hbm>> -> memref<256xf32, #tpu.memory_space<hbm>>
                    %dma_start3A_135 = tpu.memref_slice %arg6[%mul3A_128] : memref<2560000xf32, #tpu.memory_space<hbm>> -> memref<256xf32, #tpu.memory_space<hbm>>
                    tpu.enqueue_dma source(%dma_start3A_135 : memref<256xf32, #tpu.memory_space<hbm>>) target(%arg18 : memref<256xf32, #tpu.memory_space<vmem>>) target_semaphore(%run_scoped3A : memref<!tpu.dma_semaphore, #tpu.memory_space<semaphore_mem>>)
                    %dma_wait3A_136 = tpu.memref_slice %arg6[%mul3A_128] : memref<2560000xf32, #tpu.memory_space<hbm>> -> memref<256xf32, #tpu.memory_space<hbm>>
                    %dma_wait3A_137 = tpu.memref_slice %arg6[%mul3A_128] : memref<2560000xf32, #tpu.memory_space<hbm>> -> memref<256xf32, #tpu.memory_space<hbm>>
                    tpu.wait_dma2 semaphore(%run_scoped3A : memref<!tpu.dma_semaphore, #tpu.memory_space<semaphore_mem>>) src(%dma_wait3A_137 : memref<256xf32, #tpu.memory_space<hbm>>) dst(%arg18 : memref<256xf32, #tpu.memory_space<vmem>>)
                    tpu.yield
                  }) : () -> ()
                  %scan3A_129 = arith.constant 0 : i32
                  %scan3A_130 = arith.constant 16 : i32
                  %scan3A_131 = arith.addi %scan3A_129, %scan3A_130 : i32
                  %scan3A_132 = arith.constant 1 : i32
                  scf.for %scan3A_134 = %scan3A_129 to %scan3A_131 step %scan3A_132  : i32 {
                    %mul3A_135 = arith.constant 16 : i32
                    %mul3A_136 = arith.muli %scan3A_134, %mul3A_135 : i32
                    %get3A_137 = arith.index_cast %scan3A_78 : i32 to index
                    %get3A_138 = arith.index_cast %mul3A_136 : i32 to index
                    %get3A_139 = tpu.vector_load %arg15[%get3A_137, %get3A_138] {strides = array<i32>} : memref<64x256xf32, #tpu.memory_space<vmem>>, vector<16xf32>,
                    %get3A_140 = arith.index_cast %mul3A_136 : i32 to index
                    %get3A_141 = tpu.vector_load %arg18[%get3A_140] {strides = array<i32>} : memref<256xf32, #tpu.memory_space<vmem>>, vector<16xf32>,
                    %add3A_142 = arith.addf %get3A_139, %get3A_141 : vector<16xf32>
                    %swap3A_143 = arith.index_cast %scan3A_78 : i32 to index
                    %swap3A_144 = arith.index_cast %mul3A_136 : i32 to index
                    %swap3A_145 = tpu.vector_load %arg15[%swap3A_143, %swap3A_144] {strides = array<i32>} : memref<64x256xf32, #tpu.memory_space<vmem>>, vector<16xf32>,
                    tpu.vector_store %arg15[%swap3A_143, %swap3A_144], %add3A_142 {strides = array<i32>} : memref<64x256xf32, #tpu.memory_space<vmem>>, vector<16xf32>,
                  }
                  %scan3A_133 = arith.constant 16 : i32
                } else {
                }
              }
              %scan3A_118 = arith.constant 32 : i32
            } else {
            }
          }
          %scan3A_100 = arith.constant 24 : i32
        } else {
        }
      }
      %scan3A_91 = arith.constant 16 : i32
    }
    %scan3A_37 = arith.constant 64 : i32
    "tpu.region"() ({
      %run_scoped3A = tpu.sem_alloc : memref<!tpu.dma_semaphore, #tpu.memory_space<semaphore_mem>>
      %dma_start3A_78 = arith.constant 0 : i32
      %dma_start3A_79 = tpu.memref_slice %arg7[%add3A_6, %dma_start3A_78] : memref<4096x256xf32, #tpu.memory_space<hbm>> -> memref<64x256xf32, #tpu.memory_space<hbm>>
      %dma_start3A_80 = arith.constant 0 : i32
      %dma_start3A_81 = tpu.memref_slice %arg7[%add3A_6, %dma_start3A_80] : memref<4096x256xf32, #tpu.memory_space<hbm>> -> memref<64x256xf32, #tpu.memory_space<hbm>>
      tpu.enqueue_dma source(%arg15 : memref<64x256xf32, #tpu.memory_space<vmem>>) target(%dma_start3A_81 : memref<64x256xf32, #tpu.memory_space<hbm>>) target_semaphore(%run_scoped3A : memref<!tpu.dma_semaphore, #tpu.memory_space<semaphore_mem>>)
      %dma_wait3A_82 = arith.constant 0 : i32
      %dma_wait3A_83 = tpu.memref_slice %arg7[%add3A_6, %dma_wait3A_82] : memref<4096x256xf32, #tpu.memory_space<hbm>> -> memref<64x256xf32, #tpu.memory_space<hbm>>
      %dma_wait3A_84 = arith.constant 0 : i32
      %dma_wait3A_85 = tpu.memref_slice %arg7[%add3A_6, %dma_wait3A_84] : memref<4096x256xf32, #tpu.memory_space<hbm>> -> memref<64x256xf32, #tpu.memory_space<hbm>>
      tpu.wait_dma2 semaphore(%run_scoped3A : memref<!tpu.dma_semaphore, #tpu.memory_space<semaphore_mem>>) src(%arg15 : memref<64x256xf32, #tpu.memory_space<vmem>>) dst(%dma_wait3A_85 : memref<64x256xf32, #tpu.memory_space<hbm>>)
      tpu.yield
    }) : () -> ()
    %mul3A_38 = arith.constant 2 : i32
    %mul3A_39 = arith.muli %add3A, %mul3A_38 : i32
    %mul3A_40 = arith.constant 64 : i32
    %mul3A_41 = arith.muli %mul3A_39, %mul3A_40 : i32
    %add3A_42 = arith.constant 64 : i32
    %add3A_43 = arith.addi %mul3A_41, %add3A_42 : i32
    "tpu.region"() ({
      %run_scoped3A = tpu.sem_alloc : memref<!tpu.dma_semaphore, #tpu.memory_space<semaphore_mem>>
      %dma_start3A_78 = tpu.memref_slice %arg3[%add3A_43] : memref<4096xi32, #tpu.memory_space<hbm>> -> memref<64xi32, #tpu.memory_space<hbm>>
      %dma_start3A_79 = tpu.memref_slice %arg3[%add3A_43] : memref<4096xi32, #tpu.memory_space<hbm>> -> memref<64xi32, #tpu.memory_space<hbm>>
      tpu.enqueue_dma source(%dma_start3A_79 : memref<64xi32, #tpu.memory_space<hbm>>) target(%arg10 : memref<64xi32, #tpu.memory_space<vmem>>) target_semaphore(%run_scoped3A : memref<!tpu.dma_semaphore, #tpu.memory_space<semaphore_mem>>)
      %dma_wait3A_80 = tpu.memref_slice %arg3[%add3A_43] : memref<4096xi32, #tpu.memory_space<hbm>> -> memref<64xi32, #tpu.memory_space<hbm>>
      %dma_wait3A_81 = tpu.memref_slice %arg3[%add3A_43] : memref<4096xi32, #tpu.memory_space<hbm>> -> memref<64xi32, #tpu.memory_space<hbm>>
      tpu.wait_dma2 semaphore(%run_scoped3A : memref<!tpu.dma_semaphore, #tpu.memory_space<semaphore_mem>>) src(%dma_wait3A_81 : memref<64xi32, #tpu.memory_space<hbm>>) dst(%arg10 : memref<64xi32, #tpu.memory_space<vmem>>)
      tpu.yield
    }) : () -> ()
    "tpu.region"() ({
      %run_scoped3A = tpu.sem_alloc : memref<!tpu.dma_semaphore, #tpu.memory_space<semaphore_mem>>
      %dma_start3A_78 = tpu.memref_slice %arg4[%add3A_43] : memref<4096xi32, #tpu.memory_space<hbm>> -> memref<64xi32, #tpu.memory_space<hbm>>
      %dma_start3A_79 = tpu.memref_slice %arg4[%add3A_43] : memref<4096xi32, #tpu.memory_space<hbm>> -> memref<64xi32, #tpu.memory_space<hbm>>
      tpu.enqueue_dma source(%dma_start3A_79 : memref<64xi32, #tpu.memory_space<hbm>>) target(%arg11 : memref<64xi32, #tpu.memory_space<vmem>>) target_semaphore(%run_scoped3A : memref<!tpu.dma_semaphore, #tpu.memory_space<semaphore_mem>>)
      %dma_wait3A_80 = tpu.memref_slice %arg4[%add3A_43] : memref<4096xi32, #tpu.memory_space<hbm>> -> memref<64xi32, #tpu.memory_space<hbm>>
      %dma_wait3A_81 = tpu.memref_slice %arg4[%add3A_43] : memref<4096xi32, #tpu.memory_space<hbm>> -> memref<64xi32, #tpu.memory_space<hbm>>
      tpu.wait_dma2 semaphore(%run_scoped3A : memref<!tpu.dma_semaphore, #tpu.memory_space<semaphore_mem>>) src(%dma_wait3A_81 : memref<64xi32, #tpu.memory_space<hbm>>) dst(%arg11 : memref<64xi32, #tpu.memory_space<vmem>>)
      tpu.yield
    }) : () -> ()
    %dma_start3A_44 = arith.constant 0 : i32
    %dma_start3A_45 = arith.constant 0 : i32
    %dma_start3A_46 = tpu.memref_slice %arg5[%dma_start3A_44, %dma_start3A_45] : memref<10000x256xf32, #tpu.memory_space<hbm>> -> memref<10000x256xf32, #tpu.memory_space<hbm>>
    tpu.enqueue_indirect_dma source(%dma_start3A_46 : memref<10000x256xf32, #tpu.memory_space<hbm>>) target(%arg14 : memref<64x256xf32, #tpu.memory_space<vmem>>) offsets(%arg10 : memref<64xi32, #tpu.memory_space<vmem>>) semaphore(%arg19 : memref<!tpu.dma_semaphore, #tpu.memory_space<semaphore_mem>>)
    %dma_wait3A_47 = arith.constant 0 : i32
    %dma_wait3A_48 = arith.constant 0 : i32
    %dma_wait3A_49 = tpu.memref_slice %arg5[%dma_wait3A_47, %dma_wait3A_48] : memref<10000x256xf32, #tpu.memory_space<hbm>> -> memref<10000x256xf32, #tpu.memory_space<hbm>>
    tpu.wait_indirect_dma semaphore(%arg19 : memref<!tpu.dma_semaphore, #tpu.memory_space<semaphore_mem>>) src(%dma_wait3A_49 : memref<10000x256xf32, #tpu.memory_space<hbm>>) dst(%arg14 : memref<64x256xf32, #tpu.memory_space<vmem>>)
    "tpu.region"() ({
      %run_scoped3A = tpu.sem_alloc : memref<!tpu.dma_semaphore, #tpu.memory_space<semaphore_mem>>
      %dma_start3A_78 = arith.constant 0 : i32
      %dma_start3A_79 = tpu.memref_slice %arg8[%add3A_43, %dma_start3A_78] : memref<4096x256xf32, #tpu.memory_space<hbm>> -> memref<64x256xf32, #tpu.memory_space<hbm>>
      %dma_start3A_80 = arith.constant 0 : i32
      %dma_start3A_81 = tpu.memref_slice %arg8[%add3A_43, %dma_start3A_80] : memref<4096x256xf32, #tpu.memory_space<hbm>> -> memref<64x256xf32, #tpu.memory_space<hbm>>
      tpu.enqueue_dma source(%arg14 : memref<64x256xf32, #tpu.memory_space<vmem>>) target(%dma_start3A_81 : memref<64x256xf32, #tpu.memory_space<hbm>>) target_semaphore(%run_scoped3A : memref<!tpu.dma_semaphore, #tpu.memory_space<semaphore_mem>>)
      %dma_wait3A_82 = arith.constant 0 : i32
      %dma_wait3A_83 = tpu.memref_slice %arg8[%add3A_43, %dma_wait3A_82] : memref<4096x256xf32, #tpu.memory_space<hbm>> -> memref<64x256xf32, #tpu.memory_space<hbm>>
      %dma_wait3A_84 = arith.constant 0 : i32
      %dma_wait3A_85 = tpu.memref_slice %arg8[%add3A_43, %dma_wait3A_84] : memref<4096x256xf32, #tpu.memory_space<hbm>> -> memref<64x256xf32, #tpu.memory_space<hbm>>
      tpu.wait_dma2 semaphore(%run_scoped3A : memref<!tpu.dma_semaphore, #tpu.memory_space<semaphore_mem>>) src(%arg14 : memref<64x256xf32, #tpu.memory_space<vmem>>) dst(%dma_wait3A_85 : memref<64x256xf32, #tpu.memory_space<hbm>>)
      tpu.yield
    }) : () -> ()
    %dma_start3A_50 = arith.constant 0 : i32
    %dma_start3A_51 = arith.constant 0 : i32
    %dma_start3A_52 = tpu.memref_slice %arg5[%dma_start3A_50, %dma_start3A_51] : memref<10000x256xf32, #tpu.memory_space<hbm>> -> memref<10000x256xf32, #tpu.memory_space<hbm>>
    tpu.enqueue_indirect_dma source(%dma_start3A_52 : memref<10000x256xf32, #tpu.memory_space<hbm>>) target(%arg14 : memref<64x256xf32, #tpu.memory_space<vmem>>) offsets(%arg11 : memref<64xi32, #tpu.memory_space<vmem>>) semaphore(%arg19 : memref<!tpu.dma_semaphore, #tpu.memory_space<semaphore_mem>>)
    %dma_wait3A_53 = arith.constant 0 : i32
    %dma_wait3A_54 = arith.constant 0 : i32
    %dma_wait3A_55 = tpu.memref_slice %arg5[%dma_wait3A_53, %dma_wait3A_54] : memref<10000x256xf32, #tpu.memory_space<hbm>> -> memref<10000x256xf32, #tpu.memory_space<hbm>>
    tpu.wait_indirect_dma semaphore(%arg19 : memref<!tpu.dma_semaphore, #tpu.memory_space<semaphore_mem>>) src(%dma_wait3A_55 : memref<10000x256xf32, #tpu.memory_space<hbm>>) dst(%arg14 : memref<64x256xf32, #tpu.memory_space<vmem>>)
    "tpu.region"() ({
      %run_scoped3A = tpu.sem_alloc : memref<!tpu.dma_semaphore, #tpu.memory_space<semaphore_mem>>
      %dma_start3A_78 = arith.constant 0 : i32
      %dma_start3A_79 = tpu.memref_slice %arg9[%add3A_43, %dma_start3A_78] : memref<4096x256xf32, #tpu.memory_space<hbm>> -> memref<64x256xf32, #tpu.memory_space<hbm>>
      %dma_start3A_80 = arith.constant 0 : i32
      %dma_start3A_81 = tpu.memref_slice %arg9[%add3A_43, %dma_start3A_80] : memref<4096x256xf32, #tpu.memory_space<hbm>> -> memref<64x256xf32, #tpu.memory_space<hbm>>
      tpu.enqueue_dma source(%arg14 : memref<64x256xf32, #tpu.memory_space<vmem>>) target(%dma_start3A_81 : memref<64x256xf32, #tpu.memory_space<hbm>>) target_semaphore(%run_scoped3A : memref<!tpu.dma_semaphore, #tpu.memory_space<semaphore_mem>>)
      %dma_wait3A_82 = arith.constant 0 : i32
      %dma_wait3A_83 = tpu.memref_slice %arg9[%add3A_43, %dma_wait3A_82] : memref<4096x256xf32, #tpu.memory_space<hbm>> -> memref<64x256xf32, #tpu.memory_space<hbm>>
      %dma_wait3A_84 = arith.constant 0 : i32
      %dma_wait3A_85 = tpu.memref_slice %arg9[%add3A_43, %dma_wait3A_84] : memref<4096x256xf32, #tpu.memory_space<hbm>> -> memref<64x256xf32, #tpu.memory_space<hbm>>
      tpu.wait_dma2 semaphore(%run_scoped3A : memref<!tpu.dma_semaphore, #tpu.memory_space<semaphore_mem>>) src(%arg14 : memref<64x256xf32, #tpu.memory_space<vmem>>) dst(%dma_wait3A_85 : memref<64x256xf32, #tpu.memory_space<hbm>>)
      tpu.yield
    }) : () -> ()
    %dma_start3A_56 = arith.constant 0 : i32
    %dma_start3A_57 = arith.constant 0 : i32
    %dma_start3A_58 = tpu.memref_slice %arg2[%dma_start3A_56, %dma_start3A_57] : memref<10240x384xi32, #tpu.memory_space<hbm>> -> memref<10240x384xi32, #tpu.memory_space<hbm>>
    tpu.enqueue_indirect_dma source(%dma_start3A_58 : memref<10240x384xi32, #tpu.memory_space<hbm>>) target(%arg12 : memref<64x384xi32, #tpu.memory_space<vmem>>) offsets(%arg10 : memref<64xi32, #tpu.memory_space<vmem>>) semaphore(%arg19 : memref<!tpu.dma_semaphore, #tpu.memory_space<semaphore_mem>>)
    %dma_wait3A_59 = arith.constant 0 : i32
    %dma_wait3A_60 = arith.constant 0 : i32
    %dma_wait3A_61 = tpu.memref_slice %arg2[%dma_wait3A_59, %dma_wait3A_60] : memref<10240x384xi32, #tpu.memory_space<hbm>> -> memref<10240x384xi32, #tpu.memory_space<hbm>>
    tpu.wait_indirect_dma semaphore(%arg19 : memref<!tpu.dma_semaphore, #tpu.memory_space<semaphore_mem>>) src(%dma_wait3A_61 : memref<10240x384xi32, #tpu.memory_space<hbm>>) dst(%arg12 : memref<64x384xi32, #tpu.memory_space<vmem>>)
    %dma_start3A_62 = arith.constant 0 : i32
    %dma_start3A_63 = arith.constant 0 : i32
    %dma_start3A_64 = tpu.memref_slice %arg2[%dma_start3A_62, %dma_start3A_63] : memref<10240x384xi32, #tpu.memory_space<hbm>> -> memref<10240x384xi32, #tpu.memory_space<hbm>>
    tpu.enqueue_indirect_dma source(%dma_start3A_64 : memref<10240x384xi32, #tpu.memory_space<hbm>>) target(%arg13 : memref<64x384xi32, #tpu.memory_space<vmem>>) offsets(%arg11 : memref<64xi32, #tpu.memory_space<vmem>>) semaphore(%arg19 : memref<!tpu.dma_semaphore, #tpu.memory_space<semaphore_mem>>)
    %dma_wait3A_65 = arith.constant 0 : i32
    %dma_wait3A_66 = arith.constant 0 : i32
    %dma_wait3A_67 = tpu.memref_slice %arg2[%dma_wait3A_65, %dma_wait3A_66] : memref<10240x384xi32, #tpu.memory_space<hbm>> -> memref<10240x384xi32, #tpu.memory_space<hbm>>
    tpu.wait_indirect_dma semaphore(%arg19 : memref<!tpu.dma_semaphore, #tpu.memory_space<semaphore_mem>>) src(%dma_wait3A_67 : memref<10240x384xi32, #tpu.memory_space<hbm>>) dst(%arg13 : memref<64x384xi32, #tpu.memory_space<vmem>>)
    %scan3A_68 = arith.constant 0 : i32
    %scan3A_69 = arith.constant 64 : i32
    %scan3A_70 = arith.addi %scan3A_68, %scan3A_69 : i32
    %scan3A_71 = arith.constant 1 : i32
    scf.for %scan3A_78 = %scan3A_68 to %scan3A_70 step %scan3A_71  : i32 {
      %scan3A_79 = arith.constant 0 : i32
      %scan3A_80 = arith.constant 16 : i32
      %scan3A_81 = arith.addi %scan3A_79, %scan3A_80 : i32
      %scan3A_82 = arith.constant 1 : i32
      scf.for %scan3A_84 = %scan3A_79 to %scan3A_81 step %scan3A_82  : i32 {
        %broadcast_in_dim3A = arith.constant 0.000000e+00 : f32
        %broadcast_in_dim3A_85 = vector.broadcast %broadcast_in_dim3A : f32 to vector<16xf32>
        %mul3A_86 = arith.constant 16 : i32
        %mul3A_87 = arith.muli %scan3A_84, %mul3A_86 : i32
        %swap3A = arith.index_cast %scan3A_78 : i32 to index
        %swap3A_88 = arith.index_cast %mul3A_87 : i32 to index
        %swap3A_89 = tpu.vector_load %arg15[%swap3A, %swap3A_88] {strides = array<i32>} : memref<64x256xf32, #tpu.memory_space<vmem>>, vector<16xf32>,
        tpu.vector_store %arg15[%swap3A, %swap3A_88], %broadcast_in_dim3A_85 {strides = array<i32>} : memref<64x256xf32, #tpu.memory_space<vmem>>, vector<16xf32>,
      }
      %scan3A_83 = arith.constant 16 : i32
    }
    %scan3A_72 = arith.constant 64 : i32
    %scan3A_73 = arith.constant 0 : i32
    %scan3A_74 = arith.constant 64 : i32
    %scan3A_75 = arith.addi %scan3A_73, %scan3A_74 : i32
    %scan3A_76 = arith.constant 1 : i32
    scf.for %scan3A_78 = %scan3A_73 to %scan3A_75 step %scan3A_76  : i32 {
      %broadcast_in_dim3A = arith.constant 0 : i32
      %broadcast_in_dim3A_79 = vector.broadcast %broadcast_in_dim3A : i32 to vector<16xi32>
      %scan3A_80 = arith.constant 0 : i32
      %scan3A_81 = arith.constant 24 : i32
      %scan3A_82 = arith.addi %scan3A_80, %scan3A_81 : i32
      %scan3A_83 = arith.constant 1 : i32
      %scan3A_84 = scf.for %scan3A_92 = %scan3A_80 to %scan3A_82 step %scan3A_83 iter_args(%scan3A_93 = %broadcast_in_dim3A_79) -> (vector<16xi32>)  : i32 {
        %mul3A_94 = arith.constant 16 : i32
        %mul3A_95 = arith.muli %scan3A_92, %mul3A_94 : i32
        %get3A = arith.index_cast %scan3A_78 : i32 to index
        %get3A_96 = arith.index_cast %mul3A_95 : i32 to index
        %get3A_97 = tpu.vector_load %arg12[%get3A, %get3A_96] {strides = array<i32>} : memref<64x384xi32, #tpu.memory_space<vmem>>, vector<16xi32>,
        %mul3A_98 = arith.constant 16 : i32
        %mul3A_99 = arith.muli %scan3A_92, %mul3A_98 : i32
        %get3A_100 = arith.index_cast %scan3A_78 : i32 to index
        %get3A_101 = arith.index_cast %mul3A_99 : i32 to index
        %get3A_102 = tpu.vector_load %arg13[%get3A_100, %get3A_101] {strides = array<i32>} : memref<64x384xi32, #tpu.memory_space<vmem>>, vector<16xi32>,
        %and3A = arith.andi %get3A_97, %get3A_102 : vector<16xi32>
        %mul3A_103 = arith.constant 16 : i32
        %mul3A_104 = arith.muli %scan3A_92, %mul3A_103 : i32
        %swap3A_105 = arith.index_cast %mul3A_104 : i32 to index
        %swap3A_106 = tpu.vector_load %arg16[%swap3A_105] {strides = array<i32>} : memref<400xi32, #tpu.memory_space<vmem>>, vector<16xi32>,
        tpu.vector_store %arg16[%swap3A_105], %and3A {strides = array<i32>} : memref<400xi32, #tpu.memory_space<vmem>>, vector<16xi32>,
        %or3A = arith.ori %scan3A_93, %and3A : vector<16xi32>
        scf.yield %or3A : vector<16xi32>
      }
      %scan3A_85 = arith.constant 24 : i32
      %swap3A = arith.constant 0 : index
      %swap3A_86 = tpu.vector_load %arg17[%swap3A] {strides = array<i32>} : memref<32xi32, #tpu.memory_space<vmem>>, vector<16xi32>,
      tpu.vector_store %arg17[%swap3A], %scan3A_84 {strides = array<i32>} : memref<32xi32, #tpu.memory_space<vmem>>, vector<16xi32>,
      %scan3A_87 = arith.constant 0 : i32
      %scan3A_88 = arith.constant 16 : i32
      %scan3A_89 = arith.addi %scan3A_87, %scan3A_88 : i32
      %scan3A_90 = arith.constant 1 : i32
      scf.for %scan3A_92 = %scan3A_87 to %scan3A_89 step %scan3A_90  : i32 {
        %get3A = arith.index_cast %scan3A_92 : i32 to index
        %get3A_93 = tpu.vector_load %arg17[%get3A] {strides = array<i32>} : memref<32xi32, #tpu.memory_space<vmem>>, vector<16xi32>,
        %slice3A = vector.extract_strided_slice %get3A_93 {offsets = [0], sizes = [1], strides = [1]} : vector<16xi32> to vector<1xi32>
        %squeeze3A = vector.extract %slice3A[0] : i32 from vector<1xi32>
        %ne3A = arith.constant 0 : i32
        %ne3A_94 = arith.cmpi ne, %squeeze3A, %ne3A : i32
        %convert_element_type3A = arith.extui %ne3A_94 : i1 to i32
        %cond3A = arith.constant 0 : i32
        %cond3A_95 = arith.cmpi ne, %convert_element_type3A, %cond3A : i32
        scf.if %cond3A_95 {
          %scan3A_96 = arith.constant 0 : i32
          %scan3A_97 = arith.constant 24 : i32
          %scan3A_98 = arith.addi %scan3A_96, %scan3A_97 : i32
          %scan3A_99 = arith.constant 1 : i32
          scf.for %scan3A_101 = %scan3A_96 to %scan3A_98 step %scan3A_99  : i32 {
            %mul3A_102 = arith.constant 16 : i32
            %mul3A_103 = arith.muli %scan3A_101, %mul3A_102 : i32
            %add3A_104 = arith.addi %mul3A_103, %scan3A_92 : i32
            %get3A_105 = arith.index_cast %add3A_104 : i32 to index
            %get3A_106 = tpu.vector_load %arg16[%get3A_105] {strides = array<i32>} : memref<400xi32, #tpu.memory_space<vmem>>, vector<16xi32>,
            %slice3A_107 = vector.extract_strided_slice %get3A_106 {offsets = [0], sizes = [1], strides = [1]} : vector<16xi32> to vector<1xi32>
            %squeeze3A_108 = vector.extract %slice3A_107[0] : i32 from vector<1xi32>
            %ne3A_109 = arith.constant 0 : i32
            %ne3A_110 = arith.cmpi ne, %squeeze3A_108, %ne3A_109 : i32
            %convert_element_type3A_111 = arith.extui %ne3A_110 : i1 to i32
            %cond3A_112 = arith.constant 0 : i32
            %cond3A_113 = arith.cmpi ne, %convert_element_type3A_111, %cond3A_112 : i32
            scf.if %cond3A_113 {
              %scan3A_114 = arith.constant 0 : i32
              %scan3A_115 = arith.constant 32 : i32
              %scan3A_116 = arith.addi %scan3A_114, %scan3A_115 : i32
              %scan3A_117 = arith.constant 1 : i32
              scf.for %scan3A_119 = %scan3A_114 to %scan3A_116 step %scan3A_117  : i32 {
                %shift_right_arithmetic3A = arith.shrsi %squeeze3A_108, %scan3A_119 : i32
                %and3A = arith.constant 1 : i32
                %and3A_120 = arith.andi %shift_right_arithmetic3A, %and3A : i32
                %ne3A_121 = arith.constant 0 : i32
                %ne3A_122 = arith.cmpi ne, %and3A_120, %ne3A_121 : i32
                %convert_element_type3A_123 = arith.extui %ne3A_122 : i1 to i32
                %cond3A_124 = arith.constant 0 : i32
                %cond3A_125 = arith.cmpi ne, %convert_element_type3A_123, %cond3A_124 : i32
                scf.if %cond3A_125 {
                  %shift_left3A = arith.constant 5 : i32
                  %shift_left3A_126 = arith.shli %add3A_104, %shift_left3A : i32
                  %or3A = arith.ori %shift_left3A_126, %scan3A_119 : i32
                  %mul3A_127 = arith.constant 256 : i32
                  %mul3A_128 = arith.muli %or3A, %mul3A_127 : i32
                  "tpu.region"() ({
                    %run_scoped3A = tpu.sem_alloc : memref<!tpu.dma_semaphore, #tpu.memory_space<semaphore_mem>>
                    %dma_start3A_134 = tpu.memref_slice %arg6[%mul3A_128] : memref<2560000xf32, #tpu.memory_space<hbm>> -> memref<256xf32, #tpu.memory_space<hbm>>
                    %dma_start3A_135 = tpu.memref_slice %arg6[%mul3A_128] : memref<2560000xf32, #tpu.memory_space<hbm>> -> memref<256xf32, #tpu.memory_space<hbm>>
                    tpu.enqueue_dma source(%dma_start3A_135 : memref<256xf32, #tpu.memory_space<hbm>>) target(%arg18 : memref<256xf32, #tpu.memory_space<vmem>>) target_semaphore(%run_scoped3A : memref<!tpu.dma_semaphore, #tpu.memory_space<semaphore_mem>>)
                    %dma_wait3A_136 = tpu.memref_slice %arg6[%mul3A_128] : memref<2560000xf32, #tpu.memory_space<hbm>> -> memref<256xf32, #tpu.memory_space<hbm>>
                    %dma_wait3A_137 = tpu.memref_slice %arg6[%mul3A_128] : memref<2560000xf32, #tpu.memory_space<hbm>> -> memref<256xf32, #tpu.memory_space<hbm>>
                    tpu.wait_dma2 semaphore(%run_scoped3A : memref<!tpu.dma_semaphore, #tpu.memory_space<semaphore_mem>>) src(%dma_wait3A_137 : memref<256xf32, #tpu.memory_space<hbm>>) dst(%arg18 : memref<256xf32, #tpu.memory_space<vmem>>)
                    tpu.yield
                  }) : () -> ()
                  %scan3A_129 = arith.constant 0 : i32
                  %scan3A_130 = arith.constant 16 : i32
                  %scan3A_131 = arith.addi %scan3A_129, %scan3A_130 : i32
                  %scan3A_132 = arith.constant 1 : i32
                  scf.for %scan3A_134 = %scan3A_129 to %scan3A_131 step %scan3A_132  : i32 {
                    %mul3A_135 = arith.constant 16 : i32
                    %mul3A_136 = arith.muli %scan3A_134, %mul3A_135 : i32
                    %get3A_137 = arith.index_cast %scan3A_78 : i32 to index
                    %get3A_138 = arith.index_cast %mul3A_136 : i32 to index
                    %get3A_139 = tpu.vector_load %arg15[%get3A_137, %get3A_138] {strides = array<i32>} : memref<64x256xf32, #tpu.memory_space<vmem>>, vector<16xf32>,
                    %get3A_140 = arith.index_cast %mul3A_136 : i32 to index
                    %get3A_141 = tpu.vector_load %arg18[%get3A_140] {strides = array<i32>} : memref<256xf32, #tpu.memory_space<vmem>>, vector<16xf32>,
                    %add3A_142 = arith.addf %get3A_139, %get3A_141 : vector<16xf32>
                    %swap3A_143 = arith.index_cast %scan3A_78 : i32 to index
                    %swap3A_144 = arith.index_cast %mul3A_136 : i32 to index
                    %swap3A_145 = tpu.vector_load %arg15[%swap3A_143, %swap3A_144] {strides = array<i32>} : memref<64x256xf32, #tpu.memory_space<vmem>>, vector<16xf32>,
                    tpu.vector_store %arg15[%swap3A_143, %swap3A_144], %add3A_142 {strides = array<i32>} : memref<64x256xf32, #tpu.memory_space<vmem>>, vector<16xf32>,
                  }
                  %scan3A_133 = arith.constant 16 : i32
                } else {
                }
              }
              %scan3A_118 = arith.constant 32 : i32
            } else {
            }
          }
          %scan3A_100 = arith.constant 24 : i32
        } else {
        }
      }
      %scan3A_91 = arith.constant 16 : i32
    }
    %scan3A_77 = arith.constant 64 : i32
    "tpu.region"() ({
      %run_scoped3A = tpu.sem_alloc : memref<!tpu.dma_semaphore, #tpu.memory_space<semaphore_mem>>
      %dma_start3A_78 = arith.constant 0 : i32
      %dma_start3A_79 = tpu.memref_slice %arg7[%add3A_43, %dma_start3A_78] : memref<4096x256xf32, #tpu.memory_space<hbm>> -> memref<64x256xf32, #tpu.memory_space<hbm>>
      %dma_start3A_80 = arith.constant 0 : i32
      %dma_start3A_81 = tpu.memref_slice %arg7[%add3A_43, %dma_start3A_80] : memref<4096x256xf32, #tpu.memory_space<hbm>> -> memref<64x256xf32, #tpu.memory_space<hbm>>
      tpu.enqueue_dma source(%arg15 : memref<64x256xf32, #tpu.memory_space<vmem>>) target(%dma_start3A_81 : memref<64x256xf32, #tpu.memory_space<hbm>>) target_semaphore(%run_scoped3A : memref<!tpu.dma_semaphore, #tpu.memory_space<semaphore_mem>>)
      %dma_wait3A_82 = arith.constant 0 : i32
      %dma_wait3A_83 = tpu.memref_slice %arg7[%add3A_43, %dma_wait3A_82] : memref<4096x256xf32, #tpu.memory_space<hbm>> -> memref<64x256xf32, #tpu.memory_space<hbm>>
      %dma_wait3A_84 = arith.constant 0 : i32
      %dma_wait3A_85 = tpu.memref_slice %arg7[%add3A_43, %dma_wait3A_84] : memref<4096x256xf32, #tpu.memory_space<hbm>> -> memref<64x256xf32, #tpu.memory_space<hbm>>
      tpu.wait_dma2 semaphore(%run_scoped3A : memref<!tpu.dma_semaphore, #tpu.memory_space<semaphore_mem>>) src(%arg15 : memref<64x256xf32, #tpu.memory_space<vmem>>) dst(%dma_wait3A_85 : memref<64x256xf32, #tpu.memory_space<hbm>>)
      tpu.yield
    }) : () -> ()
    return
  }
}

#map = affine_map<(d0, d1) -> (0)>
module attributes {stable_mosaic.version = 14 : i64} {
  func.func @_build_kernel(%arg0: i32, %arg1: i32, %arg2: memref<320000xi32, #tpu.memory_space<hbm>>, %arg3: memref<320000xi32, #tpu.memory_space<hbm>>, %arg4: memref<3932160xi32, #tpu.memory_space<hbm>>, %arg5: memref<2576xi32, #tpu.memory_space<vmem>>, %arg6: memref<2576xi32, #tpu.memory_space<vmem>>, %arg7: memref<122880xi32, #tpu.memory_space<vmem>>, %arg8: memref<!tpu.dma_semaphore, #tpu.memory_space<semaphore_mem>>, %arg9: memref<!tpu.dma_semaphore, #tpu.memory_space<semaphore_mem>>) attributes {dimension_semantics = [#tpu.dimension_semantics<core_parallel>, #tpu.dimension_semantics<subcore_parallel>], iteration_bounds = array<i64: 2, 16>, scalar_prefetch = 0 : i64, scratch_operands = 5 : i64, tpu.core_type = #tpu.core_type<sc_vector_subcore>, window_params = [{transform_indices = #map}, {transform_indices = #map}, {transform_indices = #map}]} {
    %mul3A = arith.constant 2 : i32
    %mul3A_0 = arith.muli %arg1, %mul3A : i32
    %add3A = arith.addi %mul3A_0, %arg0 : i32
    %mul3A_1 = arith.constant 320 : i32
    %mul3A_2 = arith.muli %add3A, %mul3A_1 : i32
    %add3A_3 = arith.constant 320 : i32
    %add3A_4 = arith.addi %mul3A_2, %add3A_3 : i32
    %scan3A = arith.constant 0 : i32
    %scan3A_5 = arith.constant 960 : i32
    %scan3A_6 = arith.addi %scan3A, %scan3A_5 : i32
    %scan3A_7 = arith.constant 1 : i32
    scf.for %scan3A_31 = %scan3A to %scan3A_6 step %scan3A_7  : i32 {
      %broadcast_in_dim3A = arith.constant 0 : i32
      %broadcast_in_dim3A_32 = vector.broadcast %broadcast_in_dim3A : i32 to vector<16xi32>
      %mul3A_33 = arith.constant 8 : i32
      %mul3A_34 = arith.muli %scan3A_31, %mul3A_33 : i32
      %add3A_35 = arith.constant 0 : i32
      %add3A_36 = arith.addi %mul3A_34, %add3A_35 : i32
      %mul3A_37 = arith.constant 16 : i32
      %mul3A_38 = arith.muli %add3A_36, %mul3A_37 : i32
      %swap3A = arith.index_cast %mul3A_38 : i32 to index
      %swap3A_39 = tpu.vector_load %arg7[%swap3A] {strides = array<i32>} : memref<122880xi32, #tpu.memory_space<vmem>>, vector<16xi32>,
      tpu.vector_store %arg7[%swap3A], %broadcast_in_dim3A_32 {strides = array<i32>} : memref<122880xi32, #tpu.memory_space<vmem>>, vector<16xi32>,
      %broadcast_in_dim3A_40 = arith.constant 0 : i32
      %broadcast_in_dim3A_41 = vector.broadcast %broadcast_in_dim3A_40 : i32 to vector<16xi32>
      %mul3A_42 = arith.constant 8 : i32
      %mul3A_43 = arith.muli %scan3A_31, %mul3A_42 : i32
      %add3A_44 = arith.constant 1 : i32
      %add3A_45 = arith.addi %mul3A_43, %add3A_44 : i32
      %mul3A_46 = arith.constant 16 : i32
      %mul3A_47 = arith.muli %add3A_45, %mul3A_46 : i32
      %swap3A_48 = arith.index_cast %mul3A_47 : i32 to index
      %swap3A_49 = tpu.vector_load %arg7[%swap3A_48] {strides = array<i32>} : memref<122880xi32, #tpu.memory_space<vmem>>, vector<16xi32>,
      tpu.vector_store %arg7[%swap3A_48], %broadcast_in_dim3A_41 {strides = array<i32>} : memref<122880xi32, #tpu.memory_space<vmem>>, vector<16xi32>,
      %broadcast_in_dim3A_50 = arith.constant 0 : i32
      %broadcast_in_dim3A_51 = vector.broadcast %broadcast_in_dim3A_50 : i32 to vector<16xi32>
      %mul3A_52 = arith.constant 8 : i32
      %mul3A_53 = arith.muli %scan3A_31, %mul3A_52 : i32
      %add3A_54 = arith.constant 2 : i32
      %add3A_55 = arith.addi %mul3A_53, %add3A_54 : i32
      %mul3A_56 = arith.constant 16 : i32
      %mul3A_57 = arith.muli %add3A_55, %mul3A_56 : i32
      %swap3A_58 = arith.index_cast %mul3A_57 : i32 to index
      %swap3A_59 = tpu.vector_load %arg7[%swap3A_58] {strides = array<i32>} : memref<122880xi32, #tpu.memory_space<vmem>>, vector<16xi32>,
      tpu.vector_store %arg7[%swap3A_58], %broadcast_in_dim3A_51 {strides = array<i32>} : memref<122880xi32, #tpu.memory_space<vmem>>, vector<16xi32>,
      %broadcast_in_dim3A_60 = arith.constant 0 : i32
      %broadcast_in_dim3A_61 = vector.broadcast %broadcast_in_dim3A_60 : i32 to vector<16xi32>
      %mul3A_62 = arith.constant 8 : i32
      %mul3A_63 = arith.muli %scan3A_31, %mul3A_62 : i32
      %add3A_64 = arith.constant 3 : i32
      %add3A_65 = arith.addi %mul3A_63, %add3A_64 : i32
      %mul3A_66 = arith.constant 16 : i32
      %mul3A_67 = arith.muli %add3A_65, %mul3A_66 : i32
      %swap3A_68 = arith.index_cast %mul3A_67 : i32 to index
      %swap3A_69 = tpu.vector_load %arg7[%swap3A_68] {strides = array<i32>} : memref<122880xi32, #tpu.memory_space<vmem>>, vector<16xi32>,
      tpu.vector_store %arg7[%swap3A_68], %broadcast_in_dim3A_61 {strides = array<i32>} : memref<122880xi32, #tpu.memory_space<vmem>>, vector<16xi32>,
      %broadcast_in_dim3A_70 = arith.constant 0 : i32
      %broadcast_in_dim3A_71 = vector.broadcast %broadcast_in_dim3A_70 : i32 to vector<16xi32>
      %mul3A_72 = arith.constant 8 : i32
      %mul3A_73 = arith.muli %scan3A_31, %mul3A_72 : i32
      %add3A_74 = arith.constant 4 : i32
      %add3A_75 = arith.addi %mul3A_73, %add3A_74 : i32
      %mul3A_76 = arith.constant 16 : i32
      %mul3A_77 = arith.muli %add3A_75, %mul3A_76 : i32
      %swap3A_78 = arith.index_cast %mul3A_77 : i32 to index
      %swap3A_79 = tpu.vector_load %arg7[%swap3A_78] {strides = array<i32>} : memref<122880xi32, #tpu.memory_space<vmem>>, vector<16xi32>,
      tpu.vector_store %arg7[%swap3A_78], %broadcast_in_dim3A_71 {strides = array<i32>} : memref<122880xi32, #tpu.memory_space<vmem>>, vector<16xi32>,
      %broadcast_in_dim3A_80 = arith.constant 0 : i32
      %broadcast_in_dim3A_81 = vector.broadcast %broadcast_in_dim3A_80 : i32 to vector<16xi32>
      %mul3A_82 = arith.constant 8 : i32
      %mul3A_83 = arith.muli %scan3A_31, %mul3A_82 : i32
      %add3A_84 = arith.constant 5 : i32
      %add3A_85 = arith.addi %mul3A_83, %add3A_84 : i32
      %mul3A_86 = arith.constant 16 : i32
      %mul3A_87 = arith.muli %add3A_85, %mul3A_86 : i32
      %swap3A_88 = arith.index_cast %mul3A_87 : i32 to index
      %swap3A_89 = tpu.vector_load %arg7[%swap3A_88] {strides = array<i32>} : memref<122880xi32, #tpu.memory_space<vmem>>, vector<16xi32>,
      tpu.vector_store %arg7[%swap3A_88], %broadcast_in_dim3A_81 {strides = array<i32>} : memref<122880xi32, #tpu.memory_space<vmem>>, vector<16xi32>,
      %broadcast_in_dim3A_90 = arith.constant 0 : i32
      %broadcast_in_dim3A_91 = vector.broadcast %broadcast_in_dim3A_90 : i32 to vector<16xi32>
      %mul3A_92 = arith.constant 8 : i32
      %mul3A_93 = arith.muli %scan3A_31, %mul3A_92 : i32
      %add3A_94 = arith.constant 6 : i32
      %add3A_95 = arith.addi %mul3A_93, %add3A_94 : i32
      %mul3A_96 = arith.constant 16 : i32
      %mul3A_97 = arith.muli %add3A_95, %mul3A_96 : i32
      %swap3A_98 = arith.index_cast %mul3A_97 : i32 to index
      %swap3A_99 = tpu.vector_load %arg7[%swap3A_98] {strides = array<i32>} : memref<122880xi32, #tpu.memory_space<vmem>>, vector<16xi32>,
      tpu.vector_store %arg7[%swap3A_98], %broadcast_in_dim3A_91 {strides = array<i32>} : memref<122880xi32, #tpu.memory_space<vmem>>, vector<16xi32>,
      %broadcast_in_dim3A_100 = arith.constant 0 : i32
      %broadcast_in_dim3A_101 = vector.broadcast %broadcast_in_dim3A_100 : i32 to vector<16xi32>
      %mul3A_102 = arith.constant 8 : i32
      %mul3A_103 = arith.muli %scan3A_31, %mul3A_102 : i32
      %add3A_104 = arith.constant 7 : i32
      %add3A_105 = arith.addi %mul3A_103, %add3A_104 : i32
      %mul3A_106 = arith.constant 16 : i32
      %mul3A_107 = arith.muli %add3A_105, %mul3A_106 : i32
      %swap3A_108 = arith.index_cast %mul3A_107 : i32 to index
      %swap3A_109 = tpu.vector_load %arg7[%swap3A_108] {strides = array<i32>} : memref<122880xi32, #tpu.memory_space<vmem>>, vector<16xi32>,
      tpu.vector_store %arg7[%swap3A_108], %broadcast_in_dim3A_101 {strides = array<i32>} : memref<122880xi32, #tpu.memory_space<vmem>>, vector<16xi32>,
    }
    %scan3A_8 = arith.constant 960 : i32
    %dma_start3A = arith.constant 0 : i32
    %dma_start3A_9 = tpu.memref_slice %arg5[%dma_start3A] : memref<2576xi32, #tpu.memory_space<vmem>> -> memref<1280xi32, #tpu.memory_space<vmem>>
    %dma_start3A_10 = arith.constant 0 : i32
    %dma_start3A_11 = tpu.memref_slice %arg2[%dma_start3A_10] : memref<320000xi32, #tpu.memory_space<hbm>> -> memref<1280xi32, #tpu.memory_space<hbm>>
    %dma_start3A_12 = arith.constant 0 : i32
    %dma_start3A_13 = tpu.memref_slice %arg5[%dma_start3A_12] : memref<2576xi32, #tpu.memory_space<vmem>> -> memref<1280xi32, #tpu.memory_space<vmem>>
    %dma_start3A_14 = arith.constant 0 : i32
    %dma_start3A_15 = tpu.memref_slice %arg2[%dma_start3A_14] : memref<320000xi32, #tpu.memory_space<hbm>> -> memref<1280xi32, #tpu.memory_space<hbm>>
    tpu.enqueue_dma source(%dma_start3A_15 : memref<1280xi32, #tpu.memory_space<hbm>>) target(%dma_start3A_13 : memref<1280xi32, #tpu.memory_space<vmem>>) target_semaphore(%arg8 : memref<!tpu.dma_semaphore, #tpu.memory_space<semaphore_mem>>)
    %dma_start3A_16 = arith.constant 0 : i32
    %dma_start3A_17 = tpu.memref_slice %arg6[%dma_start3A_16] : memref<2576xi32, #tpu.memory_space<vmem>> -> memref<1280xi32, #tpu.memory_space<vmem>>
    %dma_start3A_18 = arith.constant 0 : i32
    %dma_start3A_19 = tpu.memref_slice %arg3[%dma_start3A_18] : memref<320000xi32, #tpu.memory_space<hbm>> -> memref<1280xi32, #tpu.memory_space<hbm>>
    %dma_start3A_20 = arith.constant 0 : i32
    %dma_start3A_21 = tpu.memref_slice %arg6[%dma_start3A_20] : memref<2576xi32, #tpu.memory_space<vmem>> -> memref<1280xi32, #tpu.memory_space<vmem>>
    %dma_start3A_22 = arith.constant 0 : i32
    %dma_start3A_23 = tpu.memref_slice %arg3[%dma_start3A_22] : memref<320000xi32, #tpu.memory_space<hbm>> -> memref<1280xi32, #tpu.memory_space<hbm>>
    tpu.enqueue_dma source(%dma_start3A_23 : memref<1280xi32, #tpu.memory_space<hbm>>) target(%dma_start3A_21 : memref<1280xi32, #tpu.memory_space<vmem>>) target_semaphore(%arg8 : memref<!tpu.dma_semaphore, #tpu.memory_space<semaphore_mem>>)
    %scan3A_24 = arith.constant 0 : i32
    %scan3A_25 = arith.constant 1250 : i32
    %scan3A_26 = arith.addi %scan3A_24, %scan3A_25 : i32
    %scan3A_27 = arith.constant 1 : i32
    scf.for %scan3A_31 = %scan3A_24 to %scan3A_26 step %scan3A_27  : i32 {
      %jit3A = arith.constant 5 : i32
      %div3A = arith.divsi %scan3A_31, %jit3A : i32
      %sign3A = arith.constant 0 : i32
      %sign3A_32 = arith.cmpi sgt, %scan3A_31, %sign3A : i32
      %sign3A_33 = arith.extui %sign3A_32 : i1 to i32
      %sign3A_34 = arith.constant 0 : i32
      %sign3A_35 = arith.cmpi slt, %scan3A_31, %sign3A_34 : i32
      %sign3A_36 = arith.extui %sign3A_35 : i1 to i32
      %sign3A_37 = arith.subi %sign3A_33, %sign3A_36 : i32
      %sign3A_38 = arith.constant 0 : i32
      %sign3A_39 = arith.cmpi sgt, %jit3A, %sign3A_38 : i32
      %sign3A_40 = arith.extui %sign3A_39 : i1 to i32
      %sign3A_41 = arith.constant 0 : i32
      %sign3A_42 = arith.cmpi slt, %jit3A, %sign3A_41 : i32
      %sign3A_43 = arith.extui %sign3A_42 : i1 to i32
      %sign3A_44 = arith.subi %sign3A_40, %sign3A_43 : i32
      %ne3A = arith.cmpi ne, %sign3A_37, %sign3A_44 : i32
      %rem3A = arith.remsi %scan3A_31, %jit3A : i32
      %ne3A_45 = arith.constant 0 : i32
      %ne3A_46 = arith.cmpi ne, %rem3A, %ne3A_45 : i32
      %and3A = arith.andi %ne3A, %ne3A_46 : i1
      %sub3A = arith.constant 1 : i32
      %sub3A_47 = arith.subi %div3A, %sub3A : i32
      %select_n3A = arith.select %and3A, %sub3A_47, %div3A : i32
      %jit3A_48 = arith.constant 10 : i32
      %eq3A = arith.constant 0 : i32
      %eq3A_49 = arith.cmpi eq, %jit3A_48, %eq3A : i32
      %jit3A_50 = arith.constant 1 : i32
      %select_n3A_51 = arith.select %eq3A_49, %jit3A_50, %jit3A_48 : i32
      %rem3A_52 = arith.remsi %scan3A_31, %select_n3A_51 : i32
      %ne3A_53 = arith.constant 0 : i32
      %ne3A_54 = arith.cmpi ne, %rem3A_52, %ne3A_53 : i32
      %lt3A = arith.constant 0 : i32
      %lt3A_55 = arith.cmpi slt, %rem3A_52, %lt3A : i32
      %lt3A_56 = arith.constant 0 : i32
      %lt3A_57 = arith.cmpi slt, %select_n3A_51, %lt3A_56 : i32
      %ne3A_58 = arith.xori %lt3A_55, %lt3A_57 : i1
      %and3A_59 = arith.andi %ne3A_58, %ne3A_54 : i1
      %add3A_60 = arith.addi %rem3A_52, %select_n3A_51 : i32
      %select_n3A_61 = arith.select %and3A_59, %add3A_60, %rem3A_52 : i32
      %eq3A_62 = arith.constant 0 : i32
      %eq3A_63 = arith.cmpi eq, %select_n3A_61, %eq3A_62 : i32
      %convert_element_type3A = arith.extui %eq3A_63 : i1 to i32
      %cond3A = arith.constant 0 : i32
      %cond3A_64 = arith.cmpi ne, %convert_element_type3A, %cond3A : i32
      scf.if %cond3A_64 {
        %dma_wait3A = arith.constant 0 : i32
        %dma_wait3A_452 = tpu.memref_slice %arg5[%dma_wait3A] : memref<2576xi32, #tpu.memory_space<vmem>> -> memref<1280xi32, #tpu.memory_space<vmem>>
        %dma_wait3A_453 = arith.constant 0 : i32
        %dma_wait3A_454 = tpu.memref_slice %arg2[%dma_wait3A_453] : memref<320000xi32, #tpu.memory_space<hbm>> -> memref<1280xi32, #tpu.memory_space<hbm>>
        %dma_wait3A_455 = arith.constant 0 : i32
        %dma_wait3A_456 = tpu.memref_slice %arg5[%dma_wait3A_455] : memref<2576xi32, #tpu.memory_space<vmem>> -> memref<1280xi32, #tpu.memory_space<vmem>>
        %dma_wait3A_457 = arith.constant 0 : i32
        %dma_wait3A_458 = tpu.memref_slice %arg2[%dma_wait3A_457] : memref<320000xi32, #tpu.memory_space<hbm>> -> memref<1280xi32, #tpu.memory_space<hbm>>
        tpu.wait_dma2 semaphore(%arg8 : memref<!tpu.dma_semaphore, #tpu.memory_space<semaphore_mem>>) src(%dma_wait3A_458 : memref<1280xi32, #tpu.memory_space<hbm>>) dst(%dma_wait3A_456 : memref<1280xi32, #tpu.memory_space<vmem>>)
        %dma_wait3A_459 = arith.constant 0 : i32
        %dma_wait3A_460 = tpu.memref_slice %arg6[%dma_wait3A_459] : memref<2576xi32, #tpu.memory_space<vmem>> -> memref<1280xi32, #tpu.memory_space<vmem>>
        %dma_wait3A_461 = arith.constant 0 : i32
        %dma_wait3A_462 = tpu.memref_slice %arg3[%dma_wait3A_461] : memref<320000xi32, #tpu.memory_space<hbm>> -> memref<1280xi32, #tpu.memory_space<hbm>>
        %dma_wait3A_463 = arith.constant 0 : i32
        %dma_wait3A_464 = tpu.memref_slice %arg6[%dma_wait3A_463] : memref<2576xi32, #tpu.memory_space<vmem>> -> memref<1280xi32, #tpu.memory_space<vmem>>
        %dma_wait3A_465 = arith.constant 0 : i32
        %dma_wait3A_466 = tpu.memref_slice %arg3[%dma_wait3A_465] : memref<320000xi32, #tpu.memory_space<hbm>> -> memref<1280xi32, #tpu.memory_space<hbm>>
        tpu.wait_dma2 semaphore(%arg8 : memref<!tpu.dma_semaphore, #tpu.memory_space<semaphore_mem>>) src(%dma_wait3A_466 : memref<1280xi32, #tpu.memory_space<hbm>>) dst(%dma_wait3A_464 : memref<1280xi32, #tpu.memory_space<vmem>>)
        %add3A_467 = arith.constant 1 : i32
        %add3A_468 = arith.addi %select_n3A, %add3A_467 : i32
        %lt3A_469 = arith.constant 250 : i32
        %lt3A_470 = arith.cmpi slt, %add3A_468, %lt3A_469 : i32
        %convert_element_type3A_471 = arith.extui %lt3A_470 : i1 to i32
        %cond3A_472 = arith.constant 0 : i32
        %cond3A_473 = arith.cmpi ne, %convert_element_type3A_471, %cond3A_472 : i32
        scf.if %cond3A_473 {
          %add3A_474 = arith.constant 1 : i32
          %add3A_475 = arith.addi %select_n3A, %add3A_474 : i32
          %mul3A_476 = arith.constant 1280 : i32
          %mul3A_477 = arith.muli %add3A_475, %mul3A_476 : i32
          %dma_start3A_478 = arith.constant 1280 : i32
          %dma_start3A_479 = tpu.memref_slice %arg5[%dma_start3A_478] : memref<2576xi32, #tpu.memory_space<vmem>> -> memref<1280xi32, #tpu.memory_space<vmem>>
          %dma_start3A_480 = tpu.memref_slice %arg2[%mul3A_477] : memref<320000xi32, #tpu.memory_space<hbm>> -> memref<1280xi32, #tpu.memory_space<hbm>>
          %dma_start3A_481 = arith.constant 1280 : i32
          %dma_start3A_482 = tpu.memref_slice %arg5[%dma_start3A_481] : memref<2576xi32, #tpu.memory_space<vmem>> -> memref<1280xi32, #tpu.memory_space<vmem>>
          %dma_start3A_483 = tpu.memref_slice %arg2[%mul3A_477] : memref<320000xi32, #tpu.memory_space<hbm>> -> memref<1280xi32, #tpu.memory_space<hbm>>
          tpu.enqueue_dma source(%dma_start3A_483 : memref<1280xi32, #tpu.memory_space<hbm>>) target(%dma_start3A_482 : memref<1280xi32, #tpu.memory_space<vmem>>) target_semaphore(%arg9 : memref<!tpu.dma_semaphore, #tpu.memory_space<semaphore_mem>>)
          %mul3A_484 = arith.constant 1280 : i32
          %mul3A_485 = arith.muli %add3A_475, %mul3A_484 : i32
          %dma_start3A_486 = arith.constant 1280 : i32
          %dma_start3A_487 = tpu.memref_slice %arg6[%dma_start3A_486] : memref<2576xi32, #tpu.memory_space<vmem>> -> memref<1280xi32, #tpu.memory_space<vmem>>
          %dma_start3A_488 = tpu.memref_slice %arg3[%mul3A_485] : memref<320000xi32, #tpu.memory_space<hbm>> -> memref<1280xi32, #tpu.memory_space<hbm>>
          %dma_start3A_489 = arith.constant 1280 : i32
          %dma_start3A_490 = tpu.memref_slice %arg6[%dma_start3A_489] : memref<2576xi32, #tpu.memory_space<vmem>> -> memref<1280xi32, #tpu.memory_space<vmem>>
          %dma_start3A_491 = tpu.memref_slice %arg3[%mul3A_485] : memref<320000xi32, #tpu.memory_space<hbm>> -> memref<1280xi32, #tpu.memory_space<hbm>>
          tpu.enqueue_dma source(%dma_start3A_491 : memref<1280xi32, #tpu.memory_space<hbm>>) target(%dma_start3A_490 : memref<1280xi32, #tpu.memory_space<vmem>>) target_semaphore(%arg9 : memref<!tpu.dma_semaphore, #tpu.memory_space<semaphore_mem>>)
        } else {
        }
      } else {
      }
      %eq3A_65 = arith.constant 5 : i32
      %eq3A_66 = arith.cmpi eq, %select_n3A_61, %eq3A_65 : i32
      %convert_element_type3A_67 = arith.extui %eq3A_66 : i1 to i32
      %cond3A_68 = arith.constant 0 : i32
      %cond3A_69 = arith.cmpi ne, %convert_element_type3A_67, %cond3A_68 : i32
      scf.if %cond3A_69 {
        %dma_wait3A = arith.constant 1280 : i32
        %dma_wait3A_452 = tpu.memref_slice %arg5[%dma_wait3A] : memref<2576xi32, #tpu.memory_space<vmem>> -> memref<1280xi32, #tpu.memory_space<vmem>>
        %dma_wait3A_453 = arith.constant 0 : i32
        %dma_wait3A_454 = tpu.memref_slice %arg2[%dma_wait3A_453] : memref<320000xi32, #tpu.memory_space<hbm>> -> memref<1280xi32, #tpu.memory_space<hbm>>
        %dma_wait3A_455 = arith.constant 1280 : i32
        %dma_wait3A_456 = tpu.memref_slice %arg5[%dma_wait3A_455] : memref<2576xi32, #tpu.memory_space<vmem>> -> memref<1280xi32, #tpu.memory_space<vmem>>
        %dma_wait3A_457 = arith.constant 0 : i32
        %dma_wait3A_458 = tpu.memref_slice %arg2[%dma_wait3A_457] : memref<320000xi32, #tpu.memory_space<hbm>> -> memref<1280xi32, #tpu.memory_space<hbm>>
        tpu.wait_dma2 semaphore(%arg9 : memref<!tpu.dma_semaphore, #tpu.memory_space<semaphore_mem>>) src(%dma_wait3A_458 : memref<1280xi32, #tpu.memory_space<hbm>>) dst(%dma_wait3A_456 : memref<1280xi32, #tpu.memory_space<vmem>>)
        %dma_wait3A_459 = arith.constant 1280 : i32
        %dma_wait3A_460 = tpu.memref_slice %arg6[%dma_wait3A_459] : memref<2576xi32, #tpu.memory_space<vmem>> -> memref<1280xi32, #tpu.memory_space<vmem>>
        %dma_wait3A_461 = arith.constant 0 : i32
        %dma_wait3A_462 = tpu.memref_slice %arg3[%dma_wait3A_461] : memref<320000xi32, #tpu.memory_space<hbm>> -> memref<1280xi32, #tpu.memory_space<hbm>>
        %dma_wait3A_463 = arith.constant 1280 : i32
        %dma_wait3A_464 = tpu.memref_slice %arg6[%dma_wait3A_463] : memref<2576xi32, #tpu.memory_space<vmem>> -> memref<1280xi32, #tpu.memory_space<vmem>>
        %dma_wait3A_465 = arith.constant 0 : i32
        %dma_wait3A_466 = tpu.memref_slice %arg3[%dma_wait3A_465] : memref<320000xi32, #tpu.memory_space<hbm>> -> memref<1280xi32, #tpu.memory_space<hbm>>
        tpu.wait_dma2 semaphore(%arg9 : memref<!tpu.dma_semaphore, #tpu.memory_space<semaphore_mem>>) src(%dma_wait3A_466 : memref<1280xi32, #tpu.memory_space<hbm>>) dst(%dma_wait3A_464 : memref<1280xi32, #tpu.memory_space<vmem>>)
        %add3A_467 = arith.constant 1 : i32
        %add3A_468 = arith.addi %select_n3A, %add3A_467 : i32
        %lt3A_469 = arith.constant 250 : i32
        %lt3A_470 = arith.cmpi slt, %add3A_468, %lt3A_469 : i32
        %convert_element_type3A_471 = arith.extui %lt3A_470 : i1 to i32
        %cond3A_472 = arith.constant 0 : i32
        %cond3A_473 = arith.cmpi ne, %convert_element_type3A_471, %cond3A_472 : i32
        scf.if %cond3A_473 {
          %add3A_474 = arith.constant 1 : i32
          %add3A_475 = arith.addi %select_n3A, %add3A_474 : i32
          %mul3A_476 = arith.constant 1280 : i32
          %mul3A_477 = arith.muli %add3A_475, %mul3A_476 : i32
          %dma_start3A_478 = arith.constant 0 : i32
          %dma_start3A_479 = tpu.memref_slice %arg5[%dma_start3A_478] : memref<2576xi32, #tpu.memory_space<vmem>> -> memref<1280xi32, #tpu.memory_space<vmem>>
          %dma_start3A_480 = tpu.memref_slice %arg2[%mul3A_477] : memref<320000xi32, #tpu.memory_space<hbm>> -> memref<1280xi32, #tpu.memory_space<hbm>>
          %dma_start3A_481 = arith.constant 0 : i32
          %dma_start3A_482 = tpu.memref_slice %arg5[%dma_start3A_481] : memref<2576xi32, #tpu.memory_space<vmem>> -> memref<1280xi32, #tpu.memory_space<vmem>>
          %dma_start3A_483 = tpu.memref_slice %arg2[%mul3A_477] : memref<320000xi32, #tpu.memory_space<hbm>> -> memref<1280xi32, #tpu.memory_space<hbm>>
          tpu.enqueue_dma source(%dma_start3A_483 : memref<1280xi32, #tpu.memory_space<hbm>>) target(%dma_start3A_482 : memref<1280xi32, #tpu.memory_space<vmem>>) target_semaphore(%arg8 : memref<!tpu.dma_semaphore, #tpu.memory_space<semaphore_mem>>)
          %mul3A_484 = arith.constant 1280 : i32
          %mul3A_485 = arith.muli %add3A_475, %mul3A_484 : i32
          %dma_start3A_486 = arith.constant 0 : i32
          %dma_start3A_487 = tpu.memref_slice %arg6[%dma_start3A_486] : memref<2576xi32, #tpu.memory_space<vmem>> -> memref<1280xi32, #tpu.memory_space<vmem>>
          %dma_start3A_488 = tpu.memref_slice %arg3[%mul3A_485] : memref<320000xi32, #tpu.memory_space<hbm>> -> memref<1280xi32, #tpu.memory_space<hbm>>
          %dma_start3A_489 = arith.constant 0 : i32
          %dma_start3A_490 = tpu.memref_slice %arg6[%dma_start3A_489] : memref<2576xi32, #tpu.memory_space<vmem>> -> memref<1280xi32, #tpu.memory_space<vmem>>
          %dma_start3A_491 = tpu.memref_slice %arg3[%mul3A_485] : memref<320000xi32, #tpu.memory_space<hbm>> -> memref<1280xi32, #tpu.memory_space<hbm>>
          tpu.enqueue_dma source(%dma_start3A_491 : memref<1280xi32, #tpu.memory_space<hbm>>) target(%dma_start3A_490 : memref<1280xi32, #tpu.memory_space<vmem>>) target_semaphore(%arg8 : memref<!tpu.dma_semaphore, #tpu.memory_space<semaphore_mem>>)
        } else {
        }
      } else {
      }
      %mul3A_70 = arith.constant 16 : i32
      %mul3A_71 = arith.muli %select_n3A_61, %mul3A_70 : i32
      %mul3A_72 = arith.constant 16 : i32
      %mul3A_73 = arith.muli %mul3A_71, %mul3A_72 : i32
      %add3A_74 = arith.constant 0 : i32
      %add3A_75 = arith.addi %mul3A_73, %add3A_74 : i32
      %get3A = arith.index_cast %add3A_75 : i32 to index
      %get3A_76 = tpu.vector_load %arg5[%get3A] {strides = array<i32>} : memref<2576xi32, #tpu.memory_space<vmem>>, vector<16xi32>,
      %add3A_77 = arith.constant 16 : i32
      %add3A_78 = arith.addi %mul3A_73, %add3A_77 : i32
      %get3A_79 = arith.index_cast %add3A_78 : i32 to index
      %get3A_80 = tpu.vector_load %arg5[%get3A_79] {strides = array<i32>} : memref<2576xi32, #tpu.memory_space<vmem>>, vector<16xi32>,
      %add3A_81 = arith.constant 32 : i32
      %add3A_82 = arith.addi %mul3A_73, %add3A_81 : i32
      %get3A_83 = arith.index_cast %add3A_82 : i32 to index
      %get3A_84 = tpu.vector_load %arg5[%get3A_83] {strides = array<i32>} : memref<2576xi32, #tpu.memory_space<vmem>>, vector<16xi32>,
      %add3A_85 = arith.constant 48 : i32
      %add3A_86 = arith.addi %mul3A_73, %add3A_85 : i32
      %get3A_87 = arith.index_cast %add3A_86 : i32 to index
      %get3A_88 = tpu.vector_load %arg5[%get3A_87] {strides = array<i32>} : memref<2576xi32, #tpu.memory_space<vmem>>, vector<16xi32>,
      %add3A_89 = arith.constant 64 : i32
      %add3A_90 = arith.addi %mul3A_73, %add3A_89 : i32
      %get3A_91 = arith.index_cast %add3A_90 : i32 to index
      %get3A_92 = tpu.vector_load %arg5[%get3A_91] {strides = array<i32>} : memref<2576xi32, #tpu.memory_space<vmem>>, vector<16xi32>,
      %add3A_93 = arith.constant 80 : i32
      %add3A_94 = arith.addi %mul3A_73, %add3A_93 : i32
      %get3A_95 = arith.index_cast %add3A_94 : i32 to index
      %get3A_96 = tpu.vector_load %arg5[%get3A_95] {strides = array<i32>} : memref<2576xi32, #tpu.memory_space<vmem>>, vector<16xi32>,
      %add3A_97 = arith.constant 96 : i32
      %add3A_98 = arith.addi %mul3A_73, %add3A_97 : i32
      %get3A_99 = arith.index_cast %add3A_98 : i32 to index
      %get3A_100 = tpu.vector_load %arg5[%get3A_99] {strides = array<i32>} : memref<2576xi32, #tpu.memory_space<vmem>>, vector<16xi32>,
      %add3A_101 = arith.constant 112 : i32
      %add3A_102 = arith.addi %mul3A_73, %add3A_101 : i32
      %get3A_103 = arith.index_cast %add3A_102 : i32 to index
      %get3A_104 = tpu.vector_load %arg5[%get3A_103] {strides = array<i32>} : memref<2576xi32, #tpu.memory_space<vmem>>, vector<16xi32>,
      %add3A_105 = arith.constant 128 : i32
      %add3A_106 = arith.addi %mul3A_73, %add3A_105 : i32
      %get3A_107 = arith.index_cast %add3A_106 : i32 to index
      %get3A_108 = tpu.vector_load %arg5[%get3A_107] {strides = array<i32>} : memref<2576xi32, #tpu.memory_space<vmem>>, vector<16xi32>,
      %add3A_109 = arith.constant 144 : i32
      %add3A_110 = arith.addi %mul3A_73, %add3A_109 : i32
      %get3A_111 = arith.index_cast %add3A_110 : i32 to index
      %get3A_112 = tpu.vector_load %arg5[%get3A_111] {strides = array<i32>} : memref<2576xi32, #tpu.memory_space<vmem>>, vector<16xi32>,
      %add3A_113 = arith.constant 160 : i32
      %add3A_114 = arith.addi %mul3A_73, %add3A_113 : i32
      %get3A_115 = arith.index_cast %add3A_114 : i32 to index
      %get3A_116 = tpu.vector_load %arg5[%get3A_115] {strides = array<i32>} : memref<2576xi32, #tpu.memory_space<vmem>>, vector<16xi32>,
      %add3A_117 = arith.constant 176 : i32
      %add3A_118 = arith.addi %mul3A_73, %add3A_117 : i32
      %get3A_119 = arith.index_cast %add3A_118 : i32 to index
      %get3A_120 = tpu.vector_load %arg5[%get3A_119] {strides = array<i32>} : memref<2576xi32, #tpu.memory_space<vmem>>, vector<16xi32>,
      %add3A_121 = arith.constant 192 : i32
      %add3A_122 = arith.addi %mul3A_73, %add3A_121 : i32
      %get3A_123 = arith.index_cast %add3A_122 : i32 to index
      %get3A_124 = tpu.vector_load %arg5[%get3A_123] {strides = array<i32>} : memref<2576xi32, #tpu.memory_space<vmem>>, vector<16xi32>,
      %add3A_125 = arith.constant 208 : i32
      %add3A_126 = arith.addi %mul3A_73, %add3A_125 : i32
      %get3A_127 = arith.index_cast %add3A_126 : i32 to index
      %get3A_128 = tpu.vector_load %arg5[%get3A_127] {strides = array<i32>} : memref<2576xi32, #tpu.memory_space<vmem>>, vector<16xi32>,
      %add3A_129 = arith.constant 224 : i32
      %add3A_130 = arith.addi %mul3A_73, %add3A_129 : i32
      %get3A_131 = arith.index_cast %add3A_130 : i32 to index
      %get3A_132 = tpu.vector_load %arg5[%get3A_131] {strides = array<i32>} : memref<2576xi32, #tpu.memory_space<vmem>>, vector<16xi32>,
      %add3A_133 = arith.constant 240 : i32
      %add3A_134 = arith.addi %mul3A_73, %add3A_133 : i32
      %get3A_135 = arith.index_cast %add3A_134 : i32 to index
      %get3A_136 = tpu.vector_load %arg5[%get3A_135] {strides = array<i32>} : memref<2576xi32, #tpu.memory_space<vmem>>, vector<16xi32>,
      %ge3A = vector.broadcast %mul3A_2 : i32 to vector<16xi32>
      %ge3A_137 = arith.cmpi sge, %get3A_76, %ge3A : vector<16xi32>
      %lt3A_138 = vector.broadcast %add3A_4 : i32 to vector<16xi32>
      %lt3A_139 = arith.cmpi slt, %get3A_76, %lt3A_138 : vector<16xi32>
      %and3A_140 = arith.andi %ge3A_137, %lt3A_139 : vector<16xi1>
      %ge3A_141 = vector.broadcast %mul3A_2 : i32 to vector<16xi32>
      %ge3A_142 = arith.cmpi sge, %get3A_80, %ge3A_141 : vector<16xi32>
      %lt3A_143 = vector.broadcast %add3A_4 : i32 to vector<16xi32>
      %lt3A_144 = arith.cmpi slt, %get3A_80, %lt3A_143 : vector<16xi32>
      %and3A_145 = arith.andi %ge3A_142, %lt3A_144 : vector<16xi1>
      %ge3A_146 = vector.broadcast %mul3A_2 : i32 to vector<16xi32>
      %ge3A_147 = arith.cmpi sge, %get3A_84, %ge3A_146 : vector<16xi32>
      %lt3A_148 = vector.broadcast %add3A_4 : i32 to vector<16xi32>
      %lt3A_149 = arith.cmpi slt, %get3A_84, %lt3A_148 : vector<16xi32>
      %and3A_150 = arith.andi %ge3A_147, %lt3A_149 : vector<16xi1>
      %ge3A_151 = vector.broadcast %mul3A_2 : i32 to vector<16xi32>
      %ge3A_152 = arith.cmpi sge, %get3A_88, %ge3A_151 : vector<16xi32>
      %lt3A_153 = vector.broadcast %add3A_4 : i32 to vector<16xi32>
      %lt3A_154 = arith.cmpi slt, %get3A_88, %lt3A_153 : vector<16xi32>
      %and3A_155 = arith.andi %ge3A_152, %lt3A_154 : vector<16xi1>
      %ge3A_156 = vector.broadcast %mul3A_2 : i32 to vector<16xi32>
      %ge3A_157 = arith.cmpi sge, %get3A_92, %ge3A_156 : vector<16xi32>
      %lt3A_158 = vector.broadcast %add3A_4 : i32 to vector<16xi32>
      %lt3A_159 = arith.cmpi slt, %get3A_92, %lt3A_158 : vector<16xi32>
      %and3A_160 = arith.andi %ge3A_157, %lt3A_159 : vector<16xi1>
      %ge3A_161 = vector.broadcast %mul3A_2 : i32 to vector<16xi32>
      %ge3A_162 = arith.cmpi sge, %get3A_96, %ge3A_161 : vector<16xi32>
      %lt3A_163 = vector.broadcast %add3A_4 : i32 to vector<16xi32>
      %lt3A_164 = arith.cmpi slt, %get3A_96, %lt3A_163 : vector<16xi32>
      %and3A_165 = arith.andi %ge3A_162, %lt3A_164 : vector<16xi1>
      %ge3A_166 = vector.broadcast %mul3A_2 : i32 to vector<16xi32>
      %ge3A_167 = arith.cmpi sge, %get3A_100, %ge3A_166 : vector<16xi32>
      %lt3A_168 = vector.broadcast %add3A_4 : i32 to vector<16xi32>
      %lt3A_169 = arith.cmpi slt, %get3A_100, %lt3A_168 : vector<16xi32>
      %and3A_170 = arith.andi %ge3A_167, %lt3A_169 : vector<16xi1>
      %ge3A_171 = vector.broadcast %mul3A_2 : i32 to vector<16xi32>
      %ge3A_172 = arith.cmpi sge, %get3A_104, %ge3A_171 : vector<16xi32>
      %lt3A_173 = vector.broadcast %add3A_4 : i32 to vector<16xi32>
      %lt3A_174 = arith.cmpi slt, %get3A_104, %lt3A_173 : vector<16xi32>
      %and3A_175 = arith.andi %ge3A_172, %lt3A_174 : vector<16xi1>
      %ge3A_176 = vector.broadcast %mul3A_2 : i32 to vector<16xi32>
      %ge3A_177 = arith.cmpi sge, %get3A_108, %ge3A_176 : vector<16xi32>
      %lt3A_178 = vector.broadcast %add3A_4 : i32 to vector<16xi32>
      %lt3A_179 = arith.cmpi slt, %get3A_108, %lt3A_178 : vector<16xi32>
      %and3A_180 = arith.andi %ge3A_177, %lt3A_179 : vector<16xi1>
      %ge3A_181 = vector.broadcast %mul3A_2 : i32 to vector<16xi32>
      %ge3A_182 = arith.cmpi sge, %get3A_112, %ge3A_181 : vector<16xi32>
      %lt3A_183 = vector.broadcast %add3A_4 : i32 to vector<16xi32>
      %lt3A_184 = arith.cmpi slt, %get3A_112, %lt3A_183 : vector<16xi32>
      %and3A_185 = arith.andi %ge3A_182, %lt3A_184 : vector<16xi1>
      %ge3A_186 = vector.broadcast %mul3A_2 : i32 to vector<16xi32>
      %ge3A_187 = arith.cmpi sge, %get3A_116, %ge3A_186 : vector<16xi32>
      %lt3A_188 = vector.broadcast %add3A_4 : i32 to vector<16xi32>
      %lt3A_189 = arith.cmpi slt, %get3A_116, %lt3A_188 : vector<16xi32>
      %and3A_190 = arith.andi %ge3A_187, %lt3A_189 : vector<16xi1>
      %ge3A_191 = vector.broadcast %mul3A_2 : i32 to vector<16xi32>
      %ge3A_192 = arith.cmpi sge, %get3A_120, %ge3A_191 : vector<16xi32>
      %lt3A_193 = vector.broadcast %add3A_4 : i32 to vector<16xi32>
      %lt3A_194 = arith.cmpi slt, %get3A_120, %lt3A_193 : vector<16xi32>
      %and3A_195 = arith.andi %ge3A_192, %lt3A_194 : vector<16xi1>
      %ge3A_196 = vector.broadcast %mul3A_2 : i32 to vector<16xi32>
      %ge3A_197 = arith.cmpi sge, %get3A_124, %ge3A_196 : vector<16xi32>
      %lt3A_198 = vector.broadcast %add3A_4 : i32 to vector<16xi32>
      %lt3A_199 = arith.cmpi slt, %get3A_124, %lt3A_198 : vector<16xi32>
      %and3A_200 = arith.andi %ge3A_197, %lt3A_199 : vector<16xi1>
      %ge3A_201 = vector.broadcast %mul3A_2 : i32 to vector<16xi32>
      %ge3A_202 = arith.cmpi sge, %get3A_128, %ge3A_201 : vector<16xi32>
      %lt3A_203 = vector.broadcast %add3A_4 : i32 to vector<16xi32>
      %lt3A_204 = arith.cmpi slt, %get3A_128, %lt3A_203 : vector<16xi32>
      %and3A_205 = arith.andi %ge3A_202, %lt3A_204 : vector<16xi1>
      %ge3A_206 = vector.broadcast %mul3A_2 : i32 to vector<16xi32>
      %ge3A_207 = arith.cmpi sge, %get3A_132, %ge3A_206 : vector<16xi32>
      %lt3A_208 = vector.broadcast %add3A_4 : i32 to vector<16xi32>
      %lt3A_209 = arith.cmpi slt, %get3A_132, %lt3A_208 : vector<16xi32>
      %and3A_210 = arith.andi %ge3A_207, %lt3A_209 : vector<16xi1>
      %ge3A_211 = vector.broadcast %mul3A_2 : i32 to vector<16xi32>
      %ge3A_212 = arith.cmpi sge, %get3A_136, %ge3A_211 : vector<16xi32>
      %lt3A_213 = vector.broadcast %add3A_4 : i32 to vector<16xi32>
      %lt3A_214 = arith.cmpi slt, %get3A_136, %lt3A_213 : vector<16xi32>
      %and3A_215 = arith.andi %ge3A_212, %lt3A_214 : vector<16xi1>
      %all_reduce_population_count3A = tpu.all_reduce %and3A_140 {dim = 0 : i64, kind = #tpu.reduction_kind<sum>} : vector<16xi1> -> vector<16xi32>
      %slice3A = vector.extract_strided_slice %all_reduce_population_count3A {offsets = [0], sizes = [1], strides = [1]} : vector<16xi32> to vector<1xi32>
      %squeeze3A = vector.extract %slice3A[0] : i32 from vector<1xi32>
      %all_reduce_population_count3A_216 = tpu.all_reduce %and3A_145 {dim = 0 : i64, kind = #tpu.reduction_kind<sum>} : vector<16xi1> -> vector<16xi32>
      %slice3A_217 = vector.extract_strided_slice %all_reduce_population_count3A_216 {offsets = [0], sizes = [1], strides = [1]} : vector<16xi32> to vector<1xi32>
      %squeeze3A_218 = vector.extract %slice3A_217[0] : i32 from vector<1xi32>
      %all_reduce_population_count3A_219 = tpu.all_reduce %and3A_150 {dim = 0 : i64, kind = #tpu.reduction_kind<sum>} : vector<16xi1> -> vector<16xi32>
      %slice3A_220 = vector.extract_strided_slice %all_reduce_population_count3A_219 {offsets = [0], sizes = [1], strides = [1]} : vector<16xi32> to vector<1xi32>
      %squeeze3A_221 = vector.extract %slice3A_220[0] : i32 from vector<1xi32>
      %all_reduce_population_count3A_222 = tpu.all_reduce %and3A_155 {dim = 0 : i64, kind = #tpu.reduction_kind<sum>} : vector<16xi1> -> vector<16xi32>
      %slice3A_223 = vector.extract_strided_slice %all_reduce_population_count3A_222 {offsets = [0], sizes = [1], strides = [1]} : vector<16xi32> to vector<1xi32>
      %squeeze3A_224 = vector.extract %slice3A_223[0] : i32 from vector<1xi32>
      %all_reduce_population_count3A_225 = tpu.all_reduce %and3A_160 {dim = 0 : i64, kind = #tpu.reduction_kind<sum>} : vector<16xi1> -> vector<16xi32>
      %slice3A_226 = vector.extract_strided_slice %all_reduce_population_count3A_225 {offsets = [0], sizes = [1], strides = [1]} : vector<16xi32> to vector<1xi32>
      %squeeze3A_227 = vector.extract %slice3A_226[0] : i32 from vector<1xi32>
      %all_reduce_population_count3A_228 = tpu.all_reduce %and3A_165 {dim = 0 : i64, kind = #tpu.reduction_kind<sum>} : vector<16xi1> -> vector<16xi32>
      %slice3A_229 = vector.extract_strided_slice %all_reduce_population_count3A_228 {offsets = [0], sizes = [1], strides = [1]} : vector<16xi32> to vector<1xi32>
      %squeeze3A_230 = vector.extract %slice3A_229[0] : i32 from vector<1xi32>
      %all_reduce_population_count3A_231 = tpu.all_reduce %and3A_170 {dim = 0 : i64, kind = #tpu.reduction_kind<sum>} : vector<16xi1> -> vector<16xi32>
      %slice3A_232 = vector.extract_strided_slice %all_reduce_population_count3A_231 {offsets = [0], sizes = [1], strides = [1]} : vector<16xi32> to vector<1xi32>
      %squeeze3A_233 = vector.extract %slice3A_232[0] : i32 from vector<1xi32>
      %all_reduce_population_count3A_234 = tpu.all_reduce %and3A_175 {dim = 0 : i64, kind = #tpu.reduction_kind<sum>} : vector<16xi1> -> vector<16xi32>
      %slice3A_235 = vector.extract_strided_slice %all_reduce_population_count3A_234 {offsets = [0], sizes = [1], strides = [1]} : vector<16xi32> to vector<1xi32>
      %squeeze3A_236 = vector.extract %slice3A_235[0] : i32 from vector<1xi32>
      %all_reduce_population_count3A_237 = tpu.all_reduce %and3A_180 {dim = 0 : i64, kind = #tpu.reduction_kind<sum>} : vector<16xi1> -> vector<16xi32>
      %slice3A_238 = vector.extract_strided_slice %all_reduce_population_count3A_237 {offsets = [0], sizes = [1], strides = [1]} : vector<16xi32> to vector<1xi32>
      %squeeze3A_239 = vector.extract %slice3A_238[0] : i32 from vector<1xi32>
      %all_reduce_population_count3A_240 = tpu.all_reduce %and3A_185 {dim = 0 : i64, kind = #tpu.reduction_kind<sum>} : vector<16xi1> -> vector<16xi32>
      %slice3A_241 = vector.extract_strided_slice %all_reduce_population_count3A_240 {offsets = [0], sizes = [1], strides = [1]} : vector<16xi32> to vector<1xi32>
      %squeeze3A_242 = vector.extract %slice3A_241[0] : i32 from vector<1xi32>
      %all_reduce_population_count3A_243 = tpu.all_reduce %and3A_190 {dim = 0 : i64, kind = #tpu.reduction_kind<sum>} : vector<16xi1> -> vector<16xi32>
      %slice3A_244 = vector.extract_strided_slice %all_reduce_population_count3A_243 {offsets = [0], sizes = [1], strides = [1]} : vector<16xi32> to vector<1xi32>
      %squeeze3A_245 = vector.extract %slice3A_244[0] : i32 from vector<1xi32>
      %all_reduce_population_count3A_246 = tpu.all_reduce %and3A_195 {dim = 0 : i64, kind = #tpu.reduction_kind<sum>} : vector<16xi1> -> vector<16xi32>
      %slice3A_247 = vector.extract_strided_slice %all_reduce_population_count3A_246 {offsets = [0], sizes = [1], strides = [1]} : vector<16xi32> to vector<1xi32>
      %squeeze3A_248 = vector.extract %slice3A_247[0] : i32 from vector<1xi32>
      %all_reduce_population_count3A_249 = tpu.all_reduce %and3A_200 {dim = 0 : i64, kind = #tpu.reduction_kind<sum>} : vector<16xi1> -> vector<16xi32>
      %slice3A_250 = vector.extract_strided_slice %all_reduce_population_count3A_249 {offsets = [0], sizes = [1], strides = [1]} : vector<16xi32> to vector<1xi32>
      %squeeze3A_251 = vector.extract %slice3A_250[0] : i32 from vector<1xi32>
      %all_reduce_population_count3A_252 = tpu.all_reduce %and3A_205 {dim = 0 : i64, kind = #tpu.reduction_kind<sum>} : vector<16xi1> -> vector<16xi32>
      %slice3A_253 = vector.extract_strided_slice %all_reduce_population_count3A_252 {offsets = [0], sizes = [1], strides = [1]} : vector<16xi32> to vector<1xi32>
      %squeeze3A_254 = vector.extract %slice3A_253[0] : i32 from vector<1xi32>
      %all_reduce_population_count3A_255 = tpu.all_reduce %and3A_210 {dim = 0 : i64, kind = #tpu.reduction_kind<sum>} : vector<16xi1> -> vector<16xi32>
      %slice3A_256 = vector.extract_strided_slice %all_reduce_population_count3A_255 {offsets = [0], sizes = [1], strides = [1]} : vector<16xi32> to vector<1xi32>
      %squeeze3A_257 = vector.extract %slice3A_256[0] : i32 from vector<1xi32>
      %all_reduce_population_count3A_258 = tpu.all_reduce %and3A_215 {dim = 0 : i64, kind = #tpu.reduction_kind<sum>} : vector<16xi1> -> vector<16xi32>
      %slice3A_259 = vector.extract_strided_slice %all_reduce_population_count3A_258 {offsets = [0], sizes = [1], strides = [1]} : vector<16xi32> to vector<1xi32>
      %squeeze3A_260 = vector.extract %slice3A_259[0] : i32 from vector<1xi32>
      %add3A_261 = arith.constant 0 : i32
      %add3A_262 = arith.addi %mul3A_73, %add3A_261 : i32
      %eq3A_263 = arith.constant 1 : i32
      %eq3A_264 = arith.cmpi eq, %squeeze3A, %eq3A_263 : i32
      %convert_element_type3A_265 = arith.extui %eq3A_264 : i1 to i32
      %cond3A_266 = arith.constant 0 : i32
      %cond3A_267 = arith.cmpi ne, %convert_element_type3A_265, %cond3A_266 : i32
      scf.if %cond3A_267 {
        %get3A_452 = arith.index_cast %add3A_262 : i32 to index
        %get3A_453 = tpu.vector_load %arg6[%get3A_452] {strides = array<i32>} : memref<2576xi32, #tpu.memory_space<vmem>>, vector<16xi32>,
        %sub3A_454 = vector.broadcast %mul3A_2 : i32 to vector<16xi32>
        %sub3A_455 = arith.subi %get3A_76, %sub3A_454 : vector<16xi32>
        %mul3A_456 = arith.constant 384 : i32
        %mul3A_457 = vector.broadcast %mul3A_456 : i32 to vector<16xi32>
        %mul3A_458 = arith.muli %sub3A_455, %mul3A_457 : vector<16xi32>
        %shift_right_arithmetic3A = arith.constant 5 : i32
        %shift_right_arithmetic3A_459 = vector.broadcast %shift_right_arithmetic3A : i32 to vector<16xi32>
        %shift_right_arithmetic3A_460 = arith.shrsi %get3A_453, %shift_right_arithmetic3A_459 : vector<16xi32>
        %add3A_461 = arith.addi %mul3A_458, %shift_right_arithmetic3A_460 : vector<16xi32>
        %and3A_462 = arith.constant 31 : i32
        %and3A_463 = vector.broadcast %and3A_462 : i32 to vector<16xi32>
        %and3A_464 = arith.andi %get3A_453, %and3A_463 : vector<16xi32>
        %shift_left3A = arith.constant 1 : i32
        %shift_left3A_465 = vector.broadcast %shift_left3A : i32 to vector<16xi32>
        %shift_left3A_466 = arith.shli %shift_left3A_465, %and3A_464 : vector<16xi32>
        %gather3A = arith.constant 0 : i32
        %gather3A_467 = tpu.memref_slice %arg7[%gather3A] : memref<122880xi32, #tpu.memory_space<vmem>> -> memref<122880xi32, #tpu.memory_space<vmem>>
        %gather3A_468 = tpu.vector_load_idx %gather3A_467[%add3A_461] masked %and3A_140 : memref<122880xi32, #tpu.memory_space<vmem>>[vector<16xi32>], vector<16xi32>, vector<16xi1>
        %or3A = arith.ori %gather3A_468, %shift_left3A_466 : vector<16xi32>
        %scatter3A = arith.constant 0 : i32
        %scatter3A_469 = tpu.memref_slice %arg7[%scatter3A] : memref<122880xi32, #tpu.memory_space<vmem>> -> memref<122880xi32, #tpu.memory_space<vmem>>
        tpu.vector_store_idx %scatter3A_469[%add3A_461], %or3A masked %and3A_140 : memref<122880xi32, #tpu.memory_space<vmem>>[vector<16xi32>], vector<16xi32>, vector<16xi1>
      } else {
      }
      %gt3A = arith.constant 1 : i32
      %gt3A_268 = arith.cmpi sgt, %squeeze3A, %gt3A : i32
      %convert_element_type3A_269 = arith.extui %gt3A_268 : i1 to i32
      %cond3A_270 = arith.constant 0 : i32
      %cond3A_271 = arith.cmpi ne, %convert_element_type3A_269, %cond3A_270 : i32
      scf.if %cond3A_271 {
        %while3A = arith.constant 0 : i32
        %while3A_452 = arith.subi %squeeze3A, %while3A : i32
        %while3A_453 = arith.addi %while3A, %while3A_452 : i32
        %while3A_454 = arith.constant 1 : i32
        %while3A_455 = arith.divsi %while3A_452, %while3A_454 : i32
        %while3A_456 = arith.muli %while3A_455, %while3A_454 : i32
        %while3A_457 = arith.addi %while3A, %while3A_456 : i32
        %while3A_458 = arith.constant 1 : i32
        %while3A_459 = scf.for %while3A_462 = %while3A to %while3A_457 step %while3A_458 iter_args(%while3A_463 = %and3A_140) -> (vector<16xi1>)  : i32 {
          %all_reduce_ffs3A = tpu.all_reduce %while3A_463 {dim = 0 : i64, kind = #tpu.reduction_kind<find_first_set>} : vector<16xi1> -> vector<16xi32>
          %slice3A_464 = vector.extract_strided_slice %all_reduce_ffs3A {offsets = [0], sizes = [1], strides = [1]} : vector<16xi32> to vector<1xi32>
          %squeeze3A_465 = vector.extract %slice3A_464[0] : i32 from vector<1xi32>
          %add3A_466 = arith.addi %add3A_262, %squeeze3A_465 : i32
          %get3A_467 = arith.index_cast %add3A_466 : i32 to index
          %get3A_468 = tpu.vector_load %arg5[%get3A_467] {strides = array<i32>} : memref<2576xi32, #tpu.memory_space<vmem>>, vector<16xi32>,
          %slice3A_469 = vector.extract_strided_slice %get3A_468 {offsets = [0], sizes = [1], strides = [1]} : vector<16xi32> to vector<1xi32>
          %squeeze3A_470 = vector.extract %slice3A_469[0] : i32 from vector<1xi32>
          %add3A_471 = arith.addi %add3A_262, %squeeze3A_465 : i32
          %get3A_472 = arith.index_cast %add3A_471 : i32 to index
          %get3A_473 = tpu.vector_load %arg6[%get3A_472] {strides = array<i32>} : memref<2576xi32, #tpu.memory_space<vmem>>, vector<16xi32>,
          %slice3A_474 = vector.extract_strided_slice %get3A_473 {offsets = [0], sizes = [1], strides = [1]} : vector<16xi32> to vector<1xi32>
          %squeeze3A_475 = vector.extract %slice3A_474[0] : i32 from vector<1xi32>
          %shift_right_arithmetic3A = arith.constant 5 : i32
          %shift_right_arithmetic3A_476 = arith.shrsi %squeeze3A_475, %shift_right_arithmetic3A : i32
          %shift_right_arithmetic3A_477 = arith.constant 4 : i32
          %shift_right_arithmetic3A_478 = arith.shrsi %shift_right_arithmetic3A_476, %shift_right_arithmetic3A_477 : i32
          %mul3A_479 = arith.constant 16 : i32
          %mul3A_480 = arith.muli %shift_right_arithmetic3A_478, %mul3A_479 : i32
          %sub3A_481 = arith.subi %shift_right_arithmetic3A_476, %mul3A_480 : i32
          %sub3A_482 = arith.subi %squeeze3A_470, %mul3A_2 : i32
          %mul3A_483 = arith.constant 384 : i32
          %mul3A_484 = arith.muli %sub3A_482, %mul3A_483 : i32
          %add3A_485 = arith.addi %mul3A_484, %mul3A_480 : i32
          %and3A_486 = arith.constant 31 : i32
          %and3A_487 = arith.andi %squeeze3A_475, %and3A_486 : i32
          %shift_left3A = arith.constant 1 : i32
          %shift_left3A_488 = arith.shli %shift_left3A, %and3A_487 : i32
          %get3A_489 = arith.index_cast %add3A_485 : i32 to index
          %get3A_490 = tpu.vector_load %arg7[%get3A_489] {strides = array<i32>} : memref<122880xi32, #tpu.memory_space<vmem>>, vector<16xi32>,
          %iota3A = tpu.iota {dimensions = array<i32: 0>} : vector<16xi32>
          %eq3A_491 = vector.broadcast %sub3A_481 : i32 to vector<16xi32>
          %eq3A_492 = arith.cmpi eq, %iota3A, %eq3A_491 : vector<16xi32>
          %or3A = vector.broadcast %shift_left3A_488 : i32 to vector<16xi32>
          %or3A_493 = arith.ori %get3A_490, %or3A : vector<16xi32>
          %select_n3A_494 = arith.select %eq3A_492, %or3A_493, %get3A_490 : vector<16xi1>, vector<16xi32>
          %swap3A = arith.index_cast %add3A_485 : i32 to index
          %swap3A_495 = tpu.vector_load %arg7[%swap3A] {strides = array<i32>} : memref<122880xi32, #tpu.memory_space<vmem>>, vector<16xi32>,
          tpu.vector_store %arg7[%swap3A], %select_n3A_494 {strides = array<i32>} : memref<122880xi32, #tpu.memory_space<vmem>>, vector<16xi32>,
          %iota3A_496 = tpu.iota {dimensions = array<i32: 0>} : vector<16xi32>
          %ne3A_497 = vector.broadcast %squeeze3A_465 : i32 to vector<16xi32>
          %ne3A_498 = arith.cmpi ne, %iota3A_496, %ne3A_497 : vector<16xi32>
          %and3A_499 = arith.andi %while3A_463, %ne3A_498 : vector<16xi1>
          scf.yield %and3A_499 : vector<16xi1>
        }
        %while3A_460 = arith.constant 1 : i32
        %while3A_461 = scf.for %while3A_462 = %while3A_457 to %while3A_453 step %while3A_460 iter_args(%while3A_463 = %while3A_459) -> (vector<16xi1>)  : i32 {
          %all_reduce_ffs3A = tpu.all_reduce %while3A_463 {dim = 0 : i64, kind = #tpu.reduction_kind<find_first_set>} : vector<16xi1> -> vector<16xi32>
          %slice3A_464 = vector.extract_strided_slice %all_reduce_ffs3A {offsets = [0], sizes = [1], strides = [1]} : vector<16xi32> to vector<1xi32>
          %squeeze3A_465 = vector.extract %slice3A_464[0] : i32 from vector<1xi32>
          %add3A_466 = arith.addi %add3A_262, %squeeze3A_465 : i32
          %get3A_467 = arith.index_cast %add3A_466 : i32 to index
          %get3A_468 = tpu.vector_load %arg5[%get3A_467] {strides = array<i32>} : memref<2576xi32, #tpu.memory_space<vmem>>, vector<16xi32>,
          %slice3A_469 = vector.extract_strided_slice %get3A_468 {offsets = [0], sizes = [1], strides = [1]} : vector<16xi32> to vector<1xi32>
          %squeeze3A_470 = vector.extract %slice3A_469[0] : i32 from vector<1xi32>
          %add3A_471 = arith.addi %add3A_262, %squeeze3A_465 : i32
          %get3A_472 = arith.index_cast %add3A_471 : i32 to index
          %get3A_473 = tpu.vector_load %arg6[%get3A_472] {strides = array<i32>} : memref<2576xi32, #tpu.memory_space<vmem>>, vector<16xi32>,
          %slice3A_474 = vector.extract_strided_slice %get3A_473 {offsets = [0], sizes = [1], strides = [1]} : vector<16xi32> to vector<1xi32>
          %squeeze3A_475 = vector.extract %slice3A_474[0] : i32 from vector<1xi32>
          %shift_right_arithmetic3A = arith.constant 5 : i32
          %shift_right_arithmetic3A_476 = arith.shrsi %squeeze3A_475, %shift_right_arithmetic3A : i32
          %shift_right_arithmetic3A_477 = arith.constant 4 : i32
          %shift_right_arithmetic3A_478 = arith.shrsi %shift_right_arithmetic3A_476, %shift_right_arithmetic3A_477 : i32
          %mul3A_479 = arith.constant 16 : i32
          %mul3A_480 = arith.muli %shift_right_arithmetic3A_478, %mul3A_479 : i32
          %sub3A_481 = arith.subi %shift_right_arithmetic3A_476, %mul3A_480 : i32
          %sub3A_482 = arith.subi %squeeze3A_470, %mul3A_2 : i32
          %mul3A_483 = arith.constant 384 : i32
          %mul3A_484 = arith.muli %sub3A_482, %mul3A_483 : i32
          %add3A_485 = arith.addi %mul3A_484, %mul3A_480 : i32
          %and3A_486 = arith.constant 31 : i32
          %and3A_487 = arith.andi %squeeze3A_475, %and3A_486 : i32
          %shift_left3A = arith.constant 1 : i32
          %shift_left3A_488 = arith.shli %shift_left3A, %and3A_487 : i32
          %get3A_489 = arith.index_cast %add3A_485 : i32 to index
          %get3A_490 = tpu.vector_load %arg7[%get3A_489] {strides = array<i32>} : memref<122880xi32, #tpu.memory_space<vmem>>, vector<16xi32>,
          %iota3A = tpu.iota {dimensions = array<i32: 0>} : vector<16xi32>
          %eq3A_491 = vector.broadcast %sub3A_481 : i32 to vector<16xi32>
          %eq3A_492 = arith.cmpi eq, %iota3A, %eq3A_491 : vector<16xi32>
          %or3A = vector.broadcast %shift_left3A_488 : i32 to vector<16xi32>
          %or3A_493 = arith.ori %get3A_490, %or3A : vector<16xi32>
          %select_n3A_494 = arith.select %eq3A_492, %or3A_493, %get3A_490 : vector<16xi1>, vector<16xi32>
          %swap3A = arith.index_cast %add3A_485 : i32 to index
          %swap3A_495 = tpu.vector_load %arg7[%swap3A] {strides = array<i32>} : memref<122880xi32, #tpu.memory_space<vmem>>, vector<16xi32>,
          tpu.vector_store %arg7[%swap3A], %select_n3A_494 {strides = array<i32>} : memref<122880xi32, #tpu.memory_space<vmem>>, vector<16xi32>,
          %iota3A_496 = tpu.iota {dimensions = array<i32: 0>} : vector<16xi32>
          %ne3A_497 = vector.broadcast %squeeze3A_465 : i32 to vector<16xi32>
          %ne3A_498 = arith.cmpi ne, %iota3A_496, %ne3A_497 : vector<16xi32>
          %and3A_499 = arith.andi %while3A_463, %ne3A_498 : vector<16xi1>
          scf.yield %and3A_499 : vector<16xi1>
        }
      } else {
      }
      %add3A_272 = arith.constant 16 : i32
      %add3A_273 = arith.addi %mul3A_73, %add3A_272 : i32
      %eq3A_274 = arith.constant 1 : i32
      %eq3A_275 = arith.cmpi eq, %squeeze3A_218, %eq3A_274 : i32
      %convert_element_type3A_276 = arith.extui %eq3A_275 : i1 to i32
      %cond3A_277 = arith.constant 0 : i32
      %cond3A_278 = arith.cmpi ne, %convert_element_type3A_276, %cond3A_277 : i32
      scf.if %cond3A_278 {
        %get3A_452 = arith.index_cast %add3A_273 : i32 to index
        %get3A_453 = tpu.vector_load %arg6[%get3A_452] {strides = array<i32>} : memref<2576xi32, #tpu.memory_space<vmem>>, vector<16xi32>,
        %sub3A_454 = vector.broadcast %mul3A_2 : i32 to vector<16xi32>
        %sub3A_455 = arith.subi %get3A_80, %sub3A_454 : vector<16xi32>
        %mul3A_456 = arith.constant 384 : i32
        %mul3A_457 = vector.broadcast %mul3A_456 : i32 to vector<16xi32>
        %mul3A_458 = arith.muli %sub3A_455, %mul3A_457 : vector<16xi32>
        %shift_right_arithmetic3A = arith.constant 5 : i32
        %shift_right_arithmetic3A_459 = vector.broadcast %shift_right_arithmetic3A : i32 to vector<16xi32>
        %shift_right_arithmetic3A_460 = arith.shrsi %get3A_453, %shift_right_arithmetic3A_459 : vector<16xi32>
        %add3A_461 = arith.addi %mul3A_458, %shift_right_arithmetic3A_460 : vector<16xi32>
        %and3A_462 = arith.constant 31 : i32
        %and3A_463 = vector.broadcast %and3A_462 : i32 to vector<16xi32>
        %and3A_464 = arith.andi %get3A_453, %and3A_463 : vector<16xi32>
        %shift_left3A = arith.constant 1 : i32
        %shift_left3A_465 = vector.broadcast %shift_left3A : i32 to vector<16xi32>
        %shift_left3A_466 = arith.shli %shift_left3A_465, %and3A_464 : vector<16xi32>
        %gather3A = arith.constant 0 : i32
        %gather3A_467 = tpu.memref_slice %arg7[%gather3A] : memref<122880xi32, #tpu.memory_space<vmem>> -> memref<122880xi32, #tpu.memory_space<vmem>>
        %gather3A_468 = tpu.vector_load_idx %gather3A_467[%add3A_461] masked %and3A_145 : memref<122880xi32, #tpu.memory_space<vmem>>[vector<16xi32>], vector<16xi32>, vector<16xi1>
        %or3A = arith.ori %gather3A_468, %shift_left3A_466 : vector<16xi32>
        %scatter3A = arith.constant 0 : i32
        %scatter3A_469 = tpu.memref_slice %arg7[%scatter3A] : memref<122880xi32, #tpu.memory_space<vmem>> -> memref<122880xi32, #tpu.memory_space<vmem>>
        tpu.vector_store_idx %scatter3A_469[%add3A_461], %or3A masked %and3A_145 : memref<122880xi32, #tpu.memory_space<vmem>>[vector<16xi32>], vector<16xi32>, vector<16xi1>
      } else {
      }
      %gt3A_279 = arith.constant 1 : i32
      %gt3A_280 = arith.cmpi sgt, %squeeze3A_218, %gt3A_279 : i32
      %convert_element_type3A_281 = arith.extui %gt3A_280 : i1 to i32
      %cond3A_282 = arith.constant 0 : i32
      %cond3A_283 = arith.cmpi ne, %convert_element_type3A_281, %cond3A_282 : i32
      scf.if %cond3A_283 {
        %while3A = arith.constant 0 : i32
        %while3A_452 = arith.subi %squeeze3A_218, %while3A : i32
        %while3A_453 = arith.addi %while3A, %while3A_452 : i32
        %while3A_454 = arith.constant 1 : i32
        %while3A_455 = arith.divsi %while3A_452, %while3A_454 : i32
        %while3A_456 = arith.muli %while3A_455, %while3A_454 : i32
        %while3A_457 = arith.addi %while3A, %while3A_456 : i32
        %while3A_458 = arith.constant 1 : i32
        %while3A_459 = scf.for %while3A_462 = %while3A to %while3A_457 step %while3A_458 iter_args(%while3A_463 = %and3A_145) -> (vector<16xi1>)  : i32 {
          %all_reduce_ffs3A = tpu.all_reduce %while3A_463 {dim = 0 : i64, kind = #tpu.reduction_kind<find_first_set>} : vector<16xi1> -> vector<16xi32>
          %slice3A_464 = vector.extract_strided_slice %all_reduce_ffs3A {offsets = [0], sizes = [1], strides = [1]} : vector<16xi32> to vector<1xi32>
          %squeeze3A_465 = vector.extract %slice3A_464[0] : i32 from vector<1xi32>
          %add3A_466 = arith.addi %add3A_273, %squeeze3A_465 : i32
          %get3A_467 = arith.index_cast %add3A_466 : i32 to index
          %get3A_468 = tpu.vector_load %arg5[%get3A_467] {strides = array<i32>} : memref<2576xi32, #tpu.memory_space<vmem>>, vector<16xi32>,
          %slice3A_469 = vector.extract_strided_slice %get3A_468 {offsets = [0], sizes = [1], strides = [1]} : vector<16xi32> to vector<1xi32>
          %squeeze3A_470 = vector.extract %slice3A_469[0] : i32 from vector<1xi32>
          %add3A_471 = arith.addi %add3A_273, %squeeze3A_465 : i32
          %get3A_472 = arith.index_cast %add3A_471 : i32 to index
          %get3A_473 = tpu.vector_load %arg6[%get3A_472] {strides = array<i32>} : memref<2576xi32, #tpu.memory_space<vmem>>, vector<16xi32>,
          %slice3A_474 = vector.extract_strided_slice %get3A_473 {offsets = [0], sizes = [1], strides = [1]} : vector<16xi32> to vector<1xi32>
          %squeeze3A_475 = vector.extract %slice3A_474[0] : i32 from vector<1xi32>
          %shift_right_arithmetic3A = arith.constant 5 : i32
          %shift_right_arithmetic3A_476 = arith.shrsi %squeeze3A_475, %shift_right_arithmetic3A : i32
          %shift_right_arithmetic3A_477 = arith.constant 4 : i32
          %shift_right_arithmetic3A_478 = arith.shrsi %shift_right_arithmetic3A_476, %shift_right_arithmetic3A_477 : i32
          %mul3A_479 = arith.constant 16 : i32
          %mul3A_480 = arith.muli %shift_right_arithmetic3A_478, %mul3A_479 : i32
          %sub3A_481 = arith.subi %shift_right_arithmetic3A_476, %mul3A_480 : i32
          %sub3A_482 = arith.subi %squeeze3A_470, %mul3A_2 : i32
          %mul3A_483 = arith.constant 384 : i32
          %mul3A_484 = arith.muli %sub3A_482, %mul3A_483 : i32
          %add3A_485 = arith.addi %mul3A_484, %mul3A_480 : i32
          %and3A_486 = arith.constant 31 : i32
          %and3A_487 = arith.andi %squeeze3A_475, %and3A_486 : i32
          %shift_left3A = arith.constant 1 : i32
          %shift_left3A_488 = arith.shli %shift_left3A, %and3A_487 : i32
          %get3A_489 = arith.index_cast %add3A_485 : i32 to index
          %get3A_490 = tpu.vector_load %arg7[%get3A_489] {strides = array<i32>} : memref<122880xi32, #tpu.memory_space<vmem>>, vector<16xi32>,
          %iota3A = tpu.iota {dimensions = array<i32: 0>} : vector<16xi32>
          %eq3A_491 = vector.broadcast %sub3A_481 : i32 to vector<16xi32>
          %eq3A_492 = arith.cmpi eq, %iota3A, %eq3A_491 : vector<16xi32>
          %or3A = vector.broadcast %shift_left3A_488 : i32 to vector<16xi32>
          %or3A_493 = arith.ori %get3A_490, %or3A : vector<16xi32>
          %select_n3A_494 = arith.select %eq3A_492, %or3A_493, %get3A_490 : vector<16xi1>, vector<16xi32>
          %swap3A = arith.index_cast %add3A_485 : i32 to index
          %swap3A_495 = tpu.vector_load %arg7[%swap3A] {strides = array<i32>} : memref<122880xi32, #tpu.memory_space<vmem>>, vector<16xi32>,
          tpu.vector_store %arg7[%swap3A], %select_n3A_494 {strides = array<i32>} : memref<122880xi32, #tpu.memory_space<vmem>>, vector<16xi32>,
          %iota3A_496 = tpu.iota {dimensions = array<i32: 0>} : vector<16xi32>
          %ne3A_497 = vector.broadcast %squeeze3A_465 : i32 to vector<16xi32>
          %ne3A_498 = arith.cmpi ne, %iota3A_496, %ne3A_497 : vector<16xi32>
          %and3A_499 = arith.andi %while3A_463, %ne3A_498 : vector<16xi1>
          scf.yield %and3A_499 : vector<16xi1>
        }
        %while3A_460 = arith.constant 1 : i32
        %while3A_461 = scf.for %while3A_462 = %while3A_457 to %while3A_453 step %while3A_460 iter_args(%while3A_463 = %while3A_459) -> (vector<16xi1>)  : i32 {
          %all_reduce_ffs3A = tpu.all_reduce %while3A_463 {dim = 0 : i64, kind = #tpu.reduction_kind<find_first_set>} : vector<16xi1> -> vector<16xi32>
          %slice3A_464 = vector.extract_strided_slice %all_reduce_ffs3A {offsets = [0], sizes = [1], strides = [1]} : vector<16xi32> to vector<1xi32>
          %squeeze3A_465 = vector.extract %slice3A_464[0] : i32 from vector<1xi32>
          %add3A_466 = arith.addi %add3A_273, %squeeze3A_465 : i32
          %get3A_467 = arith.index_cast %add3A_466 : i32 to index
          %get3A_468 = tpu.vector_load %arg5[%get3A_467] {strides = array<i32>} : memref<2576xi32, #tpu.memory_space<vmem>>, vector<16xi32>,
          %slice3A_469 = vector.extract_strided_slice %get3A_468 {offsets = [0], sizes = [1], strides = [1]} : vector<16xi32> to vector<1xi32>
          %squeeze3A_470 = vector.extract %slice3A_469[0] : i32 from vector<1xi32>
          %add3A_471 = arith.addi %add3A_273, %squeeze3A_465 : i32
          %get3A_472 = arith.index_cast %add3A_471 : i32 to index
          %get3A_473 = tpu.vector_load %arg6[%get3A_472] {strides = array<i32>} : memref<2576xi32, #tpu.memory_space<vmem>>, vector<16xi32>,
          %slice3A_474 = vector.extract_strided_slice %get3A_473 {offsets = [0], sizes = [1], strides = [1]} : vector<16xi32> to vector<1xi32>
          %squeeze3A_475 = vector.extract %slice3A_474[0] : i32 from vector<1xi32>
          %shift_right_arithmetic3A = arith.constant 5 : i32
          %shift_right_arithmetic3A_476 = arith.shrsi %squeeze3A_475, %shift_right_arithmetic3A : i32
          %shift_right_arithmetic3A_477 = arith.constant 4 : i32
          %shift_right_arithmetic3A_478 = arith.shrsi %shift_right_arithmetic3A_476, %shift_right_arithmetic3A_477 : i32
          %mul3A_479 = arith.constant 16 : i32
          %mul3A_480 = arith.muli %shift_right_arithmetic3A_478, %mul3A_479 : i32
          %sub3A_481 = arith.subi %shift_right_arithmetic3A_476, %mul3A_480 : i32
          %sub3A_482 = arith.subi %squeeze3A_470, %mul3A_2 : i32
          %mul3A_483 = arith.constant 384 : i32
          %mul3A_484 = arith.muli %sub3A_482, %mul3A_483 : i32
          %add3A_485 = arith.addi %mul3A_484, %mul3A_480 : i32
          %and3A_486 = arith.constant 31 : i32
          %and3A_487 = arith.andi %squeeze3A_475, %and3A_486 : i32
          %shift_left3A = arith.constant 1 : i32
          %shift_left3A_488 = arith.shli %shift_left3A, %and3A_487 : i32
          %get3A_489 = arith.index_cast %add3A_485 : i32 to index
          %get3A_490 = tpu.vector_load %arg7[%get3A_489] {strides = array<i32>} : memref<122880xi32, #tpu.memory_space<vmem>>, vector<16xi32>,
          %iota3A = tpu.iota {dimensions = array<i32: 0>} : vector<16xi32>
          %eq3A_491 = vector.broadcast %sub3A_481 : i32 to vector<16xi32>
          %eq3A_492 = arith.cmpi eq, %iota3A, %eq3A_491 : vector<16xi32>
          %or3A = vector.broadcast %shift_left3A_488 : i32 to vector<16xi32>
          %or3A_493 = arith.ori %get3A_490, %or3A : vector<16xi32>
          %select_n3A_494 = arith.select %eq3A_492, %or3A_493, %get3A_490 : vector<16xi1>, vector<16xi32>
          %swap3A = arith.index_cast %add3A_485 : i32 to index
          %swap3A_495 = tpu.vector_load %arg7[%swap3A] {strides = array<i32>} : memref<122880xi32, #tpu.memory_space<vmem>>, vector<16xi32>,
          tpu.vector_store %arg7[%swap3A], %select_n3A_494 {strides = array<i32>} : memref<122880xi32, #tpu.memory_space<vmem>>, vector<16xi32>,
          %iota3A_496 = tpu.iota {dimensions = array<i32: 0>} : vector<16xi32>
          %ne3A_497 = vector.broadcast %squeeze3A_465 : i32 to vector<16xi32>
          %ne3A_498 = arith.cmpi ne, %iota3A_496, %ne3A_497 : vector<16xi32>
          %and3A_499 = arith.andi %while3A_463, %ne3A_498 : vector<16xi1>
          scf.yield %and3A_499 : vector<16xi1>
        }
      } else {
      }
      %add3A_284 = arith.constant 32 : i32
      %add3A_285 = arith.addi %mul3A_73, %add3A_284 : i32
      %eq3A_286 = arith.constant 1 : i32
      %eq3A_287 = arith.cmpi eq, %squeeze3A_221, %eq3A_286 : i32
      %convert_element_type3A_288 = arith.extui %eq3A_287 : i1 to i32
      %cond3A_289 = arith.constant 0 : i32
      %cond3A_290 = arith.cmpi ne, %convert_element_type3A_288, %cond3A_289 : i32
      scf.if %cond3A_290 {
        %get3A_452 = arith.index_cast %add3A_285 : i32 to index
        %get3A_453 = tpu.vector_load %arg6[%get3A_452] {strides = array<i32>} : memref<2576xi32, #tpu.memory_space<vmem>>, vector<16xi32>,
        %sub3A_454 = vector.broadcast %mul3A_2 : i32 to vector<16xi32>
        %sub3A_455 = arith.subi %get3A_84, %sub3A_454 : vector<16xi32>
        %mul3A_456 = arith.constant 384 : i32
        %mul3A_457 = vector.broadcast %mul3A_456 : i32 to vector<16xi32>
        %mul3A_458 = arith.muli %sub3A_455, %mul3A_457 : vector<16xi32>
        %shift_right_arithmetic3A = arith.constant 5 : i32
        %shift_right_arithmetic3A_459 = vector.broadcast %shift_right_arithmetic3A : i32 to vector<16xi32>
        %shift_right_arithmetic3A_460 = arith.shrsi %get3A_453, %shift_right_arithmetic3A_459 : vector<16xi32>
        %add3A_461 = arith.addi %mul3A_458, %shift_right_arithmetic3A_460 : vector<16xi32>
        %and3A_462 = arith.constant 31 : i32
        %and3A_463 = vector.broadcast %and3A_462 : i32 to vector<16xi32>
        %and3A_464 = arith.andi %get3A_453, %and3A_463 : vector<16xi32>
        %shift_left3A = arith.constant 1 : i32
        %shift_left3A_465 = vector.broadcast %shift_left3A : i32 to vector<16xi32>
        %shift_left3A_466 = arith.shli %shift_left3A_465, %and3A_464 : vector<16xi32>
        %gather3A = arith.constant 0 : i32
        %gather3A_467 = tpu.memref_slice %arg7[%gather3A] : memref<122880xi32, #tpu.memory_space<vmem>> -> memref<122880xi32, #tpu.memory_space<vmem>>
        %gather3A_468 = tpu.vector_load_idx %gather3A_467[%add3A_461] masked %and3A_150 : memref<122880xi32, #tpu.memory_space<vmem>>[vector<16xi32>], vector<16xi32>, vector<16xi1>
        %or3A = arith.ori %gather3A_468, %shift_left3A_466 : vector<16xi32>
        %scatter3A = arith.constant 0 : i32
        %scatter3A_469 = tpu.memref_slice %arg7[%scatter3A] : memref<122880xi32, #tpu.memory_space<vmem>> -> memref<122880xi32, #tpu.memory_space<vmem>>
        tpu.vector_store_idx %scatter3A_469[%add3A_461], %or3A masked %and3A_150 : memref<122880xi32, #tpu.memory_space<vmem>>[vector<16xi32>], vector<16xi32>, vector<16xi1>
      } else {
      }
      %gt3A_291 = arith.constant 1 : i32
      %gt3A_292 = arith.cmpi sgt, %squeeze3A_221, %gt3A_291 : i32
      %convert_element_type3A_293 = arith.extui %gt3A_292 : i1 to i32
      %cond3A_294 = arith.constant 0 : i32
      %cond3A_295 = arith.cmpi ne, %convert_element_type3A_293, %cond3A_294 : i32
      scf.if %cond3A_295 {
        %while3A = arith.constant 0 : i32
        %while3A_452 = arith.subi %squeeze3A_221, %while3A : i32
        %while3A_453 = arith.addi %while3A, %while3A_452 : i32
        %while3A_454 = arith.constant 1 : i32
        %while3A_455 = arith.divsi %while3A_452, %while3A_454 : i32
        %while3A_456 = arith.muli %while3A_455, %while3A_454 : i32
        %while3A_457 = arith.addi %while3A, %while3A_456 : i32
        %while3A_458 = arith.constant 1 : i32
        %while3A_459 = scf.for %while3A_462 = %while3A to %while3A_457 step %while3A_458 iter_args(%while3A_463 = %and3A_150) -> (vector<16xi1>)  : i32 {
          %all_reduce_ffs3A = tpu.all_reduce %while3A_463 {dim = 0 : i64, kind = #tpu.reduction_kind<find_first_set>} : vector<16xi1> -> vector<16xi32>
          %slice3A_464 = vector.extract_strided_slice %all_reduce_ffs3A {offsets = [0], sizes = [1], strides = [1]} : vector<16xi32> to vector<1xi32>
          %squeeze3A_465 = vector.extract %slice3A_464[0] : i32 from vector<1xi32>
          %add3A_466 = arith.addi %add3A_285, %squeeze3A_465 : i32
          %get3A_467 = arith.index_cast %add3A_466 : i32 to index
          %get3A_468 = tpu.vector_load %arg5[%get3A_467] {strides = array<i32>} : memref<2576xi32, #tpu.memory_space<vmem>>, vector<16xi32>,
          %slice3A_469 = vector.extract_strided_slice %get3A_468 {offsets = [0], sizes = [1], strides = [1]} : vector<16xi32> to vector<1xi32>
          %squeeze3A_470 = vector.extract %slice3A_469[0] : i32 from vector<1xi32>
          %add3A_471 = arith.addi %add3A_285, %squeeze3A_465 : i32
          %get3A_472 = arith.index_cast %add3A_471 : i32 to index
          %get3A_473 = tpu.vector_load %arg6[%get3A_472] {strides = array<i32>} : memref<2576xi32, #tpu.memory_space<vmem>>, vector<16xi32>,
          %slice3A_474 = vector.extract_strided_slice %get3A_473 {offsets = [0], sizes = [1], strides = [1]} : vector<16xi32> to vector<1xi32>
          %squeeze3A_475 = vector.extract %slice3A_474[0] : i32 from vector<1xi32>
          %shift_right_arithmetic3A = arith.constant 5 : i32
          %shift_right_arithmetic3A_476 = arith.shrsi %squeeze3A_475, %shift_right_arithmetic3A : i32
          %shift_right_arithmetic3A_477 = arith.constant 4 : i32
          %shift_right_arithmetic3A_478 = arith.shrsi %shift_right_arithmetic3A_476, %shift_right_arithmetic3A_477 : i32
          %mul3A_479 = arith.constant 16 : i32
          %mul3A_480 = arith.muli %shift_right_arithmetic3A_478, %mul3A_479 : i32
          %sub3A_481 = arith.subi %shift_right_arithmetic3A_476, %mul3A_480 : i32
          %sub3A_482 = arith.subi %squeeze3A_470, %mul3A_2 : i32
          %mul3A_483 = arith.constant 384 : i32
          %mul3A_484 = arith.muli %sub3A_482, %mul3A_483 : i32
          %add3A_485 = arith.addi %mul3A_484, %mul3A_480 : i32
          %and3A_486 = arith.constant 31 : i32
          %and3A_487 = arith.andi %squeeze3A_475, %and3A_486 : i32
          %shift_left3A = arith.constant 1 : i32
          %shift_left3A_488 = arith.shli %shift_left3A, %and3A_487 : i32
          %get3A_489 = arith.index_cast %add3A_485 : i32 to index
          %get3A_490 = tpu.vector_load %arg7[%get3A_489] {strides = array<i32>} : memref<122880xi32, #tpu.memory_space<vmem>>, vector<16xi32>,
          %iota3A = tpu.iota {dimensions = array<i32: 0>} : vector<16xi32>
          %eq3A_491 = vector.broadcast %sub3A_481 : i32 to vector<16xi32>
          %eq3A_492 = arith.cmpi eq, %iota3A, %eq3A_491 : vector<16xi32>
          %or3A = vector.broadcast %shift_left3A_488 : i32 to vector<16xi32>
          %or3A_493 = arith.ori %get3A_490, %or3A : vector<16xi32>
          %select_n3A_494 = arith.select %eq3A_492, %or3A_493, %get3A_490 : vector<16xi1>, vector<16xi32>
          %swap3A = arith.index_cast %add3A_485 : i32 to index
          %swap3A_495 = tpu.vector_load %arg7[%swap3A] {strides = array<i32>} : memref<122880xi32, #tpu.memory_space<vmem>>, vector<16xi32>,
          tpu.vector_store %arg7[%swap3A], %select_n3A_494 {strides = array<i32>} : memref<122880xi32, #tpu.memory_space<vmem>>, vector<16xi32>,
          %iota3A_496 = tpu.iota {dimensions = array<i32: 0>} : vector<16xi32>
          %ne3A_497 = vector.broadcast %squeeze3A_465 : i32 to vector<16xi32>
          %ne3A_498 = arith.cmpi ne, %iota3A_496, %ne3A_497 : vector<16xi32>
          %and3A_499 = arith.andi %while3A_463, %ne3A_498 : vector<16xi1>
          scf.yield %and3A_499 : vector<16xi1>
        }
        %while3A_460 = arith.constant 1 : i32
        %while3A_461 = scf.for %while3A_462 = %while3A_457 to %while3A_453 step %while3A_460 iter_args(%while3A_463 = %while3A_459) -> (vector<16xi1>)  : i32 {
          %all_reduce_ffs3A = tpu.all_reduce %while3A_463 {dim = 0 : i64, kind = #tpu.reduction_kind<find_first_set>} : vector<16xi1> -> vector<16xi32>
          %slice3A_464 = vector.extract_strided_slice %all_reduce_ffs3A {offsets = [0], sizes = [1], strides = [1]} : vector<16xi32> to vector<1xi32>
          %squeeze3A_465 = vector.extract %slice3A_464[0] : i32 from vector<1xi32>
          %add3A_466 = arith.addi %add3A_285, %squeeze3A_465 : i32
          %get3A_467 = arith.index_cast %add3A_466 : i32 to index
          %get3A_468 = tpu.vector_load %arg5[%get3A_467] {strides = array<i32>} : memref<2576xi32, #tpu.memory_space<vmem>>, vector<16xi32>,
          %slice3A_469 = vector.extract_strided_slice %get3A_468 {offsets = [0], sizes = [1], strides = [1]} : vector<16xi32> to vector<1xi32>
          %squeeze3A_470 = vector.extract %slice3A_469[0] : i32 from vector<1xi32>
          %add3A_471 = arith.addi %add3A_285, %squeeze3A_465 : i32
          %get3A_472 = arith.index_cast %add3A_471 : i32 to index
          %get3A_473 = tpu.vector_load %arg6[%get3A_472] {strides = array<i32>} : memref<2576xi32, #tpu.memory_space<vmem>>, vector<16xi32>,
          %slice3A_474 = vector.extract_strided_slice %get3A_473 {offsets = [0], sizes = [1], strides = [1]} : vector<16xi32> to vector<1xi32>
          %squeeze3A_475 = vector.extract %slice3A_474[0] : i32 from vector<1xi32>
          %shift_right_arithmetic3A = arith.constant 5 : i32
          %shift_right_arithmetic3A_476 = arith.shrsi %squeeze3A_475, %shift_right_arithmetic3A : i32
          %shift_right_arithmetic3A_477 = arith.constant 4 : i32
          %shift_right_arithmetic3A_478 = arith.shrsi %shift_right_arithmetic3A_476, %shift_right_arithmetic3A_477 : i32
          %mul3A_479 = arith.constant 16 : i32
          %mul3A_480 = arith.muli %shift_right_arithmetic3A_478, %mul3A_479 : i32
          %sub3A_481 = arith.subi %shift_right_arithmetic3A_476, %mul3A_480 : i32
          %sub3A_482 = arith.subi %squeeze3A_470, %mul3A_2 : i32
          %mul3A_483 = arith.constant 384 : i32
          %mul3A_484 = arith.muli %sub3A_482, %mul3A_483 : i32
          %add3A_485 = arith.addi %mul3A_484, %mul3A_480 : i32
          %and3A_486 = arith.constant 31 : i32
          %and3A_487 = arith.andi %squeeze3A_475, %and3A_486 : i32
          %shift_left3A = arith.constant 1 : i32
          %shift_left3A_488 = arith.shli %shift_left3A, %and3A_487 : i32
          %get3A_489 = arith.index_cast %add3A_485 : i32 to index
          %get3A_490 = tpu.vector_load %arg7[%get3A_489] {strides = array<i32>} : memref<122880xi32, #tpu.memory_space<vmem>>, vector<16xi32>,
          %iota3A = tpu.iota {dimensions = array<i32: 0>} : vector<16xi32>
          %eq3A_491 = vector.broadcast %sub3A_481 : i32 to vector<16xi32>
          %eq3A_492 = arith.cmpi eq, %iota3A, %eq3A_491 : vector<16xi32>
          %or3A = vector.broadcast %shift_left3A_488 : i32 to vector<16xi32>
          %or3A_493 = arith.ori %get3A_490, %or3A : vector<16xi32>
          %select_n3A_494 = arith.select %eq3A_492, %or3A_493, %get3A_490 : vector<16xi1>, vector<16xi32>
          %swap3A = arith.index_cast %add3A_485 : i32 to index
          %swap3A_495 = tpu.vector_load %arg7[%swap3A] {strides = array<i32>} : memref<122880xi32, #tpu.memory_space<vmem>>, vector<16xi32>,
          tpu.vector_store %arg7[%swap3A], %select_n3A_494 {strides = array<i32>} : memref<122880xi32, #tpu.memory_space<vmem>>, vector<16xi32>,
          %iota3A_496 = tpu.iota {dimensions = array<i32: 0>} : vector<16xi32>
          %ne3A_497 = vector.broadcast %squeeze3A_465 : i32 to vector<16xi32>
          %ne3A_498 = arith.cmpi ne, %iota3A_496, %ne3A_497 : vector<16xi32>
          %and3A_499 = arith.andi %while3A_463, %ne3A_498 : vector<16xi1>
          scf.yield %and3A_499 : vector<16xi1>
        }
      } else {
      }
      %add3A_296 = arith.constant 48 : i32
      %add3A_297 = arith.addi %mul3A_73, %add3A_296 : i32
      %eq3A_298 = arith.constant 1 : i32
      %eq3A_299 = arith.cmpi eq, %squeeze3A_224, %eq3A_298 : i32
      %convert_element_type3A_300 = arith.extui %eq3A_299 : i1 to i32
      %cond3A_301 = arith.constant 0 : i32
      %cond3A_302 = arith.cmpi ne, %convert_element_type3A_300, %cond3A_301 : i32
      scf.if %cond3A_302 {
        %get3A_452 = arith.index_cast %add3A_297 : i32 to index
        %get3A_453 = tpu.vector_load %arg6[%get3A_452] {strides = array<i32>} : memref<2576xi32, #tpu.memory_space<vmem>>, vector<16xi32>,
        %sub3A_454 = vector.broadcast %mul3A_2 : i32 to vector<16xi32>
        %sub3A_455 = arith.subi %get3A_88, %sub3A_454 : vector<16xi32>
        %mul3A_456 = arith.constant 384 : i32
        %mul3A_457 = vector.broadcast %mul3A_456 : i32 to vector<16xi32>
        %mul3A_458 = arith.muli %sub3A_455, %mul3A_457 : vector<16xi32>
        %shift_right_arithmetic3A = arith.constant 5 : i32
        %shift_right_arithmetic3A_459 = vector.broadcast %shift_right_arithmetic3A : i32 to vector<16xi32>
        %shift_right_arithmetic3A_460 = arith.shrsi %get3A_453, %shift_right_arithmetic3A_459 : vector<16xi32>
        %add3A_461 = arith.addi %mul3A_458, %shift_right_arithmetic3A_460 : vector<16xi32>
        %and3A_462 = arith.constant 31 : i32
        %and3A_463 = vector.broadcast %and3A_462 : i32 to vector<16xi32>
        %and3A_464 = arith.andi %get3A_453, %and3A_463 : vector<16xi32>
        %shift_left3A = arith.constant 1 : i32
        %shift_left3A_465 = vector.broadcast %shift_left3A : i32 to vector<16xi32>
        %shift_left3A_466 = arith.shli %shift_left3A_465, %and3A_464 : vector<16xi32>
        %gather3A = arith.constant 0 : i32
        %gather3A_467 = tpu.memref_slice %arg7[%gather3A] : memref<122880xi32, #tpu.memory_space<vmem>> -> memref<122880xi32, #tpu.memory_space<vmem>>
        %gather3A_468 = tpu.vector_load_idx %gather3A_467[%add3A_461] masked %and3A_155 : memref<122880xi32, #tpu.memory_space<vmem>>[vector<16xi32>], vector<16xi32>, vector<16xi1>
        %or3A = arith.ori %gather3A_468, %shift_left3A_466 : vector<16xi32>
        %scatter3A = arith.constant 0 : i32
        %scatter3A_469 = tpu.memref_slice %arg7[%scatter3A] : memref<122880xi32, #tpu.memory_space<vmem>> -> memref<122880xi32, #tpu.memory_space<vmem>>
        tpu.vector_store_idx %scatter3A_469[%add3A_461], %or3A masked %and3A_155 : memref<122880xi32, #tpu.memory_space<vmem>>[vector<16xi32>], vector<16xi32>, vector<16xi1>
      } else {
      }
      %gt3A_303 = arith.constant 1 : i32
      %gt3A_304 = arith.cmpi sgt, %squeeze3A_224, %gt3A_303 : i32
      %convert_element_type3A_305 = arith.extui %gt3A_304 : i1 to i32
      %cond3A_306 = arith.constant 0 : i32
      %cond3A_307 = arith.cmpi ne, %convert_element_type3A_305, %cond3A_306 : i32
      scf.if %cond3A_307 {
        %while3A = arith.constant 0 : i32
        %while3A_452 = arith.subi %squeeze3A_224, %while3A : i32
        %while3A_453 = arith.addi %while3A, %while3A_452 : i32
        %while3A_454 = arith.constant 1 : i32
        %while3A_455 = arith.divsi %while3A_452, %while3A_454 : i32
        %while3A_456 = arith.muli %while3A_455, %while3A_454 : i32
        %while3A_457 = arith.addi %while3A, %while3A_456 : i32
        %while3A_458 = arith.constant 1 : i32
        %while3A_459 = scf.for %while3A_462 = %while3A to %while3A_457 step %while3A_458 iter_args(%while3A_463 = %and3A_155) -> (vector<16xi1>)  : i32 {
          %all_reduce_ffs3A = tpu.all_reduce %while3A_463 {dim = 0 : i64, kind = #tpu.reduction_kind<find_first_set>} : vector<16xi1> -> vector<16xi32>
          %slice3A_464 = vector.extract_strided_slice %all_reduce_ffs3A {offsets = [0], sizes = [1], strides = [1]} : vector<16xi32> to vector<1xi32>
          %squeeze3A_465 = vector.extract %slice3A_464[0] : i32 from vector<1xi32>
          %add3A_466 = arith.addi %add3A_297, %squeeze3A_465 : i32
          %get3A_467 = arith.index_cast %add3A_466 : i32 to index
          %get3A_468 = tpu.vector_load %arg5[%get3A_467] {strides = array<i32>} : memref<2576xi32, #tpu.memory_space<vmem>>, vector<16xi32>,
          %slice3A_469 = vector.extract_strided_slice %get3A_468 {offsets = [0], sizes = [1], strides = [1]} : vector<16xi32> to vector<1xi32>
          %squeeze3A_470 = vector.extract %slice3A_469[0] : i32 from vector<1xi32>
          %add3A_471 = arith.addi %add3A_297, %squeeze3A_465 : i32
          %get3A_472 = arith.index_cast %add3A_471 : i32 to index
          %get3A_473 = tpu.vector_load %arg6[%get3A_472] {strides = array<i32>} : memref<2576xi32, #tpu.memory_space<vmem>>, vector<16xi32>,
          %slice3A_474 = vector.extract_strided_slice %get3A_473 {offsets = [0], sizes = [1], strides = [1]} : vector<16xi32> to vector<1xi32>
          %squeeze3A_475 = vector.extract %slice3A_474[0] : i32 from vector<1xi32>
          %shift_right_arithmetic3A = arith.constant 5 : i32
          %shift_right_arithmetic3A_476 = arith.shrsi %squeeze3A_475, %shift_right_arithmetic3A : i32
          %shift_right_arithmetic3A_477 = arith.constant 4 : i32
          %shift_right_arithmetic3A_478 = arith.shrsi %shift_right_arithmetic3A_476, %shift_right_arithmetic3A_477 : i32
          %mul3A_479 = arith.constant 16 : i32
          %mul3A_480 = arith.muli %shift_right_arithmetic3A_478, %mul3A_479 : i32
          %sub3A_481 = arith.subi %shift_right_arithmetic3A_476, %mul3A_480 : i32
          %sub3A_482 = arith.subi %squeeze3A_470, %mul3A_2 : i32
          %mul3A_483 = arith.constant 384 : i32
          %mul3A_484 = arith.muli %sub3A_482, %mul3A_483 : i32
          %add3A_485 = arith.addi %mul3A_484, %mul3A_480 : i32
          %and3A_486 = arith.constant 31 : i32
          %and3A_487 = arith.andi %squeeze3A_475, %and3A_486 : i32
          %shift_left3A = arith.constant 1 : i32
          %shift_left3A_488 = arith.shli %shift_left3A, %and3A_487 : i32
          %get3A_489 = arith.index_cast %add3A_485 : i32 to index
          %get3A_490 = tpu.vector_load %arg7[%get3A_489] {strides = array<i32>} : memref<122880xi32, #tpu.memory_space<vmem>>, vector<16xi32>,
          %iota3A = tpu.iota {dimensions = array<i32: 0>} : vector<16xi32>
          %eq3A_491 = vector.broadcast %sub3A_481 : i32 to vector<16xi32>
          %eq3A_492 = arith.cmpi eq, %iota3A, %eq3A_491 : vector<16xi32>
          %or3A = vector.broadcast %shift_left3A_488 : i32 to vector<16xi32>
          %or3A_493 = arith.ori %get3A_490, %or3A : vector<16xi32>
          %select_n3A_494 = arith.select %eq3A_492, %or3A_493, %get3A_490 : vector<16xi1>, vector<16xi32>
          %swap3A = arith.index_cast %add3A_485 : i32 to index
          %swap3A_495 = tpu.vector_load %arg7[%swap3A] {strides = array<i32>} : memref<122880xi32, #tpu.memory_space<vmem>>, vector<16xi32>,
          tpu.vector_store %arg7[%swap3A], %select_n3A_494 {strides = array<i32>} : memref<122880xi32, #tpu.memory_space<vmem>>, vector<16xi32>,
          %iota3A_496 = tpu.iota {dimensions = array<i32: 0>} : vector<16xi32>
          %ne3A_497 = vector.broadcast %squeeze3A_465 : i32 to vector<16xi32>
          %ne3A_498 = arith.cmpi ne, %iota3A_496, %ne3A_497 : vector<16xi32>
          %and3A_499 = arith.andi %while3A_463, %ne3A_498 : vector<16xi1>
          scf.yield %and3A_499 : vector<16xi1>
        }
        %while3A_460 = arith.constant 1 : i32
        %while3A_461 = scf.for %while3A_462 = %while3A_457 to %while3A_453 step %while3A_460 iter_args(%while3A_463 = %while3A_459) -> (vector<16xi1>)  : i32 {
          %all_reduce_ffs3A = tpu.all_reduce %while3A_463 {dim = 0 : i64, kind = #tpu.reduction_kind<find_first_set>} : vector<16xi1> -> vector<16xi32>
          %slice3A_464 = vector.extract_strided_slice %all_reduce_ffs3A {offsets = [0], sizes = [1], strides = [1]} : vector<16xi32> to vector<1xi32>
          %squeeze3A_465 = vector.extract %slice3A_464[0] : i32 from vector<1xi32>
          %add3A_466 = arith.addi %add3A_297, %squeeze3A_465 : i32
          %get3A_467 = arith.index_cast %add3A_466 : i32 to index
          %get3A_468 = tpu.vector_load %arg5[%get3A_467] {strides = array<i32>} : memref<2576xi32, #tpu.memory_space<vmem>>, vector<16xi32>,
          %slice3A_469 = vector.extract_strided_slice %get3A_468 {offsets = [0], sizes = [1], strides = [1]} : vector<16xi32> to vector<1xi32>
          %squeeze3A_470 = vector.extract %slice3A_469[0] : i32 from vector<1xi32>
          %add3A_471 = arith.addi %add3A_297, %squeeze3A_465 : i32
          %get3A_472 = arith.index_cast %add3A_471 : i32 to index
          %get3A_473 = tpu.vector_load %arg6[%get3A_472] {strides = array<i32>} : memref<2576xi32, #tpu.memory_space<vmem>>, vector<16xi32>,
          %slice3A_474 = vector.extract_strided_slice %get3A_473 {offsets = [0], sizes = [1], strides = [1]} : vector<16xi32> to vector<1xi32>
          %squeeze3A_475 = vector.extract %slice3A_474[0] : i32 from vector<1xi32>
          %shift_right_arithmetic3A = arith.constant 5 : i32
          %shift_right_arithmetic3A_476 = arith.shrsi %squeeze3A_475, %shift_right_arithmetic3A : i32
          %shift_right_arithmetic3A_477 = arith.constant 4 : i32
          %shift_right_arithmetic3A_478 = arith.shrsi %shift_right_arithmetic3A_476, %shift_right_arithmetic3A_477 : i32
          %mul3A_479 = arith.constant 16 : i32
          %mul3A_480 = arith.muli %shift_right_arithmetic3A_478, %mul3A_479 : i32
          %sub3A_481 = arith.subi %shift_right_arithmetic3A_476, %mul3A_480 : i32
          %sub3A_482 = arith.subi %squeeze3A_470, %mul3A_2 : i32
          %mul3A_483 = arith.constant 384 : i32
          %mul3A_484 = arith.muli %sub3A_482, %mul3A_483 : i32
          %add3A_485 = arith.addi %mul3A_484, %mul3A_480 : i32
          %and3A_486 = arith.constant 31 : i32
          %and3A_487 = arith.andi %squeeze3A_475, %and3A_486 : i32
          %shift_left3A = arith.constant 1 : i32
          %shift_left3A_488 = arith.shli %shift_left3A, %and3A_487 : i32
          %get3A_489 = arith.index_cast %add3A_485 : i32 to index
          %get3A_490 = tpu.vector_load %arg7[%get3A_489] {strides = array<i32>} : memref<122880xi32, #tpu.memory_space<vmem>>, vector<16xi32>,
          %iota3A = tpu.iota {dimensions = array<i32: 0>} : vector<16xi32>
          %eq3A_491 = vector.broadcast %sub3A_481 : i32 to vector<16xi32>
          %eq3A_492 = arith.cmpi eq, %iota3A, %eq3A_491 : vector<16xi32>
          %or3A = vector.broadcast %shift_left3A_488 : i32 to vector<16xi32>
          %or3A_493 = arith.ori %get3A_490, %or3A : vector<16xi32>
          %select_n3A_494 = arith.select %eq3A_492, %or3A_493, %get3A_490 : vector<16xi1>, vector<16xi32>
          %swap3A = arith.index_cast %add3A_485 : i32 to index
          %swap3A_495 = tpu.vector_load %arg7[%swap3A] {strides = array<i32>} : memref<122880xi32, #tpu.memory_space<vmem>>, vector<16xi32>,
          tpu.vector_store %arg7[%swap3A], %select_n3A_494 {strides = array<i32>} : memref<122880xi32, #tpu.memory_space<vmem>>, vector<16xi32>,
          %iota3A_496 = tpu.iota {dimensions = array<i32: 0>} : vector<16xi32>
          %ne3A_497 = vector.broadcast %squeeze3A_465 : i32 to vector<16xi32>
          %ne3A_498 = arith.cmpi ne, %iota3A_496, %ne3A_497 : vector<16xi32>
          %and3A_499 = arith.andi %while3A_463, %ne3A_498 : vector<16xi1>
          scf.yield %and3A_499 : vector<16xi1>
        }
      } else {
      }
      %add3A_308 = arith.constant 64 : i32
      %add3A_309 = arith.addi %mul3A_73, %add3A_308 : i32
      %eq3A_310 = arith.constant 1 : i32
      %eq3A_311 = arith.cmpi eq, %squeeze3A_227, %eq3A_310 : i32
      %convert_element_type3A_312 = arith.extui %eq3A_311 : i1 to i32
      %cond3A_313 = arith.constant 0 : i32
      %cond3A_314 = arith.cmpi ne, %convert_element_type3A_312, %cond3A_313 : i32
      scf.if %cond3A_314 {
        %get3A_452 = arith.index_cast %add3A_309 : i32 to index
        %get3A_453 = tpu.vector_load %arg6[%get3A_452] {strides = array<i32>} : memref<2576xi32, #tpu.memory_space<vmem>>, vector<16xi32>,
        %sub3A_454 = vector.broadcast %mul3A_2 : i32 to vector<16xi32>
        %sub3A_455 = arith.subi %get3A_92, %sub3A_454 : vector<16xi32>
        %mul3A_456 = arith.constant 384 : i32
        %mul3A_457 = vector.broadcast %mul3A_456 : i32 to vector<16xi32>
        %mul3A_458 = arith.muli %sub3A_455, %mul3A_457 : vector<16xi32>
        %shift_right_arithmetic3A = arith.constant 5 : i32
        %shift_right_arithmetic3A_459 = vector.broadcast %shift_right_arithmetic3A : i32 to vector<16xi32>
        %shift_right_arithmetic3A_460 = arith.shrsi %get3A_453, %shift_right_arithmetic3A_459 : vector<16xi32>
        %add3A_461 = arith.addi %mul3A_458, %shift_right_arithmetic3A_460 : vector<16xi32>
        %and3A_462 = arith.constant 31 : i32
        %and3A_463 = vector.broadcast %and3A_462 : i32 to vector<16xi32>
        %and3A_464 = arith.andi %get3A_453, %and3A_463 : vector<16xi32>
        %shift_left3A = arith.constant 1 : i32
        %shift_left3A_465 = vector.broadcast %shift_left3A : i32 to vector<16xi32>
        %shift_left3A_466 = arith.shli %shift_left3A_465, %and3A_464 : vector<16xi32>
        %gather3A = arith.constant 0 : i32
        %gather3A_467 = tpu.memref_slice %arg7[%gather3A] : memref<122880xi32, #tpu.memory_space<vmem>> -> memref<122880xi32, #tpu.memory_space<vmem>>
        %gather3A_468 = tpu.vector_load_idx %gather3A_467[%add3A_461] masked %and3A_160 : memref<122880xi32, #tpu.memory_space<vmem>>[vector<16xi32>], vector<16xi32>, vector<16xi1>
        %or3A = arith.ori %gather3A_468, %shift_left3A_466 : vector<16xi32>
        %scatter3A = arith.constant 0 : i32
        %scatter3A_469 = tpu.memref_slice %arg7[%scatter3A] : memref<122880xi32, #tpu.memory_space<vmem>> -> memref<122880xi32, #tpu.memory_space<vmem>>
        tpu.vector_store_idx %scatter3A_469[%add3A_461], %or3A masked %and3A_160 : memref<122880xi32, #tpu.memory_space<vmem>>[vector<16xi32>], vector<16xi32>, vector<16xi1>
      } else {
      }
      %gt3A_315 = arith.constant 1 : i32
      %gt3A_316 = arith.cmpi sgt, %squeeze3A_227, %gt3A_315 : i32
      %convert_element_type3A_317 = arith.extui %gt3A_316 : i1 to i32
      %cond3A_318 = arith.constant 0 : i32
      %cond3A_319 = arith.cmpi ne, %convert_element_type3A_317, %cond3A_318 : i32
      scf.if %cond3A_319 {
        %while3A = arith.constant 0 : i32
        %while3A_452 = arith.subi %squeeze3A_227, %while3A : i32
        %while3A_453 = arith.addi %while3A, %while3A_452 : i32
        %while3A_454 = arith.constant 1 : i32
        %while3A_455 = arith.divsi %while3A_452, %while3A_454 : i32
        %while3A_456 = arith.muli %while3A_455, %while3A_454 : i32
        %while3A_457 = arith.addi %while3A, %while3A_456 : i32
        %while3A_458 = arith.constant 1 : i32
        %while3A_459 = scf.for %while3A_462 = %while3A to %while3A_457 step %while3A_458 iter_args(%while3A_463 = %and3A_160) -> (vector<16xi1>)  : i32 {
          %all_reduce_ffs3A = tpu.all_reduce %while3A_463 {dim = 0 : i64, kind = #tpu.reduction_kind<find_first_set>} : vector<16xi1> -> vector<16xi32>
          %slice3A_464 = vector.extract_strided_slice %all_reduce_ffs3A {offsets = [0], sizes = [1], strides = [1]} : vector<16xi32> to vector<1xi32>
          %squeeze3A_465 = vector.extract %slice3A_464[0] : i32 from vector<1xi32>
          %add3A_466 = arith.addi %add3A_309, %squeeze3A_465 : i32
          %get3A_467 = arith.index_cast %add3A_466 : i32 to index
          %get3A_468 = tpu.vector_load %arg5[%get3A_467] {strides = array<i32>} : memref<2576xi32, #tpu.memory_space<vmem>>, vector<16xi32>,
          %slice3A_469 = vector.extract_strided_slice %get3A_468 {offsets = [0], sizes = [1], strides = [1]} : vector<16xi32> to vector<1xi32>
          %squeeze3A_470 = vector.extract %slice3A_469[0] : i32 from vector<1xi32>
          %add3A_471 = arith.addi %add3A_309, %squeeze3A_465 : i32
          %get3A_472 = arith.index_cast %add3A_471 : i32 to index
          %get3A_473 = tpu.vector_load %arg6[%get3A_472] {strides = array<i32>} : memref<2576xi32, #tpu.memory_space<vmem>>, vector<16xi32>,
          %slice3A_474 = vector.extract_strided_slice %get3A_473 {offsets = [0], sizes = [1], strides = [1]} : vector<16xi32> to vector<1xi32>
          %squeeze3A_475 = vector.extract %slice3A_474[0] : i32 from vector<1xi32>
          %shift_right_arithmetic3A = arith.constant 5 : i32
          %shift_right_arithmetic3A_476 = arith.shrsi %squeeze3A_475, %shift_right_arithmetic3A : i32
          %shift_right_arithmetic3A_477 = arith.constant 4 : i32
          %shift_right_arithmetic3A_478 = arith.shrsi %shift_right_arithmetic3A_476, %shift_right_arithmetic3A_477 : i32
          %mul3A_479 = arith.constant 16 : i32
          %mul3A_480 = arith.muli %shift_right_arithmetic3A_478, %mul3A_479 : i32
          %sub3A_481 = arith.subi %shift_right_arithmetic3A_476, %mul3A_480 : i32
          %sub3A_482 = arith.subi %squeeze3A_470, %mul3A_2 : i32
          %mul3A_483 = arith.constant 384 : i32
          %mul3A_484 = arith.muli %sub3A_482, %mul3A_483 : i32
          %add3A_485 = arith.addi %mul3A_484, %mul3A_480 : i32
          %and3A_486 = arith.constant 31 : i32
          %and3A_487 = arith.andi %squeeze3A_475, %and3A_486 : i32
          %shift_left3A = arith.constant 1 : i32
          %shift_left3A_488 = arith.shli %shift_left3A, %and3A_487 : i32
          %get3A_489 = arith.index_cast %add3A_485 : i32 to index
          %get3A_490 = tpu.vector_load %arg7[%get3A_489] {strides = array<i32>} : memref<122880xi32, #tpu.memory_space<vmem>>, vector<16xi32>,
          %iota3A = tpu.iota {dimensions = array<i32: 0>} : vector<16xi32>
          %eq3A_491 = vector.broadcast %sub3A_481 : i32 to vector<16xi32>
          %eq3A_492 = arith.cmpi eq, %iota3A, %eq3A_491 : vector<16xi32>
          %or3A = vector.broadcast %shift_left3A_488 : i32 to vector<16xi32>
          %or3A_493 = arith.ori %get3A_490, %or3A : vector<16xi32>
          %select_n3A_494 = arith.select %eq3A_492, %or3A_493, %get3A_490 : vector<16xi1>, vector<16xi32>
          %swap3A = arith.index_cast %add3A_485 : i32 to index
          %swap3A_495 = tpu.vector_load %arg7[%swap3A] {strides = array<i32>} : memref<122880xi32, #tpu.memory_space<vmem>>, vector<16xi32>,
          tpu.vector_store %arg7[%swap3A], %select_n3A_494 {strides = array<i32>} : memref<122880xi32, #tpu.memory_space<vmem>>, vector<16xi32>,
          %iota3A_496 = tpu.iota {dimensions = array<i32: 0>} : vector<16xi32>
          %ne3A_497 = vector.broadcast %squeeze3A_465 : i32 to vector<16xi32>
          %ne3A_498 = arith.cmpi ne, %iota3A_496, %ne3A_497 : vector<16xi32>
          %and3A_499 = arith.andi %while3A_463, %ne3A_498 : vector<16xi1>
          scf.yield %and3A_499 : vector<16xi1>
        }
        %while3A_460 = arith.constant 1 : i32
        %while3A_461 = scf.for %while3A_462 = %while3A_457 to %while3A_453 step %while3A_460 iter_args(%while3A_463 = %while3A_459) -> (vector<16xi1>)  : i32 {
          %all_reduce_ffs3A = tpu.all_reduce %while3A_463 {dim = 0 : i64, kind = #tpu.reduction_kind<find_first_set>} : vector<16xi1> -> vector<16xi32>
          %slice3A_464 = vector.extract_strided_slice %all_reduce_ffs3A {offsets = [0], sizes = [1], strides = [1]} : vector<16xi32> to vector<1xi32>
          %squeeze3A_465 = vector.extract %slice3A_464[0] : i32 from vector<1xi32>
          %add3A_466 = arith.addi %add3A_309, %squeeze3A_465 : i32
          %get3A_467 = arith.index_cast %add3A_466 : i32 to index
          %get3A_468 = tpu.vector_load %arg5[%get3A_467] {strides = array<i32>} : memref<2576xi32, #tpu.memory_space<vmem>>, vector<16xi32>,
          %slice3A_469 = vector.extract_strided_slice %get3A_468 {offsets = [0], sizes = [1], strides = [1]} : vector<16xi32> to vector<1xi32>
          %squeeze3A_470 = vector.extract %slice3A_469[0] : i32 from vector<1xi32>
          %add3A_471 = arith.addi %add3A_309, %squeeze3A_465 : i32
          %get3A_472 = arith.index_cast %add3A_471 : i32 to index
          %get3A_473 = tpu.vector_load %arg6[%get3A_472] {strides = array<i32>} : memref<2576xi32, #tpu.memory_space<vmem>>, vector<16xi32>,
          %slice3A_474 = vector.extract_strided_slice %get3A_473 {offsets = [0], sizes = [1], strides = [1]} : vector<16xi32> to vector<1xi32>
          %squeeze3A_475 = vector.extract %slice3A_474[0] : i32 from vector<1xi32>
          %shift_right_arithmetic3A = arith.constant 5 : i32
          %shift_right_arithmetic3A_476 = arith.shrsi %squeeze3A_475, %shift_right_arithmetic3A : i32
          %shift_right_arithmetic3A_477 = arith.constant 4 : i32
          %shift_right_arithmetic3A_478 = arith.shrsi %shift_right_arithmetic3A_476, %shift_right_arithmetic3A_477 : i32
          %mul3A_479 = arith.constant 16 : i32
          %mul3A_480 = arith.muli %shift_right_arithmetic3A_478, %mul3A_479 : i32
          %sub3A_481 = arith.subi %shift_right_arithmetic3A_476, %mul3A_480 : i32
          %sub3A_482 = arith.subi %squeeze3A_470, %mul3A_2 : i32
          %mul3A_483 = arith.constant 384 : i32
          %mul3A_484 = arith.muli %sub3A_482, %mul3A_483 : i32
          %add3A_485 = arith.addi %mul3A_484, %mul3A_480 : i32
          %and3A_486 = arith.constant 31 : i32
          %and3A_487 = arith.andi %squeeze3A_475, %and3A_486 : i32
          %shift_left3A = arith.constant 1 : i32
          %shift_left3A_488 = arith.shli %shift_left3A, %and3A_487 : i32
          %get3A_489 = arith.index_cast %add3A_485 : i32 to index
          %get3A_490 = tpu.vector_load %arg7[%get3A_489] {strides = array<i32>} : memref<122880xi32, #tpu.memory_space<vmem>>, vector<16xi32>,
          %iota3A = tpu.iota {dimensions = array<i32: 0>} : vector<16xi32>
          %eq3A_491 = vector.broadcast %sub3A_481 : i32 to vector<16xi32>
          %eq3A_492 = arith.cmpi eq, %iota3A, %eq3A_491 : vector<16xi32>
          %or3A = vector.broadcast %shift_left3A_488 : i32 to vector<16xi32>
          %or3A_493 = arith.ori %get3A_490, %or3A : vector<16xi32>
          %select_n3A_494 = arith.select %eq3A_492, %or3A_493, %get3A_490 : vector<16xi1>, vector<16xi32>
          %swap3A = arith.index_cast %add3A_485 : i32 to index
          %swap3A_495 = tpu.vector_load %arg7[%swap3A] {strides = array<i32>} : memref<122880xi32, #tpu.memory_space<vmem>>, vector<16xi32>,
          tpu.vector_store %arg7[%swap3A], %select_n3A_494 {strides = array<i32>} : memref<122880xi32, #tpu.memory_space<vmem>>, vector<16xi32>,
          %iota3A_496 = tpu.iota {dimensions = array<i32: 0>} : vector<16xi32>
          %ne3A_497 = vector.broadcast %squeeze3A_465 : i32 to vector<16xi32>
          %ne3A_498 = arith.cmpi ne, %iota3A_496, %ne3A_497 : vector<16xi32>
          %and3A_499 = arith.andi %while3A_463, %ne3A_498 : vector<16xi1>
          scf.yield %and3A_499 : vector<16xi1>
        }
      } else {
      }
      %add3A_320 = arith.constant 80 : i32
      %add3A_321 = arith.addi %mul3A_73, %add3A_320 : i32
      %eq3A_322 = arith.constant 1 : i32
      %eq3A_323 = arith.cmpi eq, %squeeze3A_230, %eq3A_322 : i32
      %convert_element_type3A_324 = arith.extui %eq3A_323 : i1 to i32
      %cond3A_325 = arith.constant 0 : i32
      %cond3A_326 = arith.cmpi ne, %convert_element_type3A_324, %cond3A_325 : i32
      scf.if %cond3A_326 {
        %get3A_452 = arith.index_cast %add3A_321 : i32 to index
        %get3A_453 = tpu.vector_load %arg6[%get3A_452] {strides = array<i32>} : memref<2576xi32, #tpu.memory_space<vmem>>, vector<16xi32>,
        %sub3A_454 = vector.broadcast %mul3A_2 : i32 to vector<16xi32>
        %sub3A_455 = arith.subi %get3A_96, %sub3A_454 : vector<16xi32>
        %mul3A_456 = arith.constant 384 : i32
        %mul3A_457 = vector.broadcast %mul3A_456 : i32 to vector<16xi32>
        %mul3A_458 = arith.muli %sub3A_455, %mul3A_457 : vector<16xi32>
        %shift_right_arithmetic3A = arith.constant 5 : i32
        %shift_right_arithmetic3A_459 = vector.broadcast %shift_right_arithmetic3A : i32 to vector<16xi32>
        %shift_right_arithmetic3A_460 = arith.shrsi %get3A_453, %shift_right_arithmetic3A_459 : vector<16xi32>
        %add3A_461 = arith.addi %mul3A_458, %shift_right_arithmetic3A_460 : vector<16xi32>
        %and3A_462 = arith.constant 31 : i32
        %and3A_463 = vector.broadcast %and3A_462 : i32 to vector<16xi32>
        %and3A_464 = arith.andi %get3A_453, %and3A_463 : vector<16xi32>
        %shift_left3A = arith.constant 1 : i32
        %shift_left3A_465 = vector.broadcast %shift_left3A : i32 to vector<16xi32>
        %shift_left3A_466 = arith.shli %shift_left3A_465, %and3A_464 : vector<16xi32>
        %gather3A = arith.constant 0 : i32
        %gather3A_467 = tpu.memref_slice %arg7[%gather3A] : memref<122880xi32, #tpu.memory_space<vmem>> -> memref<122880xi32, #tpu.memory_space<vmem>>
        %gather3A_468 = tpu.vector_load_idx %gather3A_467[%add3A_461] masked %and3A_165 : memref<122880xi32, #tpu.memory_space<vmem>>[vector<16xi32>], vector<16xi32>, vector<16xi1>
        %or3A = arith.ori %gather3A_468, %shift_left3A_466 : vector<16xi32>
        %scatter3A = arith.constant 0 : i32
        %scatter3A_469 = tpu.memref_slice %arg7[%scatter3A] : memref<122880xi32, #tpu.memory_space<vmem>> -> memref<122880xi32, #tpu.memory_space<vmem>>
        tpu.vector_store_idx %scatter3A_469[%add3A_461], %or3A masked %and3A_165 : memref<122880xi32, #tpu.memory_space<vmem>>[vector<16xi32>], vector<16xi32>, vector<16xi1>
      } else {
      }
      %gt3A_327 = arith.constant 1 : i32
      %gt3A_328 = arith.cmpi sgt, %squeeze3A_230, %gt3A_327 : i32
      %convert_element_type3A_329 = arith.extui %gt3A_328 : i1 to i32
      %cond3A_330 = arith.constant 0 : i32
      %cond3A_331 = arith.cmpi ne, %convert_element_type3A_329, %cond3A_330 : i32
      scf.if %cond3A_331 {
        %while3A = arith.constant 0 : i32
        %while3A_452 = arith.subi %squeeze3A_230, %while3A : i32
        %while3A_453 = arith.addi %while3A, %while3A_452 : i32
        %while3A_454 = arith.constant 1 : i32
        %while3A_455 = arith.divsi %while3A_452, %while3A_454 : i32
        %while3A_456 = arith.muli %while3A_455, %while3A_454 : i32
        %while3A_457 = arith.addi %while3A, %while3A_456 : i32
        %while3A_458 = arith.constant 1 : i32
        %while3A_459 = scf.for %while3A_462 = %while3A to %while3A_457 step %while3A_458 iter_args(%while3A_463 = %and3A_165) -> (vector<16xi1>)  : i32 {
          %all_reduce_ffs3A = tpu.all_reduce %while3A_463 {dim = 0 : i64, kind = #tpu.reduction_kind<find_first_set>} : vector<16xi1> -> vector<16xi32>
          %slice3A_464 = vector.extract_strided_slice %all_reduce_ffs3A {offsets = [0], sizes = [1], strides = [1]} : vector<16xi32> to vector<1xi32>
          %squeeze3A_465 = vector.extract %slice3A_464[0] : i32 from vector<1xi32>
          %add3A_466 = arith.addi %add3A_321, %squeeze3A_465 : i32
          %get3A_467 = arith.index_cast %add3A_466 : i32 to index
          %get3A_468 = tpu.vector_load %arg5[%get3A_467] {strides = array<i32>} : memref<2576xi32, #tpu.memory_space<vmem>>, vector<16xi32>,
          %slice3A_469 = vector.extract_strided_slice %get3A_468 {offsets = [0], sizes = [1], strides = [1]} : vector<16xi32> to vector<1xi32>
          %squeeze3A_470 = vector.extract %slice3A_469[0] : i32 from vector<1xi32>
          %add3A_471 = arith.addi %add3A_321, %squeeze3A_465 : i32
          %get3A_472 = arith.index_cast %add3A_471 : i32 to index
          %get3A_473 = tpu.vector_load %arg6[%get3A_472] {strides = array<i32>} : memref<2576xi32, #tpu.memory_space<vmem>>, vector<16xi32>,
          %slice3A_474 = vector.extract_strided_slice %get3A_473 {offsets = [0], sizes = [1], strides = [1]} : vector<16xi32> to vector<1xi32>
          %squeeze3A_475 = vector.extract %slice3A_474[0] : i32 from vector<1xi32>
          %shift_right_arithmetic3A = arith.constant 5 : i32
          %shift_right_arithmetic3A_476 = arith.shrsi %squeeze3A_475, %shift_right_arithmetic3A : i32
          %shift_right_arithmetic3A_477 = arith.constant 4 : i32
          %shift_right_arithmetic3A_478 = arith.shrsi %shift_right_arithmetic3A_476, %shift_right_arithmetic3A_477 : i32
          %mul3A_479 = arith.constant 16 : i32
          %mul3A_480 = arith.muli %shift_right_arithmetic3A_478, %mul3A_479 : i32
          %sub3A_481 = arith.subi %shift_right_arithmetic3A_476, %mul3A_480 : i32
          %sub3A_482 = arith.subi %squeeze3A_470, %mul3A_2 : i32
          %mul3A_483 = arith.constant 384 : i32
          %mul3A_484 = arith.muli %sub3A_482, %mul3A_483 : i32
          %add3A_485 = arith.addi %mul3A_484, %mul3A_480 : i32
          %and3A_486 = arith.constant 31 : i32
          %and3A_487 = arith.andi %squeeze3A_475, %and3A_486 : i32
          %shift_left3A = arith.constant 1 : i32
          %shift_left3A_488 = arith.shli %shift_left3A, %and3A_487 : i32
          %get3A_489 = arith.index_cast %add3A_485 : i32 to index
          %get3A_490 = tpu.vector_load %arg7[%get3A_489] {strides = array<i32>} : memref<122880xi32, #tpu.memory_space<vmem>>, vector<16xi32>,
          %iota3A = tpu.iota {dimensions = array<i32: 0>} : vector<16xi32>
          %eq3A_491 = vector.broadcast %sub3A_481 : i32 to vector<16xi32>
          %eq3A_492 = arith.cmpi eq, %iota3A, %eq3A_491 : vector<16xi32>
          %or3A = vector.broadcast %shift_left3A_488 : i32 to vector<16xi32>
          %or3A_493 = arith.ori %get3A_490, %or3A : vector<16xi32>
          %select_n3A_494 = arith.select %eq3A_492, %or3A_493, %get3A_490 : vector<16xi1>, vector<16xi32>
          %swap3A = arith.index_cast %add3A_485 : i32 to index
          %swap3A_495 = tpu.vector_load %arg7[%swap3A] {strides = array<i32>} : memref<122880xi32, #tpu.memory_space<vmem>>, vector<16xi32>,
          tpu.vector_store %arg7[%swap3A], %select_n3A_494 {strides = array<i32>} : memref<122880xi32, #tpu.memory_space<vmem>>, vector<16xi32>,
          %iota3A_496 = tpu.iota {dimensions = array<i32: 0>} : vector<16xi32>
          %ne3A_497 = vector.broadcast %squeeze3A_465 : i32 to vector<16xi32>
          %ne3A_498 = arith.cmpi ne, %iota3A_496, %ne3A_497 : vector<16xi32>
          %and3A_499 = arith.andi %while3A_463, %ne3A_498 : vector<16xi1>
          scf.yield %and3A_499 : vector<16xi1>
        }
        %while3A_460 = arith.constant 1 : i32
        %while3A_461 = scf.for %while3A_462 = %while3A_457 to %while3A_453 step %while3A_460 iter_args(%while3A_463 = %while3A_459) -> (vector<16xi1>)  : i32 {
          %all_reduce_ffs3A = tpu.all_reduce %while3A_463 {dim = 0 : i64, kind = #tpu.reduction_kind<find_first_set>} : vector<16xi1> -> vector<16xi32>
          %slice3A_464 = vector.extract_strided_slice %all_reduce_ffs3A {offsets = [0], sizes = [1], strides = [1]} : vector<16xi32> to vector<1xi32>
          %squeeze3A_465 = vector.extract %slice3A_464[0] : i32 from vector<1xi32>
          %add3A_466 = arith.addi %add3A_321, %squeeze3A_465 : i32
          %get3A_467 = arith.index_cast %add3A_466 : i32 to index
          %get3A_468 = tpu.vector_load %arg5[%get3A_467] {strides = array<i32>} : memref<2576xi32, #tpu.memory_space<vmem>>, vector<16xi32>,
          %slice3A_469 = vector.extract_strided_slice %get3A_468 {offsets = [0], sizes = [1], strides = [1]} : vector<16xi32> to vector<1xi32>
          %squeeze3A_470 = vector.extract %slice3A_469[0] : i32 from vector<1xi32>
          %add3A_471 = arith.addi %add3A_321, %squeeze3A_465 : i32
          %get3A_472 = arith.index_cast %add3A_471 : i32 to index
          %get3A_473 = tpu.vector_load %arg6[%get3A_472] {strides = array<i32>} : memref<2576xi32, #tpu.memory_space<vmem>>, vector<16xi32>,
          %slice3A_474 = vector.extract_strided_slice %get3A_473 {offsets = [0], sizes = [1], strides = [1]} : vector<16xi32> to vector<1xi32>
          %squeeze3A_475 = vector.extract %slice3A_474[0] : i32 from vector<1xi32>
          %shift_right_arithmetic3A = arith.constant 5 : i32
          %shift_right_arithmetic3A_476 = arith.shrsi %squeeze3A_475, %shift_right_arithmetic3A : i32
          %shift_right_arithmetic3A_477 = arith.constant 4 : i32
          %shift_right_arithmetic3A_478 = arith.shrsi %shift_right_arithmetic3A_476, %shift_right_arithmetic3A_477 : i32
          %mul3A_479 = arith.constant 16 : i32
          %mul3A_480 = arith.muli %shift_right_arithmetic3A_478, %mul3A_479 : i32
          %sub3A_481 = arith.subi %shift_right_arithmetic3A_476, %mul3A_480 : i32
          %sub3A_482 = arith.subi %squeeze3A_470, %mul3A_2 : i32
          %mul3A_483 = arith.constant 384 : i32
          %mul3A_484 = arith.muli %sub3A_482, %mul3A_483 : i32
          %add3A_485 = arith.addi %mul3A_484, %mul3A_480 : i32
          %and3A_486 = arith.constant 31 : i32
          %and3A_487 = arith.andi %squeeze3A_475, %and3A_486 : i32
          %shift_left3A = arith.constant 1 : i32
          %shift_left3A_488 = arith.shli %shift_left3A, %and3A_487 : i32
          %get3A_489 = arith.index_cast %add3A_485 : i32 to index
          %get3A_490 = tpu.vector_load %arg7[%get3A_489] {strides = array<i32>} : memref<122880xi32, #tpu.memory_space<vmem>>, vector<16xi32>,
          %iota3A = tpu.iota {dimensions = array<i32: 0>} : vector<16xi32>
          %eq3A_491 = vector.broadcast %sub3A_481 : i32 to vector<16xi32>
          %eq3A_492 = arith.cmpi eq, %iota3A, %eq3A_491 : vector<16xi32>
          %or3A = vector.broadcast %shift_left3A_488 : i32 to vector<16xi32>
          %or3A_493 = arith.ori %get3A_490, %or3A : vector<16xi32>
          %select_n3A_494 = arith.select %eq3A_492, %or3A_493, %get3A_490 : vector<16xi1>, vector<16xi32>
          %swap3A = arith.index_cast %add3A_485 : i32 to index
          %swap3A_495 = tpu.vector_load %arg7[%swap3A] {strides = array<i32>} : memref<122880xi32, #tpu.memory_space<vmem>>, vector<16xi32>,
          tpu.vector_store %arg7[%swap3A], %select_n3A_494 {strides = array<i32>} : memref<122880xi32, #tpu.memory_space<vmem>>, vector<16xi32>,
          %iota3A_496 = tpu.iota {dimensions = array<i32: 0>} : vector<16xi32>
          %ne3A_497 = vector.broadcast %squeeze3A_465 : i32 to vector<16xi32>
          %ne3A_498 = arith.cmpi ne, %iota3A_496, %ne3A_497 : vector<16xi32>
          %and3A_499 = arith.andi %while3A_463, %ne3A_498 : vector<16xi1>
          scf.yield %and3A_499 : vector<16xi1>
        }
      } else {
      }
      %add3A_332 = arith.constant 96 : i32
      %add3A_333 = arith.addi %mul3A_73, %add3A_332 : i32
      %eq3A_334 = arith.constant 1 : i32
      %eq3A_335 = arith.cmpi eq, %squeeze3A_233, %eq3A_334 : i32
      %convert_element_type3A_336 = arith.extui %eq3A_335 : i1 to i32
      %cond3A_337 = arith.constant 0 : i32
      %cond3A_338 = arith.cmpi ne, %convert_element_type3A_336, %cond3A_337 : i32
      scf.if %cond3A_338 {
        %get3A_452 = arith.index_cast %add3A_333 : i32 to index
        %get3A_453 = tpu.vector_load %arg6[%get3A_452] {strides = array<i32>} : memref<2576xi32, #tpu.memory_space<vmem>>, vector<16xi32>,
        %sub3A_454 = vector.broadcast %mul3A_2 : i32 to vector<16xi32>
        %sub3A_455 = arith.subi %get3A_100, %sub3A_454 : vector<16xi32>
        %mul3A_456 = arith.constant 384 : i32
        %mul3A_457 = vector.broadcast %mul3A_456 : i32 to vector<16xi32>
        %mul3A_458 = arith.muli %sub3A_455, %mul3A_457 : vector<16xi32>
        %shift_right_arithmetic3A = arith.constant 5 : i32
        %shift_right_arithmetic3A_459 = vector.broadcast %shift_right_arithmetic3A : i32 to vector<16xi32>
        %shift_right_arithmetic3A_460 = arith.shrsi %get3A_453, %shift_right_arithmetic3A_459 : vector<16xi32>
        %add3A_461 = arith.addi %mul3A_458, %shift_right_arithmetic3A_460 : vector<16xi32>
        %and3A_462 = arith.constant 31 : i32
        %and3A_463 = vector.broadcast %and3A_462 : i32 to vector<16xi32>
        %and3A_464 = arith.andi %get3A_453, %and3A_463 : vector<16xi32>
        %shift_left3A = arith.constant 1 : i32
        %shift_left3A_465 = vector.broadcast %shift_left3A : i32 to vector<16xi32>
        %shift_left3A_466 = arith.shli %shift_left3A_465, %and3A_464 : vector<16xi32>
        %gather3A = arith.constant 0 : i32
        %gather3A_467 = tpu.memref_slice %arg7[%gather3A] : memref<122880xi32, #tpu.memory_space<vmem>> -> memref<122880xi32, #tpu.memory_space<vmem>>
        %gather3A_468 = tpu.vector_load_idx %gather3A_467[%add3A_461] masked %and3A_170 : memref<122880xi32, #tpu.memory_space<vmem>>[vector<16xi32>], vector<16xi32>, vector<16xi1>
        %or3A = arith.ori %gather3A_468, %shift_left3A_466 : vector<16xi32>
        %scatter3A = arith.constant 0 : i32
        %scatter3A_469 = tpu.memref_slice %arg7[%scatter3A] : memref<122880xi32, #tpu.memory_space<vmem>> -> memref<122880xi32, #tpu.memory_space<vmem>>
        tpu.vector_store_idx %scatter3A_469[%add3A_461], %or3A masked %and3A_170 : memref<122880xi32, #tpu.memory_space<vmem>>[vector<16xi32>], vector<16xi32>, vector<16xi1>
      } else {
      }
      %gt3A_339 = arith.constant 1 : i32
      %gt3A_340 = arith.cmpi sgt, %squeeze3A_233, %gt3A_339 : i32
      %convert_element_type3A_341 = arith.extui %gt3A_340 : i1 to i32
      %cond3A_342 = arith.constant 0 : i32
      %cond3A_343 = arith.cmpi ne, %convert_element_type3A_341, %cond3A_342 : i32
      scf.if %cond3A_343 {
        %while3A = arith.constant 0 : i32
        %while3A_452 = arith.subi %squeeze3A_233, %while3A : i32
        %while3A_453 = arith.addi %while3A, %while3A_452 : i32
        %while3A_454 = arith.constant 1 : i32
        %while3A_455 = arith.divsi %while3A_452, %while3A_454 : i32
        %while3A_456 = arith.muli %while3A_455, %while3A_454 : i32
        %while3A_457 = arith.addi %while3A, %while3A_456 : i32
        %while3A_458 = arith.constant 1 : i32
        %while3A_459 = scf.for %while3A_462 = %while3A to %while3A_457 step %while3A_458 iter_args(%while3A_463 = %and3A_170) -> (vector<16xi1>)  : i32 {
          %all_reduce_ffs3A = tpu.all_reduce %while3A_463 {dim = 0 : i64, kind = #tpu.reduction_kind<find_first_set>} : vector<16xi1> -> vector<16xi32>
          %slice3A_464 = vector.extract_strided_slice %all_reduce_ffs3A {offsets = [0], sizes = [1], strides = [1]} : vector<16xi32> to vector<1xi32>
          %squeeze3A_465 = vector.extract %slice3A_464[0] : i32 from vector<1xi32>
          %add3A_466 = arith.addi %add3A_333, %squeeze3A_465 : i32
          %get3A_467 = arith.index_cast %add3A_466 : i32 to index
          %get3A_468 = tpu.vector_load %arg5[%get3A_467] {strides = array<i32>} : memref<2576xi32, #tpu.memory_space<vmem>>, vector<16xi32>,
          %slice3A_469 = vector.extract_strided_slice %get3A_468 {offsets = [0], sizes = [1], strides = [1]} : vector<16xi32> to vector<1xi32>
          %squeeze3A_470 = vector.extract %slice3A_469[0] : i32 from vector<1xi32>
          %add3A_471 = arith.addi %add3A_333, %squeeze3A_465 : i32
          %get3A_472 = arith.index_cast %add3A_471 : i32 to index
          %get3A_473 = tpu.vector_load %arg6[%get3A_472] {strides = array<i32>} : memref<2576xi32, #tpu.memory_space<vmem>>, vector<16xi32>,
          %slice3A_474 = vector.extract_strided_slice %get3A_473 {offsets = [0], sizes = [1], strides = [1]} : vector<16xi32> to vector<1xi32>
          %squeeze3A_475 = vector.extract %slice3A_474[0] : i32 from vector<1xi32>
          %shift_right_arithmetic3A = arith.constant 5 : i32
          %shift_right_arithmetic3A_476 = arith.shrsi %squeeze3A_475, %shift_right_arithmetic3A : i32
          %shift_right_arithmetic3A_477 = arith.constant 4 : i32
          %shift_right_arithmetic3A_478 = arith.shrsi %shift_right_arithmetic3A_476, %shift_right_arithmetic3A_477 : i32
          %mul3A_479 = arith.constant 16 : i32
          %mul3A_480 = arith.muli %shift_right_arithmetic3A_478, %mul3A_479 : i32
          %sub3A_481 = arith.subi %shift_right_arithmetic3A_476, %mul3A_480 : i32
          %sub3A_482 = arith.subi %squeeze3A_470, %mul3A_2 : i32
          %mul3A_483 = arith.constant 384 : i32
          %mul3A_484 = arith.muli %sub3A_482, %mul3A_483 : i32
          %add3A_485 = arith.addi %mul3A_484, %mul3A_480 : i32
          %and3A_486 = arith.constant 31 : i32
          %and3A_487 = arith.andi %squeeze3A_475, %and3A_486 : i32
          %shift_left3A = arith.constant 1 : i32
          %shift_left3A_488 = arith.shli %shift_left3A, %and3A_487 : i32
          %get3A_489 = arith.index_cast %add3A_485 : i32 to index
          %get3A_490 = tpu.vector_load %arg7[%get3A_489] {strides = array<i32>} : memref<122880xi32, #tpu.memory_space<vmem>>, vector<16xi32>,
          %iota3A = tpu.iota {dimensions = array<i32: 0>} : vector<16xi32>
          %eq3A_491 = vector.broadcast %sub3A_481 : i32 to vector<16xi32>
          %eq3A_492 = arith.cmpi eq, %iota3A, %eq3A_491 : vector<16xi32>
          %or3A = vector.broadcast %shift_left3A_488 : i32 to vector<16xi32>
          %or3A_493 = arith.ori %get3A_490, %or3A : vector<16xi32>
          %select_n3A_494 = arith.select %eq3A_492, %or3A_493, %get3A_490 : vector<16xi1>, vector<16xi32>
          %swap3A = arith.index_cast %add3A_485 : i32 to index
          %swap3A_495 = tpu.vector_load %arg7[%swap3A] {strides = array<i32>} : memref<122880xi32, #tpu.memory_space<vmem>>, vector<16xi32>,
          tpu.vector_store %arg7[%swap3A], %select_n3A_494 {strides = array<i32>} : memref<122880xi32, #tpu.memory_space<vmem>>, vector<16xi32>,
          %iota3A_496 = tpu.iota {dimensions = array<i32: 0>} : vector<16xi32>
          %ne3A_497 = vector.broadcast %squeeze3A_465 : i32 to vector<16xi32>
          %ne3A_498 = arith.cmpi ne, %iota3A_496, %ne3A_497 : vector<16xi32>
          %and3A_499 = arith.andi %while3A_463, %ne3A_498 : vector<16xi1>
          scf.yield %and3A_499 : vector<16xi1>
        }
        %while3A_460 = arith.constant 1 : i32
        %while3A_461 = scf.for %while3A_462 = %while3A_457 to %while3A_453 step %while3A_460 iter_args(%while3A_463 = %while3A_459) -> (vector<16xi1>)  : i32 {
          %all_reduce_ffs3A = tpu.all_reduce %while3A_463 {dim = 0 : i64, kind = #tpu.reduction_kind<find_first_set>} : vector<16xi1> -> vector<16xi32>
          %slice3A_464 = vector.extract_strided_slice %all_reduce_ffs3A {offsets = [0], sizes = [1], strides = [1]} : vector<16xi32> to vector<1xi32>
          %squeeze3A_465 = vector.extract %slice3A_464[0] : i32 from vector<1xi32>
          %add3A_466 = arith.addi %add3A_333, %squeeze3A_465 : i32
          %get3A_467 = arith.index_cast %add3A_466 : i32 to index
          %get3A_468 = tpu.vector_load %arg5[%get3A_467] {strides = array<i32>} : memref<2576xi32, #tpu.memory_space<vmem>>, vector<16xi32>,
          %slice3A_469 = vector.extract_strided_slice %get3A_468 {offsets = [0], sizes = [1], strides = [1]} : vector<16xi32> to vector<1xi32>
          %squeeze3A_470 = vector.extract %slice3A_469[0] : i32 from vector<1xi32>
          %add3A_471 = arith.addi %add3A_333, %squeeze3A_465 : i32
          %get3A_472 = arith.index_cast %add3A_471 : i32 to index
          %get3A_473 = tpu.vector_load %arg6[%get3A_472] {strides = array<i32>} : memref<2576xi32, #tpu.memory_space<vmem>>, vector<16xi32>,
          %slice3A_474 = vector.extract_strided_slice %get3A_473 {offsets = [0], sizes = [1], strides = [1]} : vector<16xi32> to vector<1xi32>
          %squeeze3A_475 = vector.extract %slice3A_474[0] : i32 from vector<1xi32>
          %shift_right_arithmetic3A = arith.constant 5 : i32
          %shift_right_arithmetic3A_476 = arith.shrsi %squeeze3A_475, %shift_right_arithmetic3A : i32
          %shift_right_arithmetic3A_477 = arith.constant 4 : i32
          %shift_right_arithmetic3A_478 = arith.shrsi %shift_right_arithmetic3A_476, %shift_right_arithmetic3A_477 : i32
          %mul3A_479 = arith.constant 16 : i32
          %mul3A_480 = arith.muli %shift_right_arithmetic3A_478, %mul3A_479 : i32
          %sub3A_481 = arith.subi %shift_right_arithmetic3A_476, %mul3A_480 : i32
          %sub3A_482 = arith.subi %squeeze3A_470, %mul3A_2 : i32
          %mul3A_483 = arith.constant 384 : i32
          %mul3A_484 = arith.muli %sub3A_482, %mul3A_483 : i32
          %add3A_485 = arith.addi %mul3A_484, %mul3A_480 : i32
          %and3A_486 = arith.constant 31 : i32
          %and3A_487 = arith.andi %squeeze3A_475, %and3A_486 : i32
          %shift_left3A = arith.constant 1 : i32
          %shift_left3A_488 = arith.shli %shift_left3A, %and3A_487 : i32
          %get3A_489 = arith.index_cast %add3A_485 : i32 to index
          %get3A_490 = tpu.vector_load %arg7[%get3A_489] {strides = array<i32>} : memref<122880xi32, #tpu.memory_space<vmem>>, vector<16xi32>,
          %iota3A = tpu.iota {dimensions = array<i32: 0>} : vector<16xi32>
          %eq3A_491 = vector.broadcast %sub3A_481 : i32 to vector<16xi32>
          %eq3A_492 = arith.cmpi eq, %iota3A, %eq3A_491 : vector<16xi32>
          %or3A = vector.broadcast %shift_left3A_488 : i32 to vector<16xi32>
          %or3A_493 = arith.ori %get3A_490, %or3A : vector<16xi32>
          %select_n3A_494 = arith.select %eq3A_492, %or3A_493, %get3A_490 : vector<16xi1>, vector<16xi32>
          %swap3A = arith.index_cast %add3A_485 : i32 to index
          %swap3A_495 = tpu.vector_load %arg7[%swap3A] {strides = array<i32>} : memref<122880xi32, #tpu.memory_space<vmem>>, vector<16xi32>,
          tpu.vector_store %arg7[%swap3A], %select_n3A_494 {strides = array<i32>} : memref<122880xi32, #tpu.memory_space<vmem>>, vector<16xi32>,
          %iota3A_496 = tpu.iota {dimensions = array<i32: 0>} : vector<16xi32>
          %ne3A_497 = vector.broadcast %squeeze3A_465 : i32 to vector<16xi32>
          %ne3A_498 = arith.cmpi ne, %iota3A_496, %ne3A_497 : vector<16xi32>
          %and3A_499 = arith.andi %while3A_463, %ne3A_498 : vector<16xi1>
          scf.yield %and3A_499 : vector<16xi1>
        }
      } else {
      }
      %add3A_344 = arith.constant 112 : i32
      %add3A_345 = arith.addi %mul3A_73, %add3A_344 : i32
      %eq3A_346 = arith.constant 1 : i32
      %eq3A_347 = arith.cmpi eq, %squeeze3A_236, %eq3A_346 : i32
      %convert_element_type3A_348 = arith.extui %eq3A_347 : i1 to i32
      %cond3A_349 = arith.constant 0 : i32
      %cond3A_350 = arith.cmpi ne, %convert_element_type3A_348, %cond3A_349 : i32
      scf.if %cond3A_350 {
        %get3A_452 = arith.index_cast %add3A_345 : i32 to index
        %get3A_453 = tpu.vector_load %arg6[%get3A_452] {strides = array<i32>} : memref<2576xi32, #tpu.memory_space<vmem>>, vector<16xi32>,
        %sub3A_454 = vector.broadcast %mul3A_2 : i32 to vector<16xi32>
        %sub3A_455 = arith.subi %get3A_104, %sub3A_454 : vector<16xi32>
        %mul3A_456 = arith.constant 384 : i32
        %mul3A_457 = vector.broadcast %mul3A_456 : i32 to vector<16xi32>
        %mul3A_458 = arith.muli %sub3A_455, %mul3A_457 : vector<16xi32>
        %shift_right_arithmetic3A = arith.constant 5 : i32
        %shift_right_arithmetic3A_459 = vector.broadcast %shift_right_arithmetic3A : i32 to vector<16xi32>
        %shift_right_arithmetic3A_460 = arith.shrsi %get3A_453, %shift_right_arithmetic3A_459 : vector<16xi32>
        %add3A_461 = arith.addi %mul3A_458, %shift_right_arithmetic3A_460 : vector<16xi32>
        %and3A_462 = arith.constant 31 : i32
        %and3A_463 = vector.broadcast %and3A_462 : i32 to vector<16xi32>
        %and3A_464 = arith.andi %get3A_453, %and3A_463 : vector<16xi32>
        %shift_left3A = arith.constant 1 : i32
        %shift_left3A_465 = vector.broadcast %shift_left3A : i32 to vector<16xi32>
        %shift_left3A_466 = arith.shli %shift_left3A_465, %and3A_464 : vector<16xi32>
        %gather3A = arith.constant 0 : i32
        %gather3A_467 = tpu.memref_slice %arg7[%gather3A] : memref<122880xi32, #tpu.memory_space<vmem>> -> memref<122880xi32, #tpu.memory_space<vmem>>
        %gather3A_468 = tpu.vector_load_idx %gather3A_467[%add3A_461] masked %and3A_175 : memref<122880xi32, #tpu.memory_space<vmem>>[vector<16xi32>], vector<16xi32>, vector<16xi1>
        %or3A = arith.ori %gather3A_468, %shift_left3A_466 : vector<16xi32>
        %scatter3A = arith.constant 0 : i32
        %scatter3A_469 = tpu.memref_slice %arg7[%scatter3A] : memref<122880xi32, #tpu.memory_space<vmem>> -> memref<122880xi32, #tpu.memory_space<vmem>>
        tpu.vector_store_idx %scatter3A_469[%add3A_461], %or3A masked %and3A_175 : memref<122880xi32, #tpu.memory_space<vmem>>[vector<16xi32>], vector<16xi32>, vector<16xi1>
      } else {
      }
      %gt3A_351 = arith.constant 1 : i32
      %gt3A_352 = arith.cmpi sgt, %squeeze3A_236, %gt3A_351 : i32
      %convert_element_type3A_353 = arith.extui %gt3A_352 : i1 to i32
      %cond3A_354 = arith.constant 0 : i32
      %cond3A_355 = arith.cmpi ne, %convert_element_type3A_353, %cond3A_354 : i32
      scf.if %cond3A_355 {
        %while3A = arith.constant 0 : i32
        %while3A_452 = arith.subi %squeeze3A_236, %while3A : i32
        %while3A_453 = arith.addi %while3A, %while3A_452 : i32
        %while3A_454 = arith.constant 1 : i32
        %while3A_455 = arith.divsi %while3A_452, %while3A_454 : i32
        %while3A_456 = arith.muli %while3A_455, %while3A_454 : i32
        %while3A_457 = arith.addi %while3A, %while3A_456 : i32
        %while3A_458 = arith.constant 1 : i32
        %while3A_459 = scf.for %while3A_462 = %while3A to %while3A_457 step %while3A_458 iter_args(%while3A_463 = %and3A_175) -> (vector<16xi1>)  : i32 {
          %all_reduce_ffs3A = tpu.all_reduce %while3A_463 {dim = 0 : i64, kind = #tpu.reduction_kind<find_first_set>} : vector<16xi1> -> vector<16xi32>
          %slice3A_464 = vector.extract_strided_slice %all_reduce_ffs3A {offsets = [0], sizes = [1], strides = [1]} : vector<16xi32> to vector<1xi32>
          %squeeze3A_465 = vector.extract %slice3A_464[0] : i32 from vector<1xi32>
          %add3A_466 = arith.addi %add3A_345, %squeeze3A_465 : i32
          %get3A_467 = arith.index_cast %add3A_466 : i32 to index
          %get3A_468 = tpu.vector_load %arg5[%get3A_467] {strides = array<i32>} : memref<2576xi32, #tpu.memory_space<vmem>>, vector<16xi32>,
          %slice3A_469 = vector.extract_strided_slice %get3A_468 {offsets = [0], sizes = [1], strides = [1]} : vector<16xi32> to vector<1xi32>
          %squeeze3A_470 = vector.extract %slice3A_469[0] : i32 from vector<1xi32>
          %add3A_471 = arith.addi %add3A_345, %squeeze3A_465 : i32
          %get3A_472 = arith.index_cast %add3A_471 : i32 to index
          %get3A_473 = tpu.vector_load %arg6[%get3A_472] {strides = array<i32>} : memref<2576xi32, #tpu.memory_space<vmem>>, vector<16xi32>,
          %slice3A_474 = vector.extract_strided_slice %get3A_473 {offsets = [0], sizes = [1], strides = [1]} : vector<16xi32> to vector<1xi32>
          %squeeze3A_475 = vector.extract %slice3A_474[0] : i32 from vector<1xi32>
          %shift_right_arithmetic3A = arith.constant 5 : i32
          %shift_right_arithmetic3A_476 = arith.shrsi %squeeze3A_475, %shift_right_arithmetic3A : i32
          %shift_right_arithmetic3A_477 = arith.constant 4 : i32
          %shift_right_arithmetic3A_478 = arith.shrsi %shift_right_arithmetic3A_476, %shift_right_arithmetic3A_477 : i32
          %mul3A_479 = arith.constant 16 : i32
          %mul3A_480 = arith.muli %shift_right_arithmetic3A_478, %mul3A_479 : i32
          %sub3A_481 = arith.subi %shift_right_arithmetic3A_476, %mul3A_480 : i32
          %sub3A_482 = arith.subi %squeeze3A_470, %mul3A_2 : i32
          %mul3A_483 = arith.constant 384 : i32
          %mul3A_484 = arith.muli %sub3A_482, %mul3A_483 : i32
          %add3A_485 = arith.addi %mul3A_484, %mul3A_480 : i32
          %and3A_486 = arith.constant 31 : i32
          %and3A_487 = arith.andi %squeeze3A_475, %and3A_486 : i32
          %shift_left3A = arith.constant 1 : i32
          %shift_left3A_488 = arith.shli %shift_left3A, %and3A_487 : i32
          %get3A_489 = arith.index_cast %add3A_485 : i32 to index
          %get3A_490 = tpu.vector_load %arg7[%get3A_489] {strides = array<i32>} : memref<122880xi32, #tpu.memory_space<vmem>>, vector<16xi32>,
          %iota3A = tpu.iota {dimensions = array<i32: 0>} : vector<16xi32>
          %eq3A_491 = vector.broadcast %sub3A_481 : i32 to vector<16xi32>
          %eq3A_492 = arith.cmpi eq, %iota3A, %eq3A_491 : vector<16xi32>
          %or3A = vector.broadcast %shift_left3A_488 : i32 to vector<16xi32>
          %or3A_493 = arith.ori %get3A_490, %or3A : vector<16xi32>
          %select_n3A_494 = arith.select %eq3A_492, %or3A_493, %get3A_490 : vector<16xi1>, vector<16xi32>
          %swap3A = arith.index_cast %add3A_485 : i32 to index
          %swap3A_495 = tpu.vector_load %arg7[%swap3A] {strides = array<i32>} : memref<122880xi32, #tpu.memory_space<vmem>>, vector<16xi32>,
          tpu.vector_store %arg7[%swap3A], %select_n3A_494 {strides = array<i32>} : memref<122880xi32, #tpu.memory_space<vmem>>, vector<16xi32>,
          %iota3A_496 = tpu.iota {dimensions = array<i32: 0>} : vector<16xi32>
          %ne3A_497 = vector.broadcast %squeeze3A_465 : i32 to vector<16xi32>
          %ne3A_498 = arith.cmpi ne, %iota3A_496, %ne3A_497 : vector<16xi32>
          %and3A_499 = arith.andi %while3A_463, %ne3A_498 : vector<16xi1>
          scf.yield %and3A_499 : vector<16xi1>
        }
        %while3A_460 = arith.constant 1 : i32
        %while3A_461 = scf.for %while3A_462 = %while3A_457 to %while3A_453 step %while3A_460 iter_args(%while3A_463 = %while3A_459) -> (vector<16xi1>)  : i32 {
          %all_reduce_ffs3A = tpu.all_reduce %while3A_463 {dim = 0 : i64, kind = #tpu.reduction_kind<find_first_set>} : vector<16xi1> -> vector<16xi32>
          %slice3A_464 = vector.extract_strided_slice %all_reduce_ffs3A {offsets = [0], sizes = [1], strides = [1]} : vector<16xi32> to vector<1xi32>
          %squeeze3A_465 = vector.extract %slice3A_464[0] : i32 from vector<1xi32>
          %add3A_466 = arith.addi %add3A_345, %squeeze3A_465 : i32
          %get3A_467 = arith.index_cast %add3A_466 : i32 to index
          %get3A_468 = tpu.vector_load %arg5[%get3A_467] {strides = array<i32>} : memref<2576xi32, #tpu.memory_space<vmem>>, vector<16xi32>,
          %slice3A_469 = vector.extract_strided_slice %get3A_468 {offsets = [0], sizes = [1], strides = [1]} : vector<16xi32> to vector<1xi32>
          %squeeze3A_470 = vector.extract %slice3A_469[0] : i32 from vector<1xi32>
          %add3A_471 = arith.addi %add3A_345, %squeeze3A_465 : i32
          %get3A_472 = arith.index_cast %add3A_471 : i32 to index
          %get3A_473 = tpu.vector_load %arg6[%get3A_472] {strides = array<i32>} : memref<2576xi32, #tpu.memory_space<vmem>>, vector<16xi32>,
          %slice3A_474 = vector.extract_strided_slice %get3A_473 {offsets = [0], sizes = [1], strides = [1]} : vector<16xi32> to vector<1xi32>
          %squeeze3A_475 = vector.extract %slice3A_474[0] : i32 from vector<1xi32>
          %shift_right_arithmetic3A = arith.constant 5 : i32
          %shift_right_arithmetic3A_476 = arith.shrsi %squeeze3A_475, %shift_right_arithmetic3A : i32
          %shift_right_arithmetic3A_477 = arith.constant 4 : i32
          %shift_right_arithmetic3A_478 = arith.shrsi %shift_right_arithmetic3A_476, %shift_right_arithmetic3A_477 : i32
          %mul3A_479 = arith.constant 16 : i32
          %mul3A_480 = arith.muli %shift_right_arithmetic3A_478, %mul3A_479 : i32
          %sub3A_481 = arith.subi %shift_right_arithmetic3A_476, %mul3A_480 : i32
          %sub3A_482 = arith.subi %squeeze3A_470, %mul3A_2 : i32
          %mul3A_483 = arith.constant 384 : i32
          %mul3A_484 = arith.muli %sub3A_482, %mul3A_483 : i32
          %add3A_485 = arith.addi %mul3A_484, %mul3A_480 : i32
          %and3A_486 = arith.constant 31 : i32
          %and3A_487 = arith.andi %squeeze3A_475, %and3A_486 : i32
          %shift_left3A = arith.constant 1 : i32
          %shift_left3A_488 = arith.shli %shift_left3A, %and3A_487 : i32
          %get3A_489 = arith.index_cast %add3A_485 : i32 to index
          %get3A_490 = tpu.vector_load %arg7[%get3A_489] {strides = array<i32>} : memref<122880xi32, #tpu.memory_space<vmem>>, vector<16xi32>,
          %iota3A = tpu.iota {dimensions = array<i32: 0>} : vector<16xi32>
          %eq3A_491 = vector.broadcast %sub3A_481 : i32 to vector<16xi32>
          %eq3A_492 = arith.cmpi eq, %iota3A, %eq3A_491 : vector<16xi32>
          %or3A = vector.broadcast %shift_left3A_488 : i32 to vector<16xi32>
          %or3A_493 = arith.ori %get3A_490, %or3A : vector<16xi32>
          %select_n3A_494 = arith.select %eq3A_492, %or3A_493, %get3A_490 : vector<16xi1>, vector<16xi32>
          %swap3A = arith.index_cast %add3A_485 : i32 to index
          %swap3A_495 = tpu.vector_load %arg7[%swap3A] {strides = array<i32>} : memref<122880xi32, #tpu.memory_space<vmem>>, vector<16xi32>,
          tpu.vector_store %arg7[%swap3A], %select_n3A_494 {strides = array<i32>} : memref<122880xi32, #tpu.memory_space<vmem>>, vector<16xi32>,
          %iota3A_496 = tpu.iota {dimensions = array<i32: 0>} : vector<16xi32>
          %ne3A_497 = vector.broadcast %squeeze3A_465 : i32 to vector<16xi32>
          %ne3A_498 = arith.cmpi ne, %iota3A_496, %ne3A_497 : vector<16xi32>
          %and3A_499 = arith.andi %while3A_463, %ne3A_498 : vector<16xi1>
          scf.yield %and3A_499 : vector<16xi1>
        }
      } else {
      }
      %add3A_356 = arith.constant 128 : i32
      %add3A_357 = arith.addi %mul3A_73, %add3A_356 : i32
      %eq3A_358 = arith.constant 1 : i32
      %eq3A_359 = arith.cmpi eq, %squeeze3A_239, %eq3A_358 : i32
      %convert_element_type3A_360 = arith.extui %eq3A_359 : i1 to i32
      %cond3A_361 = arith.constant 0 : i32
      %cond3A_362 = arith.cmpi ne, %convert_element_type3A_360, %cond3A_361 : i32
      scf.if %cond3A_362 {
        %get3A_452 = arith.index_cast %add3A_357 : i32 to index
        %get3A_453 = tpu.vector_load %arg6[%get3A_452] {strides = array<i32>} : memref<2576xi32, #tpu.memory_space<vmem>>, vector<16xi32>,
        %sub3A_454 = vector.broadcast %mul3A_2 : i32 to vector<16xi32>
        %sub3A_455 = arith.subi %get3A_108, %sub3A_454 : vector<16xi32>
        %mul3A_456 = arith.constant 384 : i32
        %mul3A_457 = vector.broadcast %mul3A_456 : i32 to vector<16xi32>
        %mul3A_458 = arith.muli %sub3A_455, %mul3A_457 : vector<16xi32>
        %shift_right_arithmetic3A = arith.constant 5 : i32
        %shift_right_arithmetic3A_459 = vector.broadcast %shift_right_arithmetic3A : i32 to vector<16xi32>
        %shift_right_arithmetic3A_460 = arith.shrsi %get3A_453, %shift_right_arithmetic3A_459 : vector<16xi32>
        %add3A_461 = arith.addi %mul3A_458, %shift_right_arithmetic3A_460 : vector<16xi32>
        %and3A_462 = arith.constant 31 : i32
        %and3A_463 = vector.broadcast %and3A_462 : i32 to vector<16xi32>
        %and3A_464 = arith.andi %get3A_453, %and3A_463 : vector<16xi32>
        %shift_left3A = arith.constant 1 : i32
        %shift_left3A_465 = vector.broadcast %shift_left3A : i32 to vector<16xi32>
        %shift_left3A_466 = arith.shli %shift_left3A_465, %and3A_464 : vector<16xi32>
        %gather3A = arith.constant 0 : i32
        %gather3A_467 = tpu.memref_slice %arg7[%gather3A] : memref<122880xi32, #tpu.memory_space<vmem>> -> memref<122880xi32, #tpu.memory_space<vmem>>
        %gather3A_468 = tpu.vector_load_idx %gather3A_467[%add3A_461] masked %and3A_180 : memref<122880xi32, #tpu.memory_space<vmem>>[vector<16xi32>], vector<16xi32>, vector<16xi1>
        %or3A = arith.ori %gather3A_468, %shift_left3A_466 : vector<16xi32>
        %scatter3A = arith.constant 0 : i32
        %scatter3A_469 = tpu.memref_slice %arg7[%scatter3A] : memref<122880xi32, #tpu.memory_space<vmem>> -> memref<122880xi32, #tpu.memory_space<vmem>>
        tpu.vector_store_idx %scatter3A_469[%add3A_461], %or3A masked %and3A_180 : memref<122880xi32, #tpu.memory_space<vmem>>[vector<16xi32>], vector<16xi32>, vector<16xi1>
      } else {
      }
      %gt3A_363 = arith.constant 1 : i32
      %gt3A_364 = arith.cmpi sgt, %squeeze3A_239, %gt3A_363 : i32
      %convert_element_type3A_365 = arith.extui %gt3A_364 : i1 to i32
      %cond3A_366 = arith.constant 0 : i32
      %cond3A_367 = arith.cmpi ne, %convert_element_type3A_365, %cond3A_366 : i32
      scf.if %cond3A_367 {
        %while3A = arith.constant 0 : i32
        %while3A_452 = arith.subi %squeeze3A_239, %while3A : i32
        %while3A_453 = arith.addi %while3A, %while3A_452 : i32
        %while3A_454 = arith.constant 1 : i32
        %while3A_455 = arith.divsi %while3A_452, %while3A_454 : i32
        %while3A_456 = arith.muli %while3A_455, %while3A_454 : i32
        %while3A_457 = arith.addi %while3A, %while3A_456 : i32
        %while3A_458 = arith.constant 1 : i32
        %while3A_459 = scf.for %while3A_462 = %while3A to %while3A_457 step %while3A_458 iter_args(%while3A_463 = %and3A_180) -> (vector<16xi1>)  : i32 {
          %all_reduce_ffs3A = tpu.all_reduce %while3A_463 {dim = 0 : i64, kind = #tpu.reduction_kind<find_first_set>} : vector<16xi1> -> vector<16xi32>
          %slice3A_464 = vector.extract_strided_slice %all_reduce_ffs3A {offsets = [0], sizes = [1], strides = [1]} : vector<16xi32> to vector<1xi32>
          %squeeze3A_465 = vector.extract %slice3A_464[0] : i32 from vector<1xi32>
          %add3A_466 = arith.addi %add3A_357, %squeeze3A_465 : i32
          %get3A_467 = arith.index_cast %add3A_466 : i32 to index
          %get3A_468 = tpu.vector_load %arg5[%get3A_467] {strides = array<i32>} : memref<2576xi32, #tpu.memory_space<vmem>>, vector<16xi32>,
          %slice3A_469 = vector.extract_strided_slice %get3A_468 {offsets = [0], sizes = [1], strides = [1]} : vector<16xi32> to vector<1xi32>
          %squeeze3A_470 = vector.extract %slice3A_469[0] : i32 from vector<1xi32>
          %add3A_471 = arith.addi %add3A_357, %squeeze3A_465 : i32
          %get3A_472 = arith.index_cast %add3A_471 : i32 to index
          %get3A_473 = tpu.vector_load %arg6[%get3A_472] {strides = array<i32>} : memref<2576xi32, #tpu.memory_space<vmem>>, vector<16xi32>,
          %slice3A_474 = vector.extract_strided_slice %get3A_473 {offsets = [0], sizes = [1], strides = [1]} : vector<16xi32> to vector<1xi32>
          %squeeze3A_475 = vector.extract %slice3A_474[0] : i32 from vector<1xi32>
          %shift_right_arithmetic3A = arith.constant 5 : i32
          %shift_right_arithmetic3A_476 = arith.shrsi %squeeze3A_475, %shift_right_arithmetic3A : i32
          %shift_right_arithmetic3A_477 = arith.constant 4 : i32
          %shift_right_arithmetic3A_478 = arith.shrsi %shift_right_arithmetic3A_476, %shift_right_arithmetic3A_477 : i32
          %mul3A_479 = arith.constant 16 : i32
          %mul3A_480 = arith.muli %shift_right_arithmetic3A_478, %mul3A_479 : i32
          %sub3A_481 = arith.subi %shift_right_arithmetic3A_476, %mul3A_480 : i32
          %sub3A_482 = arith.subi %squeeze3A_470, %mul3A_2 : i32
          %mul3A_483 = arith.constant 384 : i32
          %mul3A_484 = arith.muli %sub3A_482, %mul3A_483 : i32
          %add3A_485 = arith.addi %mul3A_484, %mul3A_480 : i32
          %and3A_486 = arith.constant 31 : i32
          %and3A_487 = arith.andi %squeeze3A_475, %and3A_486 : i32
          %shift_left3A = arith.constant 1 : i32
          %shift_left3A_488 = arith.shli %shift_left3A, %and3A_487 : i32
          %get3A_489 = arith.index_cast %add3A_485 : i32 to index
          %get3A_490 = tpu.vector_load %arg7[%get3A_489] {strides = array<i32>} : memref<122880xi32, #tpu.memory_space<vmem>>, vector<16xi32>,
          %iota3A = tpu.iota {dimensions = array<i32: 0>} : vector<16xi32>
          %eq3A_491 = vector.broadcast %sub3A_481 : i32 to vector<16xi32>
          %eq3A_492 = arith.cmpi eq, %iota3A, %eq3A_491 : vector<16xi32>
          %or3A = vector.broadcast %shift_left3A_488 : i32 to vector<16xi32>
          %or3A_493 = arith.ori %get3A_490, %or3A : vector<16xi32>
          %select_n3A_494 = arith.select %eq3A_492, %or3A_493, %get3A_490 : vector<16xi1>, vector<16xi32>
          %swap3A = arith.index_cast %add3A_485 : i32 to index
          %swap3A_495 = tpu.vector_load %arg7[%swap3A] {strides = array<i32>} : memref<122880xi32, #tpu.memory_space<vmem>>, vector<16xi32>,
          tpu.vector_store %arg7[%swap3A], %select_n3A_494 {strides = array<i32>} : memref<122880xi32, #tpu.memory_space<vmem>>, vector<16xi32>,
          %iota3A_496 = tpu.iota {dimensions = array<i32: 0>} : vector<16xi32>
          %ne3A_497 = vector.broadcast %squeeze3A_465 : i32 to vector<16xi32>
          %ne3A_498 = arith.cmpi ne, %iota3A_496, %ne3A_497 : vector<16xi32>
          %and3A_499 = arith.andi %while3A_463, %ne3A_498 : vector<16xi1>
          scf.yield %and3A_499 : vector<16xi1>
        }
        %while3A_460 = arith.constant 1 : i32
        %while3A_461 = scf.for %while3A_462 = %while3A_457 to %while3A_453 step %while3A_460 iter_args(%while3A_463 = %while3A_459) -> (vector<16xi1>)  : i32 {
          %all_reduce_ffs3A = tpu.all_reduce %while3A_463 {dim = 0 : i64, kind = #tpu.reduction_kind<find_first_set>} : vector<16xi1> -> vector<16xi32>
          %slice3A_464 = vector.extract_strided_slice %all_reduce_ffs3A {offsets = [0], sizes = [1], strides = [1]} : vector<16xi32> to vector<1xi32>
          %squeeze3A_465 = vector.extract %slice3A_464[0] : i32 from vector<1xi32>
          %add3A_466 = arith.addi %add3A_357, %squeeze3A_465 : i32
          %get3A_467 = arith.index_cast %add3A_466 : i32 to index
          %get3A_468 = tpu.vector_load %arg5[%get3A_467] {strides = array<i32>} : memref<2576xi32, #tpu.memory_space<vmem>>, vector<16xi32>,
          %slice3A_469 = vector.extract_strided_slice %get3A_468 {offsets = [0], sizes = [1], strides = [1]} : vector<16xi32> to vector<1xi32>
          %squeeze3A_470 = vector.extract %slice3A_469[0] : i32 from vector<1xi32>
          %add3A_471 = arith.addi %add3A_357, %squeeze3A_465 : i32
          %get3A_472 = arith.index_cast %add3A_471 : i32 to index
          %get3A_473 = tpu.vector_load %arg6[%get3A_472] {strides = array<i32>} : memref<2576xi32, #tpu.memory_space<vmem>>, vector<16xi32>,
          %slice3A_474 = vector.extract_strided_slice %get3A_473 {offsets = [0], sizes = [1], strides = [1]} : vector<16xi32> to vector<1xi32>
          %squeeze3A_475 = vector.extract %slice3A_474[0] : i32 from vector<1xi32>
          %shift_right_arithmetic3A = arith.constant 5 : i32
          %shift_right_arithmetic3A_476 = arith.shrsi %squeeze3A_475, %shift_right_arithmetic3A : i32
          %shift_right_arithmetic3A_477 = arith.constant 4 : i32
          %shift_right_arithmetic3A_478 = arith.shrsi %shift_right_arithmetic3A_476, %shift_right_arithmetic3A_477 : i32
          %mul3A_479 = arith.constant 16 : i32
          %mul3A_480 = arith.muli %shift_right_arithmetic3A_478, %mul3A_479 : i32
          %sub3A_481 = arith.subi %shift_right_arithmetic3A_476, %mul3A_480 : i32
          %sub3A_482 = arith.subi %squeeze3A_470, %mul3A_2 : i32
          %mul3A_483 = arith.constant 384 : i32
          %mul3A_484 = arith.muli %sub3A_482, %mul3A_483 : i32
          %add3A_485 = arith.addi %mul3A_484, %mul3A_480 : i32
          %and3A_486 = arith.constant 31 : i32
          %and3A_487 = arith.andi %squeeze3A_475, %and3A_486 : i32
          %shift_left3A = arith.constant 1 : i32
          %shift_left3A_488 = arith.shli %shift_left3A, %and3A_487 : i32
          %get3A_489 = arith.index_cast %add3A_485 : i32 to index
          %get3A_490 = tpu.vector_load %arg7[%get3A_489] {strides = array<i32>} : memref<122880xi32, #tpu.memory_space<vmem>>, vector<16xi32>,
          %iota3A = tpu.iota {dimensions = array<i32: 0>} : vector<16xi32>
          %eq3A_491 = vector.broadcast %sub3A_481 : i32 to vector<16xi32>
          %eq3A_492 = arith.cmpi eq, %iota3A, %eq3A_491 : vector<16xi32>
          %or3A = vector.broadcast %shift_left3A_488 : i32 to vector<16xi32>
          %or3A_493 = arith.ori %get3A_490, %or3A : vector<16xi32>
          %select_n3A_494 = arith.select %eq3A_492, %or3A_493, %get3A_490 : vector<16xi1>, vector<16xi32>
          %swap3A = arith.index_cast %add3A_485 : i32 to index
          %swap3A_495 = tpu.vector_load %arg7[%swap3A] {strides = array<i32>} : memref<122880xi32, #tpu.memory_space<vmem>>, vector<16xi32>,
          tpu.vector_store %arg7[%swap3A], %select_n3A_494 {strides = array<i32>} : memref<122880xi32, #tpu.memory_space<vmem>>, vector<16xi32>,
          %iota3A_496 = tpu.iota {dimensions = array<i32: 0>} : vector<16xi32>
          %ne3A_497 = vector.broadcast %squeeze3A_465 : i32 to vector<16xi32>
          %ne3A_498 = arith.cmpi ne, %iota3A_496, %ne3A_497 : vector<16xi32>
          %and3A_499 = arith.andi %while3A_463, %ne3A_498 : vector<16xi1>
          scf.yield %and3A_499 : vector<16xi1>
        }
      } else {
      }
      %add3A_368 = arith.constant 144 : i32
      %add3A_369 = arith.addi %mul3A_73, %add3A_368 : i32
      %eq3A_370 = arith.constant 1 : i32
      %eq3A_371 = arith.cmpi eq, %squeeze3A_242, %eq3A_370 : i32
      %convert_element_type3A_372 = arith.extui %eq3A_371 : i1 to i32
      %cond3A_373 = arith.constant 0 : i32
      %cond3A_374 = arith.cmpi ne, %convert_element_type3A_372, %cond3A_373 : i32
      scf.if %cond3A_374 {
        %get3A_452 = arith.index_cast %add3A_369 : i32 to index
        %get3A_453 = tpu.vector_load %arg6[%get3A_452] {strides = array<i32>} : memref<2576xi32, #tpu.memory_space<vmem>>, vector<16xi32>,
        %sub3A_454 = vector.broadcast %mul3A_2 : i32 to vector<16xi32>
        %sub3A_455 = arith.subi %get3A_112, %sub3A_454 : vector<16xi32>
        %mul3A_456 = arith.constant 384 : i32
        %mul3A_457 = vector.broadcast %mul3A_456 : i32 to vector<16xi32>
        %mul3A_458 = arith.muli %sub3A_455, %mul3A_457 : vector<16xi32>
        %shift_right_arithmetic3A = arith.constant 5 : i32
        %shift_right_arithmetic3A_459 = vector.broadcast %shift_right_arithmetic3A : i32 to vector<16xi32>
        %shift_right_arithmetic3A_460 = arith.shrsi %get3A_453, %shift_right_arithmetic3A_459 : vector<16xi32>
        %add3A_461 = arith.addi %mul3A_458, %shift_right_arithmetic3A_460 : vector<16xi32>
        %and3A_462 = arith.constant 31 : i32
        %and3A_463 = vector.broadcast %and3A_462 : i32 to vector<16xi32>
        %and3A_464 = arith.andi %get3A_453, %and3A_463 : vector<16xi32>
        %shift_left3A = arith.constant 1 : i32
        %shift_left3A_465 = vector.broadcast %shift_left3A : i32 to vector<16xi32>
        %shift_left3A_466 = arith.shli %shift_left3A_465, %and3A_464 : vector<16xi32>
        %gather3A = arith.constant 0 : i32
        %gather3A_467 = tpu.memref_slice %arg7[%gather3A] : memref<122880xi32, #tpu.memory_space<vmem>> -> memref<122880xi32, #tpu.memory_space<vmem>>
        %gather3A_468 = tpu.vector_load_idx %gather3A_467[%add3A_461] masked %and3A_185 : memref<122880xi32, #tpu.memory_space<vmem>>[vector<16xi32>], vector<16xi32>, vector<16xi1>
        %or3A = arith.ori %gather3A_468, %shift_left3A_466 : vector<16xi32>
        %scatter3A = arith.constant 0 : i32
        %scatter3A_469 = tpu.memref_slice %arg7[%scatter3A] : memref<122880xi32, #tpu.memory_space<vmem>> -> memref<122880xi32, #tpu.memory_space<vmem>>
        tpu.vector_store_idx %scatter3A_469[%add3A_461], %or3A masked %and3A_185 : memref<122880xi32, #tpu.memory_space<vmem>>[vector<16xi32>], vector<16xi32>, vector<16xi1>
      } else {
      }
      %gt3A_375 = arith.constant 1 : i32
      %gt3A_376 = arith.cmpi sgt, %squeeze3A_242, %gt3A_375 : i32
      %convert_element_type3A_377 = arith.extui %gt3A_376 : i1 to i32
      %cond3A_378 = arith.constant 0 : i32
      %cond3A_379 = arith.cmpi ne, %convert_element_type3A_377, %cond3A_378 : i32
      scf.if %cond3A_379 {
        %while3A = arith.constant 0 : i32
        %while3A_452 = arith.subi %squeeze3A_242, %while3A : i32
        %while3A_453 = arith.addi %while3A, %while3A_452 : i32
        %while3A_454 = arith.constant 1 : i32
        %while3A_455 = arith.divsi %while3A_452, %while3A_454 : i32
        %while3A_456 = arith.muli %while3A_455, %while3A_454 : i32
        %while3A_457 = arith.addi %while3A, %while3A_456 : i32
        %while3A_458 = arith.constant 1 : i32
        %while3A_459 = scf.for %while3A_462 = %while3A to %while3A_457 step %while3A_458 iter_args(%while3A_463 = %and3A_185) -> (vector<16xi1>)  : i32 {
          %all_reduce_ffs3A = tpu.all_reduce %while3A_463 {dim = 0 : i64, kind = #tpu.reduction_kind<find_first_set>} : vector<16xi1> -> vector<16xi32>
          %slice3A_464 = vector.extract_strided_slice %all_reduce_ffs3A {offsets = [0], sizes = [1], strides = [1]} : vector<16xi32> to vector<1xi32>
          %squeeze3A_465 = vector.extract %slice3A_464[0] : i32 from vector<1xi32>
          %add3A_466 = arith.addi %add3A_369, %squeeze3A_465 : i32
          %get3A_467 = arith.index_cast %add3A_466 : i32 to index
          %get3A_468 = tpu.vector_load %arg5[%get3A_467] {strides = array<i32>} : memref<2576xi32, #tpu.memory_space<vmem>>, vector<16xi32>,
          %slice3A_469 = vector.extract_strided_slice %get3A_468 {offsets = [0], sizes = [1], strides = [1]} : vector<16xi32> to vector<1xi32>
          %squeeze3A_470 = vector.extract %slice3A_469[0] : i32 from vector<1xi32>
          %add3A_471 = arith.addi %add3A_369, %squeeze3A_465 : i32
          %get3A_472 = arith.index_cast %add3A_471 : i32 to index
          %get3A_473 = tpu.vector_load %arg6[%get3A_472] {strides = array<i32>} : memref<2576xi32, #tpu.memory_space<vmem>>, vector<16xi32>,
          %slice3A_474 = vector.extract_strided_slice %get3A_473 {offsets = [0], sizes = [1], strides = [1]} : vector<16xi32> to vector<1xi32>
          %squeeze3A_475 = vector.extract %slice3A_474[0] : i32 from vector<1xi32>
          %shift_right_arithmetic3A = arith.constant 5 : i32
          %shift_right_arithmetic3A_476 = arith.shrsi %squeeze3A_475, %shift_right_arithmetic3A : i32
          %shift_right_arithmetic3A_477 = arith.constant 4 : i32
          %shift_right_arithmetic3A_478 = arith.shrsi %shift_right_arithmetic3A_476, %shift_right_arithmetic3A_477 : i32
          %mul3A_479 = arith.constant 16 : i32
          %mul3A_480 = arith.muli %shift_right_arithmetic3A_478, %mul3A_479 : i32
          %sub3A_481 = arith.subi %shift_right_arithmetic3A_476, %mul3A_480 : i32
          %sub3A_482 = arith.subi %squeeze3A_470, %mul3A_2 : i32
          %mul3A_483 = arith.constant 384 : i32
          %mul3A_484 = arith.muli %sub3A_482, %mul3A_483 : i32
          %add3A_485 = arith.addi %mul3A_484, %mul3A_480 : i32
          %and3A_486 = arith.constant 31 : i32
          %and3A_487 = arith.andi %squeeze3A_475, %and3A_486 : i32
          %shift_left3A = arith.constant 1 : i32
          %shift_left3A_488 = arith.shli %shift_left3A, %and3A_487 : i32
          %get3A_489 = arith.index_cast %add3A_485 : i32 to index
          %get3A_490 = tpu.vector_load %arg7[%get3A_489] {strides = array<i32>} : memref<122880xi32, #tpu.memory_space<vmem>>, vector<16xi32>,
          %iota3A = tpu.iota {dimensions = array<i32: 0>} : vector<16xi32>
          %eq3A_491 = vector.broadcast %sub3A_481 : i32 to vector<16xi32>
          %eq3A_492 = arith.cmpi eq, %iota3A, %eq3A_491 : vector<16xi32>
          %or3A = vector.broadcast %shift_left3A_488 : i32 to vector<16xi32>
          %or3A_493 = arith.ori %get3A_490, %or3A : vector<16xi32>
          %select_n3A_494 = arith.select %eq3A_492, %or3A_493, %get3A_490 : vector<16xi1>, vector<16xi32>
          %swap3A = arith.index_cast %add3A_485 : i32 to index
          %swap3A_495 = tpu.vector_load %arg7[%swap3A] {strides = array<i32>} : memref<122880xi32, #tpu.memory_space<vmem>>, vector<16xi32>,
          tpu.vector_store %arg7[%swap3A], %select_n3A_494 {strides = array<i32>} : memref<122880xi32, #tpu.memory_space<vmem>>, vector<16xi32>,
          %iota3A_496 = tpu.iota {dimensions = array<i32: 0>} : vector<16xi32>
          %ne3A_497 = vector.broadcast %squeeze3A_465 : i32 to vector<16xi32>
          %ne3A_498 = arith.cmpi ne, %iota3A_496, %ne3A_497 : vector<16xi32>
          %and3A_499 = arith.andi %while3A_463, %ne3A_498 : vector<16xi1>
          scf.yield %and3A_499 : vector<16xi1>
        }
        %while3A_460 = arith.constant 1 : i32
        %while3A_461 = scf.for %while3A_462 = %while3A_457 to %while3A_453 step %while3A_460 iter_args(%while3A_463 = %while3A_459) -> (vector<16xi1>)  : i32 {
          %all_reduce_ffs3A = tpu.all_reduce %while3A_463 {dim = 0 : i64, kind = #tpu.reduction_kind<find_first_set>} : vector<16xi1> -> vector<16xi32>
          %slice3A_464 = vector.extract_strided_slice %all_reduce_ffs3A {offsets = [0], sizes = [1], strides = [1]} : vector<16xi32> to vector<1xi32>
          %squeeze3A_465 = vector.extract %slice3A_464[0] : i32 from vector<1xi32>
          %add3A_466 = arith.addi %add3A_369, %squeeze3A_465 : i32
          %get3A_467 = arith.index_cast %add3A_466 : i32 to index
          %get3A_468 = tpu.vector_load %arg5[%get3A_467] {strides = array<i32>} : memref<2576xi32, #tpu.memory_space<vmem>>, vector<16xi32>,
          %slice3A_469 = vector.extract_strided_slice %get3A_468 {offsets = [0], sizes = [1], strides = [1]} : vector<16xi32> to vector<1xi32>
          %squeeze3A_470 = vector.extract %slice3A_469[0] : i32 from vector<1xi32>
          %add3A_471 = arith.addi %add3A_369, %squeeze3A_465 : i32
          %get3A_472 = arith.index_cast %add3A_471 : i32 to index
          %get3A_473 = tpu.vector_load %arg6[%get3A_472] {strides = array<i32>} : memref<2576xi32, #tpu.memory_space<vmem>>, vector<16xi32>,
          %slice3A_474 = vector.extract_strided_slice %get3A_473 {offsets = [0], sizes = [1], strides = [1]} : vector<16xi32> to vector<1xi32>
          %squeeze3A_475 = vector.extract %slice3A_474[0] : i32 from vector<1xi32>
          %shift_right_arithmetic3A = arith.constant 5 : i32
          %shift_right_arithmetic3A_476 = arith.shrsi %squeeze3A_475, %shift_right_arithmetic3A : i32
          %shift_right_arithmetic3A_477 = arith.constant 4 : i32
          %shift_right_arithmetic3A_478 = arith.shrsi %shift_right_arithmetic3A_476, %shift_right_arithmetic3A_477 : i32
          %mul3A_479 = arith.constant 16 : i32
          %mul3A_480 = arith.muli %shift_right_arithmetic3A_478, %mul3A_479 : i32
          %sub3A_481 = arith.subi %shift_right_arithmetic3A_476, %mul3A_480 : i32
          %sub3A_482 = arith.subi %squeeze3A_470, %mul3A_2 : i32
          %mul3A_483 = arith.constant 384 : i32
          %mul3A_484 = arith.muli %sub3A_482, %mul3A_483 : i32
          %add3A_485 = arith.addi %mul3A_484, %mul3A_480 : i32
          %and3A_486 = arith.constant 31 : i32
          %and3A_487 = arith.andi %squeeze3A_475, %and3A_486 : i32
          %shift_left3A = arith.constant 1 : i32
          %shift_left3A_488 = arith.shli %shift_left3A, %and3A_487 : i32
          %get3A_489 = arith.index_cast %add3A_485 : i32 to index
          %get3A_490 = tpu.vector_load %arg7[%get3A_489] {strides = array<i32>} : memref<122880xi32, #tpu.memory_space<vmem>>, vector<16xi32>,
          %iota3A = tpu.iota {dimensions = array<i32: 0>} : vector<16xi32>
          %eq3A_491 = vector.broadcast %sub3A_481 : i32 to vector<16xi32>
          %eq3A_492 = arith.cmpi eq, %iota3A, %eq3A_491 : vector<16xi32>
          %or3A = vector.broadcast %shift_left3A_488 : i32 to vector<16xi32>
          %or3A_493 = arith.ori %get3A_490, %or3A : vector<16xi32>
          %select_n3A_494 = arith.select %eq3A_492, %or3A_493, %get3A_490 : vector<16xi1>, vector<16xi32>
          %swap3A = arith.index_cast %add3A_485 : i32 to index
          %swap3A_495 = tpu.vector_load %arg7[%swap3A] {strides = array<i32>} : memref<122880xi32, #tpu.memory_space<vmem>>, vector<16xi32>,
          tpu.vector_store %arg7[%swap3A], %select_n3A_494 {strides = array<i32>} : memref<122880xi32, #tpu.memory_space<vmem>>, vector<16xi32>,
          %iota3A_496 = tpu.iota {dimensions = array<i32: 0>} : vector<16xi32>
          %ne3A_497 = vector.broadcast %squeeze3A_465 : i32 to vector<16xi32>
          %ne3A_498 = arith.cmpi ne, %iota3A_496, %ne3A_497 : vector<16xi32>
          %and3A_499 = arith.andi %while3A_463, %ne3A_498 : vector<16xi1>
          scf.yield %and3A_499 : vector<16xi1>
        }
      } else {
      }
      %add3A_380 = arith.constant 160 : i32
      %add3A_381 = arith.addi %mul3A_73, %add3A_380 : i32
      %eq3A_382 = arith.constant 1 : i32
      %eq3A_383 = arith.cmpi eq, %squeeze3A_245, %eq3A_382 : i32
      %convert_element_type3A_384 = arith.extui %eq3A_383 : i1 to i32
      %cond3A_385 = arith.constant 0 : i32
      %cond3A_386 = arith.cmpi ne, %convert_element_type3A_384, %cond3A_385 : i32
      scf.if %cond3A_386 {
        %get3A_452 = arith.index_cast %add3A_381 : i32 to index
        %get3A_453 = tpu.vector_load %arg6[%get3A_452] {strides = array<i32>} : memref<2576xi32, #tpu.memory_space<vmem>>, vector<16xi32>,
        %sub3A_454 = vector.broadcast %mul3A_2 : i32 to vector<16xi32>
        %sub3A_455 = arith.subi %get3A_116, %sub3A_454 : vector<16xi32>
        %mul3A_456 = arith.constant 384 : i32
        %mul3A_457 = vector.broadcast %mul3A_456 : i32 to vector<16xi32>
        %mul3A_458 = arith.muli %sub3A_455, %mul3A_457 : vector<16xi32>
        %shift_right_arithmetic3A = arith.constant 5 : i32
        %shift_right_arithmetic3A_459 = vector.broadcast %shift_right_arithmetic3A : i32 to vector<16xi32>
        %shift_right_arithmetic3A_460 = arith.shrsi %get3A_453, %shift_right_arithmetic3A_459 : vector<16xi32>
        %add3A_461 = arith.addi %mul3A_458, %shift_right_arithmetic3A_460 : vector<16xi32>
        %and3A_462 = arith.constant 31 : i32
        %and3A_463 = vector.broadcast %and3A_462 : i32 to vector<16xi32>
        %and3A_464 = arith.andi %get3A_453, %and3A_463 : vector<16xi32>
        %shift_left3A = arith.constant 1 : i32
        %shift_left3A_465 = vector.broadcast %shift_left3A : i32 to vector<16xi32>
        %shift_left3A_466 = arith.shli %shift_left3A_465, %and3A_464 : vector<16xi32>
        %gather3A = arith.constant 0 : i32
        %gather3A_467 = tpu.memref_slice %arg7[%gather3A] : memref<122880xi32, #tpu.memory_space<vmem>> -> memref<122880xi32, #tpu.memory_space<vmem>>
        %gather3A_468 = tpu.vector_load_idx %gather3A_467[%add3A_461] masked %and3A_190 : memref<122880xi32, #tpu.memory_space<vmem>>[vector<16xi32>], vector<16xi32>, vector<16xi1>
        %or3A = arith.ori %gather3A_468, %shift_left3A_466 : vector<16xi32>
        %scatter3A = arith.constant 0 : i32
        %scatter3A_469 = tpu.memref_slice %arg7[%scatter3A] : memref<122880xi32, #tpu.memory_space<vmem>> -> memref<122880xi32, #tpu.memory_space<vmem>>
        tpu.vector_store_idx %scatter3A_469[%add3A_461], %or3A masked %and3A_190 : memref<122880xi32, #tpu.memory_space<vmem>>[vector<16xi32>], vector<16xi32>, vector<16xi1>
      } else {
      }
      %gt3A_387 = arith.constant 1 : i32
      %gt3A_388 = arith.cmpi sgt, %squeeze3A_245, %gt3A_387 : i32
      %convert_element_type3A_389 = arith.extui %gt3A_388 : i1 to i32
      %cond3A_390 = arith.constant 0 : i32
      %cond3A_391 = arith.cmpi ne, %convert_element_type3A_389, %cond3A_390 : i32
      scf.if %cond3A_391 {
        %while3A = arith.constant 0 : i32
        %while3A_452 = arith.subi %squeeze3A_245, %while3A : i32
        %while3A_453 = arith.addi %while3A, %while3A_452 : i32
        %while3A_454 = arith.constant 1 : i32
        %while3A_455 = arith.divsi %while3A_452, %while3A_454 : i32
        %while3A_456 = arith.muli %while3A_455, %while3A_454 : i32
        %while3A_457 = arith.addi %while3A, %while3A_456 : i32
        %while3A_458 = arith.constant 1 : i32
        %while3A_459 = scf.for %while3A_462 = %while3A to %while3A_457 step %while3A_458 iter_args(%while3A_463 = %and3A_190) -> (vector<16xi1>)  : i32 {
          %all_reduce_ffs3A = tpu.all_reduce %while3A_463 {dim = 0 : i64, kind = #tpu.reduction_kind<find_first_set>} : vector<16xi1> -> vector<16xi32>
          %slice3A_464 = vector.extract_strided_slice %all_reduce_ffs3A {offsets = [0], sizes = [1], strides = [1]} : vector<16xi32> to vector<1xi32>
          %squeeze3A_465 = vector.extract %slice3A_464[0] : i32 from vector<1xi32>
          %add3A_466 = arith.addi %add3A_381, %squeeze3A_465 : i32
          %get3A_467 = arith.index_cast %add3A_466 : i32 to index
          %get3A_468 = tpu.vector_load %arg5[%get3A_467] {strides = array<i32>} : memref<2576xi32, #tpu.memory_space<vmem>>, vector<16xi32>,
          %slice3A_469 = vector.extract_strided_slice %get3A_468 {offsets = [0], sizes = [1], strides = [1]} : vector<16xi32> to vector<1xi32>
          %squeeze3A_470 = vector.extract %slice3A_469[0] : i32 from vector<1xi32>
          %add3A_471 = arith.addi %add3A_381, %squeeze3A_465 : i32
          %get3A_472 = arith.index_cast %add3A_471 : i32 to index
          %get3A_473 = tpu.vector_load %arg6[%get3A_472] {strides = array<i32>} : memref<2576xi32, #tpu.memory_space<vmem>>, vector<16xi32>,
          %slice3A_474 = vector.extract_strided_slice %get3A_473 {offsets = [0], sizes = [1], strides = [1]} : vector<16xi32> to vector<1xi32>
          %squeeze3A_475 = vector.extract %slice3A_474[0] : i32 from vector<1xi32>
          %shift_right_arithmetic3A = arith.constant 5 : i32
          %shift_right_arithmetic3A_476 = arith.shrsi %squeeze3A_475, %shift_right_arithmetic3A : i32
          %shift_right_arithmetic3A_477 = arith.constant 4 : i32
          %shift_right_arithmetic3A_478 = arith.shrsi %shift_right_arithmetic3A_476, %shift_right_arithmetic3A_477 : i32
          %mul3A_479 = arith.constant 16 : i32
          %mul3A_480 = arith.muli %shift_right_arithmetic3A_478, %mul3A_479 : i32
          %sub3A_481 = arith.subi %shift_right_arithmetic3A_476, %mul3A_480 : i32
          %sub3A_482 = arith.subi %squeeze3A_470, %mul3A_2 : i32
          %mul3A_483 = arith.constant 384 : i32
          %mul3A_484 = arith.muli %sub3A_482, %mul3A_483 : i32
          %add3A_485 = arith.addi %mul3A_484, %mul3A_480 : i32
          %and3A_486 = arith.constant 31 : i32
          %and3A_487 = arith.andi %squeeze3A_475, %and3A_486 : i32
          %shift_left3A = arith.constant 1 : i32
          %shift_left3A_488 = arith.shli %shift_left3A, %and3A_487 : i32
          %get3A_489 = arith.index_cast %add3A_485 : i32 to index
          %get3A_490 = tpu.vector_load %arg7[%get3A_489] {strides = array<i32>} : memref<122880xi32, #tpu.memory_space<vmem>>, vector<16xi32>,
          %iota3A = tpu.iota {dimensions = array<i32: 0>} : vector<16xi32>
          %eq3A_491 = vector.broadcast %sub3A_481 : i32 to vector<16xi32>
          %eq3A_492 = arith.cmpi eq, %iota3A, %eq3A_491 : vector<16xi32>
          %or3A = vector.broadcast %shift_left3A_488 : i32 to vector<16xi32>
          %or3A_493 = arith.ori %get3A_490, %or3A : vector<16xi32>
          %select_n3A_494 = arith.select %eq3A_492, %or3A_493, %get3A_490 : vector<16xi1>, vector<16xi32>
          %swap3A = arith.index_cast %add3A_485 : i32 to index
          %swap3A_495 = tpu.vector_load %arg7[%swap3A] {strides = array<i32>} : memref<122880xi32, #tpu.memory_space<vmem>>, vector<16xi32>,
          tpu.vector_store %arg7[%swap3A], %select_n3A_494 {strides = array<i32>} : memref<122880xi32, #tpu.memory_space<vmem>>, vector<16xi32>,
          %iota3A_496 = tpu.iota {dimensions = array<i32: 0>} : vector<16xi32>
          %ne3A_497 = vector.broadcast %squeeze3A_465 : i32 to vector<16xi32>
          %ne3A_498 = arith.cmpi ne, %iota3A_496, %ne3A_497 : vector<16xi32>
          %and3A_499 = arith.andi %while3A_463, %ne3A_498 : vector<16xi1>
          scf.yield %and3A_499 : vector<16xi1>
        }
        %while3A_460 = arith.constant 1 : i32
        %while3A_461 = scf.for %while3A_462 = %while3A_457 to %while3A_453 step %while3A_460 iter_args(%while3A_463 = %while3A_459) -> (vector<16xi1>)  : i32 {
          %all_reduce_ffs3A = tpu.all_reduce %while3A_463 {dim = 0 : i64, kind = #tpu.reduction_kind<find_first_set>} : vector<16xi1> -> vector<16xi32>
          %slice3A_464 = vector.extract_strided_slice %all_reduce_ffs3A {offsets = [0], sizes = [1], strides = [1]} : vector<16xi32> to vector<1xi32>
          %squeeze3A_465 = vector.extract %slice3A_464[0] : i32 from vector<1xi32>
          %add3A_466 = arith.addi %add3A_381, %squeeze3A_465 : i32
          %get3A_467 = arith.index_cast %add3A_466 : i32 to index
          %get3A_468 = tpu.vector_load %arg5[%get3A_467] {strides = array<i32>} : memref<2576xi32, #tpu.memory_space<vmem>>, vector<16xi32>,
          %slice3A_469 = vector.extract_strided_slice %get3A_468 {offsets = [0], sizes = [1], strides = [1]} : vector<16xi32> to vector<1xi32>
          %squeeze3A_470 = vector.extract %slice3A_469[0] : i32 from vector<1xi32>
          %add3A_471 = arith.addi %add3A_381, %squeeze3A_465 : i32
          %get3A_472 = arith.index_cast %add3A_471 : i32 to index
          %get3A_473 = tpu.vector_load %arg6[%get3A_472] {strides = array<i32>} : memref<2576xi32, #tpu.memory_space<vmem>>, vector<16xi32>,
          %slice3A_474 = vector.extract_strided_slice %get3A_473 {offsets = [0], sizes = [1], strides = [1]} : vector<16xi32> to vector<1xi32>
          %squeeze3A_475 = vector.extract %slice3A_474[0] : i32 from vector<1xi32>
          %shift_right_arithmetic3A = arith.constant 5 : i32
          %shift_right_arithmetic3A_476 = arith.shrsi %squeeze3A_475, %shift_right_arithmetic3A : i32
          %shift_right_arithmetic3A_477 = arith.constant 4 : i32
          %shift_right_arithmetic3A_478 = arith.shrsi %shift_right_arithmetic3A_476, %shift_right_arithmetic3A_477 : i32
          %mul3A_479 = arith.constant 16 : i32
          %mul3A_480 = arith.muli %shift_right_arithmetic3A_478, %mul3A_479 : i32
          %sub3A_481 = arith.subi %shift_right_arithmetic3A_476, %mul3A_480 : i32
          %sub3A_482 = arith.subi %squeeze3A_470, %mul3A_2 : i32
          %mul3A_483 = arith.constant 384 : i32
          %mul3A_484 = arith.muli %sub3A_482, %mul3A_483 : i32
          %add3A_485 = arith.addi %mul3A_484, %mul3A_480 : i32
          %and3A_486 = arith.constant 31 : i32
          %and3A_487 = arith.andi %squeeze3A_475, %and3A_486 : i32
          %shift_left3A = arith.constant 1 : i32
          %shift_left3A_488 = arith.shli %shift_left3A, %and3A_487 : i32
          %get3A_489 = arith.index_cast %add3A_485 : i32 to index
          %get3A_490 = tpu.vector_load %arg7[%get3A_489] {strides = array<i32>} : memref<122880xi32, #tpu.memory_space<vmem>>, vector<16xi32>,
          %iota3A = tpu.iota {dimensions = array<i32: 0>} : vector<16xi32>
          %eq3A_491 = vector.broadcast %sub3A_481 : i32 to vector<16xi32>
          %eq3A_492 = arith.cmpi eq, %iota3A, %eq3A_491 : vector<16xi32>
          %or3A = vector.broadcast %shift_left3A_488 : i32 to vector<16xi32>
          %or3A_493 = arith.ori %get3A_490, %or3A : vector<16xi32>
          %select_n3A_494 = arith.select %eq3A_492, %or3A_493, %get3A_490 : vector<16xi1>, vector<16xi32>
          %swap3A = arith.index_cast %add3A_485 : i32 to index
          %swap3A_495 = tpu.vector_load %arg7[%swap3A] {strides = array<i32>} : memref<122880xi32, #tpu.memory_space<vmem>>, vector<16xi32>,
          tpu.vector_store %arg7[%swap3A], %select_n3A_494 {strides = array<i32>} : memref<122880xi32, #tpu.memory_space<vmem>>, vector<16xi32>,
          %iota3A_496 = tpu.iota {dimensions = array<i32: 0>} : vector<16xi32>
          %ne3A_497 = vector.broadcast %squeeze3A_465 : i32 to vector<16xi32>
          %ne3A_498 = arith.cmpi ne, %iota3A_496, %ne3A_497 : vector<16xi32>
          %and3A_499 = arith.andi %while3A_463, %ne3A_498 : vector<16xi1>
          scf.yield %and3A_499 : vector<16xi1>
        }
      } else {
      }
      %add3A_392 = arith.constant 176 : i32
      %add3A_393 = arith.addi %mul3A_73, %add3A_392 : i32
      %eq3A_394 = arith.constant 1 : i32
      %eq3A_395 = arith.cmpi eq, %squeeze3A_248, %eq3A_394 : i32
      %convert_element_type3A_396 = arith.extui %eq3A_395 : i1 to i32
      %cond3A_397 = arith.constant 0 : i32
      %cond3A_398 = arith.cmpi ne, %convert_element_type3A_396, %cond3A_397 : i32
      scf.if %cond3A_398 {
        %get3A_452 = arith.index_cast %add3A_393 : i32 to index
        %get3A_453 = tpu.vector_load %arg6[%get3A_452] {strides = array<i32>} : memref<2576xi32, #tpu.memory_space<vmem>>, vector<16xi32>,
        %sub3A_454 = vector.broadcast %mul3A_2 : i32 to vector<16xi32>
        %sub3A_455 = arith.subi %get3A_120, %sub3A_454 : vector<16xi32>
        %mul3A_456 = arith.constant 384 : i32
        %mul3A_457 = vector.broadcast %mul3A_456 : i32 to vector<16xi32>
        %mul3A_458 = arith.muli %sub3A_455, %mul3A_457 : vector<16xi32>
        %shift_right_arithmetic3A = arith.constant 5 : i32
        %shift_right_arithmetic3A_459 = vector.broadcast %shift_right_arithmetic3A : i32 to vector<16xi32>
        %shift_right_arithmetic3A_460 = arith.shrsi %get3A_453, %shift_right_arithmetic3A_459 : vector<16xi32>
        %add3A_461 = arith.addi %mul3A_458, %shift_right_arithmetic3A_460 : vector<16xi32>
        %and3A_462 = arith.constant 31 : i32
        %and3A_463 = vector.broadcast %and3A_462 : i32 to vector<16xi32>
        %and3A_464 = arith.andi %get3A_453, %and3A_463 : vector<16xi32>
        %shift_left3A = arith.constant 1 : i32
        %shift_left3A_465 = vector.broadcast %shift_left3A : i32 to vector<16xi32>
        %shift_left3A_466 = arith.shli %shift_left3A_465, %and3A_464 : vector<16xi32>
        %gather3A = arith.constant 0 : i32
        %gather3A_467 = tpu.memref_slice %arg7[%gather3A] : memref<122880xi32, #tpu.memory_space<vmem>> -> memref<122880xi32, #tpu.memory_space<vmem>>
        %gather3A_468 = tpu.vector_load_idx %gather3A_467[%add3A_461] masked %and3A_195 : memref<122880xi32, #tpu.memory_space<vmem>>[vector<16xi32>], vector<16xi32>, vector<16xi1>
        %or3A = arith.ori %gather3A_468, %shift_left3A_466 : vector<16xi32>
        %scatter3A = arith.constant 0 : i32
        %scatter3A_469 = tpu.memref_slice %arg7[%scatter3A] : memref<122880xi32, #tpu.memory_space<vmem>> -> memref<122880xi32, #tpu.memory_space<vmem>>
        tpu.vector_store_idx %scatter3A_469[%add3A_461], %or3A masked %and3A_195 : memref<122880xi32, #tpu.memory_space<vmem>>[vector<16xi32>], vector<16xi32>, vector<16xi1>
      } else {
      }
      %gt3A_399 = arith.constant 1 : i32
      %gt3A_400 = arith.cmpi sgt, %squeeze3A_248, %gt3A_399 : i32
      %convert_element_type3A_401 = arith.extui %gt3A_400 : i1 to i32
      %cond3A_402 = arith.constant 0 : i32
      %cond3A_403 = arith.cmpi ne, %convert_element_type3A_401, %cond3A_402 : i32
      scf.if %cond3A_403 {
        %while3A = arith.constant 0 : i32
        %while3A_452 = arith.subi %squeeze3A_248, %while3A : i32
        %while3A_453 = arith.addi %while3A, %while3A_452 : i32
        %while3A_454 = arith.constant 1 : i32
        %while3A_455 = arith.divsi %while3A_452, %while3A_454 : i32
        %while3A_456 = arith.muli %while3A_455, %while3A_454 : i32
        %while3A_457 = arith.addi %while3A, %while3A_456 : i32
        %while3A_458 = arith.constant 1 : i32
        %while3A_459 = scf.for %while3A_462 = %while3A to %while3A_457 step %while3A_458 iter_args(%while3A_463 = %and3A_195) -> (vector<16xi1>)  : i32 {
          %all_reduce_ffs3A = tpu.all_reduce %while3A_463 {dim = 0 : i64, kind = #tpu.reduction_kind<find_first_set>} : vector<16xi1> -> vector<16xi32>
          %slice3A_464 = vector.extract_strided_slice %all_reduce_ffs3A {offsets = [0], sizes = [1], strides = [1]} : vector<16xi32> to vector<1xi32>
          %squeeze3A_465 = vector.extract %slice3A_464[0] : i32 from vector<1xi32>
          %add3A_466 = arith.addi %add3A_393, %squeeze3A_465 : i32
          %get3A_467 = arith.index_cast %add3A_466 : i32 to index
          %get3A_468 = tpu.vector_load %arg5[%get3A_467] {strides = array<i32>} : memref<2576xi32, #tpu.memory_space<vmem>>, vector<16xi32>,
          %slice3A_469 = vector.extract_strided_slice %get3A_468 {offsets = [0], sizes = [1], strides = [1]} : vector<16xi32> to vector<1xi32>
          %squeeze3A_470 = vector.extract %slice3A_469[0] : i32 from vector<1xi32>
          %add3A_471 = arith.addi %add3A_393, %squeeze3A_465 : i32
          %get3A_472 = arith.index_cast %add3A_471 : i32 to index
          %get3A_473 = tpu.vector_load %arg6[%get3A_472] {strides = array<i32>} : memref<2576xi32, #tpu.memory_space<vmem>>, vector<16xi32>,
          %slice3A_474 = vector.extract_strided_slice %get3A_473 {offsets = [0], sizes = [1], strides = [1]} : vector<16xi32> to vector<1xi32>
          %squeeze3A_475 = vector.extract %slice3A_474[0] : i32 from vector<1xi32>
          %shift_right_arithmetic3A = arith.constant 5 : i32
          %shift_right_arithmetic3A_476 = arith.shrsi %squeeze3A_475, %shift_right_arithmetic3A : i32
          %shift_right_arithmetic3A_477 = arith.constant 4 : i32
          %shift_right_arithmetic3A_478 = arith.shrsi %shift_right_arithmetic3A_476, %shift_right_arithmetic3A_477 : i32
          %mul3A_479 = arith.constant 16 : i32
          %mul3A_480 = arith.muli %shift_right_arithmetic3A_478, %mul3A_479 : i32
          %sub3A_481 = arith.subi %shift_right_arithmetic3A_476, %mul3A_480 : i32
          %sub3A_482 = arith.subi %squeeze3A_470, %mul3A_2 : i32
          %mul3A_483 = arith.constant 384 : i32
          %mul3A_484 = arith.muli %sub3A_482, %mul3A_483 : i32
          %add3A_485 = arith.addi %mul3A_484, %mul3A_480 : i32
          %and3A_486 = arith.constant 31 : i32
          %and3A_487 = arith.andi %squeeze3A_475, %and3A_486 : i32
          %shift_left3A = arith.constant 1 : i32
          %shift_left3A_488 = arith.shli %shift_left3A, %and3A_487 : i32
          %get3A_489 = arith.index_cast %add3A_485 : i32 to index
          %get3A_490 = tpu.vector_load %arg7[%get3A_489] {strides = array<i32>} : memref<122880xi32, #tpu.memory_space<vmem>>, vector<16xi32>,
          %iota3A = tpu.iota {dimensions = array<i32: 0>} : vector<16xi32>
          %eq3A_491 = vector.broadcast %sub3A_481 : i32 to vector<16xi32>
          %eq3A_492 = arith.cmpi eq, %iota3A, %eq3A_491 : vector<16xi32>
          %or3A = vector.broadcast %shift_left3A_488 : i32 to vector<16xi32>
          %or3A_493 = arith.ori %get3A_490, %or3A : vector<16xi32>
          %select_n3A_494 = arith.select %eq3A_492, %or3A_493, %get3A_490 : vector<16xi1>, vector<16xi32>
          %swap3A = arith.index_cast %add3A_485 : i32 to index
          %swap3A_495 = tpu.vector_load %arg7[%swap3A] {strides = array<i32>} : memref<122880xi32, #tpu.memory_space<vmem>>, vector<16xi32>,
          tpu.vector_store %arg7[%swap3A], %select_n3A_494 {strides = array<i32>} : memref<122880xi32, #tpu.memory_space<vmem>>, vector<16xi32>,
          %iota3A_496 = tpu.iota {dimensions = array<i32: 0>} : vector<16xi32>
          %ne3A_497 = vector.broadcast %squeeze3A_465 : i32 to vector<16xi32>
          %ne3A_498 = arith.cmpi ne, %iota3A_496, %ne3A_497 : vector<16xi32>
          %and3A_499 = arith.andi %while3A_463, %ne3A_498 : vector<16xi1>
          scf.yield %and3A_499 : vector<16xi1>
        }
        %while3A_460 = arith.constant 1 : i32
        %while3A_461 = scf.for %while3A_462 = %while3A_457 to %while3A_453 step %while3A_460 iter_args(%while3A_463 = %while3A_459) -> (vector<16xi1>)  : i32 {
          %all_reduce_ffs3A = tpu.all_reduce %while3A_463 {dim = 0 : i64, kind = #tpu.reduction_kind<find_first_set>} : vector<16xi1> -> vector<16xi32>
          %slice3A_464 = vector.extract_strided_slice %all_reduce_ffs3A {offsets = [0], sizes = [1], strides = [1]} : vector<16xi32> to vector<1xi32>
          %squeeze3A_465 = vector.extract %slice3A_464[0] : i32 from vector<1xi32>
          %add3A_466 = arith.addi %add3A_393, %squeeze3A_465 : i32
          %get3A_467 = arith.index_cast %add3A_466 : i32 to index
          %get3A_468 = tpu.vector_load %arg5[%get3A_467] {strides = array<i32>} : memref<2576xi32, #tpu.memory_space<vmem>>, vector<16xi32>,
          %slice3A_469 = vector.extract_strided_slice %get3A_468 {offsets = [0], sizes = [1], strides = [1]} : vector<16xi32> to vector<1xi32>
          %squeeze3A_470 = vector.extract %slice3A_469[0] : i32 from vector<1xi32>
          %add3A_471 = arith.addi %add3A_393, %squeeze3A_465 : i32
          %get3A_472 = arith.index_cast %add3A_471 : i32 to index
          %get3A_473 = tpu.vector_load %arg6[%get3A_472] {strides = array<i32>} : memref<2576xi32, #tpu.memory_space<vmem>>, vector<16xi32>,
          %slice3A_474 = vector.extract_strided_slice %get3A_473 {offsets = [0], sizes = [1], strides = [1]} : vector<16xi32> to vector<1xi32>
          %squeeze3A_475 = vector.extract %slice3A_474[0] : i32 from vector<1xi32>
          %shift_right_arithmetic3A = arith.constant 5 : i32
          %shift_right_arithmetic3A_476 = arith.shrsi %squeeze3A_475, %shift_right_arithmetic3A : i32
          %shift_right_arithmetic3A_477 = arith.constant 4 : i32
          %shift_right_arithmetic3A_478 = arith.shrsi %shift_right_arithmetic3A_476, %shift_right_arithmetic3A_477 : i32
          %mul3A_479 = arith.constant 16 : i32
          %mul3A_480 = arith.muli %shift_right_arithmetic3A_478, %mul3A_479 : i32
          %sub3A_481 = arith.subi %shift_right_arithmetic3A_476, %mul3A_480 : i32
          %sub3A_482 = arith.subi %squeeze3A_470, %mul3A_2 : i32
          %mul3A_483 = arith.constant 384 : i32
          %mul3A_484 = arith.muli %sub3A_482, %mul3A_483 : i32
          %add3A_485 = arith.addi %mul3A_484, %mul3A_480 : i32
          %and3A_486 = arith.constant 31 : i32
          %and3A_487 = arith.andi %squeeze3A_475, %and3A_486 : i32
          %shift_left3A = arith.constant 1 : i32
          %shift_left3A_488 = arith.shli %shift_left3A, %and3A_487 : i32
          %get3A_489 = arith.index_cast %add3A_485 : i32 to index
          %get3A_490 = tpu.vector_load %arg7[%get3A_489] {strides = array<i32>} : memref<122880xi32, #tpu.memory_space<vmem>>, vector<16xi32>,
          %iota3A = tpu.iota {dimensions = array<i32: 0>} : vector<16xi32>
          %eq3A_491 = vector.broadcast %sub3A_481 : i32 to vector<16xi32>
          %eq3A_492 = arith.cmpi eq, %iota3A, %eq3A_491 : vector<16xi32>
          %or3A = vector.broadcast %shift_left3A_488 : i32 to vector<16xi32>
          %or3A_493 = arith.ori %get3A_490, %or3A : vector<16xi32>
          %select_n3A_494 = arith.select %eq3A_492, %or3A_493, %get3A_490 : vector<16xi1>, vector<16xi32>
          %swap3A = arith.index_cast %add3A_485 : i32 to index
          %swap3A_495 = tpu.vector_load %arg7[%swap3A] {strides = array<i32>} : memref<122880xi32, #tpu.memory_space<vmem>>, vector<16xi32>,
          tpu.vector_store %arg7[%swap3A], %select_n3A_494 {strides = array<i32>} : memref<122880xi32, #tpu.memory_space<vmem>>, vector<16xi32>,
          %iota3A_496 = tpu.iota {dimensions = array<i32: 0>} : vector<16xi32>
          %ne3A_497 = vector.broadcast %squeeze3A_465 : i32 to vector<16xi32>
          %ne3A_498 = arith.cmpi ne, %iota3A_496, %ne3A_497 : vector<16xi32>
          %and3A_499 = arith.andi %while3A_463, %ne3A_498 : vector<16xi1>
          scf.yield %and3A_499 : vector<16xi1>
        }
      } else {
      }
      %add3A_404 = arith.constant 192 : i32
      %add3A_405 = arith.addi %mul3A_73, %add3A_404 : i32
      %eq3A_406 = arith.constant 1 : i32
      %eq3A_407 = arith.cmpi eq, %squeeze3A_251, %eq3A_406 : i32
      %convert_element_type3A_408 = arith.extui %eq3A_407 : i1 to i32
      %cond3A_409 = arith.constant 0 : i32
      %cond3A_410 = arith.cmpi ne, %convert_element_type3A_408, %cond3A_409 : i32
      scf.if %cond3A_410 {
        %get3A_452 = arith.index_cast %add3A_405 : i32 to index
        %get3A_453 = tpu.vector_load %arg6[%get3A_452] {strides = array<i32>} : memref<2576xi32, #tpu.memory_space<vmem>>, vector<16xi32>,
        %sub3A_454 = vector.broadcast %mul3A_2 : i32 to vector<16xi32>
        %sub3A_455 = arith.subi %get3A_124, %sub3A_454 : vector<16xi32>
        %mul3A_456 = arith.constant 384 : i32
        %mul3A_457 = vector.broadcast %mul3A_456 : i32 to vector<16xi32>
        %mul3A_458 = arith.muli %sub3A_455, %mul3A_457 : vector<16xi32>
        %shift_right_arithmetic3A = arith.constant 5 : i32
        %shift_right_arithmetic3A_459 = vector.broadcast %shift_right_arithmetic3A : i32 to vector<16xi32>
        %shift_right_arithmetic3A_460 = arith.shrsi %get3A_453, %shift_right_arithmetic3A_459 : vector<16xi32>
        %add3A_461 = arith.addi %mul3A_458, %shift_right_arithmetic3A_460 : vector<16xi32>
        %and3A_462 = arith.constant 31 : i32
        %and3A_463 = vector.broadcast %and3A_462 : i32 to vector<16xi32>
        %and3A_464 = arith.andi %get3A_453, %and3A_463 : vector<16xi32>
        %shift_left3A = arith.constant 1 : i32
        %shift_left3A_465 = vector.broadcast %shift_left3A : i32 to vector<16xi32>
        %shift_left3A_466 = arith.shli %shift_left3A_465, %and3A_464 : vector<16xi32>
        %gather3A = arith.constant 0 : i32
        %gather3A_467 = tpu.memref_slice %arg7[%gather3A] : memref<122880xi32, #tpu.memory_space<vmem>> -> memref<122880xi32, #tpu.memory_space<vmem>>
        %gather3A_468 = tpu.vector_load_idx %gather3A_467[%add3A_461] masked %and3A_200 : memref<122880xi32, #tpu.memory_space<vmem>>[vector<16xi32>], vector<16xi32>, vector<16xi1>
        %or3A = arith.ori %gather3A_468, %shift_left3A_466 : vector<16xi32>
        %scatter3A = arith.constant 0 : i32
        %scatter3A_469 = tpu.memref_slice %arg7[%scatter3A] : memref<122880xi32, #tpu.memory_space<vmem>> -> memref<122880xi32, #tpu.memory_space<vmem>>
        tpu.vector_store_idx %scatter3A_469[%add3A_461], %or3A masked %and3A_200 : memref<122880xi32, #tpu.memory_space<vmem>>[vector<16xi32>], vector<16xi32>, vector<16xi1>
      } else {
      }
      %gt3A_411 = arith.constant 1 : i32
      %gt3A_412 = arith.cmpi sgt, %squeeze3A_251, %gt3A_411 : i32
      %convert_element_type3A_413 = arith.extui %gt3A_412 : i1 to i32
      %cond3A_414 = arith.constant 0 : i32
      %cond3A_415 = arith.cmpi ne, %convert_element_type3A_413, %cond3A_414 : i32
      scf.if %cond3A_415 {
        %while3A = arith.constant 0 : i32
        %while3A_452 = arith.subi %squeeze3A_251, %while3A : i32
        %while3A_453 = arith.addi %while3A, %while3A_452 : i32
        %while3A_454 = arith.constant 1 : i32
        %while3A_455 = arith.divsi %while3A_452, %while3A_454 : i32
        %while3A_456 = arith.muli %while3A_455, %while3A_454 : i32
        %while3A_457 = arith.addi %while3A, %while3A_456 : i32
        %while3A_458 = arith.constant 1 : i32
        %while3A_459 = scf.for %while3A_462 = %while3A to %while3A_457 step %while3A_458 iter_args(%while3A_463 = %and3A_200) -> (vector<16xi1>)  : i32 {
          %all_reduce_ffs3A = tpu.all_reduce %while3A_463 {dim = 0 : i64, kind = #tpu.reduction_kind<find_first_set>} : vector<16xi1> -> vector<16xi32>
          %slice3A_464 = vector.extract_strided_slice %all_reduce_ffs3A {offsets = [0], sizes = [1], strides = [1]} : vector<16xi32> to vector<1xi32>
          %squeeze3A_465 = vector.extract %slice3A_464[0] : i32 from vector<1xi32>
          %add3A_466 = arith.addi %add3A_405, %squeeze3A_465 : i32
          %get3A_467 = arith.index_cast %add3A_466 : i32 to index
          %get3A_468 = tpu.vector_load %arg5[%get3A_467] {strides = array<i32>} : memref<2576xi32, #tpu.memory_space<vmem>>, vector<16xi32>,
          %slice3A_469 = vector.extract_strided_slice %get3A_468 {offsets = [0], sizes = [1], strides = [1]} : vector<16xi32> to vector<1xi32>
          %squeeze3A_470 = vector.extract %slice3A_469[0] : i32 from vector<1xi32>
          %add3A_471 = arith.addi %add3A_405, %squeeze3A_465 : i32
          %get3A_472 = arith.index_cast %add3A_471 : i32 to index
          %get3A_473 = tpu.vector_load %arg6[%get3A_472] {strides = array<i32>} : memref<2576xi32, #tpu.memory_space<vmem>>, vector<16xi32>,
          %slice3A_474 = vector.extract_strided_slice %get3A_473 {offsets = [0], sizes = [1], strides = [1]} : vector<16xi32> to vector<1xi32>
          %squeeze3A_475 = vector.extract %slice3A_474[0] : i32 from vector<1xi32>
          %shift_right_arithmetic3A = arith.constant 5 : i32
          %shift_right_arithmetic3A_476 = arith.shrsi %squeeze3A_475, %shift_right_arithmetic3A : i32
          %shift_right_arithmetic3A_477 = arith.constant 4 : i32
          %shift_right_arithmetic3A_478 = arith.shrsi %shift_right_arithmetic3A_476, %shift_right_arithmetic3A_477 : i32
          %mul3A_479 = arith.constant 16 : i32
          %mul3A_480 = arith.muli %shift_right_arithmetic3A_478, %mul3A_479 : i32
          %sub3A_481 = arith.subi %shift_right_arithmetic3A_476, %mul3A_480 : i32
          %sub3A_482 = arith.subi %squeeze3A_470, %mul3A_2 : i32
          %mul3A_483 = arith.constant 384 : i32
          %mul3A_484 = arith.muli %sub3A_482, %mul3A_483 : i32
          %add3A_485 = arith.addi %mul3A_484, %mul3A_480 : i32
          %and3A_486 = arith.constant 31 : i32
          %and3A_487 = arith.andi %squeeze3A_475, %and3A_486 : i32
          %shift_left3A = arith.constant 1 : i32
          %shift_left3A_488 = arith.shli %shift_left3A, %and3A_487 : i32
          %get3A_489 = arith.index_cast %add3A_485 : i32 to index
          %get3A_490 = tpu.vector_load %arg7[%get3A_489] {strides = array<i32>} : memref<122880xi32, #tpu.memory_space<vmem>>, vector<16xi32>,
          %iota3A = tpu.iota {dimensions = array<i32: 0>} : vector<16xi32>
          %eq3A_491 = vector.broadcast %sub3A_481 : i32 to vector<16xi32>
          %eq3A_492 = arith.cmpi eq, %iota3A, %eq3A_491 : vector<16xi32>
          %or3A = vector.broadcast %shift_left3A_488 : i32 to vector<16xi32>
          %or3A_493 = arith.ori %get3A_490, %or3A : vector<16xi32>
          %select_n3A_494 = arith.select %eq3A_492, %or3A_493, %get3A_490 : vector<16xi1>, vector<16xi32>
          %swap3A = arith.index_cast %add3A_485 : i32 to index
          %swap3A_495 = tpu.vector_load %arg7[%swap3A] {strides = array<i32>} : memref<122880xi32, #tpu.memory_space<vmem>>, vector<16xi32>,
          tpu.vector_store %arg7[%swap3A], %select_n3A_494 {strides = array<i32>} : memref<122880xi32, #tpu.memory_space<vmem>>, vector<16xi32>,
          %iota3A_496 = tpu.iota {dimensions = array<i32: 0>} : vector<16xi32>
          %ne3A_497 = vector.broadcast %squeeze3A_465 : i32 to vector<16xi32>
          %ne3A_498 = arith.cmpi ne, %iota3A_496, %ne3A_497 : vector<16xi32>
          %and3A_499 = arith.andi %while3A_463, %ne3A_498 : vector<16xi1>
          scf.yield %and3A_499 : vector<16xi1>
        }
        %while3A_460 = arith.constant 1 : i32
        %while3A_461 = scf.for %while3A_462 = %while3A_457 to %while3A_453 step %while3A_460 iter_args(%while3A_463 = %while3A_459) -> (vector<16xi1>)  : i32 {
          %all_reduce_ffs3A = tpu.all_reduce %while3A_463 {dim = 0 : i64, kind = #tpu.reduction_kind<find_first_set>} : vector<16xi1> -> vector<16xi32>
          %slice3A_464 = vector.extract_strided_slice %all_reduce_ffs3A {offsets = [0], sizes = [1], strides = [1]} : vector<16xi32> to vector<1xi32>
          %squeeze3A_465 = vector.extract %slice3A_464[0] : i32 from vector<1xi32>
          %add3A_466 = arith.addi %add3A_405, %squeeze3A_465 : i32
          %get3A_467 = arith.index_cast %add3A_466 : i32 to index
          %get3A_468 = tpu.vector_load %arg5[%get3A_467] {strides = array<i32>} : memref<2576xi32, #tpu.memory_space<vmem>>, vector<16xi32>,
          %slice3A_469 = vector.extract_strided_slice %get3A_468 {offsets = [0], sizes = [1], strides = [1]} : vector<16xi32> to vector<1xi32>
          %squeeze3A_470 = vector.extract %slice3A_469[0] : i32 from vector<1xi32>
          %add3A_471 = arith.addi %add3A_405, %squeeze3A_465 : i32
          %get3A_472 = arith.index_cast %add3A_471 : i32 to index
          %get3A_473 = tpu.vector_load %arg6[%get3A_472] {strides = array<i32>} : memref<2576xi32, #tpu.memory_space<vmem>>, vector<16xi32>,
          %slice3A_474 = vector.extract_strided_slice %get3A_473 {offsets = [0], sizes = [1], strides = [1]} : vector<16xi32> to vector<1xi32>
          %squeeze3A_475 = vector.extract %slice3A_474[0] : i32 from vector<1xi32>
          %shift_right_arithmetic3A = arith.constant 5 : i32
          %shift_right_arithmetic3A_476 = arith.shrsi %squeeze3A_475, %shift_right_arithmetic3A : i32
          %shift_right_arithmetic3A_477 = arith.constant 4 : i32
          %shift_right_arithmetic3A_478 = arith.shrsi %shift_right_arithmetic3A_476, %shift_right_arithmetic3A_477 : i32
          %mul3A_479 = arith.constant 16 : i32
          %mul3A_480 = arith.muli %shift_right_arithmetic3A_478, %mul3A_479 : i32
          %sub3A_481 = arith.subi %shift_right_arithmetic3A_476, %mul3A_480 : i32
          %sub3A_482 = arith.subi %squeeze3A_470, %mul3A_2 : i32
          %mul3A_483 = arith.constant 384 : i32
          %mul3A_484 = arith.muli %sub3A_482, %mul3A_483 : i32
          %add3A_485 = arith.addi %mul3A_484, %mul3A_480 : i32
          %and3A_486 = arith.constant 31 : i32
          %and3A_487 = arith.andi %squeeze3A_475, %and3A_486 : i32
          %shift_left3A = arith.constant 1 : i32
          %shift_left3A_488 = arith.shli %shift_left3A, %and3A_487 : i32
          %get3A_489 = arith.index_cast %add3A_485 : i32 to index
          %get3A_490 = tpu.vector_load %arg7[%get3A_489] {strides = array<i32>} : memref<122880xi32, #tpu.memory_space<vmem>>, vector<16xi32>,
          %iota3A = tpu.iota {dimensions = array<i32: 0>} : vector<16xi32>
          %eq3A_491 = vector.broadcast %sub3A_481 : i32 to vector<16xi32>
          %eq3A_492 = arith.cmpi eq, %iota3A, %eq3A_491 : vector<16xi32>
          %or3A = vector.broadcast %shift_left3A_488 : i32 to vector<16xi32>
          %or3A_493 = arith.ori %get3A_490, %or3A : vector<16xi32>
          %select_n3A_494 = arith.select %eq3A_492, %or3A_493, %get3A_490 : vector<16xi1>, vector<16xi32>
          %swap3A = arith.index_cast %add3A_485 : i32 to index
          %swap3A_495 = tpu.vector_load %arg7[%swap3A] {strides = array<i32>} : memref<122880xi32, #tpu.memory_space<vmem>>, vector<16xi32>,
          tpu.vector_store %arg7[%swap3A], %select_n3A_494 {strides = array<i32>} : memref<122880xi32, #tpu.memory_space<vmem>>, vector<16xi32>,
          %iota3A_496 = tpu.iota {dimensions = array<i32: 0>} : vector<16xi32>
          %ne3A_497 = vector.broadcast %squeeze3A_465 : i32 to vector<16xi32>
          %ne3A_498 = arith.cmpi ne, %iota3A_496, %ne3A_497 : vector<16xi32>
          %and3A_499 = arith.andi %while3A_463, %ne3A_498 : vector<16xi1>
          scf.yield %and3A_499 : vector<16xi1>
        }
      } else {
      }
      %add3A_416 = arith.constant 208 : i32
      %add3A_417 = arith.addi %mul3A_73, %add3A_416 : i32
      %eq3A_418 = arith.constant 1 : i32
      %eq3A_419 = arith.cmpi eq, %squeeze3A_254, %eq3A_418 : i32
      %convert_element_type3A_420 = arith.extui %eq3A_419 : i1 to i32
      %cond3A_421 = arith.constant 0 : i32
      %cond3A_422 = arith.cmpi ne, %convert_element_type3A_420, %cond3A_421 : i32
      scf.if %cond3A_422 {
        %get3A_452 = arith.index_cast %add3A_417 : i32 to index
        %get3A_453 = tpu.vector_load %arg6[%get3A_452] {strides = array<i32>} : memref<2576xi32, #tpu.memory_space<vmem>>, vector<16xi32>,
        %sub3A_454 = vector.broadcast %mul3A_2 : i32 to vector<16xi32>
        %sub3A_455 = arith.subi %get3A_128, %sub3A_454 : vector<16xi32>
        %mul3A_456 = arith.constant 384 : i32
        %mul3A_457 = vector.broadcast %mul3A_456 : i32 to vector<16xi32>
        %mul3A_458 = arith.muli %sub3A_455, %mul3A_457 : vector<16xi32>
        %shift_right_arithmetic3A = arith.constant 5 : i32
        %shift_right_arithmetic3A_459 = vector.broadcast %shift_right_arithmetic3A : i32 to vector<16xi32>
        %shift_right_arithmetic3A_460 = arith.shrsi %get3A_453, %shift_right_arithmetic3A_459 : vector<16xi32>
        %add3A_461 = arith.addi %mul3A_458, %shift_right_arithmetic3A_460 : vector<16xi32>
        %and3A_462 = arith.constant 31 : i32
        %and3A_463 = vector.broadcast %and3A_462 : i32 to vector<16xi32>
        %and3A_464 = arith.andi %get3A_453, %and3A_463 : vector<16xi32>
        %shift_left3A = arith.constant 1 : i32
        %shift_left3A_465 = vector.broadcast %shift_left3A : i32 to vector<16xi32>
        %shift_left3A_466 = arith.shli %shift_left3A_465, %and3A_464 : vector<16xi32>
        %gather3A = arith.constant 0 : i32
        %gather3A_467 = tpu.memref_slice %arg7[%gather3A] : memref<122880xi32, #tpu.memory_space<vmem>> -> memref<122880xi32, #tpu.memory_space<vmem>>
        %gather3A_468 = tpu.vector_load_idx %gather3A_467[%add3A_461] masked %and3A_205 : memref<122880xi32, #tpu.memory_space<vmem>>[vector<16xi32>], vector<16xi32>, vector<16xi1>
        %or3A = arith.ori %gather3A_468, %shift_left3A_466 : vector<16xi32>
        %scatter3A = arith.constant 0 : i32
        %scatter3A_469 = tpu.memref_slice %arg7[%scatter3A] : memref<122880xi32, #tpu.memory_space<vmem>> -> memref<122880xi32, #tpu.memory_space<vmem>>
        tpu.vector_store_idx %scatter3A_469[%add3A_461], %or3A masked %and3A_205 : memref<122880xi32, #tpu.memory_space<vmem>>[vector<16xi32>], vector<16xi32>, vector<16xi1>
      } else {
      }
      %gt3A_423 = arith.constant 1 : i32
      %gt3A_424 = arith.cmpi sgt, %squeeze3A_254, %gt3A_423 : i32
      %convert_element_type3A_425 = arith.extui %gt3A_424 : i1 to i32
      %cond3A_426 = arith.constant 0 : i32
      %cond3A_427 = arith.cmpi ne, %convert_element_type3A_425, %cond3A_426 : i32
      scf.if %cond3A_427 {
        %while3A = arith.constant 0 : i32
        %while3A_452 = arith.subi %squeeze3A_254, %while3A : i32
        %while3A_453 = arith.addi %while3A, %while3A_452 : i32
        %while3A_454 = arith.constant 1 : i32
        %while3A_455 = arith.divsi %while3A_452, %while3A_454 : i32
        %while3A_456 = arith.muli %while3A_455, %while3A_454 : i32
        %while3A_457 = arith.addi %while3A, %while3A_456 : i32
        %while3A_458 = arith.constant 1 : i32
        %while3A_459 = scf.for %while3A_462 = %while3A to %while3A_457 step %while3A_458 iter_args(%while3A_463 = %and3A_205) -> (vector<16xi1>)  : i32 {
          %all_reduce_ffs3A = tpu.all_reduce %while3A_463 {dim = 0 : i64, kind = #tpu.reduction_kind<find_first_set>} : vector<16xi1> -> vector<16xi32>
          %slice3A_464 = vector.extract_strided_slice %all_reduce_ffs3A {offsets = [0], sizes = [1], strides = [1]} : vector<16xi32> to vector<1xi32>
          %squeeze3A_465 = vector.extract %slice3A_464[0] : i32 from vector<1xi32>
          %add3A_466 = arith.addi %add3A_417, %squeeze3A_465 : i32
          %get3A_467 = arith.index_cast %add3A_466 : i32 to index
          %get3A_468 = tpu.vector_load %arg5[%get3A_467] {strides = array<i32>} : memref<2576xi32, #tpu.memory_space<vmem>>, vector<16xi32>,
          %slice3A_469 = vector.extract_strided_slice %get3A_468 {offsets = [0], sizes = [1], strides = [1]} : vector<16xi32> to vector<1xi32>
          %squeeze3A_470 = vector.extract %slice3A_469[0] : i32 from vector<1xi32>
          %add3A_471 = arith.addi %add3A_417, %squeeze3A_465 : i32
          %get3A_472 = arith.index_cast %add3A_471 : i32 to index
          %get3A_473 = tpu.vector_load %arg6[%get3A_472] {strides = array<i32>} : memref<2576xi32, #tpu.memory_space<vmem>>, vector<16xi32>,
          %slice3A_474 = vector.extract_strided_slice %get3A_473 {offsets = [0], sizes = [1], strides = [1]} : vector<16xi32> to vector<1xi32>
          %squeeze3A_475 = vector.extract %slice3A_474[0] : i32 from vector<1xi32>
          %shift_right_arithmetic3A = arith.constant 5 : i32
          %shift_right_arithmetic3A_476 = arith.shrsi %squeeze3A_475, %shift_right_arithmetic3A : i32
          %shift_right_arithmetic3A_477 = arith.constant 4 : i32
          %shift_right_arithmetic3A_478 = arith.shrsi %shift_right_arithmetic3A_476, %shift_right_arithmetic3A_477 : i32
          %mul3A_479 = arith.constant 16 : i32
          %mul3A_480 = arith.muli %shift_right_arithmetic3A_478, %mul3A_479 : i32
          %sub3A_481 = arith.subi %shift_right_arithmetic3A_476, %mul3A_480 : i32
          %sub3A_482 = arith.subi %squeeze3A_470, %mul3A_2 : i32
          %mul3A_483 = arith.constant 384 : i32
          %mul3A_484 = arith.muli %sub3A_482, %mul3A_483 : i32
          %add3A_485 = arith.addi %mul3A_484, %mul3A_480 : i32
          %and3A_486 = arith.constant 31 : i32
          %and3A_487 = arith.andi %squeeze3A_475, %and3A_486 : i32
          %shift_left3A = arith.constant 1 : i32
          %shift_left3A_488 = arith.shli %shift_left3A, %and3A_487 : i32
          %get3A_489 = arith.index_cast %add3A_485 : i32 to index
          %get3A_490 = tpu.vector_load %arg7[%get3A_489] {strides = array<i32>} : memref<122880xi32, #tpu.memory_space<vmem>>, vector<16xi32>,
          %iota3A = tpu.iota {dimensions = array<i32: 0>} : vector<16xi32>
          %eq3A_491 = vector.broadcast %sub3A_481 : i32 to vector<16xi32>
          %eq3A_492 = arith.cmpi eq, %iota3A, %eq3A_491 : vector<16xi32>
          %or3A = vector.broadcast %shift_left3A_488 : i32 to vector<16xi32>
          %or3A_493 = arith.ori %get3A_490, %or3A : vector<16xi32>
          %select_n3A_494 = arith.select %eq3A_492, %or3A_493, %get3A_490 : vector<16xi1>, vector<16xi32>
          %swap3A = arith.index_cast %add3A_485 : i32 to index
          %swap3A_495 = tpu.vector_load %arg7[%swap3A] {strides = array<i32>} : memref<122880xi32, #tpu.memory_space<vmem>>, vector<16xi32>,
          tpu.vector_store %arg7[%swap3A], %select_n3A_494 {strides = array<i32>} : memref<122880xi32, #tpu.memory_space<vmem>>, vector<16xi32>,
          %iota3A_496 = tpu.iota {dimensions = array<i32: 0>} : vector<16xi32>
          %ne3A_497 = vector.broadcast %squeeze3A_465 : i32 to vector<16xi32>
          %ne3A_498 = arith.cmpi ne, %iota3A_496, %ne3A_497 : vector<16xi32>
          %and3A_499 = arith.andi %while3A_463, %ne3A_498 : vector<16xi1>
          scf.yield %and3A_499 : vector<16xi1>
        }
        %while3A_460 = arith.constant 1 : i32
        %while3A_461 = scf.for %while3A_462 = %while3A_457 to %while3A_453 step %while3A_460 iter_args(%while3A_463 = %while3A_459) -> (vector<16xi1>)  : i32 {
          %all_reduce_ffs3A = tpu.all_reduce %while3A_463 {dim = 0 : i64, kind = #tpu.reduction_kind<find_first_set>} : vector<16xi1> -> vector<16xi32>
          %slice3A_464 = vector.extract_strided_slice %all_reduce_ffs3A {offsets = [0], sizes = [1], strides = [1]} : vector<16xi32> to vector<1xi32>
          %squeeze3A_465 = vector.extract %slice3A_464[0] : i32 from vector<1xi32>
          %add3A_466 = arith.addi %add3A_417, %squeeze3A_465 : i32
          %get3A_467 = arith.index_cast %add3A_466 : i32 to index
          %get3A_468 = tpu.vector_load %arg5[%get3A_467] {strides = array<i32>} : memref<2576xi32, #tpu.memory_space<vmem>>, vector<16xi32>,
          %slice3A_469 = vector.extract_strided_slice %get3A_468 {offsets = [0], sizes = [1], strides = [1]} : vector<16xi32> to vector<1xi32>
          %squeeze3A_470 = vector.extract %slice3A_469[0] : i32 from vector<1xi32>
          %add3A_471 = arith.addi %add3A_417, %squeeze3A_465 : i32
          %get3A_472 = arith.index_cast %add3A_471 : i32 to index
          %get3A_473 = tpu.vector_load %arg6[%get3A_472] {strides = array<i32>} : memref<2576xi32, #tpu.memory_space<vmem>>, vector<16xi32>,
          %slice3A_474 = vector.extract_strided_slice %get3A_473 {offsets = [0], sizes = [1], strides = [1]} : vector<16xi32> to vector<1xi32>
          %squeeze3A_475 = vector.extract %slice3A_474[0] : i32 from vector<1xi32>
          %shift_right_arithmetic3A = arith.constant 5 : i32
          %shift_right_arithmetic3A_476 = arith.shrsi %squeeze3A_475, %shift_right_arithmetic3A : i32
          %shift_right_arithmetic3A_477 = arith.constant 4 : i32
          %shift_right_arithmetic3A_478 = arith.shrsi %shift_right_arithmetic3A_476, %shift_right_arithmetic3A_477 : i32
          %mul3A_479 = arith.constant 16 : i32
          %mul3A_480 = arith.muli %shift_right_arithmetic3A_478, %mul3A_479 : i32
          %sub3A_481 = arith.subi %shift_right_arithmetic3A_476, %mul3A_480 : i32
          %sub3A_482 = arith.subi %squeeze3A_470, %mul3A_2 : i32
          %mul3A_483 = arith.constant 384 : i32
          %mul3A_484 = arith.muli %sub3A_482, %mul3A_483 : i32
          %add3A_485 = arith.addi %mul3A_484, %mul3A_480 : i32
          %and3A_486 = arith.constant 31 : i32
          %and3A_487 = arith.andi %squeeze3A_475, %and3A_486 : i32
          %shift_left3A = arith.constant 1 : i32
          %shift_left3A_488 = arith.shli %shift_left3A, %and3A_487 : i32
          %get3A_489 = arith.index_cast %add3A_485 : i32 to index
          %get3A_490 = tpu.vector_load %arg7[%get3A_489] {strides = array<i32>} : memref<122880xi32, #tpu.memory_space<vmem>>, vector<16xi32>,
          %iota3A = tpu.iota {dimensions = array<i32: 0>} : vector<16xi32>
          %eq3A_491 = vector.broadcast %sub3A_481 : i32 to vector<16xi32>
          %eq3A_492 = arith.cmpi eq, %iota3A, %eq3A_491 : vector<16xi32>
          %or3A = vector.broadcast %shift_left3A_488 : i32 to vector<16xi32>
          %or3A_493 = arith.ori %get3A_490, %or3A : vector<16xi32>
          %select_n3A_494 = arith.select %eq3A_492, %or3A_493, %get3A_490 : vector<16xi1>, vector<16xi32>
          %swap3A = arith.index_cast %add3A_485 : i32 to index
          %swap3A_495 = tpu.vector_load %arg7[%swap3A] {strides = array<i32>} : memref<122880xi32, #tpu.memory_space<vmem>>, vector<16xi32>,
          tpu.vector_store %arg7[%swap3A], %select_n3A_494 {strides = array<i32>} : memref<122880xi32, #tpu.memory_space<vmem>>, vector<16xi32>,
          %iota3A_496 = tpu.iota {dimensions = array<i32: 0>} : vector<16xi32>
          %ne3A_497 = vector.broadcast %squeeze3A_465 : i32 to vector<16xi32>
          %ne3A_498 = arith.cmpi ne, %iota3A_496, %ne3A_497 : vector<16xi32>
          %and3A_499 = arith.andi %while3A_463, %ne3A_498 : vector<16xi1>
          scf.yield %and3A_499 : vector<16xi1>
        }
      } else {
      }
      %add3A_428 = arith.constant 224 : i32
      %add3A_429 = arith.addi %mul3A_73, %add3A_428 : i32
      %eq3A_430 = arith.constant 1 : i32
      %eq3A_431 = arith.cmpi eq, %squeeze3A_257, %eq3A_430 : i32
      %convert_element_type3A_432 = arith.extui %eq3A_431 : i1 to i32
      %cond3A_433 = arith.constant 0 : i32
      %cond3A_434 = arith.cmpi ne, %convert_element_type3A_432, %cond3A_433 : i32
      scf.if %cond3A_434 {
        %get3A_452 = arith.index_cast %add3A_429 : i32 to index
        %get3A_453 = tpu.vector_load %arg6[%get3A_452] {strides = array<i32>} : memref<2576xi32, #tpu.memory_space<vmem>>, vector<16xi32>,
        %sub3A_454 = vector.broadcast %mul3A_2 : i32 to vector<16xi32>
        %sub3A_455 = arith.subi %get3A_132, %sub3A_454 : vector<16xi32>
        %mul3A_456 = arith.constant 384 : i32
        %mul3A_457 = vector.broadcast %mul3A_456 : i32 to vector<16xi32>
        %mul3A_458 = arith.muli %sub3A_455, %mul3A_457 : vector<16xi32>
        %shift_right_arithmetic3A = arith.constant 5 : i32
        %shift_right_arithmetic3A_459 = vector.broadcast %shift_right_arithmetic3A : i32 to vector<16xi32>
        %shift_right_arithmetic3A_460 = arith.shrsi %get3A_453, %shift_right_arithmetic3A_459 : vector<16xi32>
        %add3A_461 = arith.addi %mul3A_458, %shift_right_arithmetic3A_460 : vector<16xi32>
        %and3A_462 = arith.constant 31 : i32
        %and3A_463 = vector.broadcast %and3A_462 : i32 to vector<16xi32>
        %and3A_464 = arith.andi %get3A_453, %and3A_463 : vector<16xi32>
        %shift_left3A = arith.constant 1 : i32
        %shift_left3A_465 = vector.broadcast %shift_left3A : i32 to vector<16xi32>
        %shift_left3A_466 = arith.shli %shift_left3A_465, %and3A_464 : vector<16xi32>
        %gather3A = arith.constant 0 : i32
        %gather3A_467 = tpu.memref_slice %arg7[%gather3A] : memref<122880xi32, #tpu.memory_space<vmem>> -> memref<122880xi32, #tpu.memory_space<vmem>>
        %gather3A_468 = tpu.vector_load_idx %gather3A_467[%add3A_461] masked %and3A_210 : memref<122880xi32, #tpu.memory_space<vmem>>[vector<16xi32>], vector<16xi32>, vector<16xi1>
        %or3A = arith.ori %gather3A_468, %shift_left3A_466 : vector<16xi32>
        %scatter3A = arith.constant 0 : i32
        %scatter3A_469 = tpu.memref_slice %arg7[%scatter3A] : memref<122880xi32, #tpu.memory_space<vmem>> -> memref<122880xi32, #tpu.memory_space<vmem>>
        tpu.vector_store_idx %scatter3A_469[%add3A_461], %or3A masked %and3A_210 : memref<122880xi32, #tpu.memory_space<vmem>>[vector<16xi32>], vector<16xi32>, vector<16xi1>
      } else {
      }
      %gt3A_435 = arith.constant 1 : i32
      %gt3A_436 = arith.cmpi sgt, %squeeze3A_257, %gt3A_435 : i32
      %convert_element_type3A_437 = arith.extui %gt3A_436 : i1 to i32
      %cond3A_438 = arith.constant 0 : i32
      %cond3A_439 = arith.cmpi ne, %convert_element_type3A_437, %cond3A_438 : i32
      scf.if %cond3A_439 {
        %while3A = arith.constant 0 : i32
        %while3A_452 = arith.subi %squeeze3A_257, %while3A : i32
        %while3A_453 = arith.addi %while3A, %while3A_452 : i32
        %while3A_454 = arith.constant 1 : i32
        %while3A_455 = arith.divsi %while3A_452, %while3A_454 : i32
        %while3A_456 = arith.muli %while3A_455, %while3A_454 : i32
        %while3A_457 = arith.addi %while3A, %while3A_456 : i32
        %while3A_458 = arith.constant 1 : i32
        %while3A_459 = scf.for %while3A_462 = %while3A to %while3A_457 step %while3A_458 iter_args(%while3A_463 = %and3A_210) -> (vector<16xi1>)  : i32 {
          %all_reduce_ffs3A = tpu.all_reduce %while3A_463 {dim = 0 : i64, kind = #tpu.reduction_kind<find_first_set>} : vector<16xi1> -> vector<16xi32>
          %slice3A_464 = vector.extract_strided_slice %all_reduce_ffs3A {offsets = [0], sizes = [1], strides = [1]} : vector<16xi32> to vector<1xi32>
          %squeeze3A_465 = vector.extract %slice3A_464[0] : i32 from vector<1xi32>
          %add3A_466 = arith.addi %add3A_429, %squeeze3A_465 : i32
          %get3A_467 = arith.index_cast %add3A_466 : i32 to index
          %get3A_468 = tpu.vector_load %arg5[%get3A_467] {strides = array<i32>} : memref<2576xi32, #tpu.memory_space<vmem>>, vector<16xi32>,
          %slice3A_469 = vector.extract_strided_slice %get3A_468 {offsets = [0], sizes = [1], strides = [1]} : vector<16xi32> to vector<1xi32>
          %squeeze3A_470 = vector.extract %slice3A_469[0] : i32 from vector<1xi32>
          %add3A_471 = arith.addi %add3A_429, %squeeze3A_465 : i32
          %get3A_472 = arith.index_cast %add3A_471 : i32 to index
          %get3A_473 = tpu.vector_load %arg6[%get3A_472] {strides = array<i32>} : memref<2576xi32, #tpu.memory_space<vmem>>, vector<16xi32>,
          %slice3A_474 = vector.extract_strided_slice %get3A_473 {offsets = [0], sizes = [1], strides = [1]} : vector<16xi32> to vector<1xi32>
          %squeeze3A_475 = vector.extract %slice3A_474[0] : i32 from vector<1xi32>
          %shift_right_arithmetic3A = arith.constant 5 : i32
          %shift_right_arithmetic3A_476 = arith.shrsi %squeeze3A_475, %shift_right_arithmetic3A : i32
          %shift_right_arithmetic3A_477 = arith.constant 4 : i32
          %shift_right_arithmetic3A_478 = arith.shrsi %shift_right_arithmetic3A_476, %shift_right_arithmetic3A_477 : i32
          %mul3A_479 = arith.constant 16 : i32
          %mul3A_480 = arith.muli %shift_right_arithmetic3A_478, %mul3A_479 : i32
          %sub3A_481 = arith.subi %shift_right_arithmetic3A_476, %mul3A_480 : i32
          %sub3A_482 = arith.subi %squeeze3A_470, %mul3A_2 : i32
          %mul3A_483 = arith.constant 384 : i32
          %mul3A_484 = arith.muli %sub3A_482, %mul3A_483 : i32
          %add3A_485 = arith.addi %mul3A_484, %mul3A_480 : i32
          %and3A_486 = arith.constant 31 : i32
          %and3A_487 = arith.andi %squeeze3A_475, %and3A_486 : i32
          %shift_left3A = arith.constant 1 : i32
          %shift_left3A_488 = arith.shli %shift_left3A, %and3A_487 : i32
          %get3A_489 = arith.index_cast %add3A_485 : i32 to index
          %get3A_490 = tpu.vector_load %arg7[%get3A_489] {strides = array<i32>} : memref<122880xi32, #tpu.memory_space<vmem>>, vector<16xi32>,
          %iota3A = tpu.iota {dimensions = array<i32: 0>} : vector<16xi32>
          %eq3A_491 = vector.broadcast %sub3A_481 : i32 to vector<16xi32>
          %eq3A_492 = arith.cmpi eq, %iota3A, %eq3A_491 : vector<16xi32>
          %or3A = vector.broadcast %shift_left3A_488 : i32 to vector<16xi32>
          %or3A_493 = arith.ori %get3A_490, %or3A : vector<16xi32>
          %select_n3A_494 = arith.select %eq3A_492, %or3A_493, %get3A_490 : vector<16xi1>, vector<16xi32>
          %swap3A = arith.index_cast %add3A_485 : i32 to index
          %swap3A_495 = tpu.vector_load %arg7[%swap3A] {strides = array<i32>} : memref<122880xi32, #tpu.memory_space<vmem>>, vector<16xi32>,
          tpu.vector_store %arg7[%swap3A], %select_n3A_494 {strides = array<i32>} : memref<122880xi32, #tpu.memory_space<vmem>>, vector<16xi32>,
          %iota3A_496 = tpu.iota {dimensions = array<i32: 0>} : vector<16xi32>
          %ne3A_497 = vector.broadcast %squeeze3A_465 : i32 to vector<16xi32>
          %ne3A_498 = arith.cmpi ne, %iota3A_496, %ne3A_497 : vector<16xi32>
          %and3A_499 = arith.andi %while3A_463, %ne3A_498 : vector<16xi1>
          scf.yield %and3A_499 : vector<16xi1>
        }
        %while3A_460 = arith.constant 1 : i32
        %while3A_461 = scf.for %while3A_462 = %while3A_457 to %while3A_453 step %while3A_460 iter_args(%while3A_463 = %while3A_459) -> (vector<16xi1>)  : i32 {
          %all_reduce_ffs3A = tpu.all_reduce %while3A_463 {dim = 0 : i64, kind = #tpu.reduction_kind<find_first_set>} : vector<16xi1> -> vector<16xi32>
          %slice3A_464 = vector.extract_strided_slice %all_reduce_ffs3A {offsets = [0], sizes = [1], strides = [1]} : vector<16xi32> to vector<1xi32>
          %squeeze3A_465 = vector.extract %slice3A_464[0] : i32 from vector<1xi32>
          %add3A_466 = arith.addi %add3A_429, %squeeze3A_465 : i32
          %get3A_467 = arith.index_cast %add3A_466 : i32 to index
          %get3A_468 = tpu.vector_load %arg5[%get3A_467] {strides = array<i32>} : memref<2576xi32, #tpu.memory_space<vmem>>, vector<16xi32>,
          %slice3A_469 = vector.extract_strided_slice %get3A_468 {offsets = [0], sizes = [1], strides = [1]} : vector<16xi32> to vector<1xi32>
          %squeeze3A_470 = vector.extract %slice3A_469[0] : i32 from vector<1xi32>
          %add3A_471 = arith.addi %add3A_429, %squeeze3A_465 : i32
          %get3A_472 = arith.index_cast %add3A_471 : i32 to index
          %get3A_473 = tpu.vector_load %arg6[%get3A_472] {strides = array<i32>} : memref<2576xi32, #tpu.memory_space<vmem>>, vector<16xi32>,
          %slice3A_474 = vector.extract_strided_slice %get3A_473 {offsets = [0], sizes = [1], strides = [1]} : vector<16xi32> to vector<1xi32>
          %squeeze3A_475 = vector.extract %slice3A_474[0] : i32 from vector<1xi32>
          %shift_right_arithmetic3A = arith.constant 5 : i32
          %shift_right_arithmetic3A_476 = arith.shrsi %squeeze3A_475, %shift_right_arithmetic3A : i32
          %shift_right_arithmetic3A_477 = arith.constant 4 : i32
          %shift_right_arithmetic3A_478 = arith.shrsi %shift_right_arithmetic3A_476, %shift_right_arithmetic3A_477 : i32
          %mul3A_479 = arith.constant 16 : i32
          %mul3A_480 = arith.muli %shift_right_arithmetic3A_478, %mul3A_479 : i32
          %sub3A_481 = arith.subi %shift_right_arithmetic3A_476, %mul3A_480 : i32
          %sub3A_482 = arith.subi %squeeze3A_470, %mul3A_2 : i32
          %mul3A_483 = arith.constant 384 : i32
          %mul3A_484 = arith.muli %sub3A_482, %mul3A_483 : i32
          %add3A_485 = arith.addi %mul3A_484, %mul3A_480 : i32
          %and3A_486 = arith.constant 31 : i32
          %and3A_487 = arith.andi %squeeze3A_475, %and3A_486 : i32
          %shift_left3A = arith.constant 1 : i32
          %shift_left3A_488 = arith.shli %shift_left3A, %and3A_487 : i32
          %get3A_489 = arith.index_cast %add3A_485 : i32 to index
          %get3A_490 = tpu.vector_load %arg7[%get3A_489] {strides = array<i32>} : memref<122880xi32, #tpu.memory_space<vmem>>, vector<16xi32>,
          %iota3A = tpu.iota {dimensions = array<i32: 0>} : vector<16xi32>
          %eq3A_491 = vector.broadcast %sub3A_481 : i32 to vector<16xi32>
          %eq3A_492 = arith.cmpi eq, %iota3A, %eq3A_491 : vector<16xi32>
          %or3A = vector.broadcast %shift_left3A_488 : i32 to vector<16xi32>
          %or3A_493 = arith.ori %get3A_490, %or3A : vector<16xi32>
          %select_n3A_494 = arith.select %eq3A_492, %or3A_493, %get3A_490 : vector<16xi1>, vector<16xi32>
          %swap3A = arith.index_cast %add3A_485 : i32 to index
          %swap3A_495 = tpu.vector_load %arg7[%swap3A] {strides = array<i32>} : memref<122880xi32, #tpu.memory_space<vmem>>, vector<16xi32>,
          tpu.vector_store %arg7[%swap3A], %select_n3A_494 {strides = array<i32>} : memref<122880xi32, #tpu.memory_space<vmem>>, vector<16xi32>,
          %iota3A_496 = tpu.iota {dimensions = array<i32: 0>} : vector<16xi32>
          %ne3A_497 = vector.broadcast %squeeze3A_465 : i32 to vector<16xi32>
          %ne3A_498 = arith.cmpi ne, %iota3A_496, %ne3A_497 : vector<16xi32>
          %and3A_499 = arith.andi %while3A_463, %ne3A_498 : vector<16xi1>
          scf.yield %and3A_499 : vector<16xi1>
        }
      } else {
      }
      %add3A_440 = arith.constant 240 : i32
      %add3A_441 = arith.addi %mul3A_73, %add3A_440 : i32
      %eq3A_442 = arith.constant 1 : i32
      %eq3A_443 = arith.cmpi eq, %squeeze3A_260, %eq3A_442 : i32
      %convert_element_type3A_444 = arith.extui %eq3A_443 : i1 to i32
      %cond3A_445 = arith.constant 0 : i32
      %cond3A_446 = arith.cmpi ne, %convert_element_type3A_444, %cond3A_445 : i32
      scf.if %cond3A_446 {
        %get3A_452 = arith.index_cast %add3A_441 : i32 to index
        %get3A_453 = tpu.vector_load %arg6[%get3A_452] {strides = array<i32>} : memref<2576xi32, #tpu.memory_space<vmem>>, vector<16xi32>,
        %sub3A_454 = vector.broadcast %mul3A_2 : i32 to vector<16xi32>
        %sub3A_455 = arith.subi %get3A_136, %sub3A_454 : vector<16xi32>
        %mul3A_456 = arith.constant 384 : i32
        %mul3A_457 = vector.broadcast %mul3A_456 : i32 to vector<16xi32>
        %mul3A_458 = arith.muli %sub3A_455, %mul3A_457 : vector<16xi32>
        %shift_right_arithmetic3A = arith.constant 5 : i32
        %shift_right_arithmetic3A_459 = vector.broadcast %shift_right_arithmetic3A : i32 to vector<16xi32>
        %shift_right_arithmetic3A_460 = arith.shrsi %get3A_453, %shift_right_arithmetic3A_459 : vector<16xi32>
        %add3A_461 = arith.addi %mul3A_458, %shift_right_arithmetic3A_460 : vector<16xi32>
        %and3A_462 = arith.constant 31 : i32
        %and3A_463 = vector.broadcast %and3A_462 : i32 to vector<16xi32>
        %and3A_464 = arith.andi %get3A_453, %and3A_463 : vector<16xi32>
        %shift_left3A = arith.constant 1 : i32
        %shift_left3A_465 = vector.broadcast %shift_left3A : i32 to vector<16xi32>
        %shift_left3A_466 = arith.shli %shift_left3A_465, %and3A_464 : vector<16xi32>
        %gather3A = arith.constant 0 : i32
        %gather3A_467 = tpu.memref_slice %arg7[%gather3A] : memref<122880xi32, #tpu.memory_space<vmem>> -> memref<122880xi32, #tpu.memory_space<vmem>>
        %gather3A_468 = tpu.vector_load_idx %gather3A_467[%add3A_461] masked %and3A_215 : memref<122880xi32, #tpu.memory_space<vmem>>[vector<16xi32>], vector<16xi32>, vector<16xi1>
        %or3A = arith.ori %gather3A_468, %shift_left3A_466 : vector<16xi32>
        %scatter3A = arith.constant 0 : i32
        %scatter3A_469 = tpu.memref_slice %arg7[%scatter3A] : memref<122880xi32, #tpu.memory_space<vmem>> -> memref<122880xi32, #tpu.memory_space<vmem>>
        tpu.vector_store_idx %scatter3A_469[%add3A_461], %or3A masked %and3A_215 : memref<122880xi32, #tpu.memory_space<vmem>>[vector<16xi32>], vector<16xi32>, vector<16xi1>
      } else {
      }
      %gt3A_447 = arith.constant 1 : i32
      %gt3A_448 = arith.cmpi sgt, %squeeze3A_260, %gt3A_447 : i32
      %convert_element_type3A_449 = arith.extui %gt3A_448 : i1 to i32
      %cond3A_450 = arith.constant 0 : i32
      %cond3A_451 = arith.cmpi ne, %convert_element_type3A_449, %cond3A_450 : i32
      scf.if %cond3A_451 {
        %while3A = arith.constant 0 : i32
        %while3A_452 = arith.subi %squeeze3A_260, %while3A : i32
        %while3A_453 = arith.addi %while3A, %while3A_452 : i32
        %while3A_454 = arith.constant 1 : i32
        %while3A_455 = arith.divsi %while3A_452, %while3A_454 : i32
        %while3A_456 = arith.muli %while3A_455, %while3A_454 : i32
        %while3A_457 = arith.addi %while3A, %while3A_456 : i32
        %while3A_458 = arith.constant 1 : i32
        %while3A_459 = scf.for %while3A_462 = %while3A to %while3A_457 step %while3A_458 iter_args(%while3A_463 = %and3A_215) -> (vector<16xi1>)  : i32 {
          %all_reduce_ffs3A = tpu.all_reduce %while3A_463 {dim = 0 : i64, kind = #tpu.reduction_kind<find_first_set>} : vector<16xi1> -> vector<16xi32>
          %slice3A_464 = vector.extract_strided_slice %all_reduce_ffs3A {offsets = [0], sizes = [1], strides = [1]} : vector<16xi32> to vector<1xi32>
          %squeeze3A_465 = vector.extract %slice3A_464[0] : i32 from vector<1xi32>
          %add3A_466 = arith.addi %add3A_441, %squeeze3A_465 : i32
          %get3A_467 = arith.index_cast %add3A_466 : i32 to index
          %get3A_468 = tpu.vector_load %arg5[%get3A_467] {strides = array<i32>} : memref<2576xi32, #tpu.memory_space<vmem>>, vector<16xi32>,
          %slice3A_469 = vector.extract_strided_slice %get3A_468 {offsets = [0], sizes = [1], strides = [1]} : vector<16xi32> to vector<1xi32>
          %squeeze3A_470 = vector.extract %slice3A_469[0] : i32 from vector<1xi32>
          %add3A_471 = arith.addi %add3A_441, %squeeze3A_465 : i32
          %get3A_472 = arith.index_cast %add3A_471 : i32 to index
          %get3A_473 = tpu.vector_load %arg6[%get3A_472] {strides = array<i32>} : memref<2576xi32, #tpu.memory_space<vmem>>, vector<16xi32>,
          %slice3A_474 = vector.extract_strided_slice %get3A_473 {offsets = [0], sizes = [1], strides = [1]} : vector<16xi32> to vector<1xi32>
          %squeeze3A_475 = vector.extract %slice3A_474[0] : i32 from vector<1xi32>
          %shift_right_arithmetic3A = arith.constant 5 : i32
          %shift_right_arithmetic3A_476 = arith.shrsi %squeeze3A_475, %shift_right_arithmetic3A : i32
          %shift_right_arithmetic3A_477 = arith.constant 4 : i32
          %shift_right_arithmetic3A_478 = arith.shrsi %shift_right_arithmetic3A_476, %shift_right_arithmetic3A_477 : i32
          %mul3A_479 = arith.constant 16 : i32
          %mul3A_480 = arith.muli %shift_right_arithmetic3A_478, %mul3A_479 : i32
          %sub3A_481 = arith.subi %shift_right_arithmetic3A_476, %mul3A_480 : i32
          %sub3A_482 = arith.subi %squeeze3A_470, %mul3A_2 : i32
          %mul3A_483 = arith.constant 384 : i32
          %mul3A_484 = arith.muli %sub3A_482, %mul3A_483 : i32
          %add3A_485 = arith.addi %mul3A_484, %mul3A_480 : i32
          %and3A_486 = arith.constant 31 : i32
          %and3A_487 = arith.andi %squeeze3A_475, %and3A_486 : i32
          %shift_left3A = arith.constant 1 : i32
          %shift_left3A_488 = arith.shli %shift_left3A, %and3A_487 : i32
          %get3A_489 = arith.index_cast %add3A_485 : i32 to index
          %get3A_490 = tpu.vector_load %arg7[%get3A_489] {strides = array<i32>} : memref<122880xi32, #tpu.memory_space<vmem>>, vector<16xi32>,
          %iota3A = tpu.iota {dimensions = array<i32: 0>} : vector<16xi32>
          %eq3A_491 = vector.broadcast %sub3A_481 : i32 to vector<16xi32>
          %eq3A_492 = arith.cmpi eq, %iota3A, %eq3A_491 : vector<16xi32>
          %or3A = vector.broadcast %shift_left3A_488 : i32 to vector<16xi32>
          %or3A_493 = arith.ori %get3A_490, %or3A : vector<16xi32>
          %select_n3A_494 = arith.select %eq3A_492, %or3A_493, %get3A_490 : vector<16xi1>, vector<16xi32>
          %swap3A = arith.index_cast %add3A_485 : i32 to index
          %swap3A_495 = tpu.vector_load %arg7[%swap3A] {strides = array<i32>} : memref<122880xi32, #tpu.memory_space<vmem>>, vector<16xi32>,
          tpu.vector_store %arg7[%swap3A], %select_n3A_494 {strides = array<i32>} : memref<122880xi32, #tpu.memory_space<vmem>>, vector<16xi32>,
          %iota3A_496 = tpu.iota {dimensions = array<i32: 0>} : vector<16xi32>
          %ne3A_497 = vector.broadcast %squeeze3A_465 : i32 to vector<16xi32>
          %ne3A_498 = arith.cmpi ne, %iota3A_496, %ne3A_497 : vector<16xi32>
          %and3A_499 = arith.andi %while3A_463, %ne3A_498 : vector<16xi1>
          scf.yield %and3A_499 : vector<16xi1>
        }
        %while3A_460 = arith.constant 1 : i32
        %while3A_461 = scf.for %while3A_462 = %while3A_457 to %while3A_453 step %while3A_460 iter_args(%while3A_463 = %while3A_459) -> (vector<16xi1>)  : i32 {
          %all_reduce_ffs3A = tpu.all_reduce %while3A_463 {dim = 0 : i64, kind = #tpu.reduction_kind<find_first_set>} : vector<16xi1> -> vector<16xi32>
          %slice3A_464 = vector.extract_strided_slice %all_reduce_ffs3A {offsets = [0], sizes = [1], strides = [1]} : vector<16xi32> to vector<1xi32>
          %squeeze3A_465 = vector.extract %slice3A_464[0] : i32 from vector<1xi32>
          %add3A_466 = arith.addi %add3A_441, %squeeze3A_465 : i32
          %get3A_467 = arith.index_cast %add3A_466 : i32 to index
          %get3A_468 = tpu.vector_load %arg5[%get3A_467] {strides = array<i32>} : memref<2576xi32, #tpu.memory_space<vmem>>, vector<16xi32>,
          %slice3A_469 = vector.extract_strided_slice %get3A_468 {offsets = [0], sizes = [1], strides = [1]} : vector<16xi32> to vector<1xi32>
          %squeeze3A_470 = vector.extract %slice3A_469[0] : i32 from vector<1xi32>
          %add3A_471 = arith.addi %add3A_441, %squeeze3A_465 : i32
          %get3A_472 = arith.index_cast %add3A_471 : i32 to index
          %get3A_473 = tpu.vector_load %arg6[%get3A_472] {strides = array<i32>} : memref<2576xi32, #tpu.memory_space<vmem>>, vector<16xi32>,
          %slice3A_474 = vector.extract_strided_slice %get3A_473 {offsets = [0], sizes = [1], strides = [1]} : vector<16xi32> to vector<1xi32>
          %squeeze3A_475 = vector.extract %slice3A_474[0] : i32 from vector<1xi32>
          %shift_right_arithmetic3A = arith.constant 5 : i32
          %shift_right_arithmetic3A_476 = arith.shrsi %squeeze3A_475, %shift_right_arithmetic3A : i32
          %shift_right_arithmetic3A_477 = arith.constant 4 : i32
          %shift_right_arithmetic3A_478 = arith.shrsi %shift_right_arithmetic3A_476, %shift_right_arithmetic3A_477 : i32
          %mul3A_479 = arith.constant 16 : i32
          %mul3A_480 = arith.muli %shift_right_arithmetic3A_478, %mul3A_479 : i32
          %sub3A_481 = arith.subi %shift_right_arithmetic3A_476, %mul3A_480 : i32
          %sub3A_482 = arith.subi %squeeze3A_470, %mul3A_2 : i32
          %mul3A_483 = arith.constant 384 : i32
          %mul3A_484 = arith.muli %sub3A_482, %mul3A_483 : i32
          %add3A_485 = arith.addi %mul3A_484, %mul3A_480 : i32
          %and3A_486 = arith.constant 31 : i32
          %and3A_487 = arith.andi %squeeze3A_475, %and3A_486 : i32
          %shift_left3A = arith.constant 1 : i32
          %shift_left3A_488 = arith.shli %shift_left3A, %and3A_487 : i32
          %get3A_489 = arith.index_cast %add3A_485 : i32 to index
          %get3A_490 = tpu.vector_load %arg7[%get3A_489] {strides = array<i32>} : memref<122880xi32, #tpu.memory_space<vmem>>, vector<16xi32>,
          %iota3A = tpu.iota {dimensions = array<i32: 0>} : vector<16xi32>
          %eq3A_491 = vector.broadcast %sub3A_481 : i32 to vector<16xi32>
          %eq3A_492 = arith.cmpi eq, %iota3A, %eq3A_491 : vector<16xi32>
          %or3A = vector.broadcast %shift_left3A_488 : i32 to vector<16xi32>
          %or3A_493 = arith.ori %get3A_490, %or3A : vector<16xi32>
          %select_n3A_494 = arith.select %eq3A_492, %or3A_493, %get3A_490 : vector<16xi1>, vector<16xi32>
          %swap3A = arith.index_cast %add3A_485 : i32 to index
          %swap3A_495 = tpu.vector_load %arg7[%swap3A] {strides = array<i32>} : memref<122880xi32, #tpu.memory_space<vmem>>, vector<16xi32>,
          tpu.vector_store %arg7[%swap3A], %select_n3A_494 {strides = array<i32>} : memref<122880xi32, #tpu.memory_space<vmem>>, vector<16xi32>,
          %iota3A_496 = tpu.iota {dimensions = array<i32: 0>} : vector<16xi32>
          %ne3A_497 = vector.broadcast %squeeze3A_465 : i32 to vector<16xi32>
          %ne3A_498 = arith.cmpi ne, %iota3A_496, %ne3A_497 : vector<16xi32>
          %and3A_499 = arith.andi %while3A_463, %ne3A_498 : vector<16xi1>
          scf.yield %and3A_499 : vector<16xi1>
        }
      } else {
      }
    }
    %scan3A_28 = arith.constant 1250 : i32
    %mul3A_29 = arith.constant 384 : i32
    %mul3A_30 = arith.muli %mul3A_2, %mul3A_29 : i32
    "tpu.region"() ({
      %run_scoped3A = tpu.sem_alloc : memref<!tpu.dma_semaphore, #tpu.memory_space<semaphore_mem>>
      %dma_start3A_31 = tpu.memref_slice %arg4[%mul3A_30] : memref<3932160xi32, #tpu.memory_space<hbm>> -> memref<122880xi32, #tpu.memory_space<hbm>>
      %dma_start3A_32 = tpu.memref_slice %arg4[%mul3A_30] : memref<3932160xi32, #tpu.memory_space<hbm>> -> memref<122880xi32, #tpu.memory_space<hbm>>
      tpu.enqueue_dma source(%arg7 : memref<122880xi32, #tpu.memory_space<vmem>>) target(%dma_start3A_32 : memref<122880xi32, #tpu.memory_space<hbm>>) target_semaphore(%run_scoped3A : memref<!tpu.dma_semaphore, #tpu.memory_space<semaphore_mem>>)
      %dma_wait3A = tpu.memref_slice %arg4[%mul3A_30] : memref<3932160xi32, #tpu.memory_space<hbm>> -> memref<122880xi32, #tpu.memory_space<hbm>>
      %dma_wait3A_33 = tpu.memref_slice %arg4[%mul3A_30] : memref<3932160xi32, #tpu.memory_space<hbm>> -> memref<122880xi32, #tpu.memory_space<hbm>>
      tpu.wait_dma2 semaphore(%run_scoped3A : memref<!tpu.dma_semaphore, #tpu.memory_space<semaphore_mem>>) src(%arg7 : memref<122880xi32, #tpu.memory_space<vmem>>) dst(%dma_wait3A_33 : memref<122880xi32, #tpu.memory_space<hbm>>)
      tpu.yield
    }) : () -> ()
    return
  }
}

module attributes {stable_mosaic.version = 14 : i64} {
  func.func @_mlp_kernel(%arg0: memref<4096x256xf32, #tpu.memory_space<vmem>>, %arg1: memref<4096x256xf32, #tpu.memory_space<vmem>>, %arg2: memref<4096x256xf32, #tpu.memory_space<vmem>>, %arg3: memref<1x1xf32, #tpu.memory_space<vmem>>, %arg4: memref<256x256xf32, #tpu.memory_space<vmem>>, %arg5: memref<256xf32, #tpu.memory_space<vmem>>, %arg6: memref<256x256xf32, #tpu.memory_space<vmem>>, %arg7: memref<256xf32, #tpu.memory_space<vmem>>, %arg8: memref<256x256xf32, #tpu.memory_space<vmem>>, %arg9: memref<256xf32, #tpu.memory_space<vmem>>, %arg10: memref<256x256xf32, #tpu.memory_space<vmem>>, %arg11: memref<256xf32, #tpu.memory_space<vmem>>, %arg12: memref<256x256xf32, #tpu.memory_space<vmem>>, %arg13: memref<256xf32, #tpu.memory_space<vmem>>, %arg14: memref<256x256xf32, #tpu.memory_space<vmem>>, %arg15: memref<256xf32, #tpu.memory_space<vmem>>, %arg16: memref<256x1xf32, #tpu.memory_space<vmem>>, %arg17: memref<1xf32, #tpu.memory_space<vmem>>, %arg18: memref<4096x1xf32, #tpu.memory_space<vmem>>) attributes {dimension_semantics = [], scalar_prefetch = 0 : i64, scratch_operands = 0 : i64, tpu.core_type = #tpu.core_type<tc>} {
    %get3A = arith.constant 0 : index
    %get3A_0 = arith.constant 0 : index
    %get3A_1 = vector.load %arg1[%get3A, %get3A_0] : memref<4096x256xf32, #tpu.memory_space<vmem>>, vector<4096x256xf32>
    %get3A_2 = arith.constant 0 : index
    %get3A_3 = arith.constant 0 : index
    %get3A_4 = vector.load %arg2[%get3A_2, %get3A_3] : memref<4096x256xf32, #tpu.memory_space<vmem>>, vector<4096x256xf32>
    %mul3A = arith.mulf %get3A_1, %get3A_4 : vector<4096x256xf32>
    %get3A_5 = arith.constant 0 : index
    %get3A_6 = arith.constant 0 : index
    %get3A_7 = vector.load %arg10[%get3A_5, %get3A_6] : memref<256x256xf32, #tpu.memory_space<vmem>>, vector<256x256xf32>
    %dot_general3A = arith.constant dense<0.000000e+00> : vector<4096x256xf32>
    %dot_general3A_8 = tpu.matmul %mul3A, %get3A_7, %dot_general3A {dimension_numbers = #tpu.dot_dimension_numbers<[1], [0], [0], [1], [0, 0, 1, 1], [], []>, transpose_lhs_hint = false} : vector<4096x256xf32>, vector<256x256xf32>, vector<4096x256xf32> -> vector<4096x256xf32>
    %get3A_9 = arith.constant 0 : index
    %get3A_10 = vector.load %arg11[%get3A_9] : memref<256xf32, #tpu.memory_space<vmem>>, vector<256xf32>
    %broadcast_in_dim3A = vector.shape_cast %get3A_10 : vector<256xf32> to vector<1x256xf32>
    %add3A = vector.broadcast %broadcast_in_dim3A : vector<1x256xf32> to vector<4096x256xf32>
    %add3A_11 = arith.addf %dot_general3A_8, %add3A : vector<4096x256xf32>
    %max3A = arith.constant 0.000000e+00 : f32
    %max3A_12 = vector.broadcast %max3A : f32 to vector<4096x256xf32>
    %max3A_13 = arith.maximumf %add3A_11, %max3A_12 : vector<4096x256xf32>
    %get3A_14 = arith.constant 0 : index
    %get3A_15 = arith.constant 0 : index
    %get3A_16 = vector.load %arg12[%get3A_14, %get3A_15] : memref<256x256xf32, #tpu.memory_space<vmem>>, vector<256x256xf32>
    %dot_general3A_17 = arith.constant dense<0.000000e+00> : vector<4096x256xf32>
    %dot_general3A_18 = tpu.matmul %max3A_13, %get3A_16, %dot_general3A_17 {dimension_numbers = #tpu.dot_dimension_numbers<[1], [0], [0], [1], [0, 0, 1, 1], [], []>, transpose_lhs_hint = false} : vector<4096x256xf32>, vector<256x256xf32>, vector<4096x256xf32> -> vector<4096x256xf32>
    %get3A_19 = arith.constant 0 : index
    %get3A_20 = vector.load %arg13[%get3A_19] : memref<256xf32, #tpu.memory_space<vmem>>, vector<256xf32>
    %broadcast_in_dim3A_21 = vector.shape_cast %get3A_20 : vector<256xf32> to vector<1x256xf32>
    %add3A_22 = vector.broadcast %broadcast_in_dim3A_21 : vector<1x256xf32> to vector<4096x256xf32>
    %add3A_23 = arith.addf %dot_general3A_18, %add3A_22 : vector<4096x256xf32>
    %get3A_24 = arith.constant 0 : index
    %get3A_25 = arith.constant 0 : index
    %get3A_26 = vector.load %arg0[%get3A_24, %get3A_25] : memref<4096x256xf32, #tpu.memory_space<vmem>>, vector<4096x256xf32>
    %get3A_27 = arith.constant 0 : index
    %get3A_28 = arith.constant 0 : index
    %get3A_29 = vector.load %arg4[%get3A_27, %get3A_28] : memref<256x256xf32, #tpu.memory_space<vmem>>, vector<256x256xf32>
    %dot_general3A_30 = arith.constant dense<0.000000e+00> : vector<4096x256xf32>
    %dot_general3A_31 = tpu.matmul %get3A_26, %get3A_29, %dot_general3A_30 {dimension_numbers = #tpu.dot_dimension_numbers<[1], [0], [0], [1], [0, 0, 1, 1], [], []>, transpose_lhs_hint = false} : vector<4096x256xf32>, vector<256x256xf32>, vector<4096x256xf32> -> vector<4096x256xf32>
    %get3A_32 = arith.constant 0 : index
    %get3A_33 = vector.load %arg5[%get3A_32] : memref<256xf32, #tpu.memory_space<vmem>>, vector<256xf32>
    %broadcast_in_dim3A_34 = vector.shape_cast %get3A_33 : vector<256xf32> to vector<1x256xf32>
    %add3A_35 = vector.broadcast %broadcast_in_dim3A_34 : vector<1x256xf32> to vector<4096x256xf32>
    %add3A_36 = arith.addf %dot_general3A_31, %add3A_35 : vector<4096x256xf32>
    %max3A_37 = arith.constant 0.000000e+00 : f32
    %max3A_38 = vector.broadcast %max3A_37 : f32 to vector<4096x256xf32>
    %max3A_39 = arith.maximumf %add3A_36, %max3A_38 : vector<4096x256xf32>
    %get3A_40 = arith.constant 0 : index
    %get3A_41 = arith.constant 0 : index
    %get3A_42 = vector.load %arg6[%get3A_40, %get3A_41] : memref<256x256xf32, #tpu.memory_space<vmem>>, vector<256x256xf32>
    %dot_general3A_43 = arith.constant dense<0.000000e+00> : vector<4096x256xf32>
    %dot_general3A_44 = tpu.matmul %max3A_39, %get3A_42, %dot_general3A_43 {dimension_numbers = #tpu.dot_dimension_numbers<[1], [0], [0], [1], [0, 0, 1, 1], [], []>, transpose_lhs_hint = false} : vector<4096x256xf32>, vector<256x256xf32>, vector<4096x256xf32> -> vector<4096x256xf32>
    %get3A_45 = arith.constant 0 : index
    %get3A_46 = vector.load %arg7[%get3A_45] : memref<256xf32, #tpu.memory_space<vmem>>, vector<256xf32>
    %broadcast_in_dim3A_47 = vector.shape_cast %get3A_46 : vector<256xf32> to vector<1x256xf32>
    %add3A_48 = vector.broadcast %broadcast_in_dim3A_47 : vector<1x256xf32> to vector<4096x256xf32>
    %add3A_49 = arith.addf %dot_general3A_44, %add3A_48 : vector<4096x256xf32>
    %max3A_50 = arith.constant 0.000000e+00 : f32
    %max3A_51 = vector.broadcast %max3A_50 : f32 to vector<4096x256xf32>
    %max3A_52 = arith.maximumf %add3A_49, %max3A_51 : vector<4096x256xf32>
    %get3A_53 = arith.constant 0 : index
    %get3A_54 = arith.constant 0 : index
    %get3A_55 = vector.load %arg8[%get3A_53, %get3A_54] : memref<256x256xf32, #tpu.memory_space<vmem>>, vector<256x256xf32>
    %dot_general3A_56 = arith.constant dense<0.000000e+00> : vector<4096x256xf32>
    %dot_general3A_57 = tpu.matmul %max3A_52, %get3A_55, %dot_general3A_56 {dimension_numbers = #tpu.dot_dimension_numbers<[1], [0], [0], [1], [0, 0, 1, 1], [], []>, transpose_lhs_hint = false} : vector<4096x256xf32>, vector<256x256xf32>, vector<4096x256xf32> -> vector<4096x256xf32>
    %get3A_58 = arith.constant 0 : index
    %get3A_59 = vector.load %arg9[%get3A_58] : memref<256xf32, #tpu.memory_space<vmem>>, vector<256xf32>
    %broadcast_in_dim3A_60 = vector.shape_cast %get3A_59 : vector<256xf32> to vector<1x256xf32>
    %add3A_61 = vector.broadcast %broadcast_in_dim3A_60 : vector<1x256xf32> to vector<4096x256xf32>
    %add3A_62 = arith.addf %dot_general3A_57, %add3A_61 : vector<4096x256xf32>
    %get3A_63 = arith.constant 0 : index
    %get3A_64 = arith.constant 0 : index
    %get3A_65 = vector.load %arg3[%get3A_63, %get3A_64] : memref<1x1xf32, #tpu.memory_space<vmem>>, vector<1x1xf32>
    %mul3A_66 = vector.broadcast %get3A_65 : vector<1x1xf32> to vector<4096x256xf32>
    %mul3A_67 = arith.mulf %add3A_62, %mul3A_66 : vector<4096x256xf32>
    %add3A_68 = arith.addf %mul3A_67, %add3A_23 : vector<4096x256xf32>
    %get3A_69 = arith.constant 0 : index
    %get3A_70 = arith.constant 0 : index
    %get3A_71 = vector.load %arg14[%get3A_69, %get3A_70] : memref<256x256xf32, #tpu.memory_space<vmem>>, vector<256x256xf32>
    %dot_general3A_72 = arith.constant dense<0.000000e+00> : vector<4096x256xf32>
    %dot_general3A_73 = tpu.matmul %add3A_68, %get3A_71, %dot_general3A_72 {dimension_numbers = #tpu.dot_dimension_numbers<[1], [0], [0], [1], [0, 0, 1, 1], [], []>, transpose_lhs_hint = false} : vector<4096x256xf32>, vector<256x256xf32>, vector<4096x256xf32> -> vector<4096x256xf32>
    %get3A_74 = arith.constant 0 : index
    %get3A_75 = vector.load %arg15[%get3A_74] : memref<256xf32, #tpu.memory_space<vmem>>, vector<256xf32>
    %broadcast_in_dim3A_76 = vector.shape_cast %get3A_75 : vector<256xf32> to vector<1x256xf32>
    %add3A_77 = vector.broadcast %broadcast_in_dim3A_76 : vector<1x256xf32> to vector<4096x256xf32>
    %add3A_78 = arith.addf %dot_general3A_73, %add3A_77 : vector<4096x256xf32>
    %max3A_79 = arith.constant 0.000000e+00 : f32
    %max3A_80 = vector.broadcast %max3A_79 : f32 to vector<4096x256xf32>
    %max3A_81 = arith.maximumf %add3A_78, %max3A_80 : vector<4096x256xf32>
    %get3A_82 = arith.constant 0 : index
    %get3A_83 = arith.constant 0 : index
    %get3A_84 = vector.load %arg16[%get3A_82, %get3A_83] : memref<256x1xf32, #tpu.memory_space<vmem>>, vector<256x1xf32>
    %dot_general3A_85 = arith.constant dense<0.000000e+00> : vector<4096x1xf32>
    %dot_general3A_86 = tpu.matmul %max3A_81, %get3A_84, %dot_general3A_85 {dimension_numbers = #tpu.dot_dimension_numbers<[1], [0], [0], [1], [0, 0, 1, 1], [], []>, transpose_lhs_hint = false} : vector<4096x256xf32>, vector<256x1xf32>, vector<4096x1xf32> -> vector<4096x1xf32>
    %get3A_87 = arith.constant 0 : index
    %get3A_88 = vector.load %arg17[%get3A_87] : memref<1xf32, #tpu.memory_space<vmem>>, vector<1xf32>
    %broadcast_in_dim3A_89 = vector.shape_cast %get3A_88 : vector<1xf32> to vector<1x1xf32>
    %add3A_90 = vector.broadcast %broadcast_in_dim3A_89 : vector<1x1xf32> to vector<4096x1xf32>
    %add3A_91 = arith.addf %dot_general3A_86, %add3A_90 : vector<4096x1xf32>
    %swap3A = arith.constant 0 : index
    %swap3A_92 = arith.constant 0 : index
    %swap3A_93 = vector.load %arg18[%swap3A, %swap3A_92] : memref<4096x1xf32, #tpu.memory_space<vmem>>, vector<4096x1xf32>
    tpu.vector_store %arg18[%swap3A, %swap3A_92], %add3A_91 {strides = array<i32>} : memref<4096x1xf32, #tpu.memory_space<vmem>>, vector<4096x1xf32>,
    return
  }
}

</mosaic_0001>

<sc_bundles>
// kernel: kernel.5.cloned.1.call-start
scs
__scs_entry_jumppad:
0x0: {  	(pc) =	sbr.rel $0x88, $3  }
0x1: {  	(tag) =	ssettag $0x0;
	lr =	simm.s32 $0x1  }
0x2: {  	[smem:$0x3F8F] =	sst lr;
	_ =	strace $0xD0000000  }
0x3: {  	_ = 	snop  }
0x4: {  	_ = 	snop  }
0x5: {  	_ = 	snop  }
0x6: {  	_ = 	snop  }
0x7: {  	_ = 	snop  }
__scs_overlays_trampoline_lowered:
0x8: {  	[smem:$0x3F9E] =	sst s0  }
0x9: {  	[smem:$0x3F9F] =	sst s1  }
0xa: {  	[smem:$0x3FA0] =	sst s2  }
0xb: {  	[smem:$0x3FA1] =	sst s3  }
0xc: {  	[smem:$0x3FA2] =	sst s4  }
0xd: {  	[smem:$0x3FA3] =	sst s5  }
0xe: {  	[smem:$0x3FA4] =	sst s6  }
0xf: {  	[smem:$0x3FA5] =	sst s7  }
0x10: {  	[smem:$0x3FA6] =	sst s8  }
0x11: {  	[smem:$0x3FA7] =	sst s9;
	s0 =	simm.s32 @!p0 $0x0  }
0x12: {  	s1 =	sld [smem:$0x3F8D];
	s0 =	simm.s32 @p0 $0x1  }
0x13: {  	[smem:$0x3FA8] =	sst s0;
	s0 =	simm.s32 @!p1 $0x0  }
0x14: {  	s2 =	sld [smem:$0x3F8C];
	s0 =	simm.s32 @p1 $0x1  }
0x15: {  	[smem:$0x3FA9] =	sst s0;
	s0 =	simm.s32 @!p2 $0x0  }
0x16: {  	s3 =	sld [smem:$0x3FDB];
	s0 =	simm.s32 @p2 $0x1  }
0x17: {  	s4 =	simm.s32 $0x1BF5;
	[smem:$0x3FAB] =	sst s0  }
0x18: {  	s0 =	sld [smem:$0x3F8E];
	_ =	swait.ge [sflag:s4], $0x0  }
0x19: {  	s7 =	sld [smem:$0x3F8F]  }
0x1a: {  	s8 =	sadd.s32 $0xFFFFE003, lr  }
0x1b: {  	s9 =	sadd.s32 $0xFFFFFEF7, lr;
	s5 =	simm.s32 $0xFFFFFFFF;
	p2 =	slt.u32 s8, $0xFFFFF086  }
0x1c: {  	p1 =	slt.u32 s9, $0xF7A;
	s5 =	simm.s32 @!p2 $0x0  }
0x1d: {  	s5 =	simm.s32 @p1 $0x1;
	p0 =	seq.s32 s7, s2  }
0x1e: {  	s7 =	smul.u32 @!p0 $0xF7A, s2;
	p2 =	seq.s32 @!p0 s5, $0x0  }
0x1f: {  	s9 =	smul.u32 $0xF7A, s1;
	s8 =	simm.s32 @!p0 $0x1BF5;
	p2 =	por !p2, p0  }
0x20: {  	[sflag:s8] =	ssyncset.s32 @!p0 $0xFFFFF086;
	s6 =	sadd.s32 @!p0 s3, s7;
	s7 =	simm.s32 @!p0 $0x108  }
0x21: {  	s3 =	sadd.s32 s3, s9;
	s6 =	sadd.s32 @!p0 $0x88, s6;
	s7 =	simm.s32 @p2 $0x1082  }
0x22: {  	[simem:s7], [sflag:s8] =	dma.local @!p0 [hbm:s6], $0xF7A  }
0x23: {  	s9 =	sor.u32 $0xD0000000, s2;
	s6 =	simm.s32 $0x108;
	_ =	swait.ge @!p0 [sflag:s8], $0x0  }
0x24: {  	s3 =	sadd.s32 $0x88, s3;
	s6 =	simm.s32 @!p1 $0x1082;
	[sflag:s4] =	ssyncset.s32 $0xFFFFF086  }
0x25: {  	[simem:s6], [sflag:s4] =	dma.local [hbm:s3], $0xF7A  }
0x26: {  	[smem:$0x3F8F] =	sst s1;
	(tag) =	ssettag s2;
	_ =	strace s9  }
0x27: {  	s1 =	sld [smem:$0x3F9F]  }
0x28: {  	s2 =	sld [smem:$0x3FA0]  }
0x29: {  	s4 =	sld [smem:$0x3FA2]  }
0x2a: {  	p0 =	seq.s32 s5, $0x0;
	s5 =	sld [smem:$0x3FA3]  }
0x2b: {  	s6 =	sld [smem:$0x3FA4]  }
0x2c: {  	s7 =	sld [smem:$0x3FA5]  }
0x2d: {  	s3 =	simm.s32 $0x108;
	s8 =	sld [smem:$0x3FA6]  }
0x2e: {  	s3 =	simm.s32 @!p0 $0x1082;
	s9 =	sld [smem:$0x3FA7]  }
0x2f: {  	lr =	sadd.s32 s0, s3;
	s0 =	sld [smem:$0x3F9E]  }
0x30: {  	s3 =	sld [smem:$0x3FA1]  }
0x31: {  	[smem:$0x3FAA] =	sst s10  }
0x32: {  	s10 =	sld [smem:$0x3FA8];
	_ =	sdelay $0x3  }
0x33: {  	p0 =	seq.s32 s10, $0x1;
	s10 =	sld [smem:$0x3FAA];
	_ =	sdelay $0x3  }
0x34: {  	[smem:$0x3FAA] =	sst s10  }
0x35: {  	s10 =	sld [smem:$0x3FA9];
	_ =	sdelay $0x3  }
0x36: {  	p1 =	seq.s32 s10, $0x1;
	s10 =	sld [smem:$0x3FAA];
	_ =	sdelay $0x3  }
0x37: {  	[smem:$0x3FAA] =	sst s10  }
0x38: {  	s10 =	sld [smem:$0x3FAB]  }
0x39: {  	_ = 	snop;
	(pc) =	sbr.ind lr, $3  }
0x3a: {  	_ = 	snop  }
0x3b: {  	_ = 	snop  }
0x3c: {  	p2 =	seq.s32 s10, $0x1;
	s10 =	sld [smem:$0x3FAA]  }
0x3d: {  	_ =	shalt  }
0x3e: {  	_ =	shalt  }
0x3f: {  	_ =	shalt  }
0x40: {  	_ =	shalt  }
0x41: {  	_ =	shalt  }
0x42: {  	_ =	shalt  }
0x43: {  	_ =	shalt  }
0x44: {  	_ =	shalt  }
0x45: {  	_ =	shalt  }
0x46: {  	_ =	shalt  }
0x47: {  	_ =	shalt  }
0x48: {  	_ =	shalt  }
0x49: {  	_ =	shalt  }
0x4a: {  	_ =	shalt  }
0x4b: {  	_ =	shalt  }
0x4c: {  	_ =	shalt  }
0x4d: {  	_ =	shalt  }
0x4e: {  	_ =	shalt  }
0x4f: {  	_ =	shalt  }
0x50: {  	_ =	shalt  }
0x51: {  	_ =	shalt  }
0x52: {  	_ =	shalt  }
0x53: {  	_ =	shalt  }
0x54: {  	_ =	shalt  }
0x55: {  	_ =	shalt  }
0x56: {  	_ =	shalt  }
0x57: {  	_ =	shalt  }
0x58: {  	_ =	shalt  }
0x59: {  	_ =	shalt  }
0x5a: {  	_ =	shalt  }
0x5b: {  	_ =	shalt  }
0x5c: {  	_ =	shalt  }
0x5d: {  	_ =	shalt  }
0x5e: {  	_ =	shalt  }
0x5f: {  	_ =	shalt  }
0x60: {  	_ =	shalt  }
0x61: {  	_ =	shalt  }
0x62: {  	_ =	shalt  }
0x63: {  	_ =	shalt  }
0x64: {  	_ =	shalt  }
0x65: {  	_ =	shalt  }
0x66: {  	_ =	shalt  }
0x67: {  	_ =	shalt  }
0x68: {  	_ =	shalt  }
0x69: {  	_ =	shalt  }
0x6a: {  	_ =	shalt  }
0x6b: {  	_ =	shalt  }
0x6c: {  	_ =	shalt  }
0x6d: {  	_ =	shalt  }
0x6e: {  	_ =	shalt  }
0x6f: {  	_ =	shalt  }
0x70: {  	_ =	shalt  }
0x71: {  	_ =	shalt  }
0x72: {  	_ =	shalt  }
0x73: {  	_ =	shalt  }
0x74: {  	_ =	shalt  }
0x75: {  	_ =	shalt  }
0x76: {  	_ =	shalt  }
0x77: {  	_ =	shalt  }
0x78: {  	_ =	shalt  }
0x79: {  	_ =	shalt  }
0x7a: {  	_ =	shalt  }
0x7b: {  	_ =	shalt  }
0x7c: {  	_ =	shalt  }
0x7d: {  	_ =	shalt  }
0x7e: {  	_ =	shalt  }
0x7f: {  	_ =	shalt  }
0x80: {  	_ =	shalt  }
0x81: {  	_ =	shalt  }
0x82: {  	_ =	shalt  }
0x83: {  	_ =	shalt  }
0x84: {  	_ =	shalt  }
0x85: {  	_ =	shalt  }
0x86: {  	_ =	shalt  }
0x87: {  	_ =	shalt  }
.Lfunc_end0:
.L_simem_size_0:
called_computation_lowered:
.L_overlay_start_0:
0x88: {  	s2 =	sld [smem:$0x3FD9]  }
0x89: {  	s3 =	sld [smem:$0x3FFE];
	_ =	sdelay $0x1  }
0x8a: {  	s1 =	srdreg.scid  }
0x8b: {  	s0 =	sand.u32 $0x1, s1  }
0x8c: {  	s16 =	sshll.u32 s0, $0xA;
	s2 =	sadd.s32 s3, s2  }
0x8d: {  	s2 =	sadd.s32 s2, s16  }
0x8e: {  	[smem:$0x3FB6] =	sst s2  }
0x8f: {  	_ = 	snop  }
0x90: {  	(tm) =	ssettm $0x1  }
0x91: {  	s17 =	sld [smem:$0x3FFB];
	_ =	sdelay $0x3  }
0x92: {  	_ =	strace s17  }
0x93: {  	s2 =	sld [smem:$0x3FFC];
	_ =	sdelay $0x3  }
0x94: {  	_ =	strace s2  }
0x95: {  	s2 =	sld [smem:$0x3FFD];
	_ =	sdelay $0x3  }
0x96: {  	_ =	strace s2  }
0x97: {  	_ =	strace $0x8FFFFFFF  }
0x98: {  	s18 =	sld [smem:$0x3FDB];
	_ =	sdelay $0x1  }
0x99: {  	s19 =	simm.s32 $_scs_section_size  }
0x9a: {  	s4 =	simm.s32 $_size__tile_overlayer_lowered;
	s5 =	simm.s32 $_tile_overlayer_lowered  }
0x9b: {  	s22 =	simm.s32 $0x1BFF;
	s21 =	sshll.u32 s5, $0x1;
	s2 =	sadd.s32 s19, s18  }
0x9c: {  	s6 =	simm.s32 $0x0;
	s20 =	sshll.u32 s4, $0x1;
	s4 =	sadd.s32 s21, s2  }
0x9d: {  	[timem:s6], [sflag:s22] =	dma.local [hbm:s4], s20  }
0x9e: {  	_ =	swait.ge [sflag:s22], s20  }
0x9f: {  	s3 =	ssub.s32 $0x0, s20;
	[sflag:s22] =	ssyncset.done $0x0  }
0xa0: {  	[sflag:s22] =	ssyncadd.s32 s3;
	_ =	sdelay $0x1  }
0xa1: {  	s23 =	simm.s32 $0x1B8B  }
0xa2: {  	_ =	swait.ge [sflag:s23], $0x1  }
0xa3: {  	[sflag:s23] =	ssyncset.done $0x0  }
0xa4: {  	s25 =	simm.s32 $0x1B8E;
	s24 =	sld [smem:$0x3FFE];
	[sflag:s23] =	ssyncadd.s32 $0xFFFFFFFF  }
0xa5: {  	s26 =	simm.s32 $execute0_lowered;
	[smem:$0x3FD2] =	sst s25  }
0xa6: {  	s4 =	sshll.u32 s26, $0x1;
	_ =	strace $0x80000046;
	[dreg:$0x1] =	wrdreg $0xFFFFFFFF  }
0xa7: {  	s28 =	simm.s32 $_size_execute0_lowered;
	s2 =	sadd.s32 s2, s4;
	[dreg:$0x0] =	wrdreg $0x0  }
0xa8: {  	s4 =	sshll.u32 s28, $0x1;
	[dreg:$0x2] =	wrdreg s2  }
0xa9: {  	[dreg:$0x3] =	wrdreg s4  }
0xaa: {  	[dreg:$0x4] =	wrdreg $0xC0  }
0xab: {  	_ =	task [dreg:s6], $0x5FFFF  }
0xac: {  	[dreg:$0x1] =	wrdreg $0xFFFFFFFF  }
0xad: {  	[dreg:$0x0] =	wrdreg $0x60  }
0xae: {  	[dreg:$0x2] =	wrdreg s24  }
0xaf: {  	[dreg:$0x3] =	wrdreg $0x9  }
0xb0: {  	_ =	task.clear_ibuf [dreg:s6], $0x4FFFF;
	_ =	strace $0x90000046  }
0xb1: {  	s29 =	simm.s32 $0x9;
	_ =	strace $0x80000048  }
0xb2: {  	_ =	swait.ge [sflag:s29], $0x1  }
0xb3: {  	[sflag:s29] =	ssyncadd.s32 $0xFFFFFFFF  }
0xb4: {  	_ =	strace $0x90000048  }
0xb5: {  	_ =	sfence  }
0xb6: {  	s30 =	sld [smem:$0x0];
	_ =	sdelay $0x2  }
0xb7: {  	s31 =	sshll.u32 s1, $0xD;
	s1 =	sshrl.u32 s1, $0x2  }
0xb8: {  	s3 =	sand.u32 $0x4000, s31;
	s1 =	sadd.s32 s1, s30  }
0xb9: {  	s0 =	sor.u32 s3, s0;
	s1 =	sshll.u32 s1, $0x11  }
0xba: {  	s0 =	sor.u32 s1, s0  }
0xbb: {  	s0 =	sadd.s32 $0x8F2B, s0  }
0xbc: {  	[sflag:s0] =	ssyncadd.remote.s32 $0x1  }
0xbd: {  	_ =	sfence.sel $0xFFFF  }
0xbe: {  	[dreg:$0x0] =	wrdreg $0xFFFFFFFF;
	(pc) =	sbr.abs _section_cstart, $3  }
0xbf: {  	[dreg:$0x1] =	wrdreg $0xFFFFFFFF  }
0xc0: {  	_ =	task.clear_ibuf [dreg:s6], $0x2FFFF;
	_ =	strace $0x9FFFFFFF  }
0xc1: {  	(tm) =	ssettm $0x7FFFFFFF  }
tec
execute0_lowered:
.L_overlay_start_1:
0x0: {  	(tag) =	ssettag $0x1  }
0x1: {  	s1 =	srdreg.scid;
	s2 =	stileid.u32  }
0x2: {  	s1 =	sand.u32 $0x1, s1;
	s3 =	sshll.u32 s2, $0x1  }
0x3: {  	s0 =	rddreg [dreg:$0x0];
	s4 =	simm.s32 $0x0;
	s30 =	sor.u32 s1, s3  }
0x4: {  	s9 =	simm.s32 $0x1500;
	s10 =	simm.s32 $0x3;
	s6 =	smul.u32 $0x3C00, s30  }
.Ltmp0:
0x5: {  	s11 =	simm.s32 $0x1;
	s12 =	simm.s32 $0x0;
	(pc) =	sbr.rel .LBB2_1-.Ltmp0, $4  }
0x6: {  	[smem:$0x7FF] =	sst s4;
	s1 =	ssub.s32 $0x2, s1;
	s4 =	smul.u32 $0x140, s30  }
0x7: {  	s5 =	sadd.s32 $0x3400, s0;
	s3 =	sadd.s32 $0xD200, s0;
	s31 =	sshrl.u32 s1, $0x1  }
0x8: {  	v2 =	vimm.s32 $0x0;
	v3 =	vimm.s32 $0x1;
	s1 =	ssub.s32 s1, s31;
	s0 =	sadd.s32 s6, s0;
	s7 =	sadd.s32 $0x140, s4  }
0x9: {  	v4 =	vlaneseq.u32;
	_ =	strace $0x80000047;
	v0 =	vmov s4;
	s6 =	sadd.s32 $0x17000, s0;
	v1 =	vmov s7;
	s7 =	smax.u32 s1, $0x1  }
.LBB2_133:
0xa: {  	s12 =	sadd.s32 $0x1, s12  }
0xb: {  	p0 =	sne.s32 s12, s7  }
.Ltmp1:
0xc: {  	s0 =	simm.s32 $0x0;
	(pc) =	sbr.rel @!p0 .LBB2_134-.Ltmp1, $4  }
0xd: {  	[hbm4b:s6+s0] =	stream.linear.scatter [tilespmem:s9], [sflag:$0x3], $0x1E000, $0x38;
	[tilespmem:$0x1F500] =	vst v63  }
0xe: {  	_ =	swait.ge [sflag:s10], $0x1E000  }
0xf: {  	[sflag:s10] =	ssyncset.done $0x0  }
0x10: {  	[sflag:s10] =	ssyncadd.s32 $0xFFFE2000  }
.LBB2_1:
0x11: {  	s0 =	simm.s32 $0x0;
	s1 =	simm.s32 $0x200  }
.LBB2_2:
0x12: {  	p0 =	sne.s32 s1, $0x77E00;
	[tilespmem:s0+$0x1570] =	vst v2  }
0x13: {  	[tilespmem:s0+$0x1500] =	vst v2  }
0x14: {  	[tilespmem:s0+$0x1510] =	vst v2  }
.Ltmp2:
0x15: {  	[tilespmem:s0+$0x1520] =	vst v2;
	(pc) =	sbr.rel @p0 .LBB2_2-.Ltmp2, $4  }
0x16: {  	[tilespmem:s0+$0x1530] =	vst v2  }
0x17: {  	[tilespmem:s0+$0x1540] =	vst v2  }
0x18: {  	[tilespmem:s0+$0x1550] =	vst v2  }
0x19: {  	[tilespmem:s0+$0x1560] =	vst v2;
	s0 =	sshra.s32 s1, $0x2;
	s1 =	sadd.s32 $0x200, s1  }
0x1a: {  	[tilespmem:s0+$0x1570] =	vst v2  }
0x1b: {  	[tilespmem:s0+$0x1500] =	vst v2  }
0x1c: {  	[tilespmem:s0+$0x1510] =	vst v2  }
0x1d: {  	[tilespmem:s0+$0x1520] =	vst v2  }
0x1e: {  	[tilespmem:s0+$0x1530] =	vst v2  }
0x1f: {  	[tilespmem:s0+$0x1540] =	vst v2  }
.Ltmp3:
0x20: {  	[tilespmem:s0+$0x1550] =	vst v2;
	(pc) =	sbr.rel .LBB2_4-.Ltmp3, $4  }
0x21: {  	[tilespmem:s0+$0x1560] =	vst v2;
	s13 =	simm.s32 $0x0  }
0x22: {  	[tilespmem:s13], [sflag:$0x1] =	stream.linear.gather [hbm4b:s3+s13], $0x500, $0x38;
	[tilespmem:$0x1F500] =	vst v63  }
0x23: {  	s31 =	simm.s32 $0xA80  }
0x24: {  	[tilespmem:s31], [sflag:$0x1] =	stream.linear.gather [hbm4b:s5+s13], $0x500, $0x38;
	[tilespmem:$0x1F500] =	vst v63  }
.LBB2_125:
0x25: {  	v6 =	vld [tilespmem:s14+$0xA80];
	_ =	sdelay $0x2  }
0x26: {  	v5 =	vsub.s32 v5, v0  }
0x27: {  	v5 =	vmul.u32 $0x180, v5  }
0x28: {  	v7 =	vshra.s32 v6, $0x5  }
0x29: {  	v5 =	vadd.s32 v5, v7;
	_ =	sdelay $0x4  }
0x2a: {  	v7 =	vld.idx.msk [tilespmem:v5+s9+$0x0], vm0;
	_ =	sdelay $0x2  }
0x2b: {  	v6 =	vand.u32 $0x1F, v6  }
0x2c: {  	v6 =	vshll.u32 v3, v6  }
0x2d: {  	v6 =	vor.u32 v7, v6  }
0x2e: {  	[tilespmem:v5+s9+$0x0] =	vst.idx.msk vm0, v6  }
.LBB2_132:
0x2f: {  	s13 =	sadd.s32 $0x1, s13  }
0x30: {  	p0 =	sne.s32 s13, $0x4E2  }
.Ltmp4:
0x31: {  	_ = 	snop;
	(pc) =	sbr.rel @!p0 .LBB2_133-.Ltmp4, $1  }
0x32: {  	_ =	sdelay $0x3  }
.LBB2_4:
0x33: {  	s0 =	smul.u32 $0xCCCD, s13;
	_ =	sdelay $0x1  }
0x34: {  	s1 =	sshrl.u32 s0, $0x13  }
0x35: {  	s1 =	smul.u32 $0xA, s1;
	_ =	sdelay $0x1  }
0x36: {  	s1 =	ssub.s32 s13, s1  }
0x37: {  	s14 =	sand.u32 $0xFFFF, s1  }
0x38: {  	p0 =	seq.s32 s14, $0x5  }
0x39: {  	s15 =	simm.s32 @p0 $0x2;
	p1 =	sgt.u32 @p0 s13, $0x4DC  }
0x3a: {  	s0 =	sshrl.u32 s0, $0x12;
	_ =	swait.ge @p0 [sflag:s15], $0x500;
	p1 =	por p1, !p0  }
0x3b: {  	[sflag:s15] =	ssyncset.done @p0 $0x0;
	s16 =	smul.u32 @!p1 $0x500, s0  }
0x3c: {  	[sflag:s15] =	ssyncadd.s32 @p0 $0xFFFFFB00  }
0x3d: {  	_ =	swait.ge @p0 [sflag:s15], $0x500;
	s16 =	sshrl.u32 @!p1 s16, $0x3  }
0x3e: {  	[sflag:s15] =	ssyncset.done @p0 $0x0;
	s16 =	sadd.s32 @!p1 $0xA0, s16  }
0x3f: {  	s17 =	simm.s32 @!p1 $0x0;
	[sflag:s15] =	ssyncadd.s32 @p0 $0xFFFFFB00;
	s15 =	sadd.s32 @!p1 s3, s16  }
0x40: {  	[tilespmem:s17], [sflag:$0x1] =	stream.linear.gather @!p1 [hbm4b:s15+s17], $0x500, $0x38;
	[tilespmem:$0x1F500] =	vst v63  }
0x41: {  	s15 =	sadd.s32 @!p1 s5, s16;
	s16 =	simm.s32 @!p1 $0xA80  }
0x42: {  	[tilespmem:s16], [sflag:$0x1] =	stream.linear.gather @!p1 [hbm4b:s15+s17], $0x500, $0x38;
	[tilespmem:$0x1F500] =	vst v63  }
0x43: {  	p1 =	sne.s32 @!p0 s14, $0x0  }
0x44: {  	p2 =	por p1, p0  }
0x45: {  	p3 =	sgt.u32 @!p2 s13, $0x4DC  }
0x46: {  	s14 =	simm.s32 @!p2 $0x1;
	p1 =	por @!p0 p3, p1  }
0x47: {  	_ =	swait.ge @!p2 [sflag:s14], $0x500;
	p0 =	por p1, p0  }
0x48: {  	[sflag:s14] =	ssyncset.done @!p2 $0x0;
	s0 =	smul.u32 @!p0 $0x500, s0  }
0x49: {  	[sflag:s14] =	ssyncadd.s32 @!p2 $0xFFFFFB00  }
0x4a: {  	_ =	swait.ge @!p2 [sflag:s14], $0x500;
	s0 =	sshrl.u32 @!p0 s0, $0x3  }
0x4b: {  	s15 =	simm.s32 @!p0 $0x0;
	[sflag:s14] =	ssyncset.done @!p2 $0x0;
	s0 =	sadd.s32 @!p0 $0xA0, s0  }
0x4c: {  	s16 =	simm.s32 @!p0 $0x500;
	[sflag:s14] =	ssyncadd.s32 @!p2 $0xFFFFFB00;
	s14 =	sadd.s32 @!p0 s3, s0  }
0x4d: {  	[tilespmem:s16], [sflag:$0x2] =	stream.linear.gather @!p0 [hbm4b:s14+s15], $0x500, $0x38;
	[tilespmem:$0x1F500] =	vst v63  }
0x4e: {  	s31 =	sshll.u32 s1, $0x8;
	s0 =	sadd.s32 @!p0 s5, s0;
	s14 =	simm.s32 @!p0 $0xF80  }
0x4f: {  	[tilespmem:s14], [sflag:$0x2] =	stream.linear.gather @!p0 [hbm4b:s0+s15], $0x500, $0x38;
	[tilespmem:$0x1F500] =	vst v63  }
0x50: {  	s14 =	sand.u32 $0xFF00, s31  }
0x51: {  	v20 =	vld [tilespmem:s14+$0x0]  }
0x52: {  	v18 =	vld [tilespmem:s14+$0x20]  }
0x53: {  	v19 =	vld [tilespmem:s14+$0x10]  }
0x54: {  	v16 =	vld [tilespmem:s14+$0x40]  }
0x55: {  	v17 =	vld [tilespmem:s14+$0x30]  }
0x56: {  	v14 =	vld [tilespmem:s14+$0x60];
	vm0 =	vge.s32 v20, v0;
	vm1 =	vlt.s32 v20, v1  }
0x57: {  	v15 =	vld [tilespmem:s14+$0x50];
	vm2 =	vge.s32 v18, v0;
	vm3 =	vlt.s32 v18, v1;
	vm15 =	vmand vm0, vm1  }
0x58: {  	v12 =	vld [tilespmem:s14+$0x80];
	vm0 =	vge.s32 v19, v0;
	vm1 =	vlt.s32 v19, v1;
	vm13 =	vmand vm2, vm3  }
0x59: {  	v13 =	vld [tilespmem:s14+$0x70];
	vm2 =	vge.s32 v16, v0;
	vm3 =	vlt.s32 v16, v1;
	vm14 =	vmand vm0, vm1  }
0x5a: {  	v10 =	vld [tilespmem:s14+$0xA0];
	vm0 =	vge.s32 v17, v0;
	vm1 =	vlt.s32 v17, v1;
	vm11 =	vmand vm2, vm3  }
0x5b: {  	vm2 =	vge.s32 v14, v0;
	vm3 =	vlt.s32 v14, v1;
	v5 =	vmpcnt.ones.xlane vm15  }
0x5c: {  	v11 =	vld [tilespmem:s14+$0x90];
	vm12 =	vmand vm0, vm1;
	vm0 =	vge.s32 v15, v0;
	vm1 =	vlt.s32 v15, v1  }
0x5d: {  	vm9 =	vmand vm2, vm3;
	vm2 =	vge.s32 v12, v0;
	vm3 =	vlt.s32 v12, v1  }
0x5e: {  	v9 =	vld [tilespmem:s14+$0xB0];
	v6 =	vmpcnt.ones.xlane vm14;
	vm10 =	vmand vm0, vm1;
	vm0 =	vge.s32 v13, v0  }
0x5f: {  	vm1 =	vlt.s32 v13, v1;
	vm7 =	vmand vm2, vm3;
	vm2 =	vge.s32 v10, v0  }
0x60: {  	vm3 =	vlt.s32 v10, v1;
	(v2sf) =	vpush v5, $0x0;
	v5 =	vmpcnt.ones.xlane vm13  }
0x61: {  	v8 =	vld [tilespmem:s14+$0xC0];
	vm8 =	vmand vm0, vm1;
	vm0 =	vge.s32 v11, v0;
	vm1 =	vlt.s32 v11, v1  }
0x62: {  	v21 =	vmpcnt.ones.xlane vm12;
	(v2sf) =	vpush v6, $0x0;
	vm6 =	vmand vm0, vm1  }
0x63: {  	vm0 =	vge.s32 v9, v0;
	(v2sf) =	vpush v5, $0x0;
	v5 =	vmpcnt.ones.xlane vm11  }
0x64: {  	v7 =	vld [tilespmem:s14+$0xD0];
	vm1 =	vlt.s32 v9, v1;
	(v2sf) =	vpush v21, $0x0;
	v21 =	vmpcnt.ones.xlane vm10  }
0x65: {  	v22 =	vmpcnt.ones.xlane vm9;
	vm5 =	vmand vm0, vm1;
	(v2sf) =	vpush v5, $0x0  }
0x66: {  	vm0 =	vge.s32 v8, v0;
	(v2sf) =	vpush v21, $0x0;
	v21 =	vmpcnt.ones.xlane vm8  }
0x67: {  	v6 =	vld [tilespmem:s14+$0xE0];
	vm1 =	vlt.s32 v8, v1;
	(v2sf) =	vpush v22, $0x0;
	v22 =	vmpcnt.ones.xlane vm7  }
0x68: {  	vm2 =	vmand vm2, vm3;
	vm4 =	vmand vm0, vm1;
	(v2sf) =	vpush v21, $0x0  }
0x69: {  	vm0 =	vge.s32 v7, v0;
	(v2sf) =	vpush v22, $0x0;
	v22 =	vimm.s32 $0x0  }
0x6a: {  	vm1 =	vlt.s32 v7, v1;
	v21 =	vmpcnt.ones.xlane vm6;
	v22 =	vsel vm2, $0xFFFFFFFF, v22  }
0x6b: {  	v5 =	vld [tilespmem:s14+$0xF0];
	vm3 =	vmand vm0, vm1;
	[tilespmem:$0x1FFB0] =	vst v22;
	v22 =	vmpcnt.ones.xlane vm2  }
0x6c: {  	vm0 =	vge.s32 v6, v0;
	(v2sf) =	vpush v21, $0x0;
	v21 =	vimm.s32 $0x0  }
0x6d: {  	v21 =	vsel vm5, $0xFFFFFFFF, v21;
	(v2sf) =	vpush v22, $0x0;
	v22 =	vimm.s32 $0x0  }
0x6e: {  	vm1 =	vlt.s32 v6, v1;
	[tilespmem:$0x1FFC0] =	vst v21;
	v21 =	vmpcnt.ones.xlane vm5;
	v22 =	vsel vm4, $0xFFFFFFFF, v22  }
0x6f: {  	vm2 =	vmand vm0, vm1;
	[tilespmem:$0x1FFD0] =	vst v22;
	v22 =	vmpcnt.ones.xlane vm4  }
0x70: {  	vm0 =	vge.s32 v5, v0;
	(v2sf) =	vpush v21, $0x0;
	v21 =	vimm.s32 $0x0  }
0x71: {  	v21 =	vsel vm3, $0xFFFFFFFF, v21;
	(v2sf) =	vpush v22, $0x0;
	v22 =	vimm.s32 $0x0  }
0x72: {  	vm1 =	vlt.s32 v5, v1;
	[tilespmem:$0x1FFE0] =	vst v21;
	v21 =	vmpcnt.ones.xlane vm3;
	v22 =	vsel vm2, $0xFFFFFFFF, v22  }
0x73: {  	vm0 =	vmand vm0, vm1;
	[tilespmem:$0x1FFF0] =	vst v22;
	v22 =	vmpcnt.ones.xlane vm2  }
0x74: {  	(v2sf) =	vpush v21, $0x0;
	v21 =	vmpcnt.ones.xlane vm0  }
0x75: {  	(v2sf) =	vpush v22, $0x0  }
0x76: {  	s0 =	spop (v2sf);
	(v2sf) =	vpush v21, $0x0  }
0x77: {  	s30 =	spop (v2sf)  }
0x78: {  	s29 =	spop (v2sf)  }
0x79: {  	s28 =	spop (v2sf)  }
0x7a: {  	s26 =	spop (v2sf)  }
0x7b: {  	s25 =	spop (v2sf)  }
0x7c: {  	s24 =	spop (v2sf)  }
0x7d: {  	s23 =	spop (v2sf)  }
0x7e: {  	s22 =	spop (v2sf)  }
0x7f: {  	s21 =	spop (v2sf)  }
0x80: {  	p0 =	sne.s32 s0, $0x1;
	s20 =	spop (v2sf)  }
.Ltmp5:
0x81: {  	s19 =	spop (v2sf);
	(pc) =	sbr.rel @p0 .LBB2_6-.Ltmp5, $4  }
0x82: {  	s18 =	spop (v2sf)  }
0x83: {  	s17 =	spop (v2sf)  }
0x84: {  	s16 =	spop (v2sf)  }
0x85: {  	s15 =	spop (v2sf)  }
0x86: {  	v21 =	vld [tilespmem:s14+$0xA80];
	_ =	sdelay $0x2  }
0x87: {  	v20 =	vsub.s32 v20, v0  }
0x88: {  	v20 =	vmul.u32 $0x180, v20  }
0x89: {  	v22 =	vshra.s32 v21, $0x5  }
0x8a: {  	v20 =	vadd.s32 v20, v22;
	_ =	sdelay $0x4  }
0x8b: {  	v22 =	vld.idx.msk [tilespmem:v20+s9+$0x0], vm15;
	_ =	sdelay $0x1  }
.Ltmp6:
0x8c: {  	_ = 	snop;
	(pc) =	sbr.rel .LBB2_12-.Ltmp6, $4  }
0x8d: {  	v21 =	vand.u32 $0x1F, v21  }
0x8e: {  	v21 =	vshll.u32 v3, v21  }
0x8f: {  	v21 =	vor.u32 v22, v21  }
0x90: {  	[tilespmem:v20+s9+$0x0] =	vst.idx.msk vm15, v21  }
.LBB2_6:
0x91: {  	p0 =	slt.s32 s0, $0x2  }
.Ltmp7:
0x92: {  	_ = 	snop;
	(pc) =	sbr.rel @p0 .LBB2_12-.Ltmp7, $1  }
0x93: {  	_ =	sdelay $0x3  }
0x94: {  	v20 =	vmctz.xlane vm15;
	_ =	sdelay $0x1  }
0x95: {  	(v2sf) =	vpush v20, $0x0;
	_ =	sdelay $0x9  }
0x96: {  	p1 =	sne.s32 s0, $0x1  }
.Ltmp8:
0x97: {  	_ = 	snop;
	(pc) =	sbr.rel @!p1 .LBB2_8-.Ltmp8, $3  }
0x98: {  	v20 =	vbroadcast v20, $0x0;
	_ =	sdelay $0x1  }
0x99: {  	vm1 =	vne.s32 v20, v4  }
0x9a: {  	s31 =	sadd.s32 $0xFFFFFFFF, s0;
	p0 =	por $0x0, $0x0;
	vm15 =	vmand vm15, vm1;
	s1 =	spop (v2sf)  }
0x9b: {  	s0 =	sadd.s32 s14, s1  }
0x9c: {  	v20 =	vld [tilespmem:s0+$0x0];
	_ =	sdelay $0x1  }
0x9d: {  	v21 =	vld [tilespmem:s0+$0xA80];
	_ =	sdelay $0x2  }
0x9e: {  	(v2sf) =	vpush v20, $0x0;
	_ =	sdelay $0x1  }
0x9f: {  	(v2sf) =	vpush v21, $0x0;
	_ =	sdelay $0x7  }
0xa0: {  	v20 =	vmctz.xlane vm15;
	_ =	sdelay $0x1  }
0xa1: {  	(v2sf) =	vpush v20, $0x0;
	_ =	sdelay $0x2  }
0xa2: {  	s2 =	spop (v2sf)  }
0xa3: {  	s0 =	ssub.s32 s2, s4  }
0xa4: {  	s1 =	spop (v2sf);
	s0 =	smul.u32 $0x180, s0  }
0xa5: {  	s8 =	sshra.s32 s1, $0x5  }
0xa6: {  	s0 =	sadd.s32 s0, s8  }
0xa7: {  	s2 =	sand.u32 $0x70, s8;
	s0 =	sand.u32 $0xFFFFFF80, s0  }
0xa8: {  	s0 =	sor.u32 s2, s0  }
0xa9: {  	p1 =	sne.s32 s31, $0x1;
	v21 =	vld [tilespmem:s0+$0x1500]  }
.Ltmp9:
0xaa: {  	s1 =	sand.u32 $0x1F, s1;
	s8 =	sand.u32 $0xF, s8;
	(pc) =	sbr.rel @!p1 .LBB2_11-.Ltmp9, $4  }
0xab: {  	v20 =	vbroadcast v20, $0x0;
	s1 =	sshll.u32 s11, s1;
	v22 =	vmov s8  }
0xac: {  	vm1 =	veq.s32 v22, v4;
	v22 =	vmov s1  }
0xad: {  	v22 =	vnsel vm1, $0x0, v22;
	vm1 =	vne.s32 v20, v4  }
0xae: {  	s31 =	sadd.s32 $0xFFFFFFFF, s31;
	p0 =	por $0x1, $0x1;
	s1 =	spop (v2sf);
	vm15 =	vmand vm15, vm1;
	v20 =	vor.u32 v21, v22  }
.LBB2_10:
0xaf: {  	p1 =	sne.s32 s31, $0x1;
	s31 =	sadd.s32 $0xFFFFFFFF, s31;
	s1 =	sadd.s32 s14, s1;
	[tilespmem:s0+$0x1500] =	vst v20  }
0xb0: {  	v20 =	vld [tilespmem:s1+$0x0];
	_ =	sdelay $0x1  }
0xb1: {  	v21 =	vld [tilespmem:s1+$0xA80];
	_ =	sdelay $0x2  }
0xb2: {  	(v2sf) =	vpush v20, $0x0;
	_ =	sdelay $0x1  }
0xb3: {  	(v2sf) =	vpush v21, $0x0;
	_ =	sdelay $0x7  }
0xb4: {  	v20 =	vmctz.xlane vm15;
	_ =	sdelay $0x1  }
0xb5: {  	v21 =	vbroadcast v20, $0x0;
	(v2sf) =	vpush v20, $0x0;
	_ =	sdelay $0x1  }
0xb6: {  	vm1 =	vne.s32 v21, v4  }
0xb7: {  	vm15 =	vmand vm15, vm1;
	s0 =	spop (v2sf)  }
0xb8: {  	s0 =	ssub.s32 s0, s4  }
0xb9: {  	s0 =	smul.u32 $0x180, s0;
	s1 =	spop (v2sf)  }
0xba: {  	s2 =	sshra.s32 s1, $0x5;
	s1 =	sand.u32 $0x1F, s1  }
0xbb: {  	s8 =	sand.u32 $0xF, s2;
	s0 =	sadd.s32 s0, s2;
	s1 =	sshll.u32 s11, s1  }
0xbc: {  	s2 =	sand.u32 $0x70, s2;
	s0 =	sand.u32 $0xFFFFFF80, s0;
	v20 =	vmov s8  }
0xbd: {  	s0 =	sor.u32 s2, s0;
	vm1 =	veq.s32 v20, v4  }
0xbe: {  	v20 =	vld [tilespmem:s0+$0x1500]  }
.Ltmp10:
0xbf: {  	(pc) =	sbr.rel @p1 .LBB2_10-.Ltmp10, $4  }
0xc0: {  	_ = 	snop  }
0xc1: {  	v21 =	vmov s1  }
0xc2: {  	v21 =	vnsel vm1, $0x0, v21  }
0xc3: {  	s1 =	spop (v2sf);
	v20 =	vor.u32 v20, v21  }
.LBB2_11:
0xc4: {  	s1 =	sadd.s32 s14, s1;
	[tilespmem:s0+$0x1500] =	vst @p0 v20  }
0xc5: {  	v20 =	vld [tilespmem:s1+$0x0];
	_ =	sdelay $0x1  }
0xc6: {  	v21 =	vld [tilespmem:s1+$0xA80];
	_ =	sdelay $0x2  }
0xc7: {  	(v2sf) =	vpush v20, $0x0;
	_ =	sdelay $0x1  }
0xc8: {  	(v2sf) =	vpush v21, $0x0;
	_ =	sdelay $0xc  }
0xc9: {  	s8 =	spop (v2sf)  }
0xca: {  	s0 =	ssub.s32 s8, s4  }
0xcb: {  	s31 =	spop (v2sf);
	s0 =	smul.u32 $0x180, s0  }
0xcc: {  	s2 =	sshra.s32 s31, $0x5  }
0xcd: {  	s0 =	sadd.s32 s0, s2  }
0xce: {  	s8 =	sand.u32 $0x70, s2;
	s0 =	sand.u32 $0xFFFFFF80, s0  }
0xcf: {  	s0 =	sor.u32 s8, s0  }
0xd0: {  	v20 =	vld [tilespmem:s0+$0x1500]  }
0xd1: {  	s1 =	sand.u32 $0x1F, s31;
	s2 =	sand.u32 $0xF, s2  }
0xd2: {  	s1 =	sshll.u32 s11, s1;
	v62 =	vmov s2  }
0xd3: {  	v63 =	vmov s1;
	vm1 =	veq.s32 v62, v4  }
0xd4: {  	v21 =	vnsel vm1, $0x0, v63  }
0xd5: {  	v20 =	vor.u32 v20, v21  }
0xd6: {  	[tilespmem:s0+$0x1500] =	vst v20  }
.LBB2_12:
0xd7: {  	p0 =	sne.s32 s30, $0x1  }
.Ltmp11:
0xd8: {  	_ = 	snop;
	(pc) =	sbr.rel @p0 .LBB2_14-.Ltmp11, $2  }
0xd9: {  	_ =	sdelay $0x2  }
0xda: {  	s31 =	sor.u32 $0x10, s14  }
0xdb: {  	v20 =	vld [tilespmem:s31+$0xA80];
	_ =	sdelay $0x2  }
0xdc: {  	v19 =	vsub.s32 v19, v0  }
0xdd: {  	v19 =	vmul.u32 $0x180, v19  }
0xde: {  	v21 =	vshra.s32 v20, $0x5  }
0xdf: {  	v19 =	vadd.s32 v19, v21;
	_ =	sdelay $0x4  }
0xe0: {  	v21 =	vld.idx.msk [tilespmem:v19+s9+$0x0], vm14;
	_ =	sdelay $0x1  }
.Ltmp12:
0xe1: {  	_ = 	snop;
	(pc) =	sbr.rel .LBB2_20-.Ltmp12, $4  }
0xe2: {  	v20 =	vand.u32 $0x1F, v20  }
0xe3: {  	v20 =	vshll.u32 v3, v20  }
0xe4: {  	v20 =	vor.u32 v21, v20  }
0xe5: {  	[tilespmem:v19+s9+$0x0] =	vst.idx.msk vm14, v20  }
.LBB2_14:
0xe6: {  	p0 =	slt.s32 s30, $0x2  }
.Ltmp13:
0xe7: {  	_ = 	snop;
	(pc) =	sbr.rel @p0 .LBB2_20-.Ltmp13, $1  }
0xe8: {  	_ =	sdelay $0x3  }
0xe9: {  	v19 =	vmctz.xlane vm14;
	_ =	sdelay $0x1  }
0xea: {  	(v2sf) =	vpush v19, $0x0;
	_ =	sdelay $0x9  }
0xeb: {  	p1 =	sne.s32 s30, $0x1  }
.Ltmp14:
0xec: {  	_ = 	snop;
	(pc) =	sbr.rel @!p1 .LBB2_16-.Ltmp14, $3  }
0xed: {  	v19 =	vbroadcast v19, $0x0;
	_ =	sdelay $0x1  }
0xee: {  	vm1 =	vne.s32 v19, v4  }
0xef: {  	s30 =	sadd.s32 $0xFFFFFFFF, s30;
	p0 =	por $0x0, $0x0;
	vm14 =	vmand vm14, vm1;
	s1 =	spop (v2sf)  }
0xf0: {  	s0 =	sadd.s32 s31, s1  }
0xf1: {  	v19 =	vld [tilespmem:s0+$0x0];
	_ =	sdelay $0x1  }
0xf2: {  	v20 =	vld [tilespmem:s0+$0xA80];
	_ =	sdelay $0x2  }
0xf3: {  	(v2sf) =	vpush v19, $0x0;
	_ =	sdelay $0x1  }
0xf4: {  	(v2sf) =	vpush v20, $0x0;
	_ =	sdelay $0x7  }
0xf5: {  	v19 =	vmctz.xlane vm14;
	_ =	sdelay $0x1  }
0xf6: {  	(v2sf) =	vpush v19, $0x0;
	_ =	sdelay $0x2  }
0xf7: {  	s8 =	spop (v2sf)  }
0xf8: {  	s0 =	ssub.s32 s8, s4  }
0xf9: {  	s1 =	spop (v2sf);
	s0 =	smul.u32 $0x180, s0  }
0xfa: {  	s2 =	sshra.s32 s1, $0x5  }
0xfb: {  	s0 =	sadd.s32 s0, s2  }
0xfc: {  	s8 =	sand.u32 $0x70, s2;
	s0 =	sand.u32 $0xFFFFFF80, s0  }
0xfd: {  	s0 =	sor.u32 s8, s0  }
0xfe: {  	p1 =	sne.s32 s30, $0x1;
	v20 =	vld [tilespmem:s0+$0x1500]  }
.Ltmp15:
0xff: {  	s1 =	sand.u32 $0x1F, s1;
	s2 =	sand.u32 $0xF, s2;
	(pc) =	sbr.rel @!p1 .LBB2_19-.Ltmp15, $4  }
0x100: {  	v19 =	vbroadcast v19, $0x0;
	s1 =	sshll.u32 s11, s1;
	v21 =	vmov s2  }
0x101: {  	v63 =	vmov s1;
	vm1 =	veq.s32 v21, v4  }
0x102: {  	v21 =	vnsel vm1, $0x0, v63;
	vm1 =	vne.s32 v19, v4  }
0x103: {  	s30 =	sadd.s32 $0xFFFFFFFF, s30;
	p0 =	por $0x1, $0x1;
	s1 =	spop (v2sf);
	vm14 =	vmand vm14, vm1;
	v19 =	vor.u32 v20, v21  }
.LBB2_18:
0x104: {  	p1 =	sne.s32 s30, $0x1;
	s30 =	sadd.s32 $0xFFFFFFFF, s30;
	s1 =	sadd.s32 s31, s1;
	[tilespmem:s0+$0x1500] =	vst v19  }
0x105: {  	v19 =	vld [tilespmem:s1+$0x0];
	_ =	sdelay $0x1  }
0x106: {  	v20 =	vld [tilespmem:s1+$0xA80];
	_ =	sdelay $0x2  }
0x107: {  	(v2sf) =	vpush v19, $0x0;
	_ =	sdelay $0x1  }
0x108: {  	(v2sf) =	vpush v20, $0x0;
	_ =	sdelay $0x7  }
0x109: {  	v19 =	vmctz.xlane vm14;
	_ =	sdelay $0x1  }
0x10a: {  	v20 =	vbroadcast v19, $0x0;
	(v2sf) =	vpush v19, $0x0;
	_ =	sdelay $0x1  }
0x10b: {  	vm1 =	vne.s32 v20, v4  }
0x10c: {  	vm14 =	vmand vm14, vm1;
	s0 =	spop (v2sf)  }
0x10d: {  	s0 =	ssub.s32 s0, s4  }
0x10e: {  	s0 =	smul.u32 $0x180, s0;
	s1 =	spop (v2sf)  }
0x10f: {  	s2 =	sshra.s32 s1, $0x5;
	s1 =	sand.u32 $0x1F, s1  }
0x110: {  	s8 =	sand.u32 $0xF, s2;
	s0 =	sadd.s32 s0, s2;
	s1 =	sshll.u32 s11, s1  }
0x111: {  	s2 =	sand.u32 $0x70, s2;
	s0 =	sand.u32 $0xFFFFFF80, s0;
	v19 =	vmov s8  }
0x112: {  	s0 =	sor.u32 s2, s0;
	vm1 =	veq.s32 v19, v4  }
0x113: {  	v19 =	vld [tilespmem:s0+$0x1500]  }
.Ltmp16:
0x114: {  	(pc) =	sbr.rel @p1 .LBB2_18-.Ltmp16, $4  }
0x115: {  	_ = 	snop  }
0x116: {  	v20 =	vmov s1  }
0x117: {  	v20 =	vnsel vm1, $0x0, v20  }
0x118: {  	s1 =	spop (v2sf);
	v19 =	vor.u32 v19, v20  }
.LBB2_19:
0x119: {  	s1 =	sadd.s32 s31, s1;
	[tilespmem:s0+$0x1500] =	vst @p0 v19  }
0x11a: {  	v19 =	vld [tilespmem:s1+$0x0];
	_ =	sdelay $0x1  }
0x11b: {  	v20 =	vld [tilespmem:s1+$0xA80];
	_ =	sdelay $0x2  }
0x11c: {  	(v2sf) =	vpush v19, $0x0;
	_ =	sdelay $0x1  }
0x11d: {  	(v2sf) =	vpush v20, $0x0;
	_ =	sdelay $0xc  }
0x11e: {  	s30 =	spop (v2sf)  }
0x11f: {  	s0 =	ssub.s32 s30, s4  }
0x120: {  	s31 =	spop (v2sf);
	s0 =	smul.u32 $0x180, s0  }
0x121: {  	s2 =	sshra.s32 s31, $0x5  }
0x122: {  	s0 =	sadd.s32 s0, s2  }
0x123: {  	s8 =	sand.u32 $0x70, s2;
	s0 =	sand.u32 $0xFFFFFF80, s0  }
0x124: {  	s0 =	sor.u32 s8, s0  }
0x125: {  	v19 =	vld [tilespmem:s0+$0x1500]  }
0x126: {  	s1 =	sand.u32 $0x1F, s31;
	s2 =	sand.u32 $0xF, s2  }
0x127: {  	s1 =	sshll.u32 s11, s1;
	v20 =	vmov s2  }
0x128: {  	vm1 =	veq.s32 v20, v4;
	v20 =	vmov s1  }
0x129: {  	v20 =	vnsel vm1, $0x0, v20  }
0x12a: {  	v19 =	vor.u32 v19, v20  }
0x12b: {  	[tilespmem:s0+$0x1500] =	vst v19  }
.LBB2_20:
0x12c: {  	p0 =	sne.s32 s29, $0x1  }
.Ltmp17:
0x12d: {  	_ = 	snop;
	(pc) =	sbr.rel @p0 .LBB2_22-.Ltmp17, $2  }
0x12e: {  	_ =	sdelay $0x2  }
0x12f: {  	s30 =	sor.u32 $0x20, s14  }
0x130: {  	v19 =	vld [tilespmem:s30+$0xA80];
	_ =	sdelay $0x2  }
0x131: {  	v18 =	vsub.s32 v18, v0  }
0x132: {  	v18 =	vmul.u32 $0x180, v18  }
0x133: {  	v20 =	vshra.s32 v19, $0x5  }
0x134: {  	v18 =	vadd.s32 v18, v20;
	_ =	sdelay $0x4  }
0x135: {  	v20 =	vld.idx.msk [tilespmem:v18+s9+$0x0], vm13;
	_ =	sdelay $0x1  }
.Ltmp18:
0x136: {  	_ = 	snop;
	(pc) =	sbr.rel .LBB2_28-.Ltmp18, $4  }
0x137: {  	v19 =	vand.u32 $0x1F, v19  }
0x138: {  	v19 =	vshll.u32 v3, v19  }
0x139: {  	v19 =	vor.u32 v20, v19  }
0x13a: {  	[tilespmem:v18+s9+$0x0] =	vst.idx.msk vm13, v19  }
.LBB2_22:
0x13b: {  	p0 =	slt.s32 s29, $0x2  }
.Ltmp19:
0x13c: {  	_ = 	snop;
	(pc) =	sbr.rel @p0 .LBB2_28-.Ltmp19, $1  }
0x13d: {  	_ =	sdelay $0x3  }
0x13e: {  	v18 =	vmctz.xlane vm13;
	_ =	sdelay $0x1  }
0x13f: {  	(v2sf) =	vpush v18, $0x0;
	_ =	sdelay $0x9  }
0x140: {  	p1 =	sne.s32 s29, $0x1  }
.Ltmp20:
0x141: {  	_ = 	snop;
	(pc) =	sbr.rel @!p1 .LBB2_24-.Ltmp20, $3  }
0x142: {  	v18 =	vbroadcast v18, $0x0;
	_ =	sdelay $0x1  }
0x143: {  	vm1 =	vne.s32 v18, v4  }
0x144: {  	s29 =	sadd.s32 $0xFFFFFFFF, s29;
	p0 =	por $0x0, $0x0;
	vm13 =	vmand vm13, vm1;
	s1 =	spop (v2sf)  }
0x145: {  	s0 =	sadd.s32 s30, s1  }
0x146: {  	v18 =	vld [tilespmem:s0+$0x0];
	_ =	sdelay $0x1  }
0x147: {  	v19 =	vld [tilespmem:s0+$0xA80];
	_ =	sdelay $0x2  }
0x148: {  	(v2sf) =	vpush v18, $0x0;
	_ =	sdelay $0x1  }
0x149: {  	(v2sf) =	vpush v19, $0x0;
	_ =	sdelay $0x7  }
0x14a: {  	v18 =	vmctz.xlane vm13;
	_ =	sdelay $0x1  }
0x14b: {  	(v2sf) =	vpush v18, $0x0;
	_ =	sdelay $0x2  }
0x14c: {  	s8 =	spop (v2sf)  }
0x14d: {  	s0 =	ssub.s32 s8, s4  }
0x14e: {  	s31 =	spop (v2sf);
	s0 =	smul.u32 $0x180, s0  }
0x14f: {  	s2 =	sshra.s32 s31, $0x5  }
0x150: {  	s0 =	sadd.s32 s0, s2  }
0x151: {  	s8 =	sand.u32 $0x70, s2;
	s0 =	sand.u32 $0xFFFFFF80, s0  }
0x152: {  	s0 =	sor.u32 s8, s0  }
0x153: {  	p1 =	sne.s32 s29, $0x1;
	v19 =	vld [tilespmem:s0+$0x1500]  }
.Ltmp21:
0x154: {  	s1 =	sand.u32 $0x1F, s31;
	s2 =	sand.u32 $0xF, s2;
	(pc) =	sbr.rel @!p1 .LBB2_27-.Ltmp21, $4  }
0x155: {  	v18 =	vbroadcast v18, $0x0;
	s1 =	sshll.u32 s11, s1;
	v20 =	vmov s2  }
0x156: {  	vm1 =	veq.s32 v20, v4;
	v20 =	vmov s1  }
0x157: {  	v20 =	vnsel vm1, $0x0, v20;
	vm1 =	vne.s32 v18, v4  }
0x158: {  	s29 =	sadd.s32 $0xFFFFFFFF, s29;
	p0 =	por $0x1, $0x1;
	s1 =	spop (v2sf);
	vm13 =	vmand vm13, vm1;
	v18 =	vor.u32 v19, v20  }
.LBB2_26:
0x159: {  	p1 =	sne.s32 s29, $0x1;
	s29 =	sadd.s32 $0xFFFFFFFF, s29;
	s1 =	sadd.s32 s30, s1;
	[tilespmem:s0+$0x1500] =	vst v18  }
0x15a: {  	v18 =	vld [tilespmem:s1+$0x0];
	_ =	sdelay $0x1  }
0x15b: {  	v19 =	vld [tilespmem:s1+$0xA80];
	_ =	sdelay $0x2  }
0x15c: {  	(v2sf) =	vpush v18, $0x0;
	_ =	sdelay $0x1  }
0x15d: {  	(v2sf) =	vpush v19, $0x0;
	_ =	sdelay $0x7  }
0x15e: {  	v18 =	vmctz.xlane vm13;
	_ =	sdelay $0x1  }
0x15f: {  	v19 =	vbroadcast v18, $0x0;
	(v2sf) =	vpush v18, $0x0;
	_ =	sdelay $0x1  }
0x160: {  	vm1 =	vne.s32 v19, v4  }
0x161: {  	vm13 =	vmand vm13, vm1;
	s0 =	spop (v2sf)  }
0x162: {  	s0 =	ssub.s32 s0, s4  }
0x163: {  	s0 =	smul.u32 $0x180, s0;
	s1 =	spop (v2sf)  }
0x164: {  	s2 =	sshra.s32 s1, $0x5;
	s1 =	sand.u32 $0x1F, s1  }
0x165: {  	s8 =	sand.u32 $0xF, s2;
	s0 =	sadd.s32 s0, s2;
	s1 =	sshll.u32 s11, s1  }
0x166: {  	s2 =	sand.u32 $0x70, s2;
	s0 =	sand.u32 $0xFFFFFF80, s0;
	v18 =	vmov s8  }
0x167: {  	s0 =	sor.u32 s2, s0;
	vm1 =	veq.s32 v18, v4  }
0x168: {  	v18 =	vld [tilespmem:s0+$0x1500]  }
.Ltmp22:
0x169: {  	(pc) =	sbr.rel @p1 .LBB2_26-.Ltmp22, $4  }
0x16a: {  	_ = 	snop  }
0x16b: {  	v19 =	vmov s1  }
0x16c: {  	v19 =	vnsel vm1, $0x0, v19  }
0x16d: {  	s1 =	spop (v2sf);
	v18 =	vor.u32 v18, v19  }
.LBB2_27:
0x16e: {  	s1 =	sadd.s32 s30, s1;
	[tilespmem:s0+$0x1500] =	vst @p0 v18  }
0x16f: {  	v18 =	vld [tilespmem:s1+$0x0];
	_ =	sdelay $0x1  }
0x170: {  	v19 =	vld [tilespmem:s1+$0xA80];
	_ =	sdelay $0x2  }
0x171: {  	(v2sf) =	vpush v18, $0x0;
	_ =	sdelay $0x1  }
0x172: {  	(v2sf) =	vpush v19, $0x0;
	_ =	sdelay $0xc  }
0x173: {  	s30 =	spop (v2sf)  }
0x174: {  	s0 =	ssub.s32 s30, s4  }
0x175: {  	s31 =	spop (v2sf);
	s0 =	smul.u32 $0x180, s0  }
0x176: {  	s2 =	sshra.s32 s31, $0x5  }
0x177: {  	s0 =	sadd.s32 s0, s2  }
0x178: {  	s8 =	sand.u32 $0x70, s2;
	s0 =	sand.u32 $0xFFFFFF80, s0  }
0x179: {  	s0 =	sor.u32 s8, s0  }
0x17a: {  	v18 =	vld [tilespmem:s0+$0x1500]  }
0x17b: {  	s1 =	sand.u32 $0x1F, s31;
	s2 =	sand.u32 $0xF, s2  }
0x17c: {  	s1 =	sshll.u32 s11, s1;
	v19 =	vmov s2  }
0x17d: {  	vm1 =	veq.s32 v19, v4;
	v19 =	vmov s1  }
0x17e: {  	v19 =	vnsel vm1, $0x0, v19  }
0x17f: {  	v18 =	vor.u32 v18, v19  }
0x180: {  	[tilespmem:s0+$0x1500] =	vst v18  }
.LBB2_28:
0x181: {  	p0 =	sne.s32 s28, $0x1  }
.Ltmp23:
0x182: {  	_ = 	snop;
	(pc) =	sbr.rel @p0 .LBB2_30-.Ltmp23, $2  }
0x183: {  	_ =	sdelay $0x2  }
0x184: {  	s29 =	sor.u32 $0x30, s14  }
0x185: {  	v18 =	vld [tilespmem:s29+$0xA80];
	_ =	sdelay $0x2  }
0x186: {  	v17 =	vsub.s32 v17, v0  }
0x187: {  	v17 =	vmul.u32 $0x180, v17  }
0x188: {  	v19 =	vshra.s32 v18, $0x5  }
0x189: {  	v17 =	vadd.s32 v17, v19;
	_ =	sdelay $0x4  }
0x18a: {  	v19 =	vld.idx.msk [tilespmem:v17+s9+$0x0], vm12;
	_ =	sdelay $0x1  }
.Ltmp24:
0x18b: {  	_ = 	snop;
	(pc) =	sbr.rel .LBB2_36-.Ltmp24, $4  }
0x18c: {  	v18 =	vand.u32 $0x1F, v18  }
0x18d: {  	v18 =	vshll.u32 v3, v18  }
0x18e: {  	v18 =	vor.u32 v19, v18  }
0x18f: {  	[tilespmem:v17+s9+$0x0] =	vst.idx.msk vm12, v18  }
.LBB2_30:
0x190: {  	p0 =	slt.s32 s28, $0x2  }
.Ltmp25:
0x191: {  	_ = 	snop;
	(pc) =	sbr.rel @p0 .LBB2_36-.Ltmp25, $1  }
0x192: {  	_ =	sdelay $0x3  }
0x193: {  	v17 =	vmctz.xlane vm12;
	_ =	sdelay $0x1  }
0x194: {  	(v2sf) =	vpush v17, $0x0;
	_ =	sdelay $0x9  }
0x195: {  	p1 =	sne.s32 s28, $0x1  }
.Ltmp26:
0x196: {  	_ = 	snop;
	(pc) =	sbr.rel @!p1 .LBB2_32-.Ltmp26, $3  }
0x197: {  	v17 =	vbroadcast v17, $0x0;
	_ =	sdelay $0x1  }
0x198: {  	vm1 =	vne.s32 v17, v4  }
0x199: {  	s28 =	sadd.s32 $0xFFFFFFFF, s28;
	p0 =	por $0x0, $0x0;
	vm12 =	vmand vm12, vm1;
	s1 =	spop (v2sf)  }
0x19a: {  	s0 =	sadd.s32 s29, s1  }
0x19b: {  	v17 =	vld [tilespmem:s0+$0x0];
	_ =	sdelay $0x1  }
0x19c: {  	v18 =	vld [tilespmem:s0+$0xA80];
	_ =	sdelay $0x2  }
0x19d: {  	(v2sf) =	vpush v17, $0x0;
	_ =	sdelay $0x1  }
0x19e: {  	(v2sf) =	vpush v18, $0x0;
	_ =	sdelay $0x7  }
0x19f: {  	v17 =	vmctz.xlane vm12;
	_ =	sdelay $0x1  }
0x1a0: {  	(v2sf) =	vpush v17, $0x0;
	_ =	sdelay $0x2  }
0x1a1: {  	s30 =	spop (v2sf)  }
0x1a2: {  	s0 =	ssub.s32 s30, s4  }
0x1a3: {  	s31 =	spop (v2sf);
	s0 =	smul.u32 $0x180, s0  }
0x1a4: {  	s2 =	sshra.s32 s31, $0x5  }
0x1a5: {  	s0 =	sadd.s32 s0, s2  }
0x1a6: {  	s8 =	sand.u32 $0x70, s2;
	s0 =	sand.u32 $0xFFFFFF80, s0  }
0x1a7: {  	s0 =	sor.u32 s8, s0  }
0x1a8: {  	p1 =	sne.s32 s28, $0x1;
	v18 =	vld [tilespmem:s0+$0x1500]  }
.Ltmp27:
0x1a9: {  	s1 =	sand.u32 $0x1F, s31;
	s2 =	sand.u32 $0xF, s2;
	(pc) =	sbr.rel @!p1 .LBB2_35-.Ltmp27, $4  }
0x1aa: {  	v17 =	vbroadcast v17, $0x0;
	s1 =	sshll.u32 s11, s1;
	v19 =	vmov s2  }
0x1ab: {  	vm1 =	veq.s32 v19, v4;
	v19 =	vmov s1  }
0x1ac: {  	v19 =	vnsel vm1, $0x0, v19;
	vm1 =	vne.s32 v17, v4  }
0x1ad: {  	s28 =	sadd.s32 $0xFFFFFFFF, s28;
	p0 =	por $0x1, $0x1;
	s1 =	spop (v2sf);
	vm12 =	vmand vm12, vm1;
	v17 =	vor.u32 v18, v19  }
.LBB2_34:
0x1ae: {  	p1 =	sne.s32 s28, $0x1;
	s28 =	sadd.s32 $0xFFFFFFFF, s28;
	s1 =	sadd.s32 s29, s1;
	[tilespmem:s0+$0x1500] =	vst v17  }
0x1af: {  	v17 =	vld [tilespmem:s1+$0x0];
	_ =	sdelay $0x1  }
0x1b0: {  	v18 =	vld [tilespmem:s1+$0xA80];
	_ =	sdelay $0x2  }
0x1b1: {  	(v2sf) =	vpush v17, $0x0;
	_ =	sdelay $0x1  }
0x1b2: {  	(v2sf) =	vpush v18, $0x0;
	_ =	sdelay $0x7  }
0x1b3: {  	v17 =	vmctz.xlane vm12;
	_ =	sdelay $0x1  }
0x1b4: {  	v18 =	vbroadcast v17, $0x0;
	(v2sf) =	vpush v17, $0x0;
	_ =	sdelay $0x1  }
0x1b5: {  	vm1 =	vne.s32 v18, v4  }
0x1b6: {  	vm12 =	vmand vm12, vm1;
	s0 =	spop (v2sf)  }
0x1b7: {  	s0 =	ssub.s32 s0, s4  }
0x1b8: {  	s0 =	smul.u32 $0x180, s0;
	s1 =	spop (v2sf)  }
0x1b9: {  	s2 =	sshra.s32 s1, $0x5;
	s1 =	sand.u32 $0x1F, s1  }
0x1ba: {  	s8 =	sand.u32 $0xF, s2;
	s0 =	sadd.s32 s0, s2;
	s1 =	sshll.u32 s11, s1  }
0x1bb: {  	s2 =	sand.u32 $0x70, s2;
	s0 =	sand.u32 $0xFFFFFF80, s0;
	v17 =	vmov s8  }
0x1bc: {  	s0 =	sor.u32 s2, s0;
	vm1 =	veq.s32 v17, v4  }
0x1bd: {  	v17 =	vld [tilespmem:s0+$0x1500]  }
.Ltmp28:
0x1be: {  	(pc) =	sbr.rel @p1 .LBB2_34-.Ltmp28, $4  }
0x1bf: {  	_ = 	snop  }
0x1c0: {  	v18 =	vmov s1  }
0x1c1: {  	v18 =	vnsel vm1, $0x0, v18  }
0x1c2: {  	s1 =	spop (v2sf);
	v17 =	vor.u32 v17, v18  }
.LBB2_35:
0x1c3: {  	s1 =	sadd.s32 s29, s1;
	[tilespmem:s0+$0x1500] =	vst @p0 v17  }
0x1c4: {  	v17 =	vld [tilespmem:s1+$0x0];
	_ =	sdelay $0x1  }
0x1c5: {  	v18 =	vld [tilespmem:s1+$0xA80];
	_ =	sdelay $0x2  }
0x1c6: {  	(v2sf) =	vpush v17, $0x0;
	_ =	sdelay $0x1  }
0x1c7: {  	(v2sf) =	vpush v18, $0x0;
	_ =	sdelay $0xc  }
0x1c8: {  	s30 =	spop (v2sf)  }
0x1c9: {  	s0 =	ssub.s32 s30, s4  }
0x1ca: {  	s31 =	spop (v2sf);
	s0 =	smul.u32 $0x180, s0  }
0x1cb: {  	s2 =	sshra.s32 s31, $0x5  }
0x1cc: {  	s0 =	sadd.s32 s0, s2  }
0x1cd: {  	s8 =	sand.u32 $0x70, s2;
	s0 =	sand.u32 $0xFFFFFF80, s0  }
0x1ce: {  	s0 =	sor.u32 s8, s0  }
0x1cf: {  	v17 =	vld [tilespmem:s0+$0x1500]  }
0x1d0: {  	s1 =	sand.u32 $0x1F, s31;
	s2 =	sand.u32 $0xF, s2  }
0x1d1: {  	s1 =	sshll.u32 s11, s1;
	v18 =	vmov s2  }
0x1d2: {  	vm1 =	veq.s32 v18, v4;
	v18 =	vmov s1  }
0x1d3: {  	v18 =	vnsel vm1, $0x0, v18  }
0x1d4: {  	v17 =	vor.u32 v17, v18  }
0x1d5: {  	[tilespmem:s0+$0x1500] =	vst v17  }
.LBB2_36:
0x1d6: {  	p0 =	sne.s32 s26, $0x1  }
.Ltmp29:
0x1d7: {  	_ = 	snop;
	(pc) =	sbr.rel @p0 .LBB2_38-.Ltmp29, $2  }
0x1d8: {  	_ =	sdelay $0x2  }
0x1d9: {  	s28 =	sor.u32 $0x40, s14  }
0x1da: {  	v17 =	vld [tilespmem:s28+$0xA80];
	_ =	sdelay $0x2  }
0x1db: {  	v16 =	vsub.s32 v16, v0  }
0x1dc: {  	v16 =	vmul.u32 $0x180, v16  }
0x1dd: {  	v18 =	vshra.s32 v17, $0x5  }
0x1de: {  	v16 =	vadd.s32 v16, v18;
	_ =	sdelay $0x4  }
0x1df: {  	v18 =	vld.idx.msk [tilespmem:v16+s9+$0x0], vm11;
	_ =	sdelay $0x1  }
.Ltmp30:
0x1e0: {  	_ = 	snop;
	(pc) =	sbr.rel .LBB2_44-.Ltmp30, $4  }
0x1e1: {  	v17 =	vand.u32 $0x1F, v17  }
0x1e2: {  	v17 =	vshll.u32 v3, v17  }
0x1e3: {  	v17 =	vor.u32 v18, v17  }
0x1e4: {  	[tilespmem:v16+s9+$0x0] =	vst.idx.msk vm11, v17  }
.LBB2_38:
0x1e5: {  	p0 =	slt.s32 s26, $0x2  }
.Ltmp31:
0x1e6: {  	_ = 	snop;
	(pc) =	sbr.rel @p0 .LBB2_44-.Ltmp31, $1  }
0x1e7: {  	_ =	sdelay $0x3  }
0x1e8: {  	v16 =	vmctz.xlane vm11;
	_ =	sdelay $0x1  }
0x1e9: {  	(v2sf) =	vpush v16, $0x0;
	_ =	sdelay $0x9  }
0x1ea: {  	p1 =	sne.s32 s26, $0x1  }
.Ltmp32:
0x1eb: {  	_ = 	snop;
	(pc) =	sbr.rel @!p1 .LBB2_40-.Ltmp32, $3  }
0x1ec: {  	v16 =	vbroadcast v16, $0x0;
	_ =	sdelay $0x1  }
0x1ed: {  	vm1 =	vne.s32 v16, v4  }
0x1ee: {  	s26 =	sadd.s32 $0xFFFFFFFF, s26;
	p0 =	por $0x0, $0x0;
	vm11 =	vmand vm11, vm1;
	s1 =	spop (v2sf)  }
0x1ef: {  	s0 =	sadd.s32 s28, s1  }
0x1f0: {  	v16 =	vld [tilespmem:s0+$0x0];
	_ =	sdelay $0x1  }
0x1f1: {  	v17 =	vld [tilespmem:s0+$0xA80];
	_ =	sdelay $0x2  }
0x1f2: {  	(v2sf) =	vpush v16, $0x0;
	_ =	sdelay $0x1  }
0x1f3: {  	(v2sf) =	vpush v17, $0x0;
	_ =	sdelay $0x7  }
0x1f4: {  	v16 =	vmctz.xlane vm11;
	_ =	sdelay $0x1  }
0x1f5: {  	(v2sf) =	vpush v16, $0x0;
	_ =	sdelay $0x2  }
0x1f6: {  	s30 =	spop (v2sf)  }
0x1f7: {  	s0 =	ssub.s32 s30, s4  }
0x1f8: {  	s31 =	spop (v2sf);
	s0 =	smul.u32 $0x180, s0  }
0x1f9: {  	s2 =	sshra.s32 s31, $0x5  }
0x1fa: {  	s0 =	sadd.s32 s0, s2  }
0x1fb: {  	s8 =	sand.u32 $0x70, s2;
	s0 =	sand.u32 $0xFFFFFF80, s0  }
0x1fc: {  	s0 =	sor.u32 s8, s0  }
0x1fd: {  	p1 =	sne.s32 s26, $0x1;
	v17 =	vld [tilespmem:s0+$0x1500]  }
.Ltmp33:
0x1fe: {  	s1 =	sand.u32 $0x1F, s31;
	s2 =	sand.u32 $0xF, s2;
	(pc) =	sbr.rel @!p1 .LBB2_43-.Ltmp33, $4  }
0x1ff: {  	v16 =	vbroadcast v16, $0x0;
	s1 =	sshll.u32 s11, s1;
	v18 =	vmov s2  }
0x200: {  	vm1 =	veq.s32 v18, v4;
	v18 =	vmov s1  }
0x201: {  	v18 =	vnsel vm1, $0x0, v18;
	vm1 =	vne.s32 v16, v4  }
0x202: {  	s26 =	sadd.s32 $0xFFFFFFFF, s26;
	p0 =	por $0x1, $0x1;
	s1 =	spop (v2sf);
	vm11 =	vmand vm11, vm1;
	v16 =	vor.u32 v17, v18  }
.LBB2_42:
0x203: {  	p1 =	sne.s32 s26, $0x1;
	s26 =	sadd.s32 $0xFFFFFFFF, s26;
	s1 =	sadd.s32 s28, s1;
	[tilespmem:s0+$0x1500] =	vst v16  }
0x204: {  	v16 =	vld [tilespmem:s1+$0x0];
	_ =	sdelay $0x1  }
0x205: {  	v17 =	vld [tilespmem:s1+$0xA80];
	_ =	sdelay $0x2  }
0x206: {  	(v2sf) =	vpush v16, $0x0;
	_ =	sdelay $0x1  }
0x207: {  	(v2sf) =	vpush v17, $0x0;
	_ =	sdelay $0x7  }
0x208: {  	v16 =	vmctz.xlane vm11;
	_ =	sdelay $0x1  }
0x209: {  	v17 =	vbroadcast v16, $0x0;
	(v2sf) =	vpush v16, $0x0;
	_ =	sdelay $0x1  }
0x20a: {  	vm1 =	vne.s32 v17, v4  }
0x20b: {  	vm11 =	vmand vm11, vm1;
	s0 =	spop (v2sf)  }
0x20c: {  	s0 =	ssub.s32 s0, s4  }
0x20d: {  	s0 =	smul.u32 $0x180, s0;
	s1 =	spop (v2sf)  }
0x20e: {  	s2 =	sshra.s32 s1, $0x5;
	s1 =	sand.u32 $0x1F, s1  }
0x20f: {  	s8 =	sand.u32 $0xF, s2;
	s0 =	sadd.s32 s0, s2;
	s1 =	sshll.u32 s11, s1  }
0x210: {  	s2 =	sand.u32 $0x70, s2;
	s0 =	sand.u32 $0xFFFFFF80, s0;
	v16 =	vmov s8  }
0x211: {  	s0 =	sor.u32 s2, s0;
	vm1 =	veq.s32 v16, v4  }
0x212: {  	v16 =	vld [tilespmem:s0+$0x1500]  }
.Ltmp34:
0x213: {  	(pc) =	sbr.rel @p1 .LBB2_42-.Ltmp34, $4  }
0x214: {  	_ = 	snop  }
0x215: {  	v17 =	vmov s1  }
0x216: {  	v17 =	vnsel vm1, $0x0, v17  }
0x217: {  	s1 =	spop (v2sf);
	v16 =	vor.u32 v16, v17  }
.LBB2_43:
0x218: {  	s1 =	sadd.s32 s28, s1;
	[tilespmem:s0+$0x1500] =	vst @p0 v16  }
0x219: {  	v16 =	vld [tilespmem:s1+$0x0];
	_ =	sdelay $0x1  }
0x21a: {  	v17 =	vld [tilespmem:s1+$0xA80];
	_ =	sdelay $0x2  }
0x21b: {  	(v2sf) =	vpush v16, $0x0;
	_ =	sdelay $0x1  }
0x21c: {  	(v2sf) =	vpush v17, $0x0;
	_ =	sdelay $0xc  }
0x21d: {  	s30 =	spop (v2sf)  }
0x21e: {  	s0 =	ssub.s32 s30, s4  }
0x21f: {  	s31 =	spop (v2sf);
	s0 =	smul.u32 $0x180, s0  }
0x220: {  	s2 =	sshra.s32 s31, $0x5  }
0x221: {  	s0 =	sadd.s32 s0, s2  }
0x222: {  	s8 =	sand.u32 $0x70, s2;
	s0 =	sand.u32 $0xFFFFFF80, s0  }
0x223: {  	s0 =	sor.u32 s8, s0  }
0x224: {  	v16 =	vld [tilespmem:s0+$0x1500]  }
0x225: {  	s1 =	sand.u32 $0x1F, s31;
	s2 =	sand.u32 $0xF, s2  }
0x226: {  	s1 =	sshll.u32 s11, s1;
	v17 =	vmov s2  }
0x227: {  	vm1 =	veq.s32 v17, v4;
	v17 =	vmov s1  }
0x228: {  	v17 =	vnsel vm1, $0x0, v17  }
0x229: {  	v16 =	vor.u32 v16, v17  }
0x22a: {  	[tilespmem:s0+$0x1500] =	vst v16  }
.LBB2_44:
0x22b: {  	p0 =	sne.s32 s25, $0x1  }
.Ltmp35:
0x22c: {  	_ = 	snop;
	(pc) =	sbr.rel @p0 .LBB2_46-.Ltmp35, $2  }
0x22d: {  	_ =	sdelay $0x2  }
0x22e: {  	s26 =	sor.u32 $0x50, s14  }
0x22f: {  	v16 =	vld [tilespmem:s26+$0xA80];
	_ =	sdelay $0x2  }
0x230: {  	v15 =	vsub.s32 v15, v0  }
0x231: {  	v15 =	vmul.u32 $0x180, v15  }
0x232: {  	v17 =	vshra.s32 v16, $0x5  }
0x233: {  	v15 =	vadd.s32 v15, v17;
	_ =	sdelay $0x4  }
0x234: {  	v17 =	vld.idx.msk [tilespmem:v15+s9+$0x0], vm10;
	_ =	sdelay $0x1  }
.Ltmp36:
0x235: {  	_ = 	snop;
	(pc) =	sbr.rel .LBB2_52-.Ltmp36, $4  }
0x236: {  	v16 =	vand.u32 $0x1F, v16  }
0x237: {  	v16 =	vshll.u32 v3, v16  }
0x238: {  	v16 =	vor.u32 v17, v16  }
0x239: {  	[tilespmem:v15+s9+$0x0] =	vst.idx.msk vm10, v16  }
.LBB2_46:
0x23a: {  	p0 =	slt.s32 s25, $0x2  }
.Ltmp37:
0x23b: {  	_ = 	snop;
	(pc) =	sbr.rel @p0 .LBB2_52-.Ltmp37, $1  }
0x23c: {  	_ =	sdelay $0x3  }
0x23d: {  	v15 =	vmctz.xlane vm10;
	_ =	sdelay $0x1  }
0x23e: {  	(v2sf) =	vpush v15, $0x0;
	_ =	sdelay $0x9  }
0x23f: {  	p1 =	sne.s32 s25, $0x1  }
.Ltmp38:
0x240: {  	_ = 	snop;
	(pc) =	sbr.rel @!p1 .LBB2_48-.Ltmp38, $3  }
0x241: {  	v15 =	vbroadcast v15, $0x0;
	_ =	sdelay $0x1  }
0x242: {  	vm1 =	vne.s32 v15, v4  }
0x243: {  	s25 =	sadd.s32 $0xFFFFFFFF, s25;
	p0 =	por $0x0, $0x0;
	vm10 =	vmand vm10, vm1;
	s1 =	spop (v2sf)  }
0x244: {  	s0 =	sadd.s32 s26, s1  }
0x245: {  	v15 =	vld [tilespmem:s0+$0x0];
	_ =	sdelay $0x1  }
0x246: {  	v16 =	vld [tilespmem:s0+$0xA80];
	_ =	sdelay $0x2  }
0x247: {  	(v2sf) =	vpush v15, $0x0;
	_ =	sdelay $0x1  }
0x248: {  	(v2sf) =	vpush v16, $0x0;
	_ =	sdelay $0x7  }
0x249: {  	v15 =	vmctz.xlane vm10;
	_ =	sdelay $0x1  }
0x24a: {  	(v2sf) =	vpush v15, $0x0;
	_ =	sdelay $0x2  }
0x24b: {  	s30 =	spop (v2sf)  }
0x24c: {  	s0 =	ssub.s32 s30, s4  }
0x24d: {  	s31 =	spop (v2sf);
	s0 =	smul.u32 $0x180, s0  }
0x24e: {  	s2 =	sshra.s32 s31, $0x5  }
0x24f: {  	s0 =	sadd.s32 s0, s2  }
0x250: {  	s8 =	sand.u32 $0x70, s2;
	s0 =	sand.u32 $0xFFFFFF80, s0  }
0x251: {  	s0 =	sor.u32 s8, s0  }
0x252: {  	p1 =	sne.s32 s25, $0x1;
	v16 =	vld [tilespmem:s0+$0x1500]  }
.Ltmp39:
0x253: {  	s1 =	sand.u32 $0x1F, s31;
	s2 =	sand.u32 $0xF, s2;
	(pc) =	sbr.rel @!p1 .LBB2_51-.Ltmp39, $4  }
0x254: {  	v15 =	vbroadcast v15, $0x0;
	s1 =	sshll.u32 s11, s1;
	v17 =	vmov s2  }
0x255: {  	vm1 =	veq.s32 v17, v4;
	v17 =	vmov s1  }
0x256: {  	v17 =	vnsel vm1, $0x0, v17;
	vm1 =	vne.s32 v15, v4  }
0x257: {  	s25 =	sadd.s32 $0xFFFFFFFF, s25;
	p0 =	por $0x1, $0x1;
	s1 =	spop (v2sf);
	vm10 =	vmand vm10, vm1;
	v15 =	vor.u32 v16, v17  }
.LBB2_50:
0x258: {  	p1 =	sne.s32 s25, $0x1;
	s25 =	sadd.s32 $0xFFFFFFFF, s25;
	s1 =	sadd.s32 s26, s1;
	[tilespmem:s0+$0x1500] =	vst v15  }
0x259: {  	v15 =	vld [tilespmem:s1+$0x0];
	_ =	sdelay $0x1  }
0x25a: {  	v16 =	vld [tilespmem:s1+$0xA80];
	_ =	sdelay $0x2  }
0x25b: {  	(v2sf) =	vpush v15, $0x0;
	_ =	sdelay $0x1  }
0x25c: {  	(v2sf) =	vpush v16, $0x0;
	_ =	sdelay $0x7  }
0x25d: {  	v15 =	vmctz.xlane vm10;
	_ =	sdelay $0x1  }
0x25e: {  	v16 =	vbroadcast v15, $0x0;
	(v2sf) =	vpush v15, $0x0;
	_ =	sdelay $0x1  }
0x25f: {  	vm1 =	vne.s32 v16, v4  }
0x260: {  	vm10 =	vmand vm10, vm1;
	s0 =	spop (v2sf)  }
0x261: {  	s0 =	ssub.s32 s0, s4  }
0x262: {  	s0 =	smul.u32 $0x180, s0;
	s1 =	spop (v2sf)  }
0x263: {  	s2 =	sshra.s32 s1, $0x5;
	s1 =	sand.u32 $0x1F, s1  }
0x264: {  	s8 =	sand.u32 $0xF, s2;
	s0 =	sadd.s32 s0, s2;
	s1 =	sshll.u32 s11, s1  }
0x265: {  	s2 =	sand.u32 $0x70, s2;
	s0 =	sand.u32 $0xFFFFFF80, s0;
	v15 =	vmov s8  }
0x266: {  	s0 =	sor.u32 s2, s0;
	vm1 =	veq.s32 v15, v4  }
0x267: {  	v15 =	vld [tilespmem:s0+$0x1500]  }
.Ltmp40:
0x268: {  	(pc) =	sbr.rel @p1 .LBB2_50-.Ltmp40, $4  }
0x269: {  	_ = 	snop  }
0x26a: {  	v16 =	vmov s1  }
0x26b: {  	v16 =	vnsel vm1, $0x0, v16  }
0x26c: {  	s1 =	spop (v2sf);
	v15 =	vor.u32 v15, v16  }
.LBB2_51:
0x26d: {  	s1 =	sadd.s32 s26, s1;
	[tilespmem:s0+$0x1500] =	vst @p0 v15  }
0x26e: {  	v15 =	vld [tilespmem:s1+$0x0];
	_ =	sdelay $0x1  }
0x26f: {  	v16 =	vld [tilespmem:s1+$0xA80];
	_ =	sdelay $0x2  }
0x270: {  	(v2sf) =	vpush v15, $0x0;
	_ =	sdelay $0x1  }
0x271: {  	(v2sf) =	vpush v16, $0x0;
	_ =	sdelay $0xc  }
0x272: {  	s30 =	spop (v2sf)  }
0x273: {  	s0 =	ssub.s32 s30, s4  }
0x274: {  	s31 =	spop (v2sf);
	s0 =	smul.u32 $0x180, s0  }
0x275: {  	s2 =	sshra.s32 s31, $0x5  }
0x276: {  	s0 =	sadd.s32 s0, s2  }
0x277: {  	s8 =	sand.u32 $0x70, s2;
	s0 =	sand.u32 $0xFFFFFF80, s0  }
0x278: {  	s0 =	sor.u32 s8, s0  }
0x279: {  	v15 =	vld [tilespmem:s0+$0x1500]  }
0x27a: {  	s1 =	sand.u32 $0x1F, s31;
	s2 =	sand.u32 $0xF, s2  }
0x27b: {  	s1 =	sshll.u32 s11, s1;
	v62 =	vmov s2  }
0x27c: {  	v63 =	vmov s1;
	vm1 =	veq.s32 v62, v4  }
0x27d: {  	v16 =	vnsel vm1, $0x0, v63  }
0x27e: {  	v15 =	vor.u32 v15, v16  }
0x27f: {  	[tilespmem:s0+$0x1500] =	vst v15  }
.LBB2_52:
0x280: {  	p0 =	sne.s32 s24, $0x1  }
.Ltmp41:
0x281: {  	_ = 	snop;
	(pc) =	sbr.rel @p0 .LBB2_54-.Ltmp41, $2  }
0x282: {  	_ =	sdelay $0x2  }
0x283: {  	s25 =	sor.u32 $0x60, s14  }
0x284: {  	v15 =	vld [tilespmem:s25+$0xA80];
	_ =	sdelay $0x2  }
0x285: {  	v14 =	vsub.s32 v14, v0  }
0x286: {  	v14 =	vmul.u32 $0x180, v14  }
0x287: {  	v16 =	vshra.s32 v15, $0x5  }
0x288: {  	v14 =	vadd.s32 v14, v16;
	_ =	sdelay $0x4  }
0x289: {  	v16 =	vld.idx.msk [tilespmem:v14+s9+$0x0], vm9;
	_ =	sdelay $0x1  }
.Ltmp42:
0x28a: {  	_ = 	snop;
	(pc) =	sbr.rel .LBB2_60-.Ltmp42, $4  }
0x28b: {  	v15 =	vand.u32 $0x1F, v15  }
0x28c: {  	v15 =	vshll.u32 v3, v15  }
0x28d: {  	v15 =	vor.u32 v16, v15  }
0x28e: {  	[tilespmem:v14+s9+$0x0] =	vst.idx.msk vm9, v15  }
.LBB2_54:
0x28f: {  	p0 =	slt.s32 s24, $0x2  }
.Ltmp43:
0x290: {  	_ = 	snop;
	(pc) =	sbr.rel @p0 .LBB2_60-.Ltmp43, $1  }
0x291: {  	_ =	sdelay $0x3  }
0x292: {  	v14 =	vmctz.xlane vm9;
	_ =	sdelay $0x1  }
0x293: {  	(v2sf) =	vpush v14, $0x0;
	_ =	sdelay $0x9  }
0x294: {  	p1 =	sne.s32 s24, $0x1  }
.Ltmp44:
0x295: {  	_ = 	snop;
	(pc) =	sbr.rel @!p1 .LBB2_56-.Ltmp44, $3  }
0x296: {  	v14 =	vbroadcast v14, $0x0;
	_ =	sdelay $0x1  }
0x297: {  	vm1 =	vne.s32 v14, v4  }
0x298: {  	s24 =	sadd.s32 $0xFFFFFFFF, s24;
	p0 =	por $0x0, $0x0;
	vm9 =	vmand vm9, vm1;
	s1 =	spop (v2sf)  }
0x299: {  	s0 =	sadd.s32 s25, s1  }
0x29a: {  	v14 =	vld [tilespmem:s0+$0x0];
	_ =	sdelay $0x1  }
0x29b: {  	v15 =	vld [tilespmem:s0+$0xA80];
	_ =	sdelay $0x2  }
0x29c: {  	(v2sf) =	vpush v14, $0x0;
	_ =	sdelay $0x1  }
0x29d: {  	(v2sf) =	vpush v15, $0x0;
	_ =	sdelay $0x7  }
0x29e: {  	v14 =	vmctz.xlane vm9;
	_ =	sdelay $0x1  }
0x29f: {  	(v2sf) =	vpush v14, $0x0;
	_ =	sdelay $0x2  }
0x2a0: {  	s30 =	spop (v2sf)  }
0x2a1: {  	s0 =	ssub.s32 s30, s4  }
0x2a2: {  	s31 =	spop (v2sf);
	s0 =	smul.u32 $0x180, s0  }
0x2a3: {  	s2 =	sshra.s32 s31, $0x5  }
0x2a4: {  	s0 =	sadd.s32 s0, s2  }
0x2a5: {  	s8 =	sand.u32 $0x70, s2;
	s0 =	sand.u32 $0xFFFFFF80, s0  }
0x2a6: {  	s0 =	sor.u32 s8, s0  }
0x2a7: {  	p1 =	sne.s32 s24, $0x1;
	v15 =	vld [tilespmem:s0+$0x1500]  }
.Ltmp45:
0x2a8: {  	s1 =	sand.u32 $0x1F, s31;
	s2 =	sand.u32 $0xF, s2;
	(pc) =	sbr.rel @!p1 .LBB2_59-.Ltmp45, $4  }
0x2a9: {  	v14 =	vbroadcast v14, $0x0;
	s1 =	sshll.u32 s11, s1;
	v16 =	vmov s2  }
0x2aa: {  	v63 =	vmov s1;
	vm1 =	veq.s32 v16, v4  }
0x2ab: {  	v16 =	vnsel vm1, $0x0, v63;
	vm1 =	vne.s32 v14, v4  }
0x2ac: {  	s24 =	sadd.s32 $0xFFFFFFFF, s24;
	p0 =	por $0x1, $0x1;
	s1 =	spop (v2sf);
	vm9 =	vmand vm9, vm1;
	v14 =	vor.u32 v15, v16  }
.LBB2_58:
0x2ad: {  	p1 =	sne.s32 s24, $0x1;
	s24 =	sadd.s32 $0xFFFFFFFF, s24;
	s1 =	sadd.s32 s25, s1;
	[tilespmem:s0+$0x1500] =	vst v14  }
0x2ae: {  	v14 =	vld [tilespmem:s1+$0x0];
	_ =	sdelay $0x1  }
0x2af: {  	v15 =	vld [tilespmem:s1+$0xA80];
	_ =	sdelay $0x2  }
0x2b0: {  	(v2sf) =	vpush v14, $0x0;
	_ =	sdelay $0x1  }
0x2b1: {  	(v2sf) =	vpush v15, $0x0;
	_ =	sdelay $0x7  }
0x2b2: {  	v14 =	vmctz.xlane vm9;
	_ =	sdelay $0x1  }
0x2b3: {  	v15 =	vbroadcast v14, $0x0;
	(v2sf) =	vpush v14, $0x0;
	_ =	sdelay $0x1  }
0x2b4: {  	vm1 =	vne.s32 v15, v4  }
0x2b5: {  	vm9 =	vmand vm9, vm1;
	s0 =	spop (v2sf)  }
0x2b6: {  	s0 =	ssub.s32 s0, s4  }
0x2b7: {  	s0 =	smul.u32 $0x180, s0;
	s1 =	spop (v2sf)  }
0x2b8: {  	s2 =	sshra.s32 s1, $0x5;
	s1 =	sand.u32 $0x1F, s1  }
0x2b9: {  	s8 =	sand.u32 $0xF, s2;
	s0 =	sadd.s32 s0, s2;
	s1 =	sshll.u32 s11, s1  }
0x2ba: {  	s2 =	sand.u32 $0x70, s2;
	s0 =	sand.u32 $0xFFFFFF80, s0;
	v14 =	vmov s8  }
0x2bb: {  	s0 =	sor.u32 s2, s0;
	vm1 =	veq.s32 v14, v4  }
0x2bc: {  	v14 =	vld [tilespmem:s0+$0x1500]  }
.Ltmp46:
0x2bd: {  	(pc) =	sbr.rel @p1 .LBB2_58-.Ltmp46, $4  }
0x2be: {  	_ = 	snop  }
0x2bf: {  	v15 =	vmov s1  }
0x2c0: {  	v15 =	vnsel vm1, $0x0, v15  }
0x2c1: {  	s1 =	spop (v2sf);
	v14 =	vor.u32 v14, v15  }
.LBB2_59:
0x2c2: {  	s1 =	sadd.s32 s25, s1;
	[tilespmem:s0+$0x1500] =	vst @p0 v14  }
0x2c3: {  	v14 =	vld [tilespmem:s1+$0x0];
	_ =	sdelay $0x1  }
0x2c4: {  	v15 =	vld [tilespmem:s1+$0xA80];
	_ =	sdelay $0x2  }
0x2c5: {  	(v2sf) =	vpush v14, $0x0;
	_ =	sdelay $0x1  }
0x2c6: {  	(v2sf) =	vpush v15, $0x0;
	_ =	sdelay $0xc  }
0x2c7: {  	s30 =	spop (v2sf)  }
0x2c8: {  	s0 =	ssub.s32 s30, s4  }
0x2c9: {  	s31 =	spop (v2sf);
	s0 =	smul.u32 $0x180, s0  }
0x2ca: {  	s2 =	sshra.s32 s31, $0x5  }
0x2cb: {  	s0 =	sadd.s32 s0, s2  }
0x2cc: {  	s8 =	sand.u32 $0x70, s2;
	s0 =	sand.u32 $0xFFFFFF80, s0  }
0x2cd: {  	s0 =	sor.u32 s8, s0  }
0x2ce: {  	v14 =	vld [tilespmem:s0+$0x1500]  }
0x2cf: {  	s1 =	sand.u32 $0x1F, s31;
	s2 =	sand.u32 $0xF, s2  }
0x2d0: {  	s1 =	sshll.u32 s11, s1;
	v15 =	vmov s2  }
0x2d1: {  	vm1 =	veq.s32 v15, v4;
	v15 =	vmov s1  }
0x2d2: {  	v15 =	vnsel vm1, $0x0, v15  }
0x2d3: {  	v14 =	vor.u32 v14, v15  }
0x2d4: {  	[tilespmem:s0+$0x1500] =	vst v14  }
.LBB2_60:
0x2d5: {  	p0 =	sne.s32 s23, $0x1  }
.Ltmp47:
0x2d6: {  	_ = 	snop;
	(pc) =	sbr.rel @p0 .LBB2_62-.Ltmp47, $2  }
0x2d7: {  	_ =	sdelay $0x2  }
0x2d8: {  	s24 =	sor.u32 $0x70, s14  }
0x2d9: {  	v14 =	vld [tilespmem:s24+$0xA80];
	_ =	sdelay $0x2  }
0x2da: {  	v13 =	vsub.s32 v13, v0  }
0x2db: {  	v13 =	vmul.u32 $0x180, v13  }
0x2dc: {  	v15 =	vshra.s32 v14, $0x5  }
0x2dd: {  	v13 =	vadd.s32 v13, v15;
	_ =	sdelay $0x4  }
0x2de: {  	v15 =	vld.idx.msk [tilespmem:v13+s9+$0x0], vm8;
	_ =	sdelay $0x1  }
.Ltmp48:
0x2df: {  	_ = 	snop;
	(pc) =	sbr.rel .LBB2_68-.Ltmp48, $4  }
0x2e0: {  	v14 =	vand.u32 $0x1F, v14  }
0x2e1: {  	v14 =	vshll.u32 v3, v14  }
0x2e2: {  	v14 =	vor.u32 v15, v14  }
0x2e3: {  	[tilespmem:v13+s9+$0x0] =	vst.idx.msk vm8, v14  }
.LBB2_62:
0x2e4: {  	p0 =	slt.s32 s23, $0x2  }
.Ltmp49:
0x2e5: {  	_ = 	snop;
	(pc) =	sbr.rel @p0 .LBB2_68-.Ltmp49, $1  }
0x2e6: {  	_ =	sdelay $0x3  }
0x2e7: {  	v13 =	vmctz.xlane vm8;
	_ =	sdelay $0x1  }
0x2e8: {  	(v2sf) =	vpush v13, $0x0;
	_ =	sdelay $0x9  }
0x2e9: {  	p1 =	sne.s32 s23, $0x1  }
.Ltmp50:
0x2ea: {  	_ = 	snop;
	(pc) =	sbr.rel @!p1 .LBB2_64-.Ltmp50, $3  }
0x2eb: {  	v13 =	vbroadcast v13, $0x0;
	_ =	sdelay $0x1  }
0x2ec: {  	vm1 =	vne.s32 v13, v4  }
0x2ed: {  	s23 =	sadd.s32 $0xFFFFFFFF, s23;
	p0 =	por $0x0, $0x0;
	vm8 =	vmand vm8, vm1;
	s1 =	spop (v2sf)  }
0x2ee: {  	s0 =	sadd.s32 s24, s1  }
0x2ef: {  	v13 =	vld [tilespmem:s0+$0x0];
	_ =	sdelay $0x1  }
0x2f0: {  	v14 =	vld [tilespmem:s0+$0xA80];
	_ =	sdelay $0x2  }
0x2f1: {  	(v2sf) =	vpush v13, $0x0;
	_ =	sdelay $0x1  }
0x2f2: {  	(v2sf) =	vpush v14, $0x0;
	_ =	sdelay $0x7  }
0x2f3: {  	v13 =	vmctz.xlane vm8;
	_ =	sdelay $0x1  }
0x2f4: {  	(v2sf) =	vpush v13, $0x0;
	_ =	sdelay $0x2  }
0x2f5: {  	s30 =	spop (v2sf)  }
0x2f6: {  	s0 =	ssub.s32 s30, s4  }
0x2f7: {  	s31 =	spop (v2sf);
	s0 =	smul.u32 $0x180, s0  }
0x2f8: {  	s2 =	sshra.s32 s31, $0x5  }
0x2f9: {  	s0 =	sadd.s32 s0, s2  }
0x2fa: {  	s8 =	sand.u32 $0x70, s2;
	s0 =	sand.u32 $0xFFFFFF80, s0  }
0x2fb: {  	s0 =	sor.u32 s8, s0  }
0x2fc: {  	p1 =	sne.s32 s23, $0x1;
	v14 =	vld [tilespmem:s0+$0x1500]  }
.Ltmp51:
0x2fd: {  	s1 =	sand.u32 $0x1F, s31;
	s2 =	sand.u32 $0xF, s2;
	(pc) =	sbr.rel @!p1 .LBB2_67-.Ltmp51, $4  }
0x2fe: {  	v13 =	vbroadcast v13, $0x0;
	s1 =	sshll.u32 s11, s1;
	v15 =	vmov s2  }
0x2ff: {  	vm1 =	veq.s32 v15, v4;
	v15 =	vmov s1  }
0x300: {  	v15 =	vnsel vm1, $0x0, v15;
	vm1 =	vne.s32 v13, v4  }
0x301: {  	s23 =	sadd.s32 $0xFFFFFFFF, s23;
	p0 =	por $0x1, $0x1;
	s1 =	spop (v2sf);
	vm8 =	vmand vm8, vm1;
	v13 =	vor.u32 v14, v15  }
.LBB2_66:
0x302: {  	p1 =	sne.s32 s23, $0x1;
	s23 =	sadd.s32 $0xFFFFFFFF, s23;
	s1 =	sadd.s32 s24, s1;
	[tilespmem:s0+$0x1500] =	vst v13  }
0x303: {  	v13 =	vld [tilespmem:s1+$0x0];
	_ =	sdelay $0x1  }
0x304: {  	v14 =	vld [tilespmem:s1+$0xA80];
	_ =	sdelay $0x2  }
0x305: {  	(v2sf) =	vpush v13, $0x0;
	_ =	sdelay $0x1  }
0x306: {  	(v2sf) =	vpush v14, $0x0;
	_ =	sdelay $0x7  }
0x307: {  	v13 =	vmctz.xlane vm8;
	_ =	sdelay $0x1  }
0x308: {  	v14 =	vbroadcast v13, $0x0;
	(v2sf) =	vpush v13, $0x0;
	_ =	sdelay $0x1  }
0x309: {  	vm1 =	vne.s32 v14, v4  }
0x30a: {  	vm8 =	vmand vm8, vm1;
	s0 =	spop (v2sf)  }
0x30b: {  	s0 =	ssub.s32 s0, s4  }
0x30c: {  	s0 =	smul.u32 $0x180, s0;
	s1 =	spop (v2sf)  }
0x30d: {  	s2 =	sshra.s32 s1, $0x5;
	s1 =	sand.u32 $0x1F, s1  }
0x30e: {  	s8 =	sand.u32 $0xF, s2;
	s0 =	sadd.s32 s0, s2;
	s1 =	sshll.u32 s11, s1  }
0x30f: {  	s2 =	sand.u32 $0x70, s2;
	s0 =	sand.u32 $0xFFFFFF80, s0;
	v13 =	vmov s8  }
0x310: {  	s0 =	sor.u32 s2, s0;
	vm1 =	veq.s32 v13, v4  }
0x311: {  	v13 =	vld [tilespmem:s0+$0x1500]  }
.Ltmp52:
0x312: {  	(pc) =	sbr.rel @p1 .LBB2_66-.Ltmp52, $4  }
0x313: {  	_ = 	snop  }
0x314: {  	v14 =	vmov s1  }
0x315: {  	v14 =	vnsel vm1, $0x0, v14  }
0x316: {  	s1 =	spop (v2sf);
	v13 =	vor.u32 v13, v14  }
.LBB2_67:
0x317: {  	s1 =	sadd.s32 s24, s1;
	[tilespmem:s0+$0x1500] =	vst @p0 v13  }
0x318: {  	v13 =	vld [tilespmem:s1+$0x0];
	_ =	sdelay $0x1  }
0x319: {  	v14 =	vld [tilespmem:s1+$0xA80];
	_ =	sdelay $0x2  }
0x31a: {  	(v2sf) =	vpush v13, $0x0;
	_ =	sdelay $0x1  }
0x31b: {  	(v2sf) =	vpush v14, $0x0;
	_ =	sdelay $0xc  }
0x31c: {  	s30 =	spop (v2sf)  }
0x31d: {  	s0 =	ssub.s32 s30, s4  }
0x31e: {  	s31 =	spop (v2sf);
	s0 =	smul.u32 $0x180, s0  }
0x31f: {  	s2 =	sshra.s32 s31, $0x5  }
0x320: {  	s0 =	sadd.s32 s0, s2  }
0x321: {  	s8 =	sand.u32 $0x70, s2;
	s0 =	sand.u32 $0xFFFFFF80, s0  }
0x322: {  	s0 =	sor.u32 s8, s0  }
0x323: {  	v13 =	vld [tilespmem:s0+$0x1500]  }
0x324: {  	s1 =	sand.u32 $0x1F, s31;
	s2 =	sand.u32 $0xF, s2  }
0x325: {  	s1 =	sshll.u32 s11, s1;
	v14 =	vmov s2  }
0x326: {  	vm1 =	veq.s32 v14, v4;
	v14 =	vmov s1  }
0x327: {  	v14 =	vnsel vm1, $0x0, v14  }
0x328: {  	v13 =	vor.u32 v13, v14  }
0x329: {  	[tilespmem:s0+$0x1500] =	vst v13  }
.LBB2_68:
0x32a: {  	p0 =	sne.s32 s22, $0x1  }
.Ltmp53:
0x32b: {  	_ = 	snop;
	(pc) =	sbr.rel @p0 .LBB2_70-.Ltmp53, $2  }
0x32c: {  	_ =	sdelay $0x2  }
0x32d: {  	s23 =	sor.u32 $0x80, s14  }
0x32e: {  	v13 =	vld [tilespmem:s23+$0xA80];
	_ =	sdelay $0x2  }
0x32f: {  	v12 =	vsub.s32 v12, v0  }
0x330: {  	v12 =	vmul.u32 $0x180, v12  }
0x331: {  	v14 =	vshra.s32 v13, $0x5  }
0x332: {  	v12 =	vadd.s32 v12, v14;
	_ =	sdelay $0x4  }
0x333: {  	v14 =	vld.idx.msk [tilespmem:v12+s9+$0x0], vm7;
	_ =	sdelay $0x1  }
.Ltmp54:
0x334: {  	_ = 	snop;
	(pc) =	sbr.rel .LBB2_76-.Ltmp54, $4  }
0x335: {  	v13 =	vand.u32 $0x1F, v13  }
0x336: {  	v13 =	vshll.u32 v3, v13  }
0x337: {  	v13 =	vor.u32 v14, v13  }
0x338: {  	[tilespmem:v12+s9+$0x0] =	vst.idx.msk vm7, v13  }
.LBB2_70:
0x339: {  	p0 =	slt.s32 s22, $0x2  }
.Ltmp55:
0x33a: {  	_ = 	snop;
	(pc) =	sbr.rel @p0 .LBB2_76-.Ltmp55, $1  }
0x33b: {  	_ =	sdelay $0x3  }
0x33c: {  	v12 =	vmctz.xlane vm7;
	_ =	sdelay $0x1  }
0x33d: {  	(v2sf) =	vpush v12, $0x0;
	_ =	sdelay $0x9  }
0x33e: {  	p1 =	sne.s32 s22, $0x1  }
.Ltmp56:
0x33f: {  	_ = 	snop;
	(pc) =	sbr.rel @!p1 .LBB2_72-.Ltmp56, $3  }
0x340: {  	v12 =	vbroadcast v12, $0x0;
	_ =	sdelay $0x1  }
0x341: {  	vm1 =	vne.s32 v12, v4  }
0x342: {  	s22 =	sadd.s32 $0xFFFFFFFF, s22;
	p0 =	por $0x0, $0x0;
	vm7 =	vmand vm7, vm1;
	s1 =	spop (v2sf)  }
0x343: {  	s0 =	sadd.s32 s23, s1  }
0x344: {  	v12 =	vld [tilespmem:s0+$0x0];
	_ =	sdelay $0x1  }
0x345: {  	v13 =	vld [tilespmem:s0+$0xA80];
	_ =	sdelay $0x2  }
0x346: {  	(v2sf) =	vpush v12, $0x0;
	_ =	sdelay $0x1  }
0x347: {  	(v2sf) =	vpush v13, $0x0;
	_ =	sdelay $0x7  }
0x348: {  	v12 =	vmctz.xlane vm7;
	_ =	sdelay $0x1  }
0x349: {  	(v2sf) =	vpush v12, $0x0;
	_ =	sdelay $0x2  }
0x34a: {  	s30 =	spop (v2sf)  }
0x34b: {  	s0 =	ssub.s32 s30, s4  }
0x34c: {  	s31 =	spop (v2sf);
	s0 =	smul.u32 $0x180, s0  }
0x34d: {  	s2 =	sshra.s32 s31, $0x5  }
0x34e: {  	s0 =	sadd.s32 s0, s2  }
0x34f: {  	s8 =	sand.u32 $0x70, s2;
	s0 =	sand.u32 $0xFFFFFF80, s0  }
0x350: {  	s0 =	sor.u32 s8, s0  }
0x351: {  	p1 =	sne.s32 s22, $0x1;
	v13 =	vld [tilespmem:s0+$0x1500]  }
.Ltmp57:
0x352: {  	s1 =	sand.u32 $0x1F, s31;
	s2 =	sand.u32 $0xF, s2;
	(pc) =	sbr.rel @!p1 .LBB2_75-.Ltmp57, $4  }
0x353: {  	v12 =	vbroadcast v12, $0x0;
	s1 =	sshll.u32 s11, s1;
	v14 =	vmov s2  }
0x354: {  	vm1 =	veq.s32 v14, v4;
	v14 =	vmov s1  }
0x355: {  	v14 =	vnsel vm1, $0x0, v14;
	vm1 =	vne.s32 v12, v4  }
0x356: {  	s22 =	sadd.s32 $0xFFFFFFFF, s22;
	p0 =	por $0x1, $0x1;
	s1 =	spop (v2sf);
	vm7 =	vmand vm7, vm1;
	v12 =	vor.u32 v13, v14  }
.LBB2_74:
0x357: {  	p1 =	sne.s32 s22, $0x1;
	s22 =	sadd.s32 $0xFFFFFFFF, s22;
	s1 =	sadd.s32 s23, s1;
	[tilespmem:s0+$0x1500] =	vst v12  }
0x358: {  	v12 =	vld [tilespmem:s1+$0x0];
	_ =	sdelay $0x1  }
0x359: {  	v13 =	vld [tilespmem:s1+$0xA80];
	_ =	sdelay $0x2  }
0x35a: {  	(v2sf) =	vpush v12, $0x0;
	_ =	sdelay $0x1  }
0x35b: {  	(v2sf) =	vpush v13, $0x0;
	_ =	sdelay $0x7  }
0x35c: {  	v12 =	vmctz.xlane vm7;
	_ =	sdelay $0x1  }
0x35d: {  	v13 =	vbroadcast v12, $0x0;
	(v2sf) =	vpush v12, $0x0;
	_ =	sdelay $0x1  }
0x35e: {  	vm1 =	vne.s32 v13, v4  }
0x35f: {  	vm7 =	vmand vm7, vm1;
	s0 =	spop (v2sf)  }
0x360: {  	s0 =	ssub.s32 s0, s4  }
0x361: {  	s0 =	smul.u32 $0x180, s0;
	s1 =	spop (v2sf)  }
0x362: {  	s2 =	sshra.s32 s1, $0x5;
	s1 =	sand.u32 $0x1F, s1  }
0x363: {  	s8 =	sand.u32 $0xF, s2;
	s0 =	sadd.s32 s0, s2;
	s1 =	sshll.u32 s11, s1  }
0x364: {  	s2 =	sand.u32 $0x70, s2;
	s0 =	sand.u32 $0xFFFFFF80, s0;
	v12 =	vmov s8  }
0x365: {  	s0 =	sor.u32 s2, s0;
	vm1 =	veq.s32 v12, v4  }
0x366: {  	v12 =	vld [tilespmem:s0+$0x1500]  }
.Ltmp58:
0x367: {  	(pc) =	sbr.rel @p1 .LBB2_74-.Ltmp58, $4  }
0x368: {  	_ = 	snop  }
0x369: {  	v13 =	vmov s1  }
0x36a: {  	v13 =	vnsel vm1, $0x0, v13  }
0x36b: {  	s1 =	spop (v2sf);
	v12 =	vor.u32 v12, v13  }
.LBB2_75:
0x36c: {  	s1 =	sadd.s32 s23, s1;
	[tilespmem:s0+$0x1500] =	vst @p0 v12  }
0x36d: {  	v12 =	vld [tilespmem:s1+$0x0];
	_ =	sdelay $0x1  }
0x36e: {  	v13 =	vld [tilespmem:s1+$0xA80];
	_ =	sdelay $0x2  }
0x36f: {  	(v2sf) =	vpush v12, $0x0;
	_ =	sdelay $0x1  }
0x370: {  	(v2sf) =	vpush v13, $0x0;
	_ =	sdelay $0xc  }
0x371: {  	s30 =	spop (v2sf)  }
0x372: {  	s0 =	ssub.s32 s30, s4  }
0x373: {  	s31 =	spop (v2sf);
	s0 =	smul.u32 $0x180, s0  }
0x374: {  	s2 =	sshra.s32 s31, $0x5  }
0x375: {  	s0 =	sadd.s32 s0, s2  }
0x376: {  	s8 =	sand.u32 $0x70, s2;
	s0 =	sand.u32 $0xFFFFFF80, s0  }
0x377: {  	s0 =	sor.u32 s8, s0  }
0x378: {  	v61 =	vld [tilespmem:s0+$0x1500]  }
0x379: {  	s1 =	sand.u32 $0x1F, s31;
	s2 =	sand.u32 $0xF, s2  }
0x37a: {  	s1 =	sshll.u32 s11, s1;
	v62 =	vmov s2  }
0x37b: {  	v63 =	vmov s1;
	vm1 =	veq.s32 v62, v4  }
0x37c: {  	v13 =	vnsel vm1, $0x0, v63  }
0x37d: {  	v12 =	vor.u32 v61, v13  }
0x37e: {  	[tilespmem:s0+$0x1500] =	vst v12  }
.LBB2_76:
0x37f: {  	p0 =	sne.s32 s21, $0x1  }
.Ltmp59:
0x380: {  	_ = 	snop;
	(pc) =	sbr.rel @p0 .LBB2_78-.Ltmp59, $2  }
0x381: {  	_ =	sdelay $0x2  }
0x382: {  	s22 =	sor.u32 $0x90, s14  }
0x383: {  	v12 =	vld [tilespmem:s22+$0xA80];
	_ =	sdelay $0x2  }
0x384: {  	v11 =	vsub.s32 v11, v0  }
0x385: {  	v11 =	vmul.u32 $0x180, v11  }
0x386: {  	v13 =	vshra.s32 v12, $0x5  }
0x387: {  	v11 =	vadd.s32 v11, v13;
	_ =	sdelay $0x4  }
0x388: {  	v13 =	vld.idx.msk [tilespmem:v11+s9+$0x0], vm6;
	_ =	sdelay $0x1  }
.Ltmp60:
0x389: {  	_ = 	snop;
	(pc) =	sbr.rel .LBB2_84-.Ltmp60, $4  }
0x38a: {  	v12 =	vand.u32 $0x1F, v12  }
0x38b: {  	v12 =	vshll.u32 v3, v12  }
0x38c: {  	v12 =	vor.u32 v13, v12  }
0x38d: {  	[tilespmem:v11+s9+$0x0] =	vst.idx.msk vm6, v12  }
.LBB2_78:
0x38e: {  	p0 =	slt.s32 s21, $0x2  }
.Ltmp61:
0x38f: {  	_ = 	snop;
	(pc) =	sbr.rel @p0 .LBB2_84-.Ltmp61, $1  }
0x390: {  	_ =	sdelay $0x3  }
0x391: {  	v11 =	vmctz.xlane vm6;
	_ =	sdelay $0x1  }
0x392: {  	(v2sf) =	vpush v11, $0x0;
	_ =	sdelay $0x9  }
0x393: {  	p1 =	sne.s32 s21, $0x1  }
.Ltmp62:
0x394: {  	_ = 	snop;
	(pc) =	sbr.rel @!p1 .LBB2_80-.Ltmp62, $3  }
0x395: {  	v11 =	vbroadcast v11, $0x0;
	_ =	sdelay $0x1  }
0x396: {  	vm1 =	vne.s32 v11, v4  }
0x397: {  	s21 =	sadd.s32 $0xFFFFFFFF, s21;
	p0 =	por $0x0, $0x0;
	vm6 =	vmand vm6, vm1;
	s1 =	spop (v2sf)  }
0x398: {  	s0 =	sadd.s32 s22, s1  }
0x399: {  	v11 =	vld [tilespmem:s0+$0x0];
	_ =	sdelay $0x1  }
0x39a: {  	v12 =	vld [tilespmem:s0+$0xA80];
	_ =	sdelay $0x2  }
0x39b: {  	(v2sf) =	vpush v11, $0x0;
	_ =	sdelay $0x1  }
0x39c: {  	(v2sf) =	vpush v12, $0x0;
	_ =	sdelay $0x7  }
0x39d: {  	v11 =	vmctz.xlane vm6;
	_ =	sdelay $0x1  }
0x39e: {  	(v2sf) =	vpush v11, $0x0;
	_ =	sdelay $0x2  }
0x39f: {  	s30 =	spop (v2sf)  }
0x3a0: {  	s0 =	ssub.s32 s30, s4  }
0x3a1: {  	s31 =	spop (v2sf);
	s0 =	smul.u32 $0x180, s0  }
0x3a2: {  	s2 =	sshra.s32 s31, $0x5  }
0x3a3: {  	s0 =	sadd.s32 s0, s2  }
0x3a4: {  	s8 =	sand.u32 $0x70, s2;
	s0 =	sand.u32 $0xFFFFFF80, s0  }
0x3a5: {  	s0 =	sor.u32 s8, s0  }
0x3a6: {  	p1 =	sne.s32 s21, $0x1;
	v62 =	vld [tilespmem:s0+$0x1500]  }
.Ltmp63:
0x3a7: {  	s1 =	sand.u32 $0x1F, s31;
	s2 =	sand.u32 $0xF, s2;
	(pc) =	sbr.rel @!p1 .LBB2_83-.Ltmp63, $4  }
0x3a8: {  	v11 =	vbroadcast v11, $0x0;
	s1 =	sshll.u32 s11, s1;
	v13 =	vmov s2  }
0x3a9: {  	v63 =	vmov s1;
	vm1 =	veq.s32 v13, v4  }
0x3aa: {  	v13 =	vnsel vm1, $0x0, v63;
	vm1 =	vne.s32 v11, v4  }
0x3ab: {  	s21 =	sadd.s32 $0xFFFFFFFF, s21;
	p0 =	por $0x1, $0x1;
	s1 =	spop (v2sf);
	vm6 =	vmand vm6, vm1;
	v11 =	vor.u32 v62, v13  }
.LBB2_82:
0x3ac: {  	p1 =	sne.s32 s21, $0x1;
	s21 =	sadd.s32 $0xFFFFFFFF, s21;
	s1 =	sadd.s32 s22, s1;
	[tilespmem:s0+$0x1500] =	vst v11  }
0x3ad: {  	v11 =	vld [tilespmem:s1+$0x0];
	_ =	sdelay $0x1  }
0x3ae: {  	v12 =	vld [tilespmem:s1+$0xA80];
	_ =	sdelay $0x2  }
0x3af: {  	(v2sf) =	vpush v11, $0x0;
	_ =	sdelay $0x1  }
0x3b0: {  	(v2sf) =	vpush v12, $0x0;
	_ =	sdelay $0x7  }
0x3b1: {  	v11 =	vmctz.xlane vm6;
	_ =	sdelay $0x1  }
0x3b2: {  	v12 =	vbroadcast v11, $0x0;
	(v2sf) =	vpush v11, $0x0;
	_ =	sdelay $0x1  }
0x3b3: {  	vm1 =	vne.s32 v12, v4  }
0x3b4: {  	vm6 =	vmand vm6, vm1;
	s0 =	spop (v2sf)  }
0x3b5: {  	s0 =	ssub.s32 s0, s4  }
0x3b6: {  	s0 =	smul.u32 $0x180, s0;
	s1 =	spop (v2sf)  }
0x3b7: {  	s2 =	sshra.s32 s1, $0x5;
	s1 =	sand.u32 $0x1F, s1  }
0x3b8: {  	s8 =	sand.u32 $0xF, s2;
	s0 =	sadd.s32 s0, s2;
	s1 =	sshll.u32 s11, s1  }
0x3b9: {  	s2 =	sand.u32 $0x70, s2;
	s0 =	sand.u32 $0xFFFFFF80, s0;
	v11 =	vmov s8  }
0x3ba: {  	s0 =	sor.u32 s2, s0;
	vm1 =	veq.s32 v11, v4  }
0x3bb: {  	v11 =	vld [tilespmem:s0+$0x1500]  }
.Ltmp64:
0x3bc: {  	(pc) =	sbr.rel @p1 .LBB2_82-.Ltmp64, $4  }
0x3bd: {  	_ = 	snop  }
0x3be: {  	v12 =	vmov s1  }
0x3bf: {  	v12 =	vnsel vm1, $0x0, v12  }
0x3c0: {  	s1 =	spop (v2sf);
	v11 =	vor.u32 v11, v12  }
.LBB2_83:
0x3c1: {  	s1 =	sadd.s32 s22, s1;
	[tilespmem:s0+$0x1500] =	vst @p0 v11  }
0x3c2: {  	v11 =	vld [tilespmem:s1+$0x0];
	_ =	sdelay $0x1  }
0x3c3: {  	v12 =	vld [tilespmem:s1+$0xA80];
	_ =	sdelay $0x2  }
0x3c4: {  	(v2sf) =	vpush v11, $0x0;
	_ =	sdelay $0x1  }
0x3c5: {  	(v2sf) =	vpush v12, $0x0;
	_ =	sdelay $0xc  }
0x3c6: {  	s30 =	spop (v2sf)  }
0x3c7: {  	s0 =	ssub.s32 s30, s4  }
0x3c8: {  	s31 =	spop (v2sf);
	s0 =	smul.u32 $0x180, s0  }
0x3c9: {  	s2 =	sshra.s32 s31, $0x5  }
0x3ca: {  	s0 =	sadd.s32 s0, s2  }
0x3cb: {  	s8 =	sand.u32 $0x70, s2;
	s0 =	sand.u32 $0xFFFFFF80, s0  }
0x3cc: {  	s0 =	sor.u32 s8, s0  }
0x3cd: {  	v11 =	vld [tilespmem:s0+$0x1500]  }
0x3ce: {  	s1 =	sand.u32 $0x1F, s31;
	s2 =	sand.u32 $0xF, s2  }
0x3cf: {  	s1 =	sshll.u32 s11, s1;
	v62 =	vmov s2  }
0x3d0: {  	v63 =	vmov s1;
	vm1 =	veq.s32 v62, v4  }
0x3d1: {  	v12 =	vnsel vm1, $0x0, v63  }
0x3d2: {  	v11 =	vor.u32 v11, v12  }
0x3d3: {  	[tilespmem:s0+$0x1500] =	vst v11  }
.LBB2_84:
0x3d4: {  	p0 =	sne.s32 s20, $0x1  }
.Ltmp65:
0x3d5: {  	_ = 	snop;
	(pc) =	sbr.rel @p0 .LBB2_86-.Ltmp65, $2  }
0x3d6: {  	_ =	sdelay $0x2  }
0x3d7: {  	s21 =	sor.u32 $0xA0, s14  }
0x3d8: {  	v11 =	vld [tilespmem:s21+$0xA80]  }
0x3d9: {  	v63 =	vld [tilespmem:$0x1FFB0];
	_ =	sdelay $0x2  }
0x3da: {  	v10 =	vsub.s32 v10, v0  }
0x3db: {  	v10 =	vmul.u32 $0x180, v10  }
0x3dc: {  	v12 =	vshra.s32 v11, $0x5;
	vm1 =	vnez.u8 v63  }
0x3dd: {  	v10 =	vadd.s32 v10, v12;
	_ =	sdelay $0x4  }
0x3de: {  	v12 =	vld.idx.msk [tilespmem:v10+s9+$0x0], vm1;
	_ =	sdelay $0x1  }
.Ltmp66:
0x3df: {  	_ = 	snop;
	(pc) =	sbr.rel .LBB2_92-.Ltmp66, $4  }
0x3e0: {  	v11 =	vand.u32 $0x1F, v11  }
0x3e1: {  	v11 =	vshll.u32 v3, v11  }
0x3e2: {  	v11 =	vor.u32 v12, v11  }
0x3e3: {  	[tilespmem:v10+s9+$0x0] =	vst.idx.msk vm1, v11  }
.LBB2_86:
0x3e4: {  	p0 =	slt.s32 s20, $0x2  }
.Ltmp67:
0x3e5: {  	_ = 	snop;
	(pc) =	sbr.rel @p0 .LBB2_92-.Ltmp67, $1  }
0x3e6: {  	_ =	sdelay $0x3  }
0x3e7: {  	v10 =	vld [tilespmem:$0x1FFB0];
	_ =	sdelay $0x4  }
0x3e8: {  	vm2 =	vnez.u8 v10  }
0x3e9: {  	v10 =	vmctz.xlane vm2;
	_ =	sdelay $0x1  }
0x3ea: {  	(v2sf) =	vpush v10, $0x0;
	_ =	sdelay $0x9  }
0x3eb: {  	p1 =	sne.s32 s20, $0x1  }
.Ltmp68:
0x3ec: {  	_ = 	snop;
	(pc) =	sbr.rel @!p1 .LBB2_88-.Ltmp68, $3  }
0x3ed: {  	v10 =	vbroadcast v10, $0x0;
	_ =	sdelay $0x1  }
0x3ee: {  	vm1 =	vne.s32 v10, v4  }
0x3ef: {  	s20 =	sadd.s32 $0xFFFFFFFF, s20;
	p0 =	por $0x0, $0x0;
	vm5 =	vmand vm2, vm1;
	s1 =	spop (v2sf)  }
0x3f0: {  	s0 =	sadd.s32 s21, s1  }
0x3f1: {  	v10 =	vld [tilespmem:s0+$0x0];
	_ =	sdelay $0x1  }
0x3f2: {  	v11 =	vld [tilespmem:s0+$0xA80];
	_ =	sdelay $0x2  }
0x3f3: {  	(v2sf) =	vpush v10, $0x0;
	_ =	sdelay $0x1  }
0x3f4: {  	(v2sf) =	vpush v11, $0x0;
	_ =	sdelay $0x7  }
0x3f5: {  	v10 =	vmctz.xlane vm5;
	_ =	sdelay $0x1  }
0x3f6: {  	(v2sf) =	vpush v10, $0x0;
	_ =	sdelay $0x2  }
0x3f7: {  	s30 =	spop (v2sf)  }
0x3f8: {  	s0 =	ssub.s32 s30, s4  }
0x3f9: {  	s31 =	spop (v2sf);
	s0 =	smul.u32 $0x180, s0  }
0x3fa: {  	s2 =	sshra.s32 s31, $0x5  }
0x3fb: {  	s0 =	sadd.s32 s0, s2  }
0x3fc: {  	s8 =	sand.u32 $0x70, s2;
	s0 =	sand.u32 $0xFFFFFF80, s0  }
0x3fd: {  	s0 =	sor.u32 s8, s0  }
0x3fe: {  	p1 =	sne.s32 s20, $0x1;
	v11 =	vld [tilespmem:s0+$0x1500]  }
.Ltmp69:
0x3ff: {  	s1 =	sand.u32 $0x1F, s31;
	s2 =	sand.u32 $0xF, s2;
	(pc) =	sbr.rel @!p1 .LBB2_91-.Ltmp69, $4  }
0x400: {  	v10 =	vbroadcast v10, $0x0;
	s1 =	sshll.u32 s11, s1;
	v12 =	vmov s2  }
0x401: {  	v63 =	vmov s1;
	vm1 =	veq.s32 v12, v4  }
0x402: {  	v12 =	vnsel vm1, $0x0, v63;
	vm1 =	vne.s32 v10, v4  }
0x403: {  	s20 =	sadd.s32 $0xFFFFFFFF, s20;
	p0 =	por $0x1, $0x1;
	s1 =	spop (v2sf);
	vm5 =	vmand vm5, vm1;
	v10 =	vor.u32 v11, v12  }
.LBB2_90:
0x404: {  	p1 =	sne.s32 s20, $0x1;
	s20 =	sadd.s32 $0xFFFFFFFF, s20;
	s1 =	sadd.s32 s21, s1;
	[tilespmem:s0+$0x1500] =	vst v10  }
0x405: {  	v10 =	vld [tilespmem:s1+$0x0];
	_ =	sdelay $0x1  }
0x406: {  	v11 =	vld [tilespmem:s1+$0xA80];
	_ =	sdelay $0x2  }
0x407: {  	(v2sf) =	vpush v10, $0x0;
	_ =	sdelay $0x1  }
0x408: {  	(v2sf) =	vpush v11, $0x0;
	_ =	sdelay $0x7  }
0x409: {  	v10 =	vmctz.xlane vm5;
	_ =	sdelay $0x1  }
0x40a: {  	v11 =	vbroadcast v10, $0x0;
	(v2sf) =	vpush v10, $0x0;
	_ =	sdelay $0x1  }
0x40b: {  	vm1 =	vne.s32 v11, v4  }
0x40c: {  	vm5 =	vmand vm5, vm1;
	s0 =	spop (v2sf)  }
0x40d: {  	s0 =	ssub.s32 s0, s4  }
0x40e: {  	s0 =	smul.u32 $0x180, s0;
	s1 =	spop (v2sf)  }
0x40f: {  	s2 =	sshra.s32 s1, $0x5;
	s1 =	sand.u32 $0x1F, s1  }
0x410: {  	s8 =	sand.u32 $0xF, s2;
	s0 =	sadd.s32 s0, s2;
	s1 =	sshll.u32 s11, s1  }
0x411: {  	s2 =	sand.u32 $0x70, s2;
	s0 =	sand.u32 $0xFFFFFF80, s0;
	v10 =	vmov s8  }
0x412: {  	s0 =	sor.u32 s2, s0;
	vm1 =	veq.s32 v10, v4  }
0x413: {  	v10 =	vld [tilespmem:s0+$0x1500]  }
.Ltmp70:
0x414: {  	(pc) =	sbr.rel @p1 .LBB2_90-.Ltmp70, $4  }
0x415: {  	_ = 	snop  }
0x416: {  	v11 =	vmov s1  }
0x417: {  	v11 =	vnsel vm1, $0x0, v11  }
0x418: {  	s1 =	spop (v2sf);
	v10 =	vor.u32 v10, v11  }
.LBB2_91:
0x419: {  	s1 =	sadd.s32 s21, s1;
	[tilespmem:s0+$0x1500] =	vst @p0 v10  }
0x41a: {  	v10 =	vld [tilespmem:s1+$0x0];
	_ =	sdelay $0x1  }
0x41b: {  	v11 =	vld [tilespmem:s1+$0xA80];
	_ =	sdelay $0x2  }
0x41c: {  	(v2sf) =	vpush v10, $0x0;
	_ =	sdelay $0x1  }
0x41d: {  	(v2sf) =	vpush v11, $0x0;
	_ =	sdelay $0xc  }
0x41e: {  	s30 =	spop (v2sf)  }
0x41f: {  	s0 =	ssub.s32 s30, s4  }
0x420: {  	s31 =	spop (v2sf);
	s0 =	smul.u32 $0x180, s0  }
0x421: {  	s2 =	sshra.s32 s31, $0x5  }
0x422: {  	s0 =	sadd.s32 s0, s2  }
0x423: {  	s8 =	sand.u32 $0x70, s2;
	s0 =	sand.u32 $0xFFFFFF80, s0  }
0x424: {  	s0 =	sor.u32 s8, s0  }
0x425: {  	v10 =	vld [tilespmem:s0+$0x1500]  }
0x426: {  	s1 =	sand.u32 $0x1F, s31;
	s2 =	sand.u32 $0xF, s2  }
0x427: {  	s1 =	sshll.u32 s11, s1;
	v11 =	vmov s2  }
0x428: {  	vm1 =	veq.s32 v11, v4;
	v11 =	vmov s1  }
0x429: {  	v11 =	vnsel vm1, $0x0, v11  }
0x42a: {  	v10 =	vor.u32 v10, v11  }
0x42b: {  	[tilespmem:s0+$0x1500] =	vst v10  }
.LBB2_92:
0x42c: {  	p0 =	sne.s32 s19, $0x1  }
.Ltmp71:
0x42d: {  	_ = 	snop;
	(pc) =	sbr.rel @p0 .LBB2_94-.Ltmp71, $2  }
0x42e: {  	_ =	sdelay $0x2  }
0x42f: {  	s20 =	sor.u32 $0xB0, s14  }
0x430: {  	v10 =	vld [tilespmem:s20+$0xA80];
	_ =	sdelay $0x2  }
0x431: {  	v9 =	vsub.s32 v9, v0  }
0x432: {  	v9 =	vmul.u32 $0x180, v9  }
0x433: {  	v11 =	vshra.s32 v10, $0x5  }
0x434: {  	v9 =	vadd.s32 v9, v11;
	v11 =	vld [tilespmem:$0x1FFC0];
	_ =	sdelay $0x4  }
0x435: {  	vm1 =	vnez.u8 v11;
	_ =	sdelay $0x5  }
0x436: {  	v11 =	vld.idx.msk [tilespmem:v9+s9+$0x0], vm1;
	_ =	sdelay $0x1  }
.Ltmp72:
0x437: {  	_ = 	snop;
	(pc) =	sbr.rel .LBB2_100-.Ltmp72, $4  }
0x438: {  	v10 =	vand.u32 $0x1F, v10  }
0x439: {  	v10 =	vshll.u32 v3, v10  }
0x43a: {  	v10 =	vor.u32 v11, v10  }
0x43b: {  	[tilespmem:v9+s9+$0x0] =	vst.idx.msk vm1, v10  }
.LBB2_94:
0x43c: {  	p0 =	slt.s32 s19, $0x2  }
.Ltmp73:
0x43d: {  	_ = 	snop;
	(pc) =	sbr.rel @p0 .LBB2_100-.Ltmp73, $1  }
0x43e: {  	_ =	sdelay $0x3  }
0x43f: {  	v9 =	vld [tilespmem:$0x1FFC0];
	_ =	sdelay $0x4  }
0x440: {  	vm2 =	vnez.u8 v9  }
0x441: {  	v9 =	vmctz.xlane vm2;
	_ =	sdelay $0x1  }
0x442: {  	(v2sf) =	vpush v9, $0x0;
	_ =	sdelay $0x9  }
0x443: {  	p1 =	sne.s32 s19, $0x1  }
.Ltmp74:
0x444: {  	_ = 	snop;
	(pc) =	sbr.rel @!p1 .LBB2_96-.Ltmp74, $3  }
0x445: {  	v9 =	vbroadcast v9, $0x0;
	_ =	sdelay $0x1  }
0x446: {  	vm1 =	vne.s32 v9, v4  }
0x447: {  	s19 =	sadd.s32 $0xFFFFFFFF, s19;
	p0 =	por $0x0, $0x0;
	vm4 =	vmand vm2, vm1;
	s1 =	spop (v2sf)  }
0x448: {  	s0 =	sadd.s32 s20, s1  }
0x449: {  	v9 =	vld [tilespmem:s0+$0x0];
	_ =	sdelay $0x1  }
0x44a: {  	v10 =	vld [tilespmem:s0+$0xA80];
	_ =	sdelay $0x2  }
0x44b: {  	(v2sf) =	vpush v9, $0x0;
	_ =	sdelay $0x1  }
0x44c: {  	(v2sf) =	vpush v10, $0x0;
	_ =	sdelay $0x7  }
0x44d: {  	v9 =	vmctz.xlane vm4;
	_ =	sdelay $0x1  }
0x44e: {  	(v2sf) =	vpush v9, $0x0;
	_ =	sdelay $0x2  }
0x44f: {  	s30 =	spop (v2sf)  }
0x450: {  	s0 =	ssub.s32 s30, s4  }
0x451: {  	s31 =	spop (v2sf);
	s0 =	smul.u32 $0x180, s0  }
0x452: {  	s2 =	sshra.s32 s31, $0x5  }
0x453: {  	s0 =	sadd.s32 s0, s2  }
0x454: {  	s8 =	sand.u32 $0x70, s2;
	s0 =	sand.u32 $0xFFFFFF80, s0  }
0x455: {  	s0 =	sor.u32 s8, s0  }
0x456: {  	p1 =	sne.s32 s19, $0x1;
	v10 =	vld [tilespmem:s0+$0x1500]  }
.Ltmp75:
0x457: {  	s1 =	sand.u32 $0x1F, s31;
	s2 =	sand.u32 $0xF, s2;
	(pc) =	sbr.rel @!p1 .LBB2_99-.Ltmp75, $4  }
0x458: {  	v9 =	vbroadcast v9, $0x0;
	s1 =	sshll.u32 s11, s1;
	v11 =	vmov s2  }
0x459: {  	vm1 =	veq.s32 v11, v4;
	v11 =	vmov s1  }
0x45a: {  	v11 =	vnsel vm1, $0x0, v11;
	vm1 =	vne.s32 v9, v4  }
0x45b: {  	s19 =	sadd.s32 $0xFFFFFFFF, s19;
	p0 =	por $0x1, $0x1;
	s1 =	spop (v2sf);
	vm4 =	vmand vm4, vm1;
	v9 =	vor.u32 v10, v11  }
.LBB2_98:
0x45c: {  	p1 =	sne.s32 s19, $0x1;
	s19 =	sadd.s32 $0xFFFFFFFF, s19;
	s1 =	sadd.s32 s20, s1;
	[tilespmem:s0+$0x1500] =	vst v9  }
0x45d: {  	v9 =	vld [tilespmem:s1+$0x0];
	_ =	sdelay $0x1  }
0x45e: {  	v10 =	vld [tilespmem:s1+$0xA80];
	_ =	sdelay $0x2  }
0x45f: {  	(v2sf) =	vpush v9, $0x0;
	_ =	sdelay $0x1  }
0x460: {  	(v2sf) =	vpush v10, $0x0;
	_ =	sdelay $0x7  }
0x461: {  	v9 =	vmctz.xlane vm4;
	_ =	sdelay $0x1  }
0x462: {  	v10 =	vbroadcast v9, $0x0;
	(v2sf) =	vpush v9, $0x0;
	_ =	sdelay $0x1  }
0x463: {  	vm1 =	vne.s32 v10, v4  }
0x464: {  	vm4 =	vmand vm4, vm1;
	s0 =	spop (v2sf)  }
0x465: {  	s0 =	ssub.s32 s0, s4  }
0x466: {  	s0 =	smul.u32 $0x180, s0;
	s1 =	spop (v2sf)  }
0x467: {  	s2 =	sshra.s32 s1, $0x5;
	s1 =	sand.u32 $0x1F, s1  }
0x468: {  	s8 =	sand.u32 $0xF, s2;
	s0 =	sadd.s32 s0, s2;
	s1 =	sshll.u32 s11, s1  }
0x469: {  	s2 =	sand.u32 $0x70, s2;
	s0 =	sand.u32 $0xFFFFFF80, s0;
	v9 =	vmov s8  }
0x46a: {  	s0 =	sor.u32 s2, s0;
	vm1 =	veq.s32 v9, v4  }
0x46b: {  	v9 =	vld [tilespmem:s0+$0x1500]  }
.Ltmp76:
0x46c: {  	(pc) =	sbr.rel @p1 .LBB2_98-.Ltmp76, $4  }
0x46d: {  	_ = 	snop  }
0x46e: {  	v10 =	vmov s1  }
0x46f: {  	v10 =	vnsel vm1, $0x0, v10  }
0x470: {  	s1 =	spop (v2sf);
	v9 =	vor.u32 v9, v10  }
.LBB2_99:
0x471: {  	s1 =	sadd.s32 s20, s1;
	[tilespmem:s0+$0x1500] =	vst @p0 v9  }
0x472: {  	v9 =	vld [tilespmem:s1+$0x0];
	_ =	sdelay $0x1  }
0x473: {  	v10 =	vld [tilespmem:s1+$0xA80];
	_ =	sdelay $0x2  }
0x474: {  	(v2sf) =	vpush v9, $0x0;
	_ =	sdelay $0x1  }
0x475: {  	(v2sf) =	vpush v10, $0x0;
	_ =	sdelay $0xc  }
0x476: {  	s30 =	spop (v2sf)  }
0x477: {  	s0 =	ssub.s32 s30, s4  }
0x478: {  	s31 =	spop (v2sf);
	s0 =	smul.u32 $0x180, s0  }
0x479: {  	s2 =	sshra.s32 s31, $0x5  }
0x47a: {  	s0 =	sadd.s32 s0, s2  }
0x47b: {  	s8 =	sand.u32 $0x70, s2;
	s0 =	sand.u32 $0xFFFFFF80, s0  }
0x47c: {  	s0 =	sor.u32 s8, s0  }
0x47d: {  	v9 =	vld [tilespmem:s0+$0x1500]  }
0x47e: {  	s1 =	sand.u32 $0x1F, s31;
	s2 =	sand.u32 $0xF, s2  }
0x47f: {  	s1 =	sshll.u32 s11, s1;
	v10 =	vmov s2  }
0x480: {  	vm1 =	veq.s32 v10, v4;
	v10 =	vmov s1  }
0x481: {  	v10 =	vnsel vm1, $0x0, v10  }
0x482: {  	v9 =	vor.u32 v9, v10  }
0x483: {  	[tilespmem:s0+$0x1500] =	vst v9  }
.LBB2_100:
0x484: {  	p0 =	sne.s32 s18, $0x1  }
.Ltmp77:
0x485: {  	_ = 	snop;
	(pc) =	sbr.rel @p0 .LBB2_102-.Ltmp77, $2  }
0x486: {  	_ =	sdelay $0x2  }
0x487: {  	s19 =	sor.u32 $0xC0, s14  }
0x488: {  	v9 =	vld [tilespmem:s19+$0xA80]  }
0x489: {  	v63 =	vld [tilespmem:$0x1FFD0];
	_ =	sdelay $0x2  }
0x48a: {  	v8 =	vsub.s32 v8, v0  }
0x48b: {  	v8 =	vmul.u32 $0x180, v8  }
0x48c: {  	v10 =	vshra.s32 v9, $0x5;
	vm1 =	vnez.u8 v63  }
0x48d: {  	v8 =	vadd.s32 v8, v10;
	_ =	sdelay $0x4  }
0x48e: {  	v10 =	vld.idx.msk [tilespmem:v8+s9+$0x0], vm1;
	_ =	sdelay $0x1  }
.Ltmp78:
0x48f: {  	_ = 	snop;
	(pc) =	sbr.rel .LBB2_108-.Ltmp78, $4  }
0x490: {  	v9 =	vand.u32 $0x1F, v9  }
0x491: {  	v9 =	vshll.u32 v3, v9  }
0x492: {  	v9 =	vor.u32 v10, v9  }
0x493: {  	[tilespmem:v8+s9+$0x0] =	vst.idx.msk vm1, v9  }
.LBB2_102:
0x494: {  	p0 =	slt.s32 s18, $0x2  }
.Ltmp79:
0x495: {  	_ = 	snop;
	(pc) =	sbr.rel @p0 .LBB2_108-.Ltmp79, $1  }
0x496: {  	_ =	sdelay $0x3  }
0x497: {  	v8 =	vld [tilespmem:$0x1FFD0];
	_ =	sdelay $0x4  }
0x498: {  	vm2 =	vnez.u8 v8  }
0x499: {  	v8 =	vmctz.xlane vm2;
	_ =	sdelay $0x1  }
0x49a: {  	(v2sf) =	vpush v8, $0x0;
	_ =	sdelay $0x9  }
0x49b: {  	p1 =	sne.s32 s18, $0x1  }
.Ltmp80:
0x49c: {  	_ = 	snop;
	(pc) =	sbr.rel @!p1 .LBB2_104-.Ltmp80, $3  }
0x49d: {  	v8 =	vbroadcast v8, $0x0;
	_ =	sdelay $0x1  }
0x49e: {  	vm1 =	vne.s32 v8, v4  }
0x49f: {  	s18 =	sadd.s32 $0xFFFFFFFF, s18;
	p0 =	por $0x0, $0x0;
	vm3 =	vmand vm2, vm1;
	s1 =	spop (v2sf)  }
0x4a0: {  	s0 =	sadd.s32 s19, s1  }
0x4a1: {  	v8 =	vld [tilespmem:s0+$0x0];
	_ =	sdelay $0x1  }
0x4a2: {  	v9 =	vld [tilespmem:s0+$0xA80];
	_ =	sdelay $0x2  }
0x4a3: {  	(v2sf) =	vpush v8, $0x0;
	_ =	sdelay $0x1  }
0x4a4: {  	(v2sf) =	vpush v9, $0x0;
	_ =	sdelay $0x7  }
0x4a5: {  	v8 =	vmctz.xlane vm3;
	_ =	sdelay $0x1  }
0x4a6: {  	(v2sf) =	vpush v8, $0x0;
	_ =	sdelay $0x2  }
0x4a7: {  	s30 =	spop (v2sf)  }
0x4a8: {  	s0 =	ssub.s32 s30, s4  }
0x4a9: {  	s31 =	spop (v2sf);
	s0 =	smul.u32 $0x180, s0  }
0x4aa: {  	s2 =	sshra.s32 s31, $0x5  }
0x4ab: {  	s0 =	sadd.s32 s0, s2  }
0x4ac: {  	s8 =	sand.u32 $0x70, s2;
	s0 =	sand.u32 $0xFFFFFF80, s0  }
0x4ad: {  	s0 =	sor.u32 s8, s0  }
0x4ae: {  	p1 =	sne.s32 s18, $0x1;
	v9 =	vld [tilespmem:s0+$0x1500]  }
.Ltmp81:
0x4af: {  	s1 =	sand.u32 $0x1F, s31;
	s2 =	sand.u32 $0xF, s2;
	(pc) =	sbr.rel @!p1 .LBB2_107-.Ltmp81, $4  }
0x4b0: {  	v8 =	vbroadcast v8, $0x0;
	s1 =	sshll.u32 s11, s1;
	v10 =	vmov s2  }
0x4b1: {  	vm1 =	veq.s32 v10, v4;
	v10 =	vmov s1  }
0x4b2: {  	v10 =	vnsel vm1, $0x0, v10;
	vm1 =	vne.s32 v8, v4  }
0x4b3: {  	s18 =	sadd.s32 $0xFFFFFFFF, s18;
	p0 =	por $0x1, $0x1;
	s1 =	spop (v2sf);
	vm3 =	vmand vm3, vm1;
	v8 =	vor.u32 v9, v10  }
.LBB2_106:
0x4b4: {  	p1 =	sne.s32 s18, $0x1;
	s18 =	sadd.s32 $0xFFFFFFFF, s18;
	s1 =	sadd.s32 s19, s1;
	[tilespmem:s0+$0x1500] =	vst v8  }
0x4b5: {  	v8 =	vld [tilespmem:s1+$0x0];
	_ =	sdelay $0x1  }
0x4b6: {  	v9 =	vld [tilespmem:s1+$0xA80];
	_ =	sdelay $0x2  }
0x4b7: {  	(v2sf) =	vpush v8, $0x0;
	_ =	sdelay $0x1  }
0x4b8: {  	(v2sf) =	vpush v9, $0x0;
	_ =	sdelay $0x7  }
0x4b9: {  	v8 =	vmctz.xlane vm3;
	_ =	sdelay $0x1  }
0x4ba: {  	v9 =	vbroadcast v8, $0x0;
	(v2sf) =	vpush v8, $0x0;
	_ =	sdelay $0x1  }
0x4bb: {  	vm1 =	vne.s32 v9, v4  }
0x4bc: {  	vm3 =	vmand vm3, vm1;
	s0 =	spop (v2sf)  }
0x4bd: {  	s0 =	ssub.s32 s0, s4  }
0x4be: {  	s0 =	smul.u32 $0x180, s0;
	s1 =	spop (v2sf)  }
0x4bf: {  	s2 =	sshra.s32 s1, $0x5;
	s1 =	sand.u32 $0x1F, s1  }
0x4c0: {  	s8 =	sand.u32 $0xF, s2;
	s0 =	sadd.s32 s0, s2;
	s1 =	sshll.u32 s11, s1  }
0x4c1: {  	s2 =	sand.u32 $0x70, s2;
	s0 =	sand.u32 $0xFFFFFF80, s0;
	v8 =	vmov s8  }
0x4c2: {  	s0 =	sor.u32 s2, s0;
	vm1 =	veq.s32 v8, v4  }
0x4c3: {  	v8 =	vld [tilespmem:s0+$0x1500]  }
.Ltmp82:
0x4c4: {  	(pc) =	sbr.rel @p1 .LBB2_106-.Ltmp82, $4  }
0x4c5: {  	_ = 	snop  }
0x4c6: {  	v9 =	vmov s1  }
0x4c7: {  	v9 =	vnsel vm1, $0x0, v9  }
0x4c8: {  	s1 =	spop (v2sf);
	v8 =	vor.u32 v8, v9  }
.LBB2_107:
0x4c9: {  	s1 =	sadd.s32 s19, s1;
	[tilespmem:s0+$0x1500] =	vst @p0 v8  }
0x4ca: {  	v8 =	vld [tilespmem:s1+$0x0];
	_ =	sdelay $0x1  }
0x4cb: {  	v9 =	vld [tilespmem:s1+$0xA80];
	_ =	sdelay $0x2  }
0x4cc: {  	(v2sf) =	vpush v8, $0x0;
	_ =	sdelay $0x1  }
0x4cd: {  	(v2sf) =	vpush v9, $0x0;
	_ =	sdelay $0xc  }
0x4ce: {  	s30 =	spop (v2sf)  }
0x4cf: {  	s0 =	ssub.s32 s30, s4  }
0x4d0: {  	s31 =	spop (v2sf);
	s0 =	smul.u32 $0x180, s0  }
0x4d1: {  	s2 =	sshra.s32 s31, $0x5  }
0x4d2: {  	s0 =	sadd.s32 s0, s2  }
0x4d3: {  	s8 =	sand.u32 $0x70, s2;
	s0 =	sand.u32 $0xFFFFFF80, s0  }
0x4d4: {  	s0 =	sor.u32 s8, s0  }
0x4d5: {  	v8 =	vld [tilespmem:s0+$0x1500]  }
0x4d6: {  	s1 =	sand.u32 $0x1F, s31;
	s2 =	sand.u32 $0xF, s2  }
0x4d7: {  	s1 =	sshll.u32 s11, s1;
	v62 =	vmov s2  }
0x4d8: {  	v63 =	vmov s1;
	vm1 =	veq.s32 v62, v4  }
0x4d9: {  	v9 =	vnsel vm1, $0x0, v63  }
0x4da: {  	v8 =	vor.u32 v8, v9  }
0x4db: {  	[tilespmem:s0+$0x1500] =	vst v8  }
.LBB2_108:
0x4dc: {  	p0 =	sne.s32 s17, $0x1  }
.Ltmp83:
0x4dd: {  	_ = 	snop;
	(pc) =	sbr.rel @p0 .LBB2_110-.Ltmp83, $2  }
0x4de: {  	_ =	sdelay $0x2  }
0x4df: {  	s18 =	sor.u32 $0xD0, s14  }
0x4e0: {  	v8 =	vld [tilespmem:s18+$0xA80]  }
0x4e1: {  	v63 =	vld [tilespmem:$0x1FFE0];
	_ =	sdelay $0x2  }
0x4e2: {  	v7 =	vsub.s32 v7, v0  }
0x4e3: {  	v7 =	vmul.u32 $0x180, v7  }
0x4e4: {  	v9 =	vshra.s32 v8, $0x5;
	vm1 =	vnez.u8 v63  }
0x4e5: {  	v7 =	vadd.s32 v7, v9;
	_ =	sdelay $0x4  }
0x4e6: {  	v9 =	vld.idx.msk [tilespmem:v7+s9+$0x0], vm1;
	_ =	sdelay $0x1  }
.Ltmp84:
0x4e7: {  	_ = 	snop;
	(pc) =	sbr.rel .LBB2_116-.Ltmp84, $4  }
0x4e8: {  	v8 =	vand.u32 $0x1F, v8  }
0x4e9: {  	v8 =	vshll.u32 v3, v8  }
0x4ea: {  	v8 =	vor.u32 v9, v8  }
0x4eb: {  	[tilespmem:v7+s9+$0x0] =	vst.idx.msk vm1, v8  }
.LBB2_110:
0x4ec: {  	p0 =	slt.s32 s17, $0x2  }
.Ltmp85:
0x4ed: {  	_ = 	snop;
	(pc) =	sbr.rel @p0 .LBB2_116-.Ltmp85, $1  }
0x4ee: {  	_ =	sdelay $0x3  }
0x4ef: {  	v7 =	vld [tilespmem:$0x1FFE0];
	_ =	sdelay $0x4  }
0x4f0: {  	vm2 =	vnez.u8 v7  }
0x4f1: {  	v7 =	vmctz.xlane vm2;
	_ =	sdelay $0x1  }
0x4f2: {  	(v2sf) =	vpush v7, $0x0;
	_ =	sdelay $0x9  }
0x4f3: {  	p1 =	sne.s32 s17, $0x1  }
.Ltmp86:
0x4f4: {  	_ = 	snop;
	(pc) =	sbr.rel @!p1 .LBB2_112-.Ltmp86, $3  }
0x4f5: {  	v7 =	vbroadcast v7, $0x0;
	_ =	sdelay $0x1  }
0x4f6: {  	vm1 =	vne.s32 v7, v4  }
0x4f7: {  	s17 =	sadd.s32 $0xFFFFFFFF, s17;
	p0 =	por $0x0, $0x0;
	vm2 =	vmand vm2, vm1;
	s1 =	spop (v2sf)  }
0x4f8: {  	s0 =	sadd.s32 s18, s1  }
0x4f9: {  	v7 =	vld [tilespmem:s0+$0x0];
	_ =	sdelay $0x1  }
0x4fa: {  	v8 =	vld [tilespmem:s0+$0xA80];
	_ =	sdelay $0x2  }
0x4fb: {  	(v2sf) =	vpush v7, $0x0;
	_ =	sdelay $0x1  }
0x4fc: {  	(v2sf) =	vpush v8, $0x0;
	_ =	sdelay $0x7  }
0x4fd: {  	v7 =	vmctz.xlane vm2;
	_ =	sdelay $0x1  }
0x4fe: {  	(v2sf) =	vpush v7, $0x0;
	_ =	sdelay $0x2  }
0x4ff: {  	s30 =	spop (v2sf)  }
0x500: {  	s0 =	ssub.s32 s30, s4  }
0x501: {  	s31 =	spop (v2sf);
	s0 =	smul.u32 $0x180, s0  }
0x502: {  	s2 =	sshra.s32 s31, $0x5  }
0x503: {  	s0 =	sadd.s32 s0, s2  }
0x504: {  	s8 =	sand.u32 $0x70, s2;
	s0 =	sand.u32 $0xFFFFFF80, s0  }
0x505: {  	s0 =	sor.u32 s8, s0  }
0x506: {  	p1 =	sne.s32 s17, $0x1;
	v8 =	vld [tilespmem:s0+$0x1500]  }
.Ltmp87:
0x507: {  	s1 =	sand.u32 $0x1F, s31;
	s2 =	sand.u32 $0xF, s2;
	(pc) =	sbr.rel @!p1 .LBB2_115-.Ltmp87, $4  }
0x508: {  	v7 =	vbroadcast v7, $0x0;
	s1 =	sshll.u32 s11, s1;
	v9 =	vmov s2  }
0x509: {  	v63 =	vmov s1;
	vm1 =	veq.s32 v9, v4  }
0x50a: {  	v9 =	vnsel vm1, $0x0, v63;
	vm1 =	vne.s32 v7, v4  }
0x50b: {  	s17 =	sadd.s32 $0xFFFFFFFF, s17;
	p0 =	por $0x1, $0x1;
	s1 =	spop (v2sf);
	vm2 =	vmand vm2, vm1;
	v7 =	vor.u32 v8, v9  }
.LBB2_114:
0x50c: {  	p1 =	sne.s32 s17, $0x1;
	s17 =	sadd.s32 $0xFFFFFFFF, s17;
	s1 =	sadd.s32 s18, s1;
	[tilespmem:s0+$0x1500] =	vst v7  }
0x50d: {  	v7 =	vld [tilespmem:s1+$0x0];
	_ =	sdelay $0x1  }
0x50e: {  	v8 =	vld [tilespmem:s1+$0xA80];
	_ =	sdelay $0x2  }
0x50f: {  	(v2sf) =	vpush v7, $0x0;
	_ =	sdelay $0x1  }
0x510: {  	(v2sf) =	vpush v8, $0x0;
	_ =	sdelay $0x7  }
0x511: {  	v7 =	vmctz.xlane vm2;
	_ =	sdelay $0x1  }
0x512: {  	v8 =	vbroadcast v7, $0x0;
	(v2sf) =	vpush v7, $0x0;
	_ =	sdelay $0x1  }
0x513: {  	vm1 =	vne.s32 v8, v4  }
0x514: {  	vm2 =	vmand vm2, vm1;
	s0 =	spop (v2sf)  }
0x515: {  	s0 =	ssub.s32 s0, s4  }
0x516: {  	s0 =	smul.u32 $0x180, s0;
	s1 =	spop (v2sf)  }
0x517: {  	s2 =	sshra.s32 s1, $0x5;
	s1 =	sand.u32 $0x1F, s1  }
0x518: {  	s8 =	sand.u32 $0xF, s2;
	s0 =	sadd.s32 s0, s2;
	s1 =	sshll.u32 s11, s1  }
0x519: {  	s2 =	sand.u32 $0x70, s2;
	s0 =	sand.u32 $0xFFFFFF80, s0;
	v7 =	vmov s8  }
0x51a: {  	s0 =	sor.u32 s2, s0;
	vm1 =	veq.s32 v7, v4  }
0x51b: {  	v7 =	vld [tilespmem:s0+$0x1500]  }
.Ltmp88:
0x51c: {  	(pc) =	sbr.rel @p1 .LBB2_114-.Ltmp88, $4  }
0x51d: {  	_ = 	snop  }
0x51e: {  	v8 =	vmov s1  }
0x51f: {  	v8 =	vnsel vm1, $0x0, v8  }
0x520: {  	s1 =	spop (v2sf);
	v7 =	vor.u32 v7, v8  }
.LBB2_115:
0x521: {  	s1 =	sadd.s32 s18, s1;
	[tilespmem:s0+$0x1500] =	vst @p0 v7  }
0x522: {  	v7 =	vld [tilespmem:s1+$0x0];
	_ =	sdelay $0x1  }
0x523: {  	v8 =	vld [tilespmem:s1+$0xA80];
	_ =	sdelay $0x2  }
0x524: {  	(v2sf) =	vpush v7, $0x0;
	_ =	sdelay $0x1  }
0x525: {  	(v2sf) =	vpush v8, $0x0;
	_ =	sdelay $0xc  }
0x526: {  	s30 =	spop (v2sf)  }
0x527: {  	s0 =	ssub.s32 s30, s4  }
0x528: {  	s31 =	spop (v2sf);
	s0 =	smul.u32 $0x180, s0  }
0x529: {  	s2 =	sshra.s32 s31, $0x5  }
0x52a: {  	s0 =	sadd.s32 s0, s2  }
0x52b: {  	s8 =	sand.u32 $0x70, s2;
	s0 =	sand.u32 $0xFFFFFF80, s0  }
0x52c: {  	s0 =	sor.u32 s8, s0  }
0x52d: {  	v7 =	vld [tilespmem:s0+$0x1500]  }
0x52e: {  	s1 =	sand.u32 $0x1F, s31;
	s2 =	sand.u32 $0xF, s2  }
0x52f: {  	s1 =	sshll.u32 s11, s1;
	v8 =	vmov s2  }
0x530: {  	vm1 =	veq.s32 v8, v4;
	v8 =	vmov s1  }
0x531: {  	v8 =	vnsel vm1, $0x0, v8  }
0x532: {  	v7 =	vor.u32 v7, v8  }
0x533: {  	[tilespmem:s0+$0x1500] =	vst v7  }
.LBB2_116:
0x534: {  	p0 =	sne.s32 s16, $0x1  }
.Ltmp89:
0x535: {  	_ = 	snop;
	(pc) =	sbr.rel @p0 .LBB2_118-.Ltmp89, $2  }
0x536: {  	_ =	sdelay $0x2  }
0x537: {  	s17 =	sor.u32 $0xE0, s14  }
0x538: {  	v7 =	vld [tilespmem:s17+$0xA80]  }
0x539: {  	v63 =	vld [tilespmem:$0x1FFF0];
	_ =	sdelay $0x2  }
0x53a: {  	v6 =	vsub.s32 v6, v0  }
0x53b: {  	v6 =	vmul.u32 $0x180, v6  }
0x53c: {  	v8 =	vshra.s32 v7, $0x5;
	vm1 =	vnez.u8 v63  }
0x53d: {  	v6 =	vadd.s32 v6, v8;
	_ =	sdelay $0x4  }
0x53e: {  	v8 =	vld.idx.msk [tilespmem:v6+s9+$0x0], vm1;
	_ =	sdelay $0x1  }
.Ltmp90:
0x53f: {  	_ = 	snop;
	(pc) =	sbr.rel .LBB2_124-.Ltmp90, $4  }
0x540: {  	v7 =	vand.u32 $0x1F, v7  }
0x541: {  	v7 =	vshll.u32 v3, v7  }
0x542: {  	v7 =	vor.u32 v8, v7  }
0x543: {  	[tilespmem:v6+s9+$0x0] =	vst.idx.msk vm1, v7  }
.LBB2_118:
0x544: {  	p0 =	slt.s32 s16, $0x2  }
.Ltmp91:
0x545: {  	_ = 	snop;
	(pc) =	sbr.rel @p0 .LBB2_124-.Ltmp91, $1  }
0x546: {  	_ =	sdelay $0x3  }
0x547: {  	v6 =	vld [tilespmem:$0x1FFF0];
	_ =	sdelay $0x4  }
0x548: {  	vm2 =	vnez.u8 v6  }
0x549: {  	v6 =	vmctz.xlane vm2;
	_ =	sdelay $0x1  }
0x54a: {  	(v2sf) =	vpush v6, $0x0;
	_ =	sdelay $0x9  }
0x54b: {  	p1 =	sne.s32 s16, $0x1  }
.Ltmp92:
0x54c: {  	_ = 	snop;
	(pc) =	sbr.rel @!p1 .LBB2_120-.Ltmp92, $3  }
0x54d: {  	v6 =	vbroadcast v6, $0x0;
	_ =	sdelay $0x1  }
0x54e: {  	vm1 =	vne.s32 v6, v4  }
0x54f: {  	s16 =	sadd.s32 $0xFFFFFFFF, s16;
	p0 =	por $0x0, $0x0;
	vm1 =	vmand vm2, vm1;
	s1 =	spop (v2sf)  }
0x550: {  	s0 =	sadd.s32 s17, s1  }
0x551: {  	v6 =	vld [tilespmem:s0+$0x0];
	_ =	sdelay $0x1  }
0x552: {  	v7 =	vld [tilespmem:s0+$0xA80];
	_ =	sdelay $0x2  }
0x553: {  	(v2sf) =	vpush v6, $0x0;
	_ =	sdelay $0x1  }
0x554: {  	(v2sf) =	vpush v7, $0x0;
	_ =	sdelay $0x7  }
0x555: {  	v6 =	vmctz.xlane vm1;
	_ =	sdelay $0x1  }
0x556: {  	(v2sf) =	vpush v6, $0x0;
	_ =	sdelay $0x2  }
0x557: {  	s30 =	spop (v2sf)  }
0x558: {  	s0 =	ssub.s32 s30, s4  }
0x559: {  	s31 =	spop (v2sf);
	s0 =	smul.u32 $0x180, s0  }
0x55a: {  	s2 =	sshra.s32 s31, $0x5  }
0x55b: {  	s0 =	sadd.s32 s0, s2  }
0x55c: {  	s8 =	sand.u32 $0x70, s2;
	s0 =	sand.u32 $0xFFFFFF80, s0  }
0x55d: {  	s0 =	sor.u32 s8, s0  }
0x55e: {  	p1 =	sne.s32 s16, $0x1;
	v7 =	vld [tilespmem:s0+$0x1500]  }
.Ltmp93:
0x55f: {  	s1 =	sand.u32 $0x1F, s31;
	s2 =	sand.u32 $0xF, s2;
	(pc) =	sbr.rel @!p1 .LBB2_123-.Ltmp93, $4  }
0x560: {  	v6 =	vbroadcast v6, $0x0;
	s1 =	sshll.u32 s11, s1;
	v8 =	vmov s2  }
0x561: {  	vm2 =	veq.s32 v8, v4;
	v8 =	vmov s1  }
0x562: {  	v8 =	vnsel vm2, $0x0, v8;
	vm2 =	vne.s32 v6, v4  }
0x563: {  	s16 =	sadd.s32 $0xFFFFFFFF, s16;
	p0 =	por $0x1, $0x1;
	s1 =	spop (v2sf);
	vm1 =	vmand vm1, vm2;
	v6 =	vor.u32 v7, v8  }
.LBB2_122:
0x564: {  	p1 =	sne.s32 s16, $0x1;
	s16 =	sadd.s32 $0xFFFFFFFF, s16;
	s1 =	sadd.s32 s17, s1;
	[tilespmem:s0+$0x1500] =	vst v6  }
0x565: {  	v6 =	vld [tilespmem:s1+$0x0];
	_ =	sdelay $0x1  }
0x566: {  	v7 =	vld [tilespmem:s1+$0xA80];
	_ =	sdelay $0x2  }
0x567: {  	(v2sf) =	vpush v6, $0x0;
	_ =	sdelay $0x1  }
0x568: {  	(v2sf) =	vpush v7, $0x0;
	_ =	sdelay $0x7  }
0x569: {  	v6 =	vmctz.xlane vm1;
	_ =	sdelay $0x1  }
0x56a: {  	v7 =	vbroadcast v6, $0x0;
	(v2sf) =	vpush v6, $0x0;
	_ =	sdelay $0x1  }
0x56b: {  	vm2 =	vne.s32 v7, v4  }
0x56c: {  	vm1 =	vmand vm1, vm2;
	s0 =	spop (v2sf)  }
0x56d: {  	s0 =	ssub.s32 s0, s4  }
0x56e: {  	s0 =	smul.u32 $0x180, s0;
	s1 =	spop (v2sf)  }
0x56f: {  	s2 =	sshra.s32 s1, $0x5;
	s1 =	sand.u32 $0x1F, s1  }
0x570: {  	s8 =	sand.u32 $0xF, s2;
	s0 =	sadd.s32 s0, s2;
	s1 =	sshll.u32 s11, s1  }
0x571: {  	s2 =	sand.u32 $0x70, s2;
	s0 =	sand.u32 $0xFFFFFF80, s0;
	v6 =	vmov s8  }
0x572: {  	s0 =	sor.u32 s2, s0;
	vm2 =	veq.s32 v6, v4  }
0x573: {  	v6 =	vld [tilespmem:s0+$0x1500]  }
.Ltmp94:
0x574: {  	(pc) =	sbr.rel @p1 .LBB2_122-.Ltmp94, $4  }
0x575: {  	_ = 	snop  }
0x576: {  	v7 =	vmov s1  }
0x577: {  	v7 =	vnsel vm2, $0x0, v7  }
0x578: {  	s1 =	spop (v2sf);
	v6 =	vor.u32 v6, v7  }
.LBB2_123:
0x579: {  	s1 =	sadd.s32 s17, s1;
	[tilespmem:s0+$0x1500] =	vst @p0 v6  }
0x57a: {  	v6 =	vld [tilespmem:s1+$0x0];
	_ =	sdelay $0x1  }
0x57b: {  	v7 =	vld [tilespmem:s1+$0xA80];
	_ =	sdelay $0x2  }
0x57c: {  	(v2sf) =	vpush v6, $0x0;
	_ =	sdelay $0x1  }
0x57d: {  	(v2sf) =	vpush v7, $0x0;
	_ =	sdelay $0xc  }
0x57e: {  	s30 =	spop (v2sf)  }
0x57f: {  	s0 =	ssub.s32 s30, s4  }
0x580: {  	s31 =	spop (v2sf);
	s0 =	smul.u32 $0x180, s0  }
0x581: {  	s2 =	sshra.s32 s31, $0x5  }
0x582: {  	s0 =	sadd.s32 s0, s2  }
0x583: {  	s8 =	sand.u32 $0x70, s2;
	s0 =	sand.u32 $0xFFFFFF80, s0  }
0x584: {  	s0 =	sor.u32 s8, s0  }
0x585: {  	v6 =	vld [tilespmem:s0+$0x1500]  }
0x586: {  	s1 =	sand.u32 $0x1F, s31;
	s2 =	sand.u32 $0xF, s2  }
0x587: {  	s1 =	sshll.u32 s11, s1;
	v7 =	vmov s2  }
0x588: {  	vm1 =	veq.s32 v7, v4;
	v7 =	vmov s1  }
0x589: {  	v7 =	vnsel vm1, $0x0, v7  }
0x58a: {  	v6 =	vor.u32 v6, v7  }
0x58b: {  	[tilespmem:s0+$0x1500] =	vst v6  }
.LBB2_124:
0x58c: {  	p0 =	sne.s32 s15, $0x1  }
.Ltmp95:
0x58d: {  	_ = 	snop;
	(pc) =	sbr.rel @!p0 .LBB2_125-.Ltmp95, $2  }
0x58e: {  	_ =	sdelay $0x2  }
0x58f: {  	s14 =	sor.u32 $0xF0, s14  }
0x590: {  	p0 =	slt.s32 s15, $0x2  }
.Ltmp96:
0x591: {  	_ = 	snop;
	(pc) =	sbr.rel @p0 .LBB2_132-.Ltmp96, $1  }
0x592: {  	_ =	sdelay $0x3  }
0x593: {  	v5 =	vmctz.xlane vm0;
	_ =	sdelay $0x1  }
0x594: {  	(v2sf) =	vpush v5, $0x0;
	_ =	sdelay $0x9  }
0x595: {  	p1 =	sne.s32 s15, $0x1  }
.Ltmp97:
0x596: {  	_ = 	snop;
	(pc) =	sbr.rel @!p1 .LBB2_128-.Ltmp97, $3  }
0x597: {  	v5 =	vbroadcast v5, $0x0;
	_ =	sdelay $0x1  }
0x598: {  	vm1 =	vne.s32 v5, v4  }
0x599: {  	s15 =	sadd.s32 $0xFFFFFFFF, s15;
	p0 =	por $0x0, $0x0;
	vm0 =	vmand vm0, vm1;
	s1 =	spop (v2sf)  }
0x59a: {  	s0 =	sadd.s32 s14, s1  }
0x59b: {  	v5 =	vld [tilespmem:s0+$0x0];
	_ =	sdelay $0x1  }
0x59c: {  	v6 =	vld [tilespmem:s0+$0xA80];
	_ =	sdelay $0x2  }
0x59d: {  	(v2sf) =	vpush v5, $0x0;
	_ =	sdelay $0x1  }
0x59e: {  	(v2sf) =	vpush v6, $0x0;
	_ =	sdelay $0x7  }
0x59f: {  	v5 =	vmctz.xlane vm0;
	_ =	sdelay $0x1  }
0x5a0: {  	(v2sf) =	vpush v5, $0x0;
	_ =	sdelay $0x2  }
0x5a1: {  	s30 =	spop (v2sf)  }
0x5a2: {  	s0 =	ssub.s32 s30, s4  }
0x5a3: {  	s31 =	spop (v2sf);
	s0 =	smul.u32 $0x180, s0  }
0x5a4: {  	s2 =	sshra.s32 s31, $0x5  }
0x5a5: {  	s0 =	sadd.s32 s0, s2  }
0x5a6: {  	s8 =	sand.u32 $0x70, s2;
	s0 =	sand.u32 $0xFFFFFF80, s0  }
0x5a7: {  	s0 =	sor.u32 s8, s0  }
0x5a8: {  	p1 =	sne.s32 s15, $0x1;
	v6 =	vld [tilespmem:s0+$0x1500]  }
.Ltmp98:
0x5a9: {  	s1 =	sand.u32 $0x1F, s31;
	s2 =	sand.u32 $0xF, s2;
	(pc) =	sbr.rel @!p1 .LBB2_131-.Ltmp98, $4  }
0x5aa: {  	v5 =	vbroadcast v5, $0x0;
	s1 =	sshll.u32 s11, s1;
	v7 =	vmov s2  }
0x5ab: {  	vm1 =	veq.s32 v7, v4;
	v7 =	vmov s1  }
0x5ac: {  	v7 =	vnsel vm1, $0x0, v7;
	vm1 =	vne.s32 v5, v4  }
0x5ad: {  	s15 =	sadd.s32 $0xFFFFFFFF, s15;
	p0 =	por $0x1, $0x1;
	s1 =	spop (v2sf);
	vm0 =	vmand vm0, vm1;
	v5 =	vor.u32 v6, v7  }
.LBB2_130:
0x5ae: {  	p1 =	sne.s32 s15, $0x1;
	s15 =	sadd.s32 $0xFFFFFFFF, s15;
	s1 =	sadd.s32 s14, s1;
	[tilespmem:s0+$0x1500] =	vst v5  }
0x5af: {  	v5 =	vld [tilespmem:s1+$0x0];
	_ =	sdelay $0x1  }
0x5b0: {  	v6 =	vld [tilespmem:s1+$0xA80];
	_ =	sdelay $0x2  }
0x5b1: {  	(v2sf) =	vpush v5, $0x0;
	_ =	sdelay $0x1  }
0x5b2: {  	(v2sf) =	vpush v6, $0x0;
	_ =	sdelay $0x7  }
0x5b3: {  	v5 =	vmctz.xlane vm0;
	_ =	sdelay $0x1  }
0x5b4: {  	v6 =	vbroadcast v5, $0x0;
	(v2sf) =	vpush v5, $0x0;
	_ =	sdelay $0x1  }
0x5b5: {  	vm1 =	vne.s32 v6, v4  }
0x5b6: {  	vm0 =	vmand vm0, vm1;
	s0 =	spop (v2sf)  }
0x5b7: {  	s0 =	ssub.s32 s0, s4  }
0x5b8: {  	s0 =	smul.u32 $0x180, s0;
	s1 =	spop (v2sf)  }
0x5b9: {  	s2 =	sshra.s32 s1, $0x5;
	s1 =	sand.u32 $0x1F, s1  }
0x5ba: {  	s8 =	sand.u32 $0xF, s2;
	s0 =	sadd.s32 s0, s2;
	s1 =	sshll.u32 s11, s1  }
0x5bb: {  	s2 =	sand.u32 $0x70, s2;
	s0 =	sand.u32 $0xFFFFFF80, s0;
	v5 =	vmov s8  }
0x5bc: {  	s0 =	sor.u32 s2, s0;
	vm1 =	veq.s32 v5, v4  }
0x5bd: {  	v5 =	vld [tilespmem:s0+$0x1500]  }
.Ltmp99:
0x5be: {  	(pc) =	sbr.rel @p1 .LBB2_130-.Ltmp99, $4  }
0x5bf: {  	_ = 	snop  }
0x5c0: {  	v6 =	vmov s1  }
0x5c1: {  	v6 =	vnsel vm1, $0x0, v6  }
0x5c2: {  	s1 =	spop (v2sf);
	v5 =	vor.u32 v5, v6  }
.LBB2_131:
0x5c3: {  	s1 =	sadd.s32 s14, s1;
	[tilespmem:s0+$0x1500] =	vst @p0 v5  }
0x5c4: {  	v5 =	vld [tilespmem:s1+$0x0];
	_ =	sdelay $0x1  }
0x5c5: {  	v6 =	vld [tilespmem:s1+$0xA80];
	_ =	sdelay $0x2  }
0x5c6: {  	(v2sf) =	vpush v5, $0x0;
	_ =	sdelay $0x1  }
0x5c7: {  	(v2sf) =	vpush v6, $0x0;
	_ =	sdelay $0xc  }
0x5c8: {  	s30 =	spop (v2sf)  }
0x5c9: {  	s0 =	ssub.s32 s30, s4  }
0x5ca: {  	s31 =	spop (v2sf);
	s0 =	smul.u32 $0x180, s0  }
0x5cb: {  	s2 =	sshra.s32 s31, $0x5  }
0x5cc: {  	s0 =	sadd.s32 s0, s2  }
0x5cd: {  	s8 =	sand.u32 $0x70, s2;
	s0 =	sand.u32 $0xFFFFFF80, s0  }
0x5ce: {  	s0 =	sor.u32 s8, s0  }
0x5cf: {  	v5 =	vld [tilespmem:s0+$0x1500]  }
0x5d0: {  	s1 =	sand.u32 $0x1F, s31;
	s2 =	sand.u32 $0xF, s2  }
.Ltmp100:
0x5d1: {  	s1 =	sshll.u32 s11, s1;
	v6 =	vmov s2;
	(pc) =	sbr.rel .LBB2_132-.Ltmp100, $4  }
0x5d2: {  	vm0 =	veq.s32 v6, v4;
	v6 =	vmov s1  }
0x5d3: {  	v6 =	vnsel vm0, $0x0, v6  }
0x5d4: {  	v5 =	vor.u32 v5, v6  }
0x5d5: {  	[tilespmem:s0+$0x1500] =	vst v5  }
.LBB2_8:
.Ltmp101:
0x5d6: {  	(pc) =	sbr.rel .LBB2_11-.Ltmp101, $2  }
0x5d7: {  	_ =	sdelay $0x2  }
0x5d8: {  	_ = 	snop  }
.LBB2_16:
.Ltmp102:
0x5d9: {  	(pc) =	sbr.rel .LBB2_19-.Ltmp102, $2  }
0x5da: {  	_ =	sdelay $0x2  }
0x5db: {  	_ = 	snop  }
.LBB2_24:
.Ltmp103:
0x5dc: {  	(pc) =	sbr.rel .LBB2_27-.Ltmp103, $2  }
0x5dd: {  	_ =	sdelay $0x2  }
0x5de: {  	_ = 	snop  }
.LBB2_32:
.Ltmp104:
0x5df: {  	(pc) =	sbr.rel .LBB2_35-.Ltmp104, $2  }
0x5e0: {  	_ =	sdelay $0x2  }
0x5e1: {  	_ = 	snop  }
.LBB2_40:
.Ltmp105:
0x5e2: {  	(pc) =	sbr.rel .LBB2_43-.Ltmp105, $2  }
0x5e3: {  	_ =	sdelay $0x2  }
0x5e4: {  	_ = 	snop  }
.LBB2_48:
.Ltmp106:
0x5e5: {  	(pc) =	sbr.rel .LBB2_51-.Ltmp106, $2  }
0x5e6: {  	_ =	sdelay $0x2  }
0x5e7: {  	_ = 	snop  }
.LBB2_56:
.Ltmp107:
0x5e8: {  	(pc) =	sbr.rel .LBB2_59-.Ltmp107, $2  }
0x5e9: {  	_ =	sdelay $0x2  }
0x5ea: {  	_ = 	snop  }
.LBB2_64:
.Ltmp108:
0x5eb: {  	(pc) =	sbr.rel .LBB2_67-.Ltmp108, $2  }
0x5ec: {  	_ =	sdelay $0x2  }
0x5ed: {  	_ = 	snop  }
.LBB2_72:
.Ltmp109:
0x5ee: {  	(pc) =	sbr.rel .LBB2_75-.Ltmp109, $2  }
0x5ef: {  	_ =	sdelay $0x2  }
0x5f0: {  	_ = 	snop  }
.LBB2_80:
.Ltmp110:
0x5f1: {  	(pc) =	sbr.rel .LBB2_83-.Ltmp110, $2  }
0x5f2: {  	_ =	sdelay $0x2  }
0x5f3: {  	_ = 	snop  }
.LBB2_88:
.Ltmp111:
0x5f4: {  	(pc) =	sbr.rel .LBB2_91-.Ltmp111, $2  }
0x5f5: {  	_ =	sdelay $0x2  }
0x5f6: {  	_ = 	snop  }
.LBB2_96:
.Ltmp112:
0x5f7: {  	(pc) =	sbr.rel .LBB2_99-.Ltmp112, $2  }
0x5f8: {  	_ =	sdelay $0x2  }
0x5f9: {  	_ = 	snop  }
.LBB2_104:
.Ltmp113:
0x5fa: {  	(pc) =	sbr.rel .LBB2_107-.Ltmp113, $2  }
0x5fb: {  	_ =	sdelay $0x2  }
0x5fc: {  	_ = 	snop  }
.LBB2_112:
.Ltmp114:
0x5fd: {  	(pc) =	sbr.rel .LBB2_115-.Ltmp114, $2  }
0x5fe: {  	_ =	sdelay $0x2  }
0x5ff: {  	_ = 	snop  }
.LBB2_120:
.Ltmp115:
0x600: {  	(pc) =	sbr.rel .LBB2_123-.Ltmp115, $2  }
0x601: {  	_ =	sdelay $0x2  }
0x602: {  	_ = 	snop  }
.LBB2_128:
.Ltmp116:
0x603: {  	(pc) =	sbr.rel .LBB2_131-.Ltmp116, $2  }
0x604: {  	_ =	sdelay $0x2  }
0x605: {  	_ = 	snop  }
.LBB2_134:
0x606: {  	_ =	sfence.sel $0x180000  }
0x607: {  	[bflag:$0x0] =	sbarrier.arrive $0xFFFF  }
0x608: {  	_ =	strace $0x90000047  }
0x609: {  	s0 =	stileid.u32;
	[bflag:$0x2] =	sbarrier.arrive $0xFFFF  }
0x60a: {  	p0 =	sne.s32 s0, $0x0;
	s0 =	rddreg [dreg:$0x1]  }
0x60b: {  	s0 =	sadd.s32 @!p0 $0x100000, s0  }
0x60c: {  	[sflag:s0] =	ssyncadd.tile.s32 @!p0 $0x1;
	_ =	shalt  }
.Lfunc_end2:
_tile_overlayer_lowered:
.L_overlay_start_2:
0x60d: {  	(tag) =	ssettag $0x2  }
0x60e: {  	s0 =	rddreg [dreg:$0x0];
	s2 =	stileid.u32  }
0x60f: {  	s1 =	rddreg [dreg:$0x1];
	p0 =	sne.s32 s2, $0x0  }
0x610: {  	s3 =	rddreg [dreg:$0x2];
	[bflag:$0x3] =	sbarrier.arrive $0xFFFF;
	s2 =	simm.s32 @!p0 $0x1C03  }
0x611: {  	[timem:s3], [sflag:s2] =	dma.local @!p0 [hbm:s0], s1  }
0x612: {  	s0 =	simm.s32 @!p0 $0x3  }
0x613: {  	_ =	swait.ge @!p0 [sflag:s0], s1  }
0x614: {  	s1 =	ssub.s32 @!p0 $0x0, s1;
	[sflag:s0] =	ssyncset.done @!p0 $0x0  }
0x615: {  	[sflag:s0] =	ssyncadd.s32 @!p0 s1  }
0x616: {  	[bflag:$0x3] =	sbarrier.arrive $0xFFFF  }
0x617: {  	_ =	shalt  }

// kernel: kernel.8.cloned.1.call-start
scs
__scs_entry_jumppad:
0x0: {  	(pc) =	sbr.rel $0x88, $3  }
0x1: {  	(tag) =	ssettag $0x0;
	lr =	simm.s32 $0x1  }
0x2: {  	[smem:$0x3F8F] =	sst lr;
	_ =	strace $0xD0000000  }
0x3: {  	_ = 	snop  }
0x4: {  	_ = 	snop  }
0x5: {  	_ = 	snop  }
0x6: {  	_ = 	snop  }
0x7: {  	_ = 	snop  }
__scs_overlays_trampoline_lowered:
0x8: {  	[smem:$0x3F9E] =	sst s0  }
0x9: {  	[smem:$0x3F9F] =	sst s1  }
0xa: {  	[smem:$0x3FA0] =	sst s2  }
0xb: {  	[smem:$0x3FA1] =	sst s3  }
0xc: {  	[smem:$0x3FA2] =	sst s4  }
0xd: {  	[smem:$0x3FA3] =	sst s5  }
0xe: {  	[smem:$0x3FA4] =	sst s6  }
0xf: {  	[smem:$0x3FA5] =	sst s7  }
0x10: {  	[smem:$0x3FA6] =	sst s8  }
0x11: {  	[smem:$0x3FA7] =	sst s9;
	s0 =	simm.s32 @!p0 $0x0  }
0x12: {  	s1 =	sld [smem:$0x3F8D];
	s0 =	simm.s32 @p0 $0x1  }
0x13: {  	[smem:$0x3FA8] =	sst s0;
	s0 =	simm.s32 @!p1 $0x0  }
0x14: {  	s2 =	sld [smem:$0x3F8C];
	s0 =	simm.s32 @p1 $0x1  }
0x15: {  	[smem:$0x3FA9] =	sst s0;
	s0 =	simm.s32 @!p2 $0x0  }
0x16: {  	s3 =	sld [smem:$0x3FDB];
	s0 =	simm.s32 @p2 $0x1  }
0x17: {  	s4 =	simm.s32 $0x1BF5;
	[smem:$0x3FAB] =	sst s0  }
0x18: {  	s0 =	sld [smem:$0x3F8E];
	_ =	swait.ge [sflag:s4], $0x0  }
0x19: {  	s7 =	sld [smem:$0x3F8F]  }
0x1a: {  	s8 =	sadd.s32 $0xFFFFE003, lr  }
0x1b: {  	s9 =	sadd.s32 $0xFFFFFEF7, lr;
	s5 =	simm.s32 $0xFFFFFFFF;
	p2 =	slt.u32 s8, $0xFFFFF086  }
0x1c: {  	p1 =	slt.u32 s9, $0xF7A;
	s5 =	simm.s32 @!p2 $0x0  }
0x1d: {  	s5 =	simm.s32 @p1 $0x1;
	p0 =	seq.s32 s7, s2  }
0x1e: {  	s7 =	smul.u32 @!p0 $0xF7A, s2;
	p2 =	seq.s32 @!p0 s5, $0x0  }
0x1f: {  	s9 =	smul.u32 $0xF7A, s1;
	s8 =	simm.s32 @!p0 $0x1BF5;
	p2 =	por !p2, p0  }
0x20: {  	[sflag:s8] =	ssyncset.s32 @!p0 $0xFFFFF086;
	s6 =	sadd.s32 @!p0 s3, s7;
	s7 =	simm.s32 @!p0 $0x108  }
0x21: {  	s3 =	sadd.s32 s3, s9;
	s6 =	sadd.s32 @!p0 $0x88, s6;
	s7 =	simm.s32 @p2 $0x1082  }
0x22: {  	[simem:s7], [sflag:s8] =	dma.local @!p0 [hbm:s6], $0xF7A  }
0x23: {  	s9 =	sor.u32 $0xD0000000, s2;
	s6 =	simm.s32 $0x108;
	_ =	swait.ge @!p0 [sflag:s8], $0x0  }
0x24: {  	s3 =	sadd.s32 $0x88, s3;
	s6 =	simm.s32 @!p1 $0x1082;
	[sflag:s4] =	ssyncset.s32 $0xFFFFF086  }
0x25: {  	[simem:s6], [sflag:s4] =	dma.local [hbm:s3], $0xF7A  }
0x26: {  	[smem:$0x3F8F] =	sst s1;
	(tag) =	ssettag s2;
	_ =	strace s9  }
0x27: {  	s1 =	sld [smem:$0x3F9F]  }
0x28: {  	s2 =	sld [smem:$0x3FA0]  }
0x29: {  	s4 =	sld [smem:$0x3FA2]  }
0x2a: {  	p0 =	seq.s32 s5, $0x0;
	s5 =	sld [smem:$0x3FA3]  }
0x2b: {  	s6 =	sld [smem:$0x3FA4]  }
0x2c: {  	s7 =	sld [smem:$0x3FA5]  }
0x2d: {  	s3 =	simm.s32 $0x108;
	s8 =	sld [smem:$0x3FA6]  }
0x2e: {  	s3 =	simm.s32 @!p0 $0x1082;
	s9 =	sld [smem:$0x3FA7]  }
0x2f: {  	lr =	sadd.s32 s0, s3;
	s0 =	sld [smem:$0x3F9E]  }
0x30: {  	s3 =	sld [smem:$0x3FA1]  }
0x31: {  	[smem:$0x3FAA] =	sst s10  }
0x32: {  	s10 =	sld [smem:$0x3FA8];
	_ =	sdelay $0x3  }
0x33: {  	p0 =	seq.s32 s10, $0x1;
	s10 =	sld [smem:$0x3FAA];
	_ =	sdelay $0x3  }
0x34: {  	[smem:$0x3FAA] =	sst s10  }
0x35: {  	s10 =	sld [smem:$0x3FA9];
	_ =	sdelay $0x3  }
0x36: {  	p1 =	seq.s32 s10, $0x1;
	s10 =	sld [smem:$0x3FAA];
	_ =	sdelay $0x3  }
0x37: {  	[smem:$0x3FAA] =	sst s10  }
0x38: {  	s10 =	sld [smem:$0x3FAB]  }
0x39: {  	_ = 	snop;
	(pc) =	sbr.ind lr, $3  }
0x3a: {  	_ = 	snop  }
0x3b: {  	_ = 	snop  }
0x3c: {  	p2 =	seq.s32 s10, $0x1;
	s10 =	sld [smem:$0x3FAA]  }
0x3d: {  	_ =	shalt  }
0x3e: {  	_ =	shalt  }
0x3f: {  	_ =	shalt  }
0x40: {  	_ =	shalt  }
0x41: {  	_ =	shalt  }
0x42: {  	_ =	shalt  }
0x43: {  	_ =	shalt  }
0x44: {  	_ =	shalt  }
0x45: {  	_ =	shalt  }
0x46: {  	_ =	shalt  }
0x47: {  	_ =	shalt  }
0x48: {  	_ =	shalt  }
0x49: {  	_ =	shalt  }
0x4a: {  	_ =	shalt  }
0x4b: {  	_ =	shalt  }
0x4c: {  	_ =	shalt  }
0x4d: {  	_ =	shalt  }
0x4e: {  	_ =	shalt  }
0x4f: {  	_ =	shalt  }
0x50: {  	_ =	shalt  }
0x51: {  	_ =	shalt  }
0x52: {  	_ =	shalt  }
0x53: {  	_ =	shalt  }
0x54: {  	_ =	shalt  }
0x55: {  	_ =	shalt  }
0x56: {  	_ =	shalt  }
0x57: {  	_ =	shalt  }
0x58: {  	_ =	shalt  }
0x59: {  	_ =	shalt  }
0x5a: {  	_ =	shalt  }
0x5b: {  	_ =	shalt  }
0x5c: {  	_ =	shalt  }
0x5d: {  	_ =	shalt  }
0x5e: {  	_ =	shalt  }
0x5f: {  	_ =	shalt  }
0x60: {  	_ =	shalt  }
0x61: {  	_ =	shalt  }
0x62: {  	_ =	shalt  }
0x63: {  	_ =	shalt  }
0x64: {  	_ =	shalt  }
0x65: {  	_ =	shalt  }
0x66: {  	_ =	shalt  }
0x67: {  	_ =	shalt  }
0x68: {  	_ =	shalt  }
0x69: {  	_ =	shalt  }
0x6a: {  	_ =	shalt  }
0x6b: {  	_ =	shalt  }
0x6c: {  	_ =	shalt  }
0x6d: {  	_ =	shalt  }
0x6e: {  	_ =	shalt  }
0x6f: {  	_ =	shalt  }
0x70: {  	_ =	shalt  }
0x71: {  	_ =	shalt  }
0x72: {  	_ =	shalt  }
0x73: {  	_ =	shalt  }
0x74: {  	_ =	shalt  }
0x75: {  	_ =	shalt  }
0x76: {  	_ =	shalt  }
0x77: {  	_ =	shalt  }
0x78: {  	_ =	shalt  }
0x79: {  	_ =	shalt  }
0x7a: {  	_ =	shalt  }
0x7b: {  	_ =	shalt  }
0x7c: {  	_ =	shalt  }
0x7d: {  	_ =	shalt  }
0x7e: {  	_ =	shalt  }
0x7f: {  	_ =	shalt  }
0x80: {  	_ =	shalt  }
0x81: {  	_ =	shalt  }
0x82: {  	_ =	shalt  }
0x83: {  	_ =	shalt  }
0x84: {  	_ =	shalt  }
0x85: {  	_ =	shalt  }
0x86: {  	_ =	shalt  }
0x87: {  	_ =	shalt  }
.Lfunc_end0:
.L_simem_size_0:
called_computation.1_lowered:
.L_overlay_start_0:
0x88: {  	s2 =	sld [smem:$0x3FD9]  }
0x89: {  	s3 =	sld [smem:$0x3FFE];
	_ =	sdelay $0x1  }
0x8a: {  	s1 =	srdreg.scid  }
0x8b: {  	s0 =	sand.u32 $0x1, s1  }
0x8c: {  	s17 =	sshll.u32 s0, $0xA;
	s2 =	sadd.s32 s3, s2  }
0x8d: {  	s2 =	sadd.s32 s2, s17  }
0x8e: {  	[smem:$0x3FB6] =	sst s2  }
0x8f: {  	_ = 	snop  }
0x90: {  	s2 =	sld [smem:$0x3FC9]  }
0x91: {  	s18 =	sld [smem:$0x3FD0];
	(tm) =	ssettm $0x1  }
0x92: {  	s4 =	sld [smem:$0x3FFB];
	_ =	sdelay $0x3  }
0x93: {  	_ =	strace s4  }
0x94: {  	s4 =	sld [smem:$0x3FFC];
	_ =	sdelay $0x3  }
0x95: {  	_ =	strace s4  }
0x96: {  	s4 =	sld [smem:$0x3FFD];
	_ =	sdelay $0x3  }
0x97: {  	_ =	strace s4  }
0x98: {  	_ =	strace $0x8FFFFFFF  }
0x99: {  	s19 =	sld [smem:$0x3FDB];
	_ =	sdelay $0x1  }
0x9a: {  	s5 =	simm.s32 $_scs_section_size  }
0x9b: {  	s6 =	simm.s32 $_size__tile_overlayer_lowered;
	s7 =	simm.s32 $_tile_overlayer_lowered  }
0x9c: {  	s22 =	simm.s32 $0x1BFF;
	s21 =	sshll.u32 s7, $0x1;
	s4 =	sadd.s32 s5, s19  }
0x9d: {  	s8 =	simm.s32 $0x0;
	s20 =	sshll.u32 s6, $0x1;
	s6 =	sadd.s32 s21, s4  }
0x9e: {  	[timem:s8], [sflag:s22] =	dma.local [hbm:s6], s20  }
0x9f: {  	_ =	swait.ge [sflag:s22], s20  }
0xa0: {  	s5 =	ssub.s32 $0x0, s20;
	[sflag:s22] =	ssyncset.done $0x0  }
0xa1: {  	[sflag:s22] =	ssyncadd.s32 s5;
	_ =	sdelay $0x1  }
0xa2: {  	s23 =	simm.s32 $0x1B8B  }
0xa3: {  	_ =	swait.ge [sflag:s23], $0x1  }
0xa4: {  	[sflag:s23] =	ssyncset.done $0x0  }
0xa5: {  	s25 =	simm.s32 $0x1B8E;
	s24 =	sld [smem:$0x3FFE];
	[sflag:s23] =	ssyncadd.s32 $0xFFFFFFFF  }
0xa6: {  	s26 =	simm.s32 $execute0_lowered;
	[smem:$0x3FD2] =	sst s25  }
0xa7: {  	s6 =	sshll.u32 s26, $0x1;
	_ =	strace $0x80000049;
	[dreg:$0x1] =	wrdreg $0xFFFFFFFF  }
0xa8: {  	s28 =	simm.s32 $_size_execute0_lowered;
	s4 =	sadd.s32 s4, s6;
	[dreg:$0x0] =	wrdreg $0x0  }
0xa9: {  	s6 =	sshll.u32 s28, $0x1;
	[dreg:$0x2] =	wrdreg s4  }
0xaa: {  	[dreg:$0x3] =	wrdreg s6  }
0xab: {  	[dreg:$0x4] =	wrdreg $0xC0  }
0xac: {  	_ =	task [dreg:s8], $0x5FFFF  }
0xad: {  	[dreg:$0x1] =	wrdreg $0xFFFFFFFF  }
0xae: {  	[dreg:$0x0] =	wrdreg $0x60  }
0xaf: {  	[dreg:$0x2] =	wrdreg s24  }
0xb0: {  	[dreg:$0x3] =	wrdreg s18  }
0xb1: {  	[dreg:$0x4] =	wrdreg s2  }
0xb2: {  	[dreg:$0x5] =	wrdreg $0x9  }
0xb3: {  	_ =	task.clear_ibuf [dreg:s8], $0x6FFFF;
	_ =	strace $0x90000049  }
0xb4: {  	s29 =	simm.s32 $0x9;
	_ =	strace $0x8000004B  }
0xb5: {  	_ =	swait.ge [sflag:s29], $0x1  }
0xb6: {  	[sflag:s29] =	ssyncadd.s32 $0xFFFFFFFF  }
0xb7: {  	_ =	strace $0x9000004B  }
0xb8: {  	_ =	sfence  }
0xb9: {  	s30 =	sld [smem:$0x0];
	_ =	sdelay $0x2  }
0xba: {  	s31 =	sshll.u32 s1, $0xD;
	s1 =	sshrl.u32 s1, $0x2  }
0xbb: {  	s3 =	sand.u32 $0x4000, s31;
	s1 =	sadd.s32 s1, s30  }
0xbc: {  	s0 =	sor.u32 s3, s0;
	s1 =	sshll.u32 s1, $0x11  }
0xbd: {  	s0 =	sor.u32 s1, s0  }
0xbe: {  	s0 =	sadd.s32 $0x8F2B, s0  }
0xbf: {  	[sflag:s0] =	ssyncadd.remote.s32 $0x1  }
0xc0: {  	_ =	sfence.sel $0xFFFF  }
0xc1: {  	[dreg:$0x0] =	wrdreg $0xFFFFFFFF;
	(pc) =	sbr.abs _section_cstart, $3  }
0xc2: {  	[dreg:$0x1] =	wrdreg $0xFFFFFFFF  }
0xc3: {  	_ =	task.clear_ibuf [dreg:s8], $0x2FFFF;
	_ =	strace $0x9FFFFFFF  }
0xc4: {  	(tm) =	ssettm $0x7FFFFFFF  }
0xc5: {  	_ =	shalt  }
tec
execute0_lowered:
.L_overlay_start_1:
0x0: {  	(tag) =	ssettag $0x1  }
0x1: {  	s0 =	rddreg [dreg:$0x0]  }
0x2: {  	s4 =	rddreg [dreg:$0x1]  }
0x3: {  	s1 =	rddreg [dreg:$0x2];
	s2 =	simm.s32 $0x0;
	s8 =	srdreg.scid  }
0x4: {  	s11 =	stileid.u32;
	s28 =	simm.s32 $0xF900;
	s29 =	simm.s32 $0x1  }
0x5: {  	s15 =	simm.s32 $0x10100;
	[smem:$0x7FF] =	sst s2;
	s3 =	sadd.s32 $0xDD400, s0  }
0x6: {  	s6 =	sadd.s32 $0xDD200, s0;
	s5 =	sadd.s32 $0x8F000, s0;
	s7 =	sadd.s32 $0x3400, s0  }
0x7: {  	s9 =	sadd.s32 $0x23400, s0;
	s8 =	sand.u32 $0x1, s8;
	s11 =	sshll.u32 s11, $0x8  }
0x8: {  	s12 =	sadd.s32 $0x43400, s0;
	s10 =	ssub.s32 $0x2, s8;
	s8 =	sshll.u32 s8, $0x7  }
0x9: {  	_ =	strace $0x8000004A;
	s13 =	sshrl.u32 s10, $0x1;
	s8 =	sor.u32 s8, s11  }
0xa: {  	s18 =	ssub.s32 s10, s13;
	s19 =	sshrl.u32 s8, $0x3;
	s20 =	sshll.u32 s8, $0x5  }
0xb: {  	s23 =	sor.u32 $0x40, s8;
	s14 =	sadd.s32 s6, s19;
	s10 =	sadd.s32 s4, s19  }
0xc: {  	s21 =	sadd.s32 s9, s20;
	s22 =	sadd.s32 s12, s20;
	[dreg:$0x4] =	wrdreg s14  }
0xd: {  	s24 =	sadd.s32 s7, s20;
	s25 =	sshrl.u32 s23, $0x3;
	[dreg:$0x5] =	wrdreg s10  }
0xe: {  	s31 =	smax.u32 s18, $0x1;
	s18 =	simm.s32 $0x2;
	[dreg:$0x6] =	wrdreg s21  }
0xf: {  	s20 =	simm.s32 $0xC100;
	[dreg:$0x7] =	wrdreg s22;
	s10 =	sadd.s32 $0xDD500, s0  }
0x10: {  	[dreg:$0x8] =	wrdreg s24;
	s0 =	sshll.u32 s23, $0x5;
	s6 =	sadd.s32 s6, s25  }
0x11: {  	s4 =	sadd.s32 s4, s25;
	[dreg:$0xe] =	wrdreg s31;
	s21 =	simm.s32 $0xC900  }
.Ltmp0:
0x12: {  	s22 =	simm.s32 $0xD100;
	[dreg:$0x9] =	wrdreg s6;
	(pc) =	sbr.rel .LBB2_1-.Ltmp0, $4  }
0x13: {  	s23 =	simm.s32 $0xD900;
	[dreg:$0xa] =	wrdreg s4;
	s26 =	sadd.s32 s9, s0  }
0x14: {  	v2 =	vlaneseq.u32;
	vm0 =	vmmov $0xffff;
	s24 =	simm.s32 $0xE100;
	s30 =	sadd.s32 s12, s0;
	[dreg:$0xb] =	wrdreg s26  }
0x15: {  	vm1 =	vmmov $0xff;
	v3 =	vimm.f32 $0.0e+00;
	v1 =	vshrl.u32 v2, $0x3;
	s25 =	simm.s32 $0xE900;
	s0 =	sadd.s32 s7, s0;
	[dreg:$0xc] =	wrdreg s30  }
0x16: {  	v0 =	vand.u32 $0x7, v2;
	v2 =	vor.u32 $0x8, v2;
	v1 =	vmul.u32 $0x8, v1;
	s4 =	simm.s32 $0x0;
	[dreg:$0xd] =	wrdreg s0;
	s26 =	simm.s32 $0xF100  }
.LBB2_38:
0x17: {  	s0 =	rddreg [dreg:$0xd]  }
0x18: {  	[hbm4b:s0+s2] =	stream.linear.scatter [tilespmem:s15], [sflag:$0x2], $0x4000, $0x38;
	[tilespmem:$0x14480] =	vst v63  }
0x19: {  	_ =	swait.ge [sflag:s18], $0x4000  }
0x1a: {  	s4 =	sadd.s32 $0x1, s4;
	s31 =	rddreg [dreg:$0xe]  }
0x1b: {  	p0 =	sne.s32 s4, s31  }
.Ltmp1:
0x1c: {  	_ = 	snop;
	(pc) =	sbr.rel @!p0 .LBB2_39-.Ltmp1, $3  }
0x1d: {  	_ =	sdelay $0x1  }
0x1e: {  	[sflag:s18] =	ssyncset.done $0x0  }
0x1f: {  	[sflag:s18] =	ssyncadd.s32 $0xFFFFC000  }
.LBB2_1:
0x20: {  	s0 =	rddreg [dreg:$0x4]  }
0x21: {  	[tilespmem:s2], [sflag:$0x2] =	stream.linear.gather [hbm4b:s0+s2], $0x40, $0x38;
	[tilespmem:$0x14480] =	vst v63  }
0x22: {  	_ =	swait.ge [sflag:s18], $0x40  }
0x23: {  	[sflag:s18] =	ssyncset.done $0x0  }
0x24: {  	s6 =	simm.s32 $0x80;
	s7 =	rddreg [dreg:$0x5];
	[sflag:s18] =	ssyncadd.s32 $0xFFFFFFC0  }
0x25: {  	[tilespmem:s6], [sflag:$0x2] =	stream.linear.gather [hbm4b:s7+s2], $0x40, $0x38;
	[tilespmem:$0x14480] =	vst v63  }
0x26: {  	_ =	swait.ge [sflag:s18], $0x40  }
0x27: {  	[sflag:s18] =	ssyncset.done $0x0  }
0x28: {  	[sflag:s18] =	ssyncadd.s32 $0xFFFFFFC0  }
0x29: {  	v4 =	vld [tilespmem:$0x0];
	_ =	sdelay $0x4  }
0x2a: {  	v5 =	vshll.u32 v4, $0x1  }
0x2b: {  	v4 =	vand.u32 $0x7, v4;
	v5 =	vand.u32 $0xFFFFFFF0, v5  }
0x2c: {  	v4 =	vor.u32 v4, v5  }
0x2d: {  	v5 =	vperm.xlane v4, v0;
	_ =	sdelay $0x1  }
0x2e: {  	v4 =	vperm.xlane v4, v2;
	v5 =	vadd.s32 v1, v5;
	_ =	sdelay $0x1  }
0x2f: {  	v4 =	vadd.s32 v1, v4;
	_ =	sdelay $0x2  }
0x30: {  	[tilespmem:s20], [sflag:$0x1] =	stream.indirect_vreg.gather [hbm4b:s1+s2], $0x80, v5, vm0, $0xb8;
	[tilespmem:$0x14480] =	vst v63  }
0x31: {  	_ = 	snop  }
0x32: {  	[tilespmem:s21], [sflag:$0x1] =	stream.indirect_vreg.gather [hbm4b:s1+s2], $0x80, v4, vm0, $0xb8;
	[tilespmem:$0x14480] =	vst v63  }
0x33: {  	v4 =	vld [tilespmem:$0x10];
	_ =	sdelay $0x4  }
0x34: {  	v5 =	vshll.u32 v4, $0x1  }
0x35: {  	v4 =	vand.u32 $0x7, v4;
	v5 =	vand.u32 $0xFFFFFFF0, v5  }
0x36: {  	v4 =	vor.u32 v4, v5  }
0x37: {  	v5 =	vperm.xlane v4, v0;
	_ =	sdelay $0x1  }
0x38: {  	v4 =	vperm.xlane v4, v2;
	v5 =	vadd.s32 v1, v5;
	_ =	sdelay $0x1  }
0x39: {  	v4 =	vadd.s32 v1, v4;
	_ =	sdelay $0x2  }
0x3a: {  	[tilespmem:s22], [sflag:$0x1] =	stream.indirect_vreg.gather [hbm4b:s1+s2], $0x80, v5, vm0, $0xb8;
	[tilespmem:$0x14480] =	vst v63  }
0x3b: {  	_ = 	snop  }
0x3c: {  	[tilespmem:s23], [sflag:$0x1] =	stream.indirect_vreg.gather [hbm4b:s1+s2], $0x80, v4, vm0, $0xb8;
	[tilespmem:$0x14480] =	vst v63  }
0x3d: {  	v4 =	vld [tilespmem:$0x20];
	_ =	sdelay $0x4  }
0x3e: {  	v5 =	vshll.u32 v4, $0x1  }
0x3f: {  	v4 =	vand.u32 $0x7, v4;
	v5 =	vand.u32 $0xFFFFFFF0, v5  }
0x40: {  	v4 =	vor.u32 v4, v5  }
0x41: {  	v5 =	vperm.xlane v4, v0;
	_ =	sdelay $0x1  }
0x42: {  	v4 =	vperm.xlane v4, v2;
	v5 =	vadd.s32 v1, v5;
	_ =	sdelay $0x1  }
0x43: {  	v4 =	vadd.s32 v1, v4;
	_ =	sdelay $0x2  }
0x44: {  	[tilespmem:s24], [sflag:$0x1] =	stream.indirect_vreg.gather [hbm4b:s1+s2], $0x80, v5, vm0, $0xb8;
	[tilespmem:$0x14480] =	vst v63  }
0x45: {  	_ = 	snop  }
0x46: {  	[tilespmem:s25], [sflag:$0x1] =	stream.indirect_vreg.gather [hbm4b:s1+s2], $0x80, v4, vm0, $0xb8;
	[tilespmem:$0x14480] =	vst v63  }
0x47: {  	v4 =	vld [tilespmem:$0x30];
	_ =	sdelay $0x4  }
0x48: {  	v5 =	vshll.u32 v4, $0x1  }
0x49: {  	v4 =	vand.u32 $0x7, v4;
	v5 =	vand.u32 $0xFFFFFFF0, v5  }
0x4a: {  	v4 =	vor.u32 v4, v5  }
0x4b: {  	v5 =	vperm.xlane v4, v0;
	_ =	sdelay $0x1  }
0x4c: {  	v4 =	vperm.xlane v4, v2;
	v5 =	vadd.s32 v1, v5;
	_ =	sdelay $0x1  }
0x4d: {  	v4 =	vadd.s32 v1, v4;
	_ =	sdelay $0x2  }
0x4e: {  	[tilespmem:s26], [sflag:$0x1] =	stream.indirect_vreg.gather [hbm4b:s1+s2], $0x80, v5, vm0, $0xb8;
	[tilespmem:$0x14480] =	vst v63  }
0x4f: {  	_ = 	snop  }
0x50: {  	[tilespmem:s28], [sflag:$0x1] =	stream.indirect_vreg.gather [hbm4b:s1+s2], $0x80, v4, vm0, $0xb8;
	[tilespmem:$0x14480] =	vst v63  }
0x51: {  	_ =	swait.ge [sflag:s29], $0x4000  }
0x52: {  	[sflag:s29] =	ssyncset.done $0x0  }
0x53: {  	s8 =	rddreg [dreg:$0x6];
	[sflag:s29] =	ssyncadd.s32 $0xFFFFC000  }
0x54: {  	[hbm4b:s8+s2] =	stream.linear.scatter [tilespmem:s20], [sflag:$0x2], $0x4000, $0x38;
	[tilespmem:$0x14480] =	vst v63  }
0x55: {  	_ =	swait.ge [sflag:s18], $0x4000  }
0x56: {  	[sflag:s18] =	ssyncset.done $0x0  }
0x57: {  	[sflag:s18] =	ssyncadd.s32 $0xFFFFC000  }
0x58: {  	v4 =	vld [tilespmem:$0x80];
	_ =	sdelay $0x4  }
0x59: {  	v5 =	vshll.u32 v4, $0x1  }
0x5a: {  	v4 =	vand.u32 $0x7, v4;
	v5 =	vand.u32 $0xFFFFFFF0, v5  }
0x5b: {  	v4 =	vor.u32 v4, v5  }
0x5c: {  	v5 =	vperm.xlane v4, v0;
	_ =	sdelay $0x1  }
0x5d: {  	v4 =	vperm.xlane v4, v2;
	v5 =	vadd.s32 v1, v5;
	_ =	sdelay $0x1  }
0x5e: {  	v4 =	vadd.s32 v1, v4;
	_ =	sdelay $0x2  }
0x5f: {  	[tilespmem:s20], [sflag:$0x1] =	stream.indirect_vreg.gather [hbm4b:s1+s2], $0x80, v5, vm0, $0xb8;
	[tilespmem:$0x14480] =	vst v63  }
0x60: {  	_ = 	snop  }
0x61: {  	[tilespmem:s21], [sflag:$0x1] =	stream.indirect_vreg.gather [hbm4b:s1+s2], $0x80, v4, vm0, $0xb8;
	[tilespmem:$0x14480] =	vst v63  }
0x62: {  	v4 =	vld [tilespmem:$0x90];
	_ =	sdelay $0x4  }
0x63: {  	v5 =	vshll.u32 v4, $0x1  }
0x64: {  	v4 =	vand.u32 $0x7, v4;
	v5 =	vand.u32 $0xFFFFFFF0, v5  }
0x65: {  	v4 =	vor.u32 v4, v5  }
0x66: {  	v5 =	vperm.xlane v4, v0;
	_ =	sdelay $0x1  }
0x67: {  	v4 =	vperm.xlane v4, v2;
	v5 =	vadd.s32 v1, v5;
	_ =	sdelay $0x1  }
0x68: {  	v4 =	vadd.s32 v1, v4;
	_ =	sdelay $0x2  }
0x69: {  	[tilespmem:s22], [sflag:$0x1] =	stream.indirect_vreg.gather [hbm4b:s1+s2], $0x80, v5, vm0, $0xb8;
	[tilespmem:$0x14480] =	vst v63  }
0x6a: {  	_ = 	snop  }
0x6b: {  	[tilespmem:s23], [sflag:$0x1] =	stream.indirect_vreg.gather [hbm4b:s1+s2], $0x80, v4, vm0, $0xb8;
	[tilespmem:$0x14480] =	vst v63  }
0x6c: {  	v4 =	vld [tilespmem:$0xA0];
	_ =	sdelay $0x4  }
0x6d: {  	v5 =	vshll.u32 v4, $0x1  }
0x6e: {  	v4 =	vand.u32 $0x7, v4;
	v5 =	vand.u32 $0xFFFFFFF0, v5  }
0x6f: {  	v4 =	vor.u32 v4, v5  }
0x70: {  	v5 =	vperm.xlane v4, v0;
	_ =	sdelay $0x1  }
0x71: {  	v4 =	vperm.xlane v4, v2;
	v5 =	vadd.s32 v1, v5;
	_ =	sdelay $0x1  }
0x72: {  	v4 =	vadd.s32 v1, v4;
	_ =	sdelay $0x2  }
0x73: {  	[tilespmem:s24], [sflag:$0x1] =	stream.indirect_vreg.gather [hbm4b:s1+s2], $0x80, v5, vm0, $0xb8;
	[tilespmem:$0x14480] =	vst v63  }
0x74: {  	_ = 	snop  }
0x75: {  	[tilespmem:s25], [sflag:$0x1] =	stream.indirect_vreg.gather [hbm4b:s1+s2], $0x80, v4, vm0, $0xb8;
	[tilespmem:$0x14480] =	vst v63  }
0x76: {  	v4 =	vld [tilespmem:$0xB0];
	_ =	sdelay $0x4  }
0x77: {  	v5 =	vshll.u32 v4, $0x1  }
0x78: {  	v4 =	vand.u32 $0x7, v4;
	v5 =	vand.u32 $0xFFFFFFF0, v5  }
0x79: {  	v4 =	vor.u32 v4, v5  }
0x7a: {  	v5 =	vperm.xlane v4, v0;
	_ =	sdelay $0x1  }
0x7b: {  	v4 =	vperm.xlane v4, v2;
	v5 =	vadd.s32 v1, v5;
	_ =	sdelay $0x1  }
0x7c: {  	v4 =	vadd.s32 v1, v4;
	_ =	sdelay $0x2  }
0x7d: {  	[tilespmem:s26], [sflag:$0x1] =	stream.indirect_vreg.gather [hbm4b:s1+s2], $0x80, v5, vm0, $0xb8;
	[tilespmem:$0x14480] =	vst v63  }
0x7e: {  	_ = 	snop  }
0x7f: {  	[tilespmem:s28], [sflag:$0x1] =	stream.indirect_vreg.gather [hbm4b:s1+s2], $0x80, v4, vm0, $0xb8;
	[tilespmem:$0x14480] =	vst v63  }
0x80: {  	_ =	swait.ge [sflag:s29], $0x4000  }
0x81: {  	[sflag:s29] =	ssyncset.done $0x0  }
0x82: {  	s9 =	rddreg [dreg:$0x7];
	[sflag:s29] =	ssyncadd.s32 $0xFFFFC000  }
0x83: {  	[hbm4b:s9+s2] =	stream.linear.scatter [tilespmem:s20], [sflag:$0x2], $0x4000, $0x38;
	[tilespmem:$0x14480] =	vst v63  }
0x84: {  	_ =	swait.ge [sflag:s18], $0x4000  }
0x85: {  	[sflag:s18] =	ssyncset.done $0x0  }
0x86: {  	[sflag:s18] =	ssyncadd.s32 $0xFFFFC000  }
0x87: {  	v4 =	vld [tilespmem:$0x0];
	_ =	sdelay $0x4  }
0x88: {  	v5 =	vshrl.u32 v4, $0x3  }
0x89: {  	v5 =	vmul.u32 $0x18, v5  }
0x8a: {  	v4 =	vand.u32 $0x7, v4  }
0x8b: {  	v4 =	vor.u32 v4, v5  }
0x8c: {  	v5 =	vperm.xlane v4, v0;
	_ =	sdelay $0x1  }
0x8d: {  	v5 =	vadd.s32 v1, v5;
	_ =	sdelay $0x1  }
0x8e: {  	v4 =	vperm.xlane v4, v2;
	_ =	sdelay $0x1  }
0x8f: {  	s11 =	simm.s32 $0x100;
	v4 =	vadd.s32 v1, v4  }
0x90: {  	[tilespmem:s11], [sflag:$0x1] =	stream.indirect_vreg.gather [hbm4b:s3+s2], $0x80, v5, vm0, $0xb8;
	[tilespmem:$0x14480] =	vst v63  }
0x91: {  	s12 =	simm.s32 $0x900  }
0x92: {  	[tilespmem:s12], [sflag:$0x1] =	stream.indirect_vreg.gather [hbm4b:s10+s2], $0x80, v5, vm1, $0xb8;
	[tilespmem:$0x14480] =	vst v63  }
0x93: {  	s13 =	simm.s32 $0xD00  }
0x94: {  	[tilespmem:s13], [sflag:$0x1] =	stream.indirect_vreg.gather [hbm4b:s3+s2], $0x80, v4, vm0, $0xb8;
	[tilespmem:$0x14480] =	vst v63  }
0x95: {  	s14 =	simm.s32 $0x1500  }
0x96: {  	[tilespmem:s14], [sflag:$0x1] =	stream.indirect_vreg.gather [hbm4b:s10+s2], $0x80, v4, vm1, $0xb8;
	[tilespmem:$0x14480] =	vst v63  }
0x97: {  	v4 =	vld [tilespmem:$0x10];
	_ =	sdelay $0x4  }
0x98: {  	v5 =	vshrl.u32 v4, $0x3  }
0x99: {  	v5 =	vmul.u32 $0x18, v5  }
0x9a: {  	v4 =	vand.u32 $0x7, v4  }
0x9b: {  	v4 =	vor.u32 v4, v5  }
0x9c: {  	v5 =	vperm.xlane v4, v0;
	_ =	sdelay $0x1  }
0x9d: {  	v5 =	vadd.s32 v1, v5;
	_ =	sdelay $0x1  }
0x9e: {  	v4 =	vperm.xlane v4, v2;
	_ =	sdelay $0x1  }
0x9f: {  	s16 =	simm.s32 $0x1900;
	v4 =	vadd.s32 v1, v4  }
0xa0: {  	[tilespmem:s16], [sflag:$0x1] =	stream.indirect_vreg.gather [hbm4b:s3+s2], $0x80, v5, vm0, $0xb8;
	[tilespmem:$0x14480] =	vst v63  }
0xa1: {  	s17 =	simm.s32 $0x2100  }
0xa2: {  	[tilespmem:s17], [sflag:$0x1] =	stream.indirect_vreg.gather [hbm4b:s10+s2], $0x80, v5, vm1, $0xb8;
	[tilespmem:$0x14480] =	vst v63  }
0xa3: {  	s19 =	simm.s32 $0x2500  }
0xa4: {  	[tilespmem:s19], [sflag:$0x1] =	stream.indirect_vreg.gather [hbm4b:s3+s2], $0x80, v4, vm0, $0xb8;
	[tilespmem:$0x14480] =	vst v63  }
0xa5: {  	s30 =	simm.s32 $0x2D00  }
0xa6: {  	[tilespmem:s30], [sflag:$0x1] =	stream.indirect_vreg.gather [hbm4b:s10+s2], $0x80, v4, vm1, $0xb8;
	[tilespmem:$0x14480] =	vst v63  }
0xa7: {  	v4 =	vld [tilespmem:$0x20];
	_ =	sdelay $0x4  }
0xa8: {  	v5 =	vshrl.u32 v4, $0x3  }
0xa9: {  	v5 =	vmul.u32 $0x18, v5  }
0xaa: {  	v4 =	vand.u32 $0x7, v4  }
0xab: {  	v4 =	vor.u32 v4, v5  }
0xac: {  	v5 =	vperm.xlane v4, v0;
	_ =	sdelay $0x1  }
0xad: {  	v5 =	vadd.s32 v1, v5;
	_ =	sdelay $0x1  }
0xae: {  	v4 =	vperm.xlane v4, v2;
	_ =	sdelay $0x1  }
0xaf: {  	s31 =	simm.s32 $0x3100;
	v4 =	vadd.s32 v1, v4  }
0xb0: {  	[tilespmem:s31], [sflag:$0x1] =	stream.indirect_vreg.gather [hbm4b:s3+s2], $0x80, v5, vm0, $0xb8;
	[tilespmem:$0x14480] =	vst v63  }
0xb1: {  	s6 =	simm.s32 $0x3900  }
0xb2: {  	[tilespmem:s6], [sflag:$0x1] =	stream.indirect_vreg.gather [hbm4b:s10+s2], $0x80, v5, vm1, $0xb8;
	[tilespmem:$0x14480] =	vst v63  }
0xb3: {  	s7 =	simm.s32 $0x3D00  }
0xb4: {  	[tilespmem:s7], [sflag:$0x1] =	stream.indirect_vreg.gather [hbm4b:s3+s2], $0x80, v4, vm0, $0xb8;
	[tilespmem:$0x14480] =	vst v63  }
0xb5: {  	s8 =	simm.s32 $0x4500  }
0xb6: {  	[tilespmem:s8], [sflag:$0x1] =	stream.indirect_vreg.gather [hbm4b:s10+s2], $0x80, v4, vm1, $0xb8;
	[tilespmem:$0x14480] =	vst v63  }
0xb7: {  	v4 =	vld [tilespmem:$0x30];
	_ =	sdelay $0x4  }
0xb8: {  	v5 =	vshrl.u32 v4, $0x3  }
0xb9: {  	v5 =	vmul.u32 $0x18, v5  }
0xba: {  	v4 =	vand.u32 $0x7, v4  }
0xbb: {  	v4 =	vor.u32 v4, v5  }
0xbc: {  	v5 =	vperm.xlane v4, v0;
	_ =	sdelay $0x1  }
0xbd: {  	v5 =	vadd.s32 v1, v5;
	_ =	sdelay $0x1  }
0xbe: {  	v4 =	vperm.xlane v4, v2;
	_ =	sdelay $0x1  }
0xbf: {  	s9 =	simm.s32 $0x4900;
	v4 =	vadd.s32 v1, v4  }
0xc0: {  	[tilespmem:s9], [sflag:$0x1] =	stream.indirect_vreg.gather [hbm4b:s3+s2], $0x80, v5, vm0, $0xb8;
	[tilespmem:$0x14480] =	vst v63  }
0xc1: {  	s11 =	simm.s32 $0x5100  }
0xc2: {  	[tilespmem:s11], [sflag:$0x1] =	stream.indirect_vreg.gather [hbm4b:s10+s2], $0x80, v5, vm1, $0xb8;
	[tilespmem:$0x14480] =	vst v63  }
0xc3: {  	s12 =	simm.s32 $0x5500  }
0xc4: {  	[tilespmem:s12], [sflag:$0x1] =	stream.indirect_vreg.gather [hbm4b:s3+s2], $0x80, v4, vm0, $0xb8;
	[tilespmem:$0x14480] =	vst v63  }
0xc5: {  	s13 =	simm.s32 $0x5D00  }
0xc6: {  	[tilespmem:s13], [sflag:$0x1] =	stream.indirect_vreg.gather [hbm4b:s10+s2], $0x80, v4, vm1, $0xb8;
	[tilespmem:$0x14480] =	vst v63  }
0xc7: {  	_ =	swait.ge [sflag:s29], $0x6000  }
0xc8: {  	[sflag:s29] =	ssyncset.done $0x0  }
0xc9: {  	[sflag:s29] =	ssyncadd.s32 $0xFFFFA000  }
0xca: {  	v4 =	vld [tilespmem:$0x80];
	_ =	sdelay $0x4  }
0xcb: {  	v5 =	vshrl.u32 v4, $0x3  }
0xcc: {  	v5 =	vmul.u32 $0x18, v5  }
0xcd: {  	v4 =	vand.u32 $0x7, v4  }
0xce: {  	v4 =	vor.u32 v4, v5  }
0xcf: {  	v5 =	vperm.xlane v4, v0;
	_ =	sdelay $0x1  }
0xd0: {  	v5 =	vadd.s32 v1, v5;
	_ =	sdelay $0x1  }
0xd1: {  	v4 =	vperm.xlane v4, v2;
	_ =	sdelay $0x1  }
0xd2: {  	s14 =	simm.s32 $0x6100;
	v4 =	vadd.s32 v1, v4  }
0xd3: {  	[tilespmem:s14], [sflag:$0x1] =	stream.indirect_vreg.gather [hbm4b:s3+s2], $0x80, v5, vm0, $0xb8;
	[tilespmem:$0x14480] =	vst v63  }
0xd4: {  	s16 =	simm.s32 $0x6900  }
0xd5: {  	[tilespmem:s16], [sflag:$0x1] =	stream.indirect_vreg.gather [hbm4b:s10+s2], $0x80, v5, vm1, $0xb8;
	[tilespmem:$0x14480] =	vst v63  }
0xd6: {  	s17 =	simm.s32 $0x6D00  }
0xd7: {  	[tilespmem:s17], [sflag:$0x1] =	stream.indirect_vreg.gather [hbm4b:s3+s2], $0x80, v4, vm0, $0xb8;
	[tilespmem:$0x14480] =	vst v63  }
0xd8: {  	s19 =	simm.s32 $0x7500  }
0xd9: {  	[tilespmem:s19], [sflag:$0x1] =	stream.indirect_vreg.gather [hbm4b:s10+s2], $0x80, v4, vm1, $0xb8;
	[tilespmem:$0x14480] =	vst v63  }
0xda: {  	v4 =	vld [tilespmem:$0x90];
	_ =	sdelay $0x4  }
0xdb: {  	v5 =	vshrl.u32 v4, $0x3  }
0xdc: {  	v5 =	vmul.u32 $0x18, v5  }
0xdd: {  	v4 =	vand.u32 $0x7, v4  }
0xde: {  	v4 =	vor.u32 v4, v5  }
0xdf: {  	v5 =	vperm.xlane v4, v0;
	_ =	sdelay $0x1  }
0xe0: {  	v5 =	vadd.s32 v1, v5;
	_ =	sdelay $0x1  }
0xe1: {  	v4 =	vperm.xlane v4, v2;
	_ =	sdelay $0x1  }
0xe2: {  	s30 =	simm.s32 $0x7900;
	v4 =	vadd.s32 v1, v4  }
0xe3: {  	[tilespmem:s30], [sflag:$0x1] =	stream.indirect_vreg.gather [hbm4b:s3+s2], $0x80, v5, vm0, $0xb8;
	[tilespmem:$0x14480] =	vst v63  }
0xe4: {  	s31 =	simm.s32 $0x8100  }
0xe5: {  	[tilespmem:s31], [sflag:$0x1] =	stream.indirect_vreg.gather [hbm4b:s10+s2], $0x80, v5, vm1, $0xb8;
	[tilespmem:$0x14480] =	vst v63  }
0xe6: {  	s6 =	simm.s32 $0x8500  }
0xe7: {  	[tilespmem:s6], [sflag:$0x1] =	stream.indirect_vreg.gather [hbm4b:s3+s2], $0x80, v4, vm0, $0xb8;
	[tilespmem:$0x14480] =	vst v63  }
0xe8: {  	s7 =	simm.s32 $0x8D00  }
0xe9: {  	[tilespmem:s7], [sflag:$0x1] =	stream.indirect_vreg.gather [hbm4b:s10+s2], $0x80, v4, vm1, $0xb8;
	[tilespmem:$0x14480] =	vst v63  }
0xea: {  	v4 =	vld [tilespmem:$0xA0];
	_ =	sdelay $0x4  }
0xeb: {  	v5 =	vshrl.u32 v4, $0x3  }
0xec: {  	v5 =	vmul.u32 $0x18, v5  }
0xed: {  	v4 =	vand.u32 $0x7, v4  }
0xee: {  	v4 =	vor.u32 v4, v5  }
0xef: {  	v5 =	vperm.xlane v4, v0;
	_ =	sdelay $0x1  }
0xf0: {  	v5 =	vadd.s32 v1, v5;
	_ =	sdelay $0x1  }
0xf1: {  	v4 =	vperm.xlane v4, v2;
	_ =	sdelay $0x1  }
0xf2: {  	s8 =	simm.s32 $0x9100;
	v4 =	vadd.s32 v1, v4  }
0xf3: {  	[tilespmem:s8], [sflag:$0x1] =	stream.indirect_vreg.gather [hbm4b:s3+s2], $0x80, v5, vm0, $0xb8;
	[tilespmem:$0x14480] =	vst v63  }
0xf4: {  	s9 =	simm.s32 $0x9900  }
0xf5: {  	[tilespmem:s9], [sflag:$0x1] =	stream.indirect_vreg.gather [hbm4b:s10+s2], $0x80, v5, vm1, $0xb8;
	[tilespmem:$0x14480] =	vst v63  }
0xf6: {  	s11 =	simm.s32 $0x9D00  }
0xf7: {  	[tilespmem:s11], [sflag:$0x1] =	stream.indirect_vreg.gather [hbm4b:s3+s2], $0x80, v4, vm0, $0xb8;
	[tilespmem:$0x14480] =	vst v63  }
0xf8: {  	s12 =	simm.s32 $0xA500  }
0xf9: {  	[tilespmem:s12], [sflag:$0x1] =	stream.indirect_vreg.gather [hbm4b:s10+s2], $0x80, v4, vm1, $0xb8;
	[tilespmem:$0x14480] =	vst v63  }
0xfa: {  	v4 =	vld [tilespmem:$0xB0];
	_ =	sdelay $0x4  }
0xfb: {  	v5 =	vshrl.u32 v4, $0x3  }
0xfc: {  	v5 =	vmul.u32 $0x18, v5  }
0xfd: {  	v4 =	vand.u32 $0x7, v4  }
0xfe: {  	v4 =	vor.u32 v4, v5  }
0xff: {  	v5 =	vperm.xlane v4, v0;
	_ =	sdelay $0x1  }
0x100: {  	v5 =	vadd.s32 v1, v5;
	_ =	sdelay $0x1  }
0x101: {  	v4 =	vperm.xlane v4, v2;
	_ =	sdelay $0x1  }
0x102: {  	s13 =	simm.s32 $0xA900;
	v4 =	vadd.s32 v1, v4  }
0x103: {  	[tilespmem:s13], [sflag:$0x1] =	stream.indirect_vreg.gather [hbm4b:s3+s2], $0x80, v5, vm0, $0xb8;
	[tilespmem:$0x14480] =	vst v63  }
0x104: {  	s14 =	simm.s32 $0xB100  }
0x105: {  	[tilespmem:s14], [sflag:$0x1] =	stream.indirect_vreg.gather [hbm4b:s10+s2], $0x80, v5, vm1, $0xb8;
	[tilespmem:$0x14480] =	vst v63  }
0x106: {  	s16 =	simm.s32 $0xB500  }
0x107: {  	[tilespmem:s16], [sflag:$0x1] =	stream.indirect_vreg.gather [hbm4b:s3+s2], $0x80, v4, vm0, $0xb8;
	[tilespmem:$0x14480] =	vst v63  }
0x108: {  	s17 =	simm.s32 $0xBD00  }
0x109: {  	[tilespmem:s17], [sflag:$0x1] =	stream.indirect_vreg.gather [hbm4b:s10+s2], $0x80, v4, vm1, $0xb8;
	[tilespmem:$0x14480] =	vst v63  }
0x10a: {  	_ =	swait.ge [sflag:s29], $0x6000  }
0x10b: {  	s19 =	sand.u32 $0x3800, s2;
	s30 =	sand.u32 $0x380, s2;
	[sflag:s29] =	ssyncset.done $0x0  }
0x10c: {  	s0 =	sor.u32 s30, s19;
	[sflag:s29] =	ssyncadd.s32 $0xFFFFA000  }
0x10d: {  	s6 =	sadd.s32 $0x10100, s0;
	[tilespmem:s0+$0x10100] =	vst v3  }
0x10e: {  	[tilespmem:s6+$0x40] =	vst v3  }
0x10f: {  	[tilespmem:s6+$0x50] =	vst v3  }
0x110: {  	[tilespmem:s6+$0x60] =	vst v3  }
0x111: {  	[tilespmem:s6+$0x70] =	vst v3  }
0x112: {  	[tilespmem:s6+$0x400] =	vst v3  }
0x113: {  	[tilespmem:s6+$0x410] =	vst v3  }
0x114: {  	[tilespmem:s6+$0x420] =	vst v3  }
0x115: {  	[tilespmem:s6+$0x430] =	vst v3  }
0x116: {  	[tilespmem:s6+$0x440] =	vst v3  }
0x117: {  	[tilespmem:s6+$0x450] =	vst v3  }
0x118: {  	[tilespmem:s6+$0x460] =	vst v3  }
0x119: {  	[tilespmem:s6+$0x10] =	vst v3  }
0x11a: {  	s31 =	simm.s32 $0x100;
	s7 =	simm.s32 $0x80;
	[tilespmem:s6+$0x20] =	vst v3  }
0x11b: {  	s8 =	simm.s32 $0x200;
	s9 =	sand.u32 $0x3800, s31;
	s11 =	sand.u32 $0x380, s7;
	[tilespmem:s6+$0x30] =	vst v3  }
.LBB2_2:
0x11c: {  	p0 =	sne.s32 s8, $0x3F00;
	s0 =	sor.u32 s11, s9;
	[tilespmem:s6+$0x470] =	vst v3  }
0x11d: {  	s6 =	sadd.s32 $0x10100, s0;
	[tilespmem:s0+$0x10100] =	vst v3  }
0x11e: {  	[tilespmem:s6+$0x10] =	vst v3  }
0x11f: {  	[tilespmem:s6+$0x20] =	vst v3  }
0x120: {  	[tilespmem:s6+$0x30] =	vst v3  }
0x121: {  	[tilespmem:s6+$0x40] =	vst v3  }
0x122: {  	[tilespmem:s6+$0x50] =	vst v3  }
0x123: {  	[tilespmem:s6+$0x60] =	vst v3  }
0x124: {  	[tilespmem:s6+$0x70] =	vst v3  }
0x125: {  	[tilespmem:s6+$0x400] =	vst v3  }
0x126: {  	[tilespmem:s6+$0x410] =	vst v3  }
.Ltmp2:
0x127: {  	[tilespmem:s6+$0x420] =	vst v3;
	(pc) =	sbr.rel @p0 .LBB2_2-.Ltmp2, $4  }
0x128: {  	[tilespmem:s6+$0x430] =	vst v3  }
0x129: {  	[tilespmem:s6+$0x440] =	vst v3  }
0x12a: {  	s7 =	sadd.s32 $0x80, s7;
	[tilespmem:s6+$0x450] =	vst v3  }
0x12b: {  	s9 =	sand.u32 $0x3800, s8;
	s8 =	sadd.s32 $0x100, s8;
	s11 =	sand.u32 $0x380, s7;
	[tilespmem:s6+$0x460] =	vst v3  }
0x12c: {  	s0 =	sor.u32 s11, s9;
	[tilespmem:s6+$0x470] =	vst v3  }
0x12d: {  	s31 =	sadd.s32 $0x10100, s0;
	[tilespmem:s0+$0x10100] =	vst v3  }
0x12e: {  	[tilespmem:s31+$0x10] =	vst v3  }
0x12f: {  	[tilespmem:s31+$0x20] =	vst v3  }
0x130: {  	[tilespmem:s31+$0x30] =	vst v3  }
0x131: {  	[tilespmem:s31+$0x40] =	vst v3  }
0x132: {  	[tilespmem:s31+$0x50] =	vst v3  }
0x133: {  	[tilespmem:s31+$0x60] =	vst v3  }
0x134: {  	[tilespmem:s31+$0x70] =	vst v3  }
0x135: {  	[tilespmem:s31+$0x400] =	vst v3  }
0x136: {  	[tilespmem:s31+$0x410] =	vst v3  }
0x137: {  	[tilespmem:s31+$0x420] =	vst v3  }
.Ltmp3:
0x138: {  	[tilespmem:s31+$0x430] =	vst v3;
	(pc) =	sbr.rel .LBB2_4-.Ltmp3, $4  }
0x139: {  	[tilespmem:s31+$0x440] =	vst v3  }
0x13a: {  	[tilespmem:s31+$0x450] =	vst v3  }
0x13b: {  	[tilespmem:s31+$0x460] =	vst v3  }
0x13c: {  	s16 =	simm.s32 $0x0;
	s19 =	simm.s32 $0x0;
	[tilespmem:s31+$0x470] =	vst v3  }
.LBB2_20:
0x13d: {  	s19 =	sadd.s32 $0x1, s19  }
0x13e: {  	p0 =	sne.s32 s19, $0x40  }
.Ltmp4:
0x13f: {  	_ = 	snop;
	(pc) =	sbr.rel @!p0 .LBB2_21-.Ltmp4, $1  }
0x140: {  	_ =	sdelay $0x3  }
.LBB2_4:
0x141: {  	p1 =	por $0x1, $0x1  }
.Ltmp5:
0x142: {  	s0 =	sshrl.u32 s19, $0x3;
	(pc) =	sbr.rel @!p1 .LBB2_5-.Ltmp5, $4  }
0x143: {  	s6 =	sshll.u32 s19, $0x7;
	s0 =	smul.u32 $0xC00, s0  }
0x144: {  	s7 =	simm.s32 $0x14100;
	s6 =	sand.u32 $0x380, s6  }
0x145: {  	s31 =	sand.u32 $0xC00, s16;
	s11 =	sand.u32 $0x70, s16;
	s8 =	sor.u32 s6, s0  }
0x146: {  	v4 =	vimm.s32 $0x0;
	p0 =	por $0x0, $0x0;
	s0 =	simm.s32 $0x10;
	s13 =	sadd.s32 s8, s31  }
0x147: {  	s9 =	sor.u32 s11, s13  }
0x148: {  	v5 =	vld [tilespmem:s9+$0x6100]  }
0x149: {  	p1 =	por $0x1, $0x1;
	v6 =	vld [tilespmem:s9+$0x100]  }
.Ltmp6:
0x14a: {  	_ = 	snop;
	(pc) =	sbr.rel @!p1 .LBB2_7-.Ltmp6, $4  }
0x14b: {  	_ = 	snop  }
0x14c: {  	s12 =	simm.s32 $0x80  }
0x14d: {  	s11 =	sand.u32 $0x70, s0;
	s17 =	simm.s32 $0x20;
	s31 =	sand.u32 $0xC00, s12  }
0x14e: {  	p0 =	por $0x1, $0x1;
	s9 =	simm.s32 $0x14100;
	s13 =	sadd.s32 s8, s31;
	v6 =	vand.u32 v6, v5;
	v5 =	vimm.s32 $0x0  }
.LBB2_8:
0x14f: {  	p1 =	sne.s32 s17, $0x170;
	s0 =	sor.u32 s11, s13;
	[tilespmem:s9+$0x0] =	vst v6;
	v5 =	vor.u32 v5, v6  }
0x150: {  	v6 =	vld [tilespmem:s0+$0x6100]  }
0x151: {  	v7 =	vld [tilespmem:s0+$0x100]  }
.Ltmp7:
0x152: {  	(pc) =	sbr.rel @p1 .LBB2_8-.Ltmp7, $4  }
0x153: {  	_ = 	snop  }
0x154: {  	s12 =	sadd.s32 $0x80, s12  }
0x155: {  	s9 =	sadd.s32 $0x10, s9;
	s0 =	sand.u32 $0xC00, s12  }
0x156: {  	s11 =	sand.u32 $0x70, s17;
	s17 =	sadd.s32 $0x10, s17;
	s13 =	sadd.s32 s8, s0;
	v6 =	vand.u32 v7, v6  }
.LBB2_9:
0x157: {  	s0 =	sor.u32 s11, s13;
	[tilespmem:s9+$0x0] =	vst @p0 v6  }
0x158: {  	v7 =	vld [tilespmem:s0+$0x6100]  }
0x159: {  	v8 =	vld [tilespmem:s0+$0x100];
	_ =	sdelay $0x2  }
.Ltmp8:
0x15a: {  	_ = 	snop;
	(pc) =	sbr.rel .LBB2_10-.Ltmp8, $4  }
0x15b: {  	v5 =	vor.u32 @p0 v5, v6;
	s8 =	sshll.u32 s19, $0x8;
	s0 =	sadd.s32 @p0 $0x10, s9  }
0x15c: {  	v4 =	vpsel p0, v5, v4;
	s31 =	sand.u32 $0x3800, s8;
	s7 =	smov.u32 @p0 s0;
	v63 =	vand.u32 v8, v7  }
0x15d: {  	s0 =	sor.u32 s6, s31;
	[tilespmem:s7+$0x0] =	vst v63;
	v4 =	vor.u32 v4, v63  }
0x15e: {  	s6 =	simm.s32 $0x0;
	s17 =	sadd.s32 $0x10100, s0;
	[tilespmem:$0x14300] =	vst v4  }
.LBB2_19:
0x15f: {  	s6 =	sadd.s32 $0x1, s6  }
0x160: {  	p0 =	sne.s32 s6, $0x10  }
.Ltmp9:
0x161: {  	_ = 	snop;
	(pc) =	sbr.rel @!p0 .LBB2_20-.Ltmp9, $1  }
0x162: {  	_ =	sdelay $0x3  }
.LBB2_10:
0x163: {  	v4 =	vld [tilespmem:s6+$0x14300];
	_ =	sdelay $0x4  }
0x164: {  	(v2sf) =	vpush v4, $0x0;
	_ =	sdelay $0xe  }
0x165: {  	s0 =	spop (v2sf)  }
0x166: {  	p0 =	seq.s32 s0, $0x0  }
.Ltmp10:
0x167: {  	_ = 	snop;
	(pc) =	sbr.rel @!p0 .LBB2_11-.Ltmp10, $4  }
.Ltmp11:
0x168: {  	_ = 	snop;
	(pc) =	sbr.rel @p0 .LBB2_19-.Ltmp11, $4  }
0x169: {  	_ = 	snop  }
0x16a: {  	_ = 	snop  }
0x16b: {  	s7 =	simm.s32 $0x0  }
0x16c: {  	_ = 	snop  }
.LBB2_18:
0x16d: {  	s7 =	sadd.s32 $0x1, s7  }
0x16e: {  	p0 =	sne.s32 s7, $0x18  }
.Ltmp12:
0x16f: {  	_ = 	snop;
	(pc) =	sbr.rel @!p0 .LBB2_19-.Ltmp12, $1  }
0x170: {  	_ =	sdelay $0x3  }
.LBB2_11:
0x171: {  	s0 =	sshll.u32 s7, $0x4  }
0x172: {  	s0 =	sadd.s32 s6, s0  }
0x173: {  	v4 =	vld [tilespmem:s0+$0x14100];
	_ =	sdelay $0x4  }
0x174: {  	(v2sf) =	vpush v4, $0x0;
	_ =	sdelay $0xe  }
0x175: {  	s8 =	spop (v2sf)  }
0x176: {  	p0 =	seq.s32 s8, $0x0  }
.Ltmp13:
0x177: {  	_ = 	snop;
	(pc) =	sbr.rel @p0 .LBB2_18-.Ltmp13, $1  }
0x178: {  	_ =	sdelay $0x3  }
.Ltmp14:
0x179: {  	(pc) =	sbr.rel .LBB2_13-.Ltmp14, $3  }
0x17a: {  	_ =	sdelay $0x1  }
0x17b: {  	s0 =	sshll.u32 s0, $0xA  }
0x17c: {  	s11 =	simm.s32 $0x0;
	s9 =	sadd.s32 s5, s0  }
.LBB2_17:
0x17d: {  	s11 =	sadd.s32 $0x1, s11  }
0x17e: {  	p0 =	sne.s32 s11, $0x20  }
.Ltmp15:
0x17f: {  	_ = 	snop;
	(pc) =	sbr.rel @!p0 .LBB2_18-.Ltmp15, $1  }
0x180: {  	_ =	sdelay $0x3  }
.LBB2_13:
0x181: {  	s0 =	sshrl.u32 s8, s11  }
0x182: {  	s0 =	sand.u32 $0x1, s0  }
0x183: {  	p0 =	seq.s32 s0, $0x0  }
.Ltmp16:
0x184: {  	_ = 	snop;
	(pc) =	sbr.rel @p0 .LBB2_17-.Ltmp16, $1  }
0x185: {  	_ =	sdelay $0x3  }
0x186: {  	s0 =	sshll.u32 s11, $0x5  }
0x187: {  	s13 =	simm.s32 $0x0;
	s12 =	simm.s32 $0x14380;
	s0 =	sadd.s32 s0, s9  }
0x188: {  	[tilespmem:s12], [sflag:$0x2] =	stream.linear.gather [hbm4b:s0+s13], $0x100, $0x38;
	[tilespmem:$0x14480] =	vst v63  }
0x189: {  	s14 =	sand.u32 $0x1000, s13;
	_ =	swait.ge [sflag:s18], $0x100  }
0x18a: {  	s0 =	sshrl.u32 s14, $0x2;
	[sflag:s18] =	ssyncset.done $0x0  }
0x18b: {  	s13 =	sand.u32 $0x70, s13;
	s0 =	sadd.s32 s0, s17;
	[sflag:s18] =	ssyncadd.s32 $0xFFFFFF00  }
0x18c: {  	s30 =	sadd.s32 s13, s0;
	v4 =	vld [tilespmem:s12+$0x0]  }
0x18d: {  	v5 =	vld [tilespmem:s30+$0x0];
	_ =	sdelay $0x3  }
0x18e: {  	s13 =	simm.s32 $0x200  }
0x18f: {  	s31 =	simm.s32 $0x20;
	s14 =	simm.s32 $0x10;
	s0 =	sand.u32 $0x1000, s13;
	v4 =	vadd.f32 v4, v5  }
.LBB2_15:
0x190: {  	p0 =	sne.s32 s31, $0xF0;
	s0 =	sshrl.u32 s0, $0x2  }
0x191: {  	s14 =	sand.u32 $0x70, s14;
	s12 =	sadd.s32 $0x10, s12;
	s0 =	sadd.s32 s0, s17;
	[tilespmem:s30+$0x0] =	vst v4  }
0x192: {  	s30 =	sadd.s32 s14, s0;
	v4 =	vld [tilespmem:s12+$0x0];
	s14 =	smov.u32 s31  }
0x193: {  	v5 =	vld [tilespmem:s30+$0x0]  }
.Ltmp17:
0x194: {  	(pc) =	sbr.rel @p0 .LBB2_15-.Ltmp17, $3  }
0x195: {  	_ =	sdelay $0x1  }
0x196: {  	s13 =	sadd.s32 $0x200, s13  }
0x197: {  	s0 =	sand.u32 $0x1000, s13;
	s31 =	sadd.s32 $0x10, s31;
	v4 =	vadd.f32 v4, v5  }
0x198: {  	s0 =	sshrl.u32 s0, $0x2  }
0x199: {  	s13 =	sand.u32 $0x70, s14;
	s12 =	sadd.s32 $0x10, s12;
	s0 =	sadd.s32 s0, s17;
	[tilespmem:s30+$0x0] =	vst v4  }
0x19a: {  	s0 =	sadd.s32 s13, s0;
	v4 =	vld [tilespmem:s12+$0x0]  }
0x19b: {  	v5 =	vld [tilespmem:s0+$0x0];
	_ =	sdelay $0x2  }
.Ltmp18:
0x19c: {  	_ = 	snop;
	(pc) =	sbr.rel .LBB2_17-.Ltmp18, $3  }
0x19d: {  	_ = 	snop  }
0x19e: {  	v4 =	vadd.f32 v4, v5;
	_ =	sdelay $0x1  }
0x19f: {  	[tilespmem:s0+$0x0] =	vst v4  }
.LBB2_5:
.Ltmp19:
0x1a0: {  	(pc) =	sbr.rel .LBB2_9-.Ltmp19, $2  }
0x1a1: {  	_ =	sdelay $0x2  }
0x1a2: {  	s9 =	simm.s32 $0x14100;
	v5 =	vimm.s32 $0x0  }
.LBB2_7:
.Ltmp20:
0x1a3: {  	(pc) =	sbr.rel .LBB2_9-.Ltmp20, $2  }
0x1a4: {  	_ =	sdelay $0x2  }
0x1a5: {  	s9 =	simm.s32 $0x14100;
	v5 =	vimm.s32 $0x0  }
.LBB2_21:
0x1a6: {  	s16 =	simm.s32 $0x0;
	s0 =	rddreg [dreg:$0x8]  }
0x1a7: {  	[hbm4b:s0+s16] =	stream.linear.scatter [tilespmem:s15], [sflag:$0x2], $0x4000, $0x38;
	[tilespmem:$0x14480] =	vst v63  }
0x1a8: {  	_ =	swait.ge [sflag:s18], $0x4000  }
0x1a9: {  	[sflag:s18] =	ssyncset.done $0x0  }
0x1aa: {  	s19 =	rddreg [dreg:$0x9];
	[sflag:s18] =	ssyncadd.s32 $0xFFFFC000  }
0x1ab: {  	[tilespmem:s16], [sflag:$0x2] =	stream.linear.gather [hbm4b:s19+s16], $0x40, $0x38;
	[tilespmem:$0x14480] =	vst v63  }
0x1ac: {  	_ =	swait.ge [sflag:s18], $0x40  }
0x1ad: {  	[sflag:s18] =	ssyncset.done $0x0  }
0x1ae: {  	s6 =	simm.s32 $0x80;
	s30 =	rddreg [dreg:$0xa];
	[sflag:s18] =	ssyncadd.s32 $0xFFFFFFC0  }
0x1af: {  	[tilespmem:s6], [sflag:$0x2] =	stream.linear.gather [hbm4b:s30+s16], $0x40, $0x38;
	[tilespmem:$0x14480] =	vst v63  }
0x1b0: {  	_ =	swait.ge [sflag:s18], $0x40  }
0x1b1: {  	[sflag:s18] =	ssyncset.done $0x0  }
0x1b2: {  	[sflag:s18] =	ssyncadd.s32 $0xFFFFFFC0  }
0x1b3: {  	v4 =	vld [tilespmem:$0x0];
	_ =	sdelay $0x4  }
0x1b4: {  	v5 =	vshll.u32 v4, $0x1  }
0x1b5: {  	v4 =	vand.u32 $0x7, v4;
	v5 =	vand.u32 $0xFFFFFFF0, v5  }
0x1b6: {  	v4 =	vor.u32 v4, v5  }
0x1b7: {  	v5 =	vperm.xlane v4, v0;
	_ =	sdelay $0x1  }
0x1b8: {  	v4 =	vperm.xlane v4, v2;
	v5 =	vadd.s32 v1, v5;
	_ =	sdelay $0x1  }
0x1b9: {  	v4 =	vadd.s32 v1, v4;
	_ =	sdelay $0x2  }
0x1ba: {  	[tilespmem:s20], [sflag:$0x1] =	stream.indirect_vreg.gather [hbm4b:s1+s16], $0x80, v5, vm0, $0xb8;
	[tilespmem:$0x14480] =	vst v63  }
0x1bb: {  	_ = 	snop  }
0x1bc: {  	[tilespmem:s21], [sflag:$0x1] =	stream.indirect_vreg.gather [hbm4b:s1+s16], $0x80, v4, vm0, $0xb8;
	[tilespmem:$0x14480] =	vst v63  }
0x1bd: {  	v4 =	vld [tilespmem:$0x10];
	_ =	sdelay $0x4  }
0x1be: {  	v5 =	vshll.u32 v4, $0x1  }
0x1bf: {  	v4 =	vand.u32 $0x7, v4;
	v5 =	vand.u32 $0xFFFFFFF0, v5  }
0x1c0: {  	v4 =	vor.u32 v4, v5  }
0x1c1: {  	v5 =	vperm.xlane v4, v0;
	_ =	sdelay $0x1  }
0x1c2: {  	v4 =	vperm.xlane v4, v2;
	v5 =	vadd.s32 v1, v5;
	_ =	sdelay $0x1  }
0x1c3: {  	v4 =	vadd.s32 v1, v4;
	_ =	sdelay $0x2  }
0x1c4: {  	[tilespmem:s22], [sflag:$0x1] =	stream.indirect_vreg.gather [hbm4b:s1+s16], $0x80, v5, vm0, $0xb8;
	[tilespmem:$0x14480] =	vst v63  }
0x1c5: {  	_ = 	snop  }
0x1c6: {  	[tilespmem:s23], [sflag:$0x1] =	stream.indirect_vreg.gather [hbm4b:s1+s16], $0x80, v4, vm0, $0xb8;
	[tilespmem:$0x14480] =	vst v63  }
0x1c7: {  	v4 =	vld [tilespmem:$0x20];
	_ =	sdelay $0x4  }
0x1c8: {  	v5 =	vshll.u32 v4, $0x1  }
0x1c9: {  	v4 =	vand.u32 $0x7, v4;
	v5 =	vand.u32 $0xFFFFFFF0, v5  }
0x1ca: {  	v4 =	vor.u32 v4, v5  }
0x1cb: {  	v5 =	vperm.xlane v4, v0;
	_ =	sdelay $0x1  }
0x1cc: {  	v4 =	vperm.xlane v4, v2;
	v5 =	vadd.s32 v1, v5;
	_ =	sdelay $0x1  }
0x1cd: {  	v4 =	vadd.s32 v1, v4;
	_ =	sdelay $0x2  }
0x1ce: {  	[tilespmem:s24], [sflag:$0x1] =	stream.indirect_vreg.gather [hbm4b:s1+s16], $0x80, v5, vm0, $0xb8;
	[tilespmem:$0x14480] =	vst v63  }
0x1cf: {  	_ = 	snop  }
0x1d0: {  	[tilespmem:s25], [sflag:$0x1] =	stream.indirect_vreg.gather [hbm4b:s1+s16], $0x80, v4, vm0, $0xb8;
	[tilespmem:$0x14480] =	vst v63  }
0x1d1: {  	v4 =	vld [tilespmem:$0x30];
	_ =	sdelay $0x4  }
0x1d2: {  	v5 =	vshll.u32 v4, $0x1  }
0x1d3: {  	v4 =	vand.u32 $0x7, v4;
	v5 =	vand.u32 $0xFFFFFFF0, v5  }
0x1d4: {  	v4 =	vor.u32 v4, v5  }
0x1d5: {  	v5 =	vperm.xlane v4, v0;
	_ =	sdelay $0x1  }
0x1d6: {  	v4 =	vperm.xlane v4, v2;
	v5 =	vadd.s32 v1, v5;
	_ =	sdelay $0x1  }
0x1d7: {  	v4 =	vadd.s32 v1, v4;
	_ =	sdelay $0x2  }
0x1d8: {  	[tilespmem:s26], [sflag:$0x1] =	stream.indirect_vreg.gather [hbm4b:s1+s16], $0x80, v5, vm0, $0xb8;
	[tilespmem:$0x14480] =	vst v63  }
0x1d9: {  	_ = 	snop  }
0x1da: {  	[tilespmem:s28], [sflag:$0x1] =	stream.indirect_vreg.gather [hbm4b:s1+s16], $0x80, v4, vm0, $0xb8;
	[tilespmem:$0x14480] =	vst v63  }
0x1db: {  	_ =	swait.ge [sflag:s29], $0x4000  }
0x1dc: {  	[sflag:s29] =	ssyncset.done $0x0  }
0x1dd: {  	s31 =	rddreg [dreg:$0xb];
	[sflag:s29] =	ssyncadd.s32 $0xFFFFC000  }
0x1de: {  	[hbm4b:s31+s16] =	stream.linear.scatter [tilespmem:s20], [sflag:$0x2], $0x4000, $0x38;
	[tilespmem:$0x14480] =	vst v63  }
0x1df: {  	_ =	swait.ge [sflag:s18], $0x4000  }
0x1e0: {  	[sflag:s18] =	ssyncset.done $0x0  }
0x1e1: {  	[sflag:s18] =	ssyncadd.s32 $0xFFFFC000  }
0x1e2: {  	v4 =	vld [tilespmem:$0x80];
	_ =	sdelay $0x4  }
0x1e3: {  	v5 =	vshll.u32 v4, $0x1  }
0x1e4: {  	v4 =	vand.u32 $0x7, v4;
	v5 =	vand.u32 $0xFFFFFFF0, v5  }
0x1e5: {  	v4 =	vor.u32 v4, v5  }
0x1e6: {  	v5 =	vperm.xlane v4, v0;
	_ =	sdelay $0x1  }
0x1e7: {  	v4 =	vperm.xlane v4, v2;
	v5 =	vadd.s32 v1, v5;
	_ =	sdelay $0x1  }
0x1e8: {  	v4 =	vadd.s32 v1, v4;
	_ =	sdelay $0x2  }
0x1e9: {  	[tilespmem:s20], [sflag:$0x1] =	stream.indirect_vreg.gather [hbm4b:s1+s16], $0x80, v5, vm0, $0xb8;
	[tilespmem:$0x14480] =	vst v63  }
0x1ea: {  	_ = 	snop  }
0x1eb: {  	[tilespmem:s21], [sflag:$0x1] =	stream.indirect_vreg.gather [hbm4b:s1+s16], $0x80, v4, vm0, $0xb8;
	[tilespmem:$0x14480] =	vst v63  }
0x1ec: {  	v4 =	vld [tilespmem:$0x90];
	_ =	sdelay $0x4  }
0x1ed: {  	v5 =	vshll.u32 v4, $0x1  }
0x1ee: {  	v4 =	vand.u32 $0x7, v4;
	v5 =	vand.u32 $0xFFFFFFF0, v5  }
0x1ef: {  	v4 =	vor.u32 v4, v5  }
0x1f0: {  	v5 =	vperm.xlane v4, v0;
	_ =	sdelay $0x1  }
0x1f1: {  	v4 =	vperm.xlane v4, v2;
	v5 =	vadd.s32 v1, v5;
	_ =	sdelay $0x1  }
0x1f2: {  	v4 =	vadd.s32 v1, v4;
	_ =	sdelay $0x2  }
0x1f3: {  	[tilespmem:s22], [sflag:$0x1] =	stream.indirect_vreg.gather [hbm4b:s1+s16], $0x80, v5, vm0, $0xb8;
	[tilespmem:$0x14480] =	vst v63  }
0x1f4: {  	_ = 	snop  }
0x1f5: {  	[tilespmem:s23], [sflag:$0x1] =	stream.indirect_vreg.gather [hbm4b:s1+s16], $0x80, v4, vm0, $0xb8;
	[tilespmem:$0x14480] =	vst v63  }
0x1f6: {  	v4 =	vld [tilespmem:$0xA0];
	_ =	sdelay $0x4  }
0x1f7: {  	v5 =	vshll.u32 v4, $0x1  }
0x1f8: {  	v4 =	vand.u32 $0x7, v4;
	v5 =	vand.u32 $0xFFFFFFF0, v5  }
0x1f9: {  	v4 =	vor.u32 v4, v5  }
0x1fa: {  	v5 =	vperm.xlane v4, v0;
	_ =	sdelay $0x1  }
0x1fb: {  	v4 =	vperm.xlane v4, v2;
	v5 =	vadd.s32 v1, v5;
	_ =	sdelay $0x1  }
0x1fc: {  	v4 =	vadd.s32 v1, v4;
	_ =	sdelay $0x2  }
0x1fd: {  	[tilespmem:s24], [sflag:$0x1] =	stream.indirect_vreg.gather [hbm4b:s1+s16], $0x80, v5, vm0, $0xb8;
	[tilespmem:$0x14480] =	vst v63  }
0x1fe: {  	_ = 	snop  }
0x1ff: {  	[tilespmem:s25], [sflag:$0x1] =	stream.indirect_vreg.gather [hbm4b:s1+s16], $0x80, v4, vm0, $0xb8;
	[tilespmem:$0x14480] =	vst v63  }
0x200: {  	v4 =	vld [tilespmem:$0xB0];
	_ =	sdelay $0x4  }
0x201: {  	v5 =	vshll.u32 v4, $0x1  }
0x202: {  	v4 =	vand.u32 $0x7, v4;
	v5 =	vand.u32 $0xFFFFFFF0, v5  }
0x203: {  	v4 =	vor.u32 v4, v5  }
0x204: {  	v5 =	vperm.xlane v4, v0;
	_ =	sdelay $0x1  }
0x205: {  	v4 =	vperm.xlane v4, v2;
	v5 =	vadd.s32 v1, v5;
	_ =	sdelay $0x1  }
0x206: {  	v4 =	vadd.s32 v1, v4;
	_ =	sdelay $0x2  }
0x207: {  	[tilespmem:s26], [sflag:$0x1] =	stream.indirect_vreg.gather [hbm4b:s1+s16], $0x80, v5, vm0, $0xb8;
	[tilespmem:$0x14480] =	vst v63  }
0x208: {  	_ = 	snop  }
0x209: {  	[tilespmem:s28], [sflag:$0x1] =	stream.indirect_vreg.gather [hbm4b:s1+s16], $0x80, v4, vm0, $0xb8;
	[tilespmem:$0x14480] =	vst v63  }
0x20a: {  	_ =	swait.ge [sflag:s29], $0x4000  }
0x20b: {  	[sflag:s29] =	ssyncset.done $0x0  }
0x20c: {  	s6 =	rddreg [dreg:$0xc];
	[sflag:s29] =	ssyncadd.s32 $0xFFFFC000  }
0x20d: {  	[hbm4b:s6+s16] =	stream.linear.scatter [tilespmem:s20], [sflag:$0x2], $0x4000, $0x38;
	[tilespmem:$0x14480] =	vst v63  }
0x20e: {  	_ =	swait.ge [sflag:s18], $0x4000  }
0x20f: {  	[sflag:s18] =	ssyncset.done $0x0  }
0x210: {  	[sflag:s18] =	ssyncadd.s32 $0xFFFFC000  }
0x211: {  	v4 =	vld [tilespmem:$0x0];
	_ =	sdelay $0x4  }
0x212: {  	v5 =	vshrl.u32 v4, $0x3  }
0x213: {  	v5 =	vmul.u32 $0x18, v5  }
0x214: {  	v4 =	vand.u32 $0x7, v4  }
0x215: {  	v4 =	vor.u32 v4, v5  }
0x216: {  	v5 =	vperm.xlane v4, v0;
	_ =	sdelay $0x1  }
0x217: {  	v5 =	vadd.s32 v1, v5;
	_ =	sdelay $0x1  }
0x218: {  	v4 =	vperm.xlane v4, v2;
	_ =	sdelay $0x1  }
0x219: {  	s7 =	simm.s32 $0x100;
	v4 =	vadd.s32 v1, v4  }
0x21a: {  	[tilespmem:s7], [sflag:$0x1] =	stream.indirect_vreg.gather [hbm4b:s3+s16], $0x80, v5, vm0, $0xb8;
	[tilespmem:$0x14480] =	vst v63  }
0x21b: {  	s8 =	simm.s32 $0x900  }
0x21c: {  	[tilespmem:s8], [sflag:$0x1] =	stream.indirect_vreg.gather [hbm4b:s10+s16], $0x80, v5, vm1, $0xb8;
	[tilespmem:$0x14480] =	vst v63  }
0x21d: {  	s9 =	simm.s32 $0xD00  }
0x21e: {  	[tilespmem:s9], [sflag:$0x1] =	stream.indirect_vreg.gather [hbm4b:s3+s16], $0x80, v4, vm0, $0xb8;
	[tilespmem:$0x14480] =	vst v63  }
0x21f: {  	s11 =	simm.s32 $0x1500  }
0x220: {  	[tilespmem:s11], [sflag:$0x1] =	stream.indirect_vreg.gather [hbm4b:s10+s16], $0x80, v4, vm1, $0xb8;
	[tilespmem:$0x14480] =	vst v63  }
0x221: {  	v4 =	vld [tilespmem:$0x10];
	_ =	sdelay $0x4  }
0x222: {  	v5 =	vshrl.u32 v4, $0x3  }
0x223: {  	v5 =	vmul.u32 $0x18, v5  }
0x224: {  	v4 =	vand.u32 $0x7, v4  }
0x225: {  	v4 =	vor.u32 v4, v5  }
0x226: {  	v5 =	vperm.xlane v4, v0;
	_ =	sdelay $0x1  }
0x227: {  	v5 =	vadd.s32 v1, v5;
	_ =	sdelay $0x1  }
0x228: {  	v4 =	vperm.xlane v4, v2;
	_ =	sdelay $0x1  }
0x229: {  	s12 =	simm.s32 $0x1900;
	v4 =	vadd.s32 v1, v4  }
0x22a: {  	[tilespmem:s12], [sflag:$0x1] =	stream.indirect_vreg.gather [hbm4b:s3+s16], $0x80, v5, vm0, $0xb8;
	[tilespmem:$0x14480] =	vst v63  }
0x22b: {  	s13 =	simm.s32 $0x2100  }
0x22c: {  	[tilespmem:s13], [sflag:$0x1] =	stream.indirect_vreg.gather [hbm4b:s10+s16], $0x80, v5, vm1, $0xb8;
	[tilespmem:$0x14480] =	vst v63  }
0x22d: {  	s14 =	simm.s32 $0x2500  }
0x22e: {  	[tilespmem:s14], [sflag:$0x1] =	stream.indirect_vreg.gather [hbm4b:s3+s16], $0x80, v4, vm0, $0xb8;
	[tilespmem:$0x14480] =	vst v63  }
0x22f: {  	s17 =	simm.s32 $0x2D00  }
0x230: {  	[tilespmem:s17], [sflag:$0x1] =	stream.indirect_vreg.gather [hbm4b:s10+s16], $0x80, v4, vm1, $0xb8;
	[tilespmem:$0x14480] =	vst v63  }
0x231: {  	v4 =	vld [tilespmem:$0x20];
	_ =	sdelay $0x4  }
0x232: {  	v5 =	vshrl.u32 v4, $0x3  }
0x233: {  	v5 =	vmul.u32 $0x18, v5  }
0x234: {  	v4 =	vand.u32 $0x7, v4  }
0x235: {  	v4 =	vor.u32 v4, v5  }
0x236: {  	v5 =	vperm.xlane v4, v0;
	_ =	sdelay $0x1  }
0x237: {  	v5 =	vadd.s32 v1, v5;
	_ =	sdelay $0x1  }
0x238: {  	v4 =	vperm.xlane v4, v2;
	_ =	sdelay $0x1  }
0x239: {  	s19 =	simm.s32 $0x3100;
	v4 =	vadd.s32 v1, v4  }
0x23a: {  	[tilespmem:s19], [sflag:$0x1] =	stream.indirect_vreg.gather [hbm4b:s3+s16], $0x80, v5, vm0, $0xb8;
	[tilespmem:$0x14480] =	vst v63  }
0x23b: {  	s30 =	simm.s32 $0x3900  }
0x23c: {  	[tilespmem:s30], [sflag:$0x1] =	stream.indirect_vreg.gather [hbm4b:s10+s16], $0x80, v5, vm1, $0xb8;
	[tilespmem:$0x14480] =	vst v63  }
0x23d: {  	s31 =	simm.s32 $0x3D00  }
0x23e: {  	[tilespmem:s31], [sflag:$0x1] =	stream.indirect_vreg.gather [hbm4b:s3+s16], $0x80, v4, vm0, $0xb8;
	[tilespmem:$0x14480] =	vst v63  }
0x23f: {  	s6 =	simm.s32 $0x4500  }
0x240: {  	[tilespmem:s6], [sflag:$0x1] =	stream.indirect_vreg.gather [hbm4b:s10+s16], $0x80, v4, vm1, $0xb8;
	[tilespmem:$0x14480] =	vst v63  }
0x241: {  	v4 =	vld [tilespmem:$0x30];
	_ =	sdelay $0x4  }
0x242: {  	v5 =	vshrl.u32 v4, $0x3  }
0x243: {  	v5 =	vmul.u32 $0x18, v5  }
0x244: {  	v4 =	vand.u32 $0x7, v4  }
0x245: {  	v4 =	vor.u32 v4, v5  }
0x246: {  	v5 =	vperm.xlane v4, v0;
	_ =	sdelay $0x1  }
0x247: {  	v5 =	vadd.s32 v1, v5;
	_ =	sdelay $0x1  }
0x248: {  	v4 =	vperm.xlane v4, v2;
	_ =	sdelay $0x1  }
0x249: {  	s7 =	simm.s32 $0x4900;
	v4 =	vadd.s32 v1, v4  }
0x24a: {  	[tilespmem:s7], [sflag:$0x1] =	stream.indirect_vreg.gather [hbm4b:s3+s16], $0x80, v5, vm0, $0xb8;
	[tilespmem:$0x14480] =	vst v63  }
0x24b: {  	s8 =	simm.s32 $0x5100  }
0x24c: {  	[tilespmem:s8], [sflag:$0x1] =	stream.indirect_vreg.gather [hbm4b:s10+s16], $0x80, v5, vm1, $0xb8;
	[tilespmem:$0x14480] =	vst v63  }
0x24d: {  	s9 =	simm.s32 $0x5500  }
0x24e: {  	[tilespmem:s9], [sflag:$0x1] =	stream.indirect_vreg.gather [hbm4b:s3+s16], $0x80, v4, vm0, $0xb8;
	[tilespmem:$0x14480] =	vst v63  }
0x24f: {  	s11 =	simm.s32 $0x5D00  }
0x250: {  	[tilespmem:s11], [sflag:$0x1] =	stream.indirect_vreg.gather [hbm4b:s10+s16], $0x80, v4, vm1, $0xb8;
	[tilespmem:$0x14480] =	vst v63  }
0x251: {  	_ =	swait.ge [sflag:s29], $0x6000  }
0x252: {  	[sflag:s29] =	ssyncset.done $0x0  }
0x253: {  	[sflag:s29] =	ssyncadd.s32 $0xFFFFA000  }
0x254: {  	v4 =	vld [tilespmem:$0x80];
	_ =	sdelay $0x4  }
0x255: {  	v5 =	vshrl.u32 v4, $0x3  }
0x256: {  	v5 =	vmul.u32 $0x18, v5  }
0x257: {  	v4 =	vand.u32 $0x7, v4  }
0x258: {  	v4 =	vor.u32 v4, v5  }
0x259: {  	v5 =	vperm.xlane v4, v0;
	_ =	sdelay $0x1  }
0x25a: {  	v5 =	vadd.s32 v1, v5;
	_ =	sdelay $0x1  }
0x25b: {  	v4 =	vperm.xlane v4, v2;
	_ =	sdelay $0x1  }
0x25c: {  	s12 =	simm.s32 $0x6100;
	v4 =	vadd.s32 v1, v4  }
0x25d: {  	[tilespmem:s12], [sflag:$0x1] =	stream.indirect_vreg.gather [hbm4b:s3+s16], $0x80, v5, vm0, $0xb8;
	[tilespmem:$0x14480] =	vst v63  }
0x25e: {  	s13 =	simm.s32 $0x6900  }
0x25f: {  	[tilespmem:s13], [sflag:$0x1] =	stream.indirect_vreg.gather [hbm4b:s10+s16], $0x80, v5, vm1, $0xb8;
	[tilespmem:$0x14480] =	vst v63  }
0x260: {  	s14 =	simm.s32 $0x6D00  }
0x261: {  	[tilespmem:s14], [sflag:$0x1] =	stream.indirect_vreg.gather [hbm4b:s3+s16], $0x80, v4, vm0, $0xb8;
	[tilespmem:$0x14480] =	vst v63  }
0x262: {  	s17 =	simm.s32 $0x7500  }
0x263: {  	[tilespmem:s17], [sflag:$0x1] =	stream.indirect_vreg.gather [hbm4b:s10+s16], $0x80, v4, vm1, $0xb8;
	[tilespmem:$0x14480] =	vst v63  }
0x264: {  	v4 =	vld [tilespmem:$0x90];
	_ =	sdelay $0x4  }
0x265: {  	v5 =	vshrl.u32 v4, $0x3  }
0x266: {  	v5 =	vmul.u32 $0x18, v5  }
0x267: {  	v4 =	vand.u32 $0x7, v4  }
0x268: {  	v4 =	vor.u32 v4, v5  }
0x269: {  	v5 =	vperm.xlane v4, v0;
	_ =	sdelay $0x1  }
0x26a: {  	v5 =	vadd.s32 v1, v5;
	_ =	sdelay $0x1  }
0x26b: {  	v4 =	vperm.xlane v4, v2;
	_ =	sdelay $0x1  }
0x26c: {  	s19 =	simm.s32 $0x7900;
	v4 =	vadd.s32 v1, v4  }
0x26d: {  	[tilespmem:s19], [sflag:$0x1] =	stream.indirect_vreg.gather [hbm4b:s3+s16], $0x80, v5, vm0, $0xb8;
	[tilespmem:$0x14480] =	vst v63  }
0x26e: {  	s30 =	simm.s32 $0x8100  }
0x26f: {  	[tilespmem:s30], [sflag:$0x1] =	stream.indirect_vreg.gather [hbm4b:s10+s16], $0x80, v5, vm1, $0xb8;
	[tilespmem:$0x14480] =	vst v63  }
0x270: {  	s31 =	simm.s32 $0x8500  }
0x271: {  	[tilespmem:s31], [sflag:$0x1] =	stream.indirect_vreg.gather [hbm4b:s3+s16], $0x80, v4, vm0, $0xb8;
	[tilespmem:$0x14480] =	vst v63  }
0x272: {  	s6 =	simm.s32 $0x8D00  }
0x273: {  	[tilespmem:s6], [sflag:$0x1] =	stream.indirect_vreg.gather [hbm4b:s10+s16], $0x80, v4, vm1, $0xb8;
	[tilespmem:$0x14480] =	vst v63  }
0x274: {  	v4 =	vld [tilespmem:$0xA0];
	_ =	sdelay $0x4  }
0x275: {  	v5 =	vshrl.u32 v4, $0x3  }
0x276: {  	v5 =	vmul.u32 $0x18, v5  }
0x277: {  	v4 =	vand.u32 $0x7, v4  }
0x278: {  	v4 =	vor.u32 v4, v5  }
0x279: {  	v5 =	vperm.xlane v4, v0;
	_ =	sdelay $0x1  }
0x27a: {  	v5 =	vadd.s32 v1, v5;
	_ =	sdelay $0x1  }
0x27b: {  	v4 =	vperm.xlane v4, v2;
	_ =	sdelay $0x1  }
0x27c: {  	s7 =	simm.s32 $0x9100;
	v4 =	vadd.s32 v1, v4  }
0x27d: {  	[tilespmem:s7], [sflag:$0x1] =	stream.indirect_vreg.gather [hbm4b:s3+s16], $0x80, v5, vm0, $0xb8;
	[tilespmem:$0x14480] =	vst v63  }
0x27e: {  	s8 =	simm.s32 $0x9900  }
0x27f: {  	[tilespmem:s8], [sflag:$0x1] =	stream.indirect_vreg.gather [hbm4b:s10+s16], $0x80, v5, vm1, $0xb8;
	[tilespmem:$0x14480] =	vst v63  }
0x280: {  	s9 =	simm.s32 $0x9D00  }
0x281: {  	[tilespmem:s9], [sflag:$0x1] =	stream.indirect_vreg.gather [hbm4b:s3+s16], $0x80, v4, vm0, $0xb8;
	[tilespmem:$0x14480] =	vst v63  }
0x282: {  	s11 =	simm.s32 $0xA500  }
0x283: {  	[tilespmem:s11], [sflag:$0x1] =	stream.indirect_vreg.gather [hbm4b:s10+s16], $0x80, v4, vm1, $0xb8;
	[tilespmem:$0x14480] =	vst v63  }
0x284: {  	v4 =	vld [tilespmem:$0xB0];
	_ =	sdelay $0x4  }
0x285: {  	v5 =	vshrl.u32 v4, $0x3  }
0x286: {  	v5 =	vmul.u32 $0x18, v5  }
0x287: {  	v4 =	vand.u32 $0x7, v4  }
0x288: {  	v4 =	vor.u32 v4, v5  }
0x289: {  	v5 =	vperm.xlane v4, v0;
	_ =	sdelay $0x1  }
0x28a: {  	v5 =	vadd.s32 v1, v5;
	_ =	sdelay $0x1  }
0x28b: {  	v4 =	vperm.xlane v4, v2;
	_ =	sdelay $0x1  }
0x28c: {  	s12 =	simm.s32 $0xA900;
	v4 =	vadd.s32 v1, v4  }
0x28d: {  	[tilespmem:s12], [sflag:$0x1] =	stream.indirect_vreg.gather [hbm4b:s3+s16], $0x80, v5, vm0, $0xb8;
	[tilespmem:$0x14480] =	vst v63  }
0x28e: {  	s13 =	simm.s32 $0xB100  }
0x28f: {  	[tilespmem:s13], [sflag:$0x1] =	stream.indirect_vreg.gather [hbm4b:s10+s16], $0x80, v5, vm1, $0xb8;
	[tilespmem:$0x14480] =	vst v63  }
0x290: {  	s14 =	simm.s32 $0xB500  }
0x291: {  	[tilespmem:s14], [sflag:$0x1] =	stream.indirect_vreg.gather [hbm4b:s3+s16], $0x80, v4, vm0, $0xb8;
	[tilespmem:$0x14480] =	vst v63  }
0x292: {  	s17 =	simm.s32 $0xBD00  }
0x293: {  	[tilespmem:s17], [sflag:$0x1] =	stream.indirect_vreg.gather [hbm4b:s10+s16], $0x80, v4, vm1, $0xb8;
	[tilespmem:$0x14480] =	vst v63  }
0x294: {  	_ =	swait.ge [sflag:s29], $0x6000  }
0x295: {  	s19 =	sand.u32 $0x3800, s16;
	s30 =	sand.u32 $0x380, s16;
	[sflag:s29] =	ssyncset.done $0x0  }
0x296: {  	s0 =	sor.u32 s30, s19;
	[sflag:s29] =	ssyncadd.s32 $0xFFFFA000  }
0x297: {  	s6 =	sadd.s32 $0x10100, s0;
	[tilespmem:s0+$0x10100] =	vst v3  }
0x298: {  	[tilespmem:s6+$0x40] =	vst v3  }
0x299: {  	[tilespmem:s6+$0x50] =	vst v3  }
0x29a: {  	[tilespmem:s6+$0x60] =	vst v3  }
0x29b: {  	[tilespmem:s6+$0x70] =	vst v3  }
0x29c: {  	[tilespmem:s6+$0x400] =	vst v3  }
0x29d: {  	[tilespmem:s6+$0x410] =	vst v3  }
0x29e: {  	[tilespmem:s6+$0x420] =	vst v3  }
0x29f: {  	[tilespmem:s6+$0x430] =	vst v3  }
0x2a0: {  	[tilespmem:s6+$0x440] =	vst v3  }
0x2a1: {  	[tilespmem:s6+$0x450] =	vst v3  }
0x2a2: {  	[tilespmem:s6+$0x460] =	vst v3  }
0x2a3: {  	[tilespmem:s6+$0x10] =	vst v3  }
0x2a4: {  	s31 =	simm.s32 $0x100;
	s7 =	simm.s32 $0x80;
	[tilespmem:s6+$0x20] =	vst v3  }
0x2a5: {  	s8 =	simm.s32 $0x200;
	s9 =	sand.u32 $0x3800, s31;
	s0 =	sand.u32 $0x380, s7;
	[tilespmem:s6+$0x30] =	vst v3  }
.LBB2_22:
0x2a6: {  	p0 =	sne.s32 s8, $0x3F00;
	s0 =	sor.u32 s0, s9;
	[tilespmem:s6+$0x470] =	vst v3  }
0x2a7: {  	s6 =	sadd.s32 $0x10100, s0;
	[tilespmem:s0+$0x10100] =	vst v3  }
0x2a8: {  	[tilespmem:s6+$0x10] =	vst v3  }
0x2a9: {  	[tilespmem:s6+$0x20] =	vst v3  }
0x2aa: {  	[tilespmem:s6+$0x30] =	vst v3  }
0x2ab: {  	[tilespmem:s6+$0x40] =	vst v3  }
0x2ac: {  	[tilespmem:s6+$0x50] =	vst v3  }
0x2ad: {  	[tilespmem:s6+$0x60] =	vst v3  }
0x2ae: {  	[tilespmem:s6+$0x70] =	vst v3  }
0x2af: {  	[tilespmem:s6+$0x400] =	vst v3  }
0x2b0: {  	[tilespmem:s6+$0x410] =	vst v3  }
.Ltmp21:
0x2b1: {  	[tilespmem:s6+$0x420] =	vst v3;
	(pc) =	sbr.rel @p0 .LBB2_22-.Ltmp21, $4  }
0x2b2: {  	[tilespmem:s6+$0x430] =	vst v3  }
0x2b3: {  	[tilespmem:s6+$0x440] =	vst v3  }
0x2b4: {  	s7 =	sadd.s32 $0x80, s7;
	[tilespmem:s6+$0x450] =	vst v3  }
0x2b5: {  	s9 =	sand.u32 $0x3800, s8;
	s8 =	sadd.s32 $0x100, s8;
	s0 =	sand.u32 $0x380, s7;
	[tilespmem:s6+$0x460] =	vst v3  }
0x2b6: {  	s0 =	sor.u32 s0, s9;
	[tilespmem:s6+$0x470] =	vst v3  }
0x2b7: {  	s31 =	sadd.s32 $0x10100, s0;
	[tilespmem:s0+$0x10100] =	vst v3  }
0x2b8: {  	[tilespmem:s31+$0x10] =	vst v3  }
0x2b9: {  	[tilespmem:s31+$0x20] =	vst v3  }
0x2ba: {  	[tilespmem:s31+$0x30] =	vst v3  }
0x2bb: {  	[tilespmem:s31+$0x40] =	vst v3  }
0x2bc: {  	[tilespmem:s31+$0x50] =	vst v3  }
0x2bd: {  	[tilespmem:s31+$0x60] =	vst v3  }
0x2be: {  	[tilespmem:s31+$0x70] =	vst v3  }
0x2bf: {  	[tilespmem:s31+$0x400] =	vst v3  }
0x2c0: {  	[tilespmem:s31+$0x410] =	vst v3  }
0x2c1: {  	[tilespmem:s31+$0x420] =	vst v3  }
.Ltmp22:
0x2c2: {  	[tilespmem:s31+$0x430] =	vst v3;
	(pc) =	sbr.rel .LBB2_24-.Ltmp22, $4  }
0x2c3: {  	[tilespmem:s31+$0x440] =	vst v3  }
0x2c4: {  	[tilespmem:s31+$0x450] =	vst v3  }
0x2c5: {  	[tilespmem:s31+$0x460] =	vst v3  }
0x2c6: {  	[tilespmem:s31+$0x470] =	vst v3  }
.LBB2_37:
0x2c7: {  	s16 =	sadd.s32 $0x1, s16  }
0x2c8: {  	p0 =	sne.s32 s16, $0x40  }
.Ltmp23:
0x2c9: {  	_ = 	snop;
	(pc) =	sbr.rel @!p0 .LBB2_38-.Ltmp23, $1  }
0x2ca: {  	_ =	sdelay $0x3  }
.LBB2_24:
0x2cb: {  	s0 =	sshrl.u32 s16, $0x3  }
0x2cc: {  	s6 =	sshll.u32 s16, $0x7;
	s0 =	smul.u32 $0xC00, s0  }
0x2cd: {  	s8 =	simm.s32 $0x0;
	s6 =	sand.u32 $0x380, s6  }
0x2ce: {  	s30 =	sand.u32 $0xC00, s8;
	s7 =	sor.u32 s6, s0  }
0x2cf: {  	s8 =	sand.u32 $0x70, s8;
	s0 =	sadd.s32 s7, s30  }
0x2d0: {  	s0 =	sor.u32 s8, s0  }
0x2d1: {  	v5 =	vld [tilespmem:s0+$0x6100]  }
0x2d2: {  	v6 =	vld [tilespmem:s0+$0x100];
	_ =	sdelay $0x2  }
0x2d3: {  	s9 =	simm.s32 $0x80;
	s31 =	simm.s32 $0x10  }
0x2d4: {  	s11 =	sand.u32 $0xC00, s9;
	s12 =	sand.u32 $0x70, s31  }
0x2d5: {  	v4 =	vimm.s32 $0x0;
	s8 =	simm.s32 $0x14100;
	s0 =	sadd.s32 s7, s11;
	s11 =	simm.s32 $0x20;
	v5 =	vand.u32 v6, v5  }
.LBB2_25:
0x2d6: {  	p0 =	sne.s32 s11, $0x170;
	s0 =	sor.u32 s12, s0;
	[tilespmem:s8+$0x0] =	vst v5;
	v4 =	vor.u32 v4, v5  }
0x2d7: {  	v5 =	vld [tilespmem:s0+$0x6100]  }
0x2d8: {  	v6 =	vld [tilespmem:s0+$0x100]  }
.Ltmp24:
0x2d9: {  	(pc) =	sbr.rel @p0 .LBB2_25-.Ltmp24, $4  }
0x2da: {  	_ = 	snop  }
0x2db: {  	s9 =	sadd.s32 $0x80, s9  }
0x2dc: {  	s8 =	sadd.s32 $0x10, s8;
	s0 =	sand.u32 $0xC00, s9  }
0x2dd: {  	s12 =	sand.u32 $0x70, s11;
	s11 =	sadd.s32 $0x10, s11;
	s0 =	sadd.s32 s7, s0;
	v5 =	vand.u32 v6, v5  }
0x2de: {  	s0 =	sor.u32 s12, s0;
	[tilespmem:s8+$0x0] =	vst v5  }
0x2df: {  	v6 =	vld [tilespmem:s0+$0x6100]  }
0x2e0: {  	v7 =	vld [tilespmem:s0+$0x100];
	_ =	sdelay $0x2  }
.Ltmp25:
0x2e1: {  	_ = 	snop;
	(pc) =	sbr.rel .LBB2_27-.Ltmp25, $4  }
0x2e2: {  	s31 =	sshll.u32 s16, $0x8  }
0x2e3: {  	v4 =	vor.u32 v4, v5;
	s7 =	sadd.s32 $0x10, s8;
	s0 =	sand.u32 $0x3800, s31;
	v5 =	vand.u32 v7, v6  }
0x2e4: {  	s0 =	sor.u32 s6, s0;
	[tilespmem:s7+$0x0] =	vst v5;
	v4 =	vor.u32 v4, v5  }
0x2e5: {  	s6 =	simm.s32 $0x0;
	s17 =	sadd.s32 $0x10100, s0;
	[tilespmem:$0x14300] =	vst v4  }
.LBB2_36:
0x2e6: {  	s6 =	sadd.s32 $0x1, s6  }
0x2e7: {  	p0 =	sne.s32 s6, $0x10  }
.Ltmp26:
0x2e8: {  	_ = 	snop;
	(pc) =	sbr.rel @!p0 .LBB2_37-.Ltmp26, $1  }
0x2e9: {  	_ =	sdelay $0x3  }
.LBB2_27:
0x2ea: {  	v4 =	vld [tilespmem:s6+$0x14300];
	_ =	sdelay $0x4  }
0x2eb: {  	(v2sf) =	vpush v4, $0x0;
	_ =	sdelay $0xe  }
0x2ec: {  	s0 =	spop (v2sf)  }
0x2ed: {  	p0 =	seq.s32 s0, $0x0  }
.Ltmp27:
0x2ee: {  	_ = 	snop;
	(pc) =	sbr.rel @!p0 .LBB2_28-.Ltmp27, $4  }
.Ltmp28:
0x2ef: {  	_ = 	snop;
	(pc) =	sbr.rel @p0 .LBB2_36-.Ltmp28, $4  }
0x2f0: {  	_ = 	snop  }
0x2f1: {  	_ = 	snop  }
0x2f2: {  	s7 =	simm.s32 $0x0  }
0x2f3: {  	_ = 	snop  }
.LBB2_35:
0x2f4: {  	s7 =	sadd.s32 $0x1, s7  }
0x2f5: {  	p0 =	sne.s32 s7, $0x18  }
.Ltmp29:
0x2f6: {  	_ = 	snop;
	(pc) =	sbr.rel @!p0 .LBB2_36-.Ltmp29, $1  }
0x2f7: {  	_ =	sdelay $0x3  }
.LBB2_28:
0x2f8: {  	s0 =	sshll.u32 s7, $0x4  }
0x2f9: {  	s0 =	sadd.s32 s6, s0  }
0x2fa: {  	v4 =	vld [tilespmem:s0+$0x14100];
	_ =	sdelay $0x4  }
0x2fb: {  	(v2sf) =	vpush v4, $0x0;
	_ =	sdelay $0xe  }
0x2fc: {  	s8 =	spop (v2sf)  }
0x2fd: {  	p0 =	seq.s32 s8, $0x0  }
.Ltmp30:
0x2fe: {  	_ = 	snop;
	(pc) =	sbr.rel @p0 .LBB2_35-.Ltmp30, $1  }
0x2ff: {  	_ =	sdelay $0x3  }
.Ltmp31:
0x300: {  	(pc) =	sbr.rel .LBB2_30-.Ltmp31, $3  }
0x301: {  	_ =	sdelay $0x1  }
0x302: {  	s0 =	sshll.u32 s0, $0xA  }
0x303: {  	s11 =	simm.s32 $0x0;
	s9 =	sadd.s32 s5, s0  }
.LBB2_34:
0x304: {  	s11 =	sadd.s32 $0x1, s11  }
0x305: {  	p0 =	sne.s32 s11, $0x20  }
.Ltmp32:
0x306: {  	_ = 	snop;
	(pc) =	sbr.rel @!p0 .LBB2_35-.Ltmp32, $1  }
0x307: {  	_ =	sdelay $0x3  }
.LBB2_30:
0x308: {  	s0 =	sshrl.u32 s8, s11  }
0x309: {  	s0 =	sand.u32 $0x1, s0  }
0x30a: {  	p0 =	seq.s32 s0, $0x0  }
.Ltmp33:
0x30b: {  	_ = 	snop;
	(pc) =	sbr.rel @p0 .LBB2_34-.Ltmp33, $1  }
0x30c: {  	_ =	sdelay $0x3  }
0x30d: {  	s0 =	sshll.u32 s11, $0x5  }
0x30e: {  	s13 =	simm.s32 $0x0;
	s12 =	simm.s32 $0x14380;
	s0 =	sadd.s32 s0, s9  }
0x30f: {  	[tilespmem:s12], [sflag:$0x2] =	stream.linear.gather [hbm4b:s0+s13], $0x100, $0x38;
	[tilespmem:$0x14480] =	vst v63  }
0x310: {  	s31 =	sand.u32 $0x1000, s13;
	_ =	swait.ge [sflag:s18], $0x100  }
0x311: {  	s0 =	sshrl.u32 s31, $0x2;
	[sflag:s18] =	ssyncset.done $0x0  }
0x312: {  	s13 =	sand.u32 $0x70, s13;
	s0 =	sadd.s32 s0, s17;
	[sflag:s18] =	ssyncadd.s32 $0xFFFFFF00  }
0x313: {  	s19 =	sadd.s32 s13, s0;
	v4 =	vld [tilespmem:s12+$0x0]  }
0x314: {  	v5 =	vld [tilespmem:s19+$0x0];
	_ =	sdelay $0x3  }
0x315: {  	s13 =	simm.s32 $0x200  }
0x316: {  	s14 =	simm.s32 $0x10;
	s30 =	simm.s32 $0x20;
	s0 =	sand.u32 $0x1000, s13;
	v4 =	vadd.f32 v4, v5  }
.LBB2_32:
0x317: {  	p0 =	sne.s32 s30, $0xF0;
	s0 =	sshrl.u32 s0, $0x2  }
0x318: {  	s14 =	sand.u32 $0x70, s14;
	s12 =	sadd.s32 $0x10, s12;
	s0 =	sadd.s32 s0, s17;
	[tilespmem:s19+$0x0] =	vst v4  }
0x319: {  	s19 =	sadd.s32 s14, s0;
	v4 =	vld [tilespmem:s12+$0x0];
	s14 =	smov.u32 s30  }
0x31a: {  	v5 =	vld [tilespmem:s19+$0x0]  }
.Ltmp34:
0x31b: {  	(pc) =	sbr.rel @p0 .LBB2_32-.Ltmp34, $3  }
0x31c: {  	_ =	sdelay $0x1  }
0x31d: {  	s13 =	sadd.s32 $0x200, s13  }
0x31e: {  	s0 =	sand.u32 $0x1000, s13;
	s30 =	sadd.s32 $0x10, s30;
	v4 =	vadd.f32 v4, v5  }
0x31f: {  	s0 =	sshrl.u32 s0, $0x2  }
0x320: {  	s13 =	sand.u32 $0x70, s14;
	s12 =	sadd.s32 $0x10, s12;
	s0 =	sadd.s32 s0, s17;
	[tilespmem:s19+$0x0] =	vst v4  }
0x321: {  	s0 =	sadd.s32 s13, s0;
	v4 =	vld [tilespmem:s12+$0x0]  }
0x322: {  	v5 =	vld [tilespmem:s0+$0x0];
	_ =	sdelay $0x2  }
.Ltmp35:
0x323: {  	_ = 	snop;
	(pc) =	sbr.rel .LBB2_34-.Ltmp35, $3  }
0x324: {  	_ = 	snop  }
0x325: {  	v4 =	vadd.f32 v4, v5;
	_ =	sdelay $0x1  }
0x326: {  	[tilespmem:s0+$0x0] =	vst v4  }
.LBB2_39:
0x327: {  	_ =	sfence.sel $0x180000  }
0x328: {  	[bflag:$0x0] =	sbarrier.arrive $0xFFFF  }
0x329: {  	_ =	strace $0x9000004A  }
0x32a: {  	s0 =	stileid.u32;
	[bflag:$0x2] =	sbarrier.arrive $0xFFFF  }
0x32b: {  	p0 =	sne.s32 s0, $0x0;
	s0 =	rddreg [dreg:$0x3]  }
0x32c: {  	s0 =	sadd.s32 @!p0 $0x100000, s0  }
0x32d: {  	[sflag:s0] =	ssyncadd.tile.s32 @!p0 $0x1;
	_ =	shalt  }
.Lfunc_end2:
_tile_overlayer_lowered:
.L_overlay_start_2:
0x32e: {  	(tag) =	ssettag $0x2  }
0x32f: {  	s0 =	rddreg [dreg:$0x0];
	s2 =	stileid.u32  }
0x330: {  	s1 =	rddreg [dreg:$0x1];
	p0 =	sne.s32 s2, $0x0  }
0x331: {  	s3 =	rddreg [dreg:$0x2];
	[bflag:$0x3] =	sbarrier.arrive $0xFFFF;
	s2 =	simm.s32 @!p0 $0x1C02  }
0x332: {  	[timem:s3], [sflag:s2] =	dma.local @!p0 [hbm:s0], s1  }
0x333: {  	s0 =	simm.s32 @!p0 $0x2  }
0x334: {  	_ =	swait.ge @!p0 [sflag:s0], s1  }
0x335: {  	s1 =	ssub.s32 @!p0 $0x0, s1;
	[sflag:s0] =	ssyncset.done @!p0 $0x0  }
0x336: {  	[sflag:s0] =	ssyncadd.s32 @!p0 s1  }
0x337: {  	[bflag:$0x3] =	sbarrier.arrive $0xFFFF  }
0x338: {  	_ =	shalt  }

</sc_bundles>
